<compile_context>
chip_gen: v7x
topology: tpu7x:2x2x1
jax: 0.10.2.dev20260603
libtpu: 0.0.44.dev20260713+nightly
codegen_flags: <defaults>
</compile_context>

<pallas_src>
import functools

import jax
import jax.numpy as jnp
from jax import lax
from jax.experimental import pallas as pl
from jax.experimental.pallas import tpu as pltpu
from jax.experimental.pallas import tpu_sc as plsc

N = 10000
E = 320000
NC, NS = 2, 16
B = 128
NB = 8
EPS = 20480
CHT = EPS // B
CHH = CHT // 2
NP = 10240
ZR = 64
RPT = NP // NS
D2 = 64

_MESH = plsc.VectorSubcoreMesh(
    core_axis_name="c", subcore_axis_name="s", num_cores=NC, num_subcores=NS
)


@functools.partial(
    pl.kernel,
    out_type=jax.ShapeDtypeStruct((NC, NP, 16), jnp.float32),
    mesh=_MESH,
    compiler_params=pltpu.CompilerParams(use_tc_tiling_on_sc=False),
    scratch_types=[
        pltpu.VMEM((CHH, B), jnp.int32),
        pltpu.VMEM((B, 16), jnp.float32),
        pltpu.VMEM((ZR, 16), jnp.float32),
        pltpu.VMEM_SHARED((NP, 16), jnp.float32),
    ],
)
def _sc_degree(dst_hbm, out_hbm, dst_v, ones_v, zbuf, acc):
    c = lax.axis_index("c")
    s = lax.axis_index("s")

    pltpu.sync_copy(dst_hbm.at[s, pl.ds(c * CHH, CHH)], dst_v)

    @pl.loop(0, B)
    def _(i):
        ones_v[i, :] = jnp.ones((16,), jnp.float32)

    @pl.loop(0, ZR)
    def _(i):
        zbuf[i, :] = jnp.zeros((16,), jnp.float32)

    @pl.loop(0, RPT, step=ZR)
    def _(r):
        pltpu.sync_copy(zbuf, acc.at[pl.ds(s * RPT + r, ZR)])

    plsc.subcore_barrier()

    @pl.loop(0, CHH)
    def _(ch):
        pltpu.sync_copy(ones_v, acc.at[dst_v.at[ch]], add=True)

    plsc.subcore_barrier()
    pltpu.sync_copy(acc.at[pl.ds(s * RPT, RPT)],
                    out_hbm.at[c, pl.ds(s * RPT, RPT)])


def _make_sc_gather_scatter(split_cols):
    nch = CHT if split_cols else CHH
    nblk = nch // NB

    @functools.partial(
        pl.kernel,
        out_type=jax.ShapeDtypeStruct((NC, NP, D2), jnp.bfloat16),
        mesh=_MESH,
        compiler_params=pltpu.CompilerParams(use_tc_tiling_on_sc=False),
        scratch_types=[
            [pltpu.VMEM((NB, B), jnp.int32)] * 2,
            [pltpu.VMEM((NB, B), jnp.int32)] * 2,
            [pltpu.VMEM((B, D2), jnp.bfloat16)] * NB,
            pltpu.VMEM((ZR, D2), jnp.bfloat16),
            pltpu.VMEM_SHARED((NP, D2), jnp.bfloat16),
            [pltpu.SemaphoreType.DMA] * NB,
            [pltpu.SemaphoreType.DMA] * NB,
            [pltpu.SemaphoreType.DMA] * 2,
        ],
    )
    def sc_kernel(src_hbm, dst_hbm, g_hbm, out_hbm,
                  sstr, dstr, bufs, zbuf, acc, gsems, ssems, isems):
        c = lax.axis_index("c")
        s = lax.axis_index("s")

        if split_cols:
            off = 0
            table = g_hbm.at[c]
        else:
            off = c * CHH
            table = g_hbm

        def load_strip(p, blk):
            pltpu.async_copy(src_hbm.at[s, pl.ds(off + blk * NB, NB)],
                             sstr[p], isems[p])
            pltpu.async_copy(dst_hbm.at[s, pl.ds(off + blk * NB, NB)],
                             dstr[p], isems[p])

        def wait_strip(p, blk):
            pltpu.make_async_copy(src_hbm.at[s, pl.ds(off + blk * NB, NB)],
                                  sstr[p], isems[p]).wait()
            pltpu.make_async_copy(dst_hbm.at[s, pl.ds(off + blk * NB, NB)],
                                  dstr[p], isems[p]).wait()

        load_strip(0, 0)
        load_strip(1, 1)

        @pl.loop(0, ZR)
        def _(i):
            @pl.loop(0, D2, step=32)
            def _(j):
                zbuf[i, pl.ds(j, 32)] = jnp.zeros((32,), jnp.bfloat16)

        @pl.loop(0, RPT, step=ZR)
        def _(r):
            pltpu.sync_copy(zbuf, acc.at[pl.ds(s * RPT + r, ZR)])

        plsc.subcore_barrier()

        wait_strip(0, 0)
        for j in range(NB):
            pltpu.async_copy(table.at[sstr[0].at[j]], bufs[j], gsems[j])

        def half(k, p):
            q = 1 - p
            for j in range(NB):
                pltpu.make_async_copy(table.at[sstr[p].at[j]],
                                      bufs[j], gsems[j]).wait()
                pltpu.async_copy(bufs[j], acc.at[dstr[p].at[j]],
                                 ssems[j], add=True)

            @pl.when(k + 1 < nblk)
            def _():
                wait_strip(q, k + 1)

            for j in range(NB):
                pltpu.make_async_copy(bufs[j], acc.at[dstr[p].at[j]],
                                      ssems[j]).wait()

                @pl.when(k + 1 < nblk)
                def _():
                    pltpu.async_copy(table.at[sstr[q].at[j]],
                                     bufs[j], gsems[j])

            @pl.when(k + 2 < nblk)
            def _():
                load_strip(p, k + 2)

        @pl.loop(0, nblk, step=2)
        def _(k):
            half(k, 0)
            half(k + 1, 1)

        plsc.subcore_barrier()
        pltpu.sync_copy(acc.at[pl.ds(s * RPT, RPT)],
                        out_hbm.at[c, pl.ds(s * RPT, RPT)])

    return sc_kernel


_sc_gs_cols = _make_sc_gather_scatter(True)
_sc_gs_edges = _make_sc_gather_scatter(False)



_R = 2000

_CNT_SPEC = pl.BlockSpec((NC, _R, 16), lambda i: (0, i, 0))


def _tc_matmul(x, w):
    def body(x_ref, w_ref, o_ref):
        o_ref[...] = jnp.dot(x_ref[...], w_ref[...],
                             preferred_element_type=jnp.float32)

    return pl.pallas_call(
        body,
        grid=(N // _R,),
        in_specs=[
            pl.BlockSpec((_R, x.shape[1]), lambda i: (i, 0)),
            pl.BlockSpec(w.shape, lambda i: (0, 0)),
        ],
        out_specs=pl.BlockSpec((_R, w.shape[1]), lambda i: (i, 0)),
        out_shape=jax.ShapeDtypeStruct((N, w.shape[1]), jnp.float32),
    )(x, w)


def _tc_scale(cnt, h):

    def body(cnt_ref, h_ref, g_ref, t_ref):
        dinv = lax.rsqrt(1.0 + cnt_ref[0, :, 0:1] + cnt_ref[1, :, 0:1])
        g = h_ref[...] * dinv
        g_ref[...] = g
        t_ref[0] = g[:, :D2].astype(jnp.bfloat16)
        t_ref[1] = g[:, D2:].astype(jnp.bfloat16)

    return pl.pallas_call(
        body,
        grid=(N // _R,),
        in_specs=[
            _CNT_SPEC,
            pl.BlockSpec((_R, 2 * D2), lambda i: (i, 0)),
        ],
        out_specs=[
            pl.BlockSpec((_R, 2 * D2), lambda i: (i, 0)),
            pl.BlockSpec((NC, _R, D2), lambda i: (0, i, 0)),
        ],
        out_shape=[
            jax.ShapeDtypeStruct((N, 2 * D2), jnp.float32),
            jax.ShapeDtypeStruct((NC, N, D2), jnp.bfloat16),
        ],
    )(cnt, h)


def _tc_combine12(cnt, acc, g, b, w):

    def body(cnt_ref, acc_ref, g_ref, b_ref, w_ref, o_ref, t_ref):
        dinv = lax.rsqrt(1.0 + cnt_ref[0, :, 0:1] + cnt_ref[1, :, 0:1])
        a = jnp.concatenate([acc_ref[0], acc_ref[1]], axis=1).astype(jnp.float32)
        t = (a + g_ref[...]) * dinv + jnp.reshape(b_ref[...], (1, 2 * D2))
        t = jnp.maximum(t, 0.0)
        r = jnp.dot(t, w_ref[...], preferred_element_type=jnp.float32) * dinv
        o_ref[...] = r
        t_ref[0] = r[:, :D2].astype(jnp.bfloat16)
        t_ref[1] = r[:, D2:].astype(jnp.bfloat16)

    return pl.pallas_call(
        body,
        grid=(N // _R,),
        in_specs=[
            _CNT_SPEC,
            pl.BlockSpec((NC, _R, D2), lambda i: (0, i, 0)),
            pl.BlockSpec((_R, 2 * D2), lambda i: (i, 0)),
            pl.BlockSpec((2 * D2,), lambda i: (0,)),
            pl.BlockSpec((2 * D2, 2 * D2), lambda i: (0, 0)),
        ],
        out_specs=[
            pl.BlockSpec((_R, 2 * D2), lambda i: (i, 0)),
            pl.BlockSpec((NC, _R, D2), lambda i: (0, i, 0)),
        ],
        out_shape=[
            jax.ShapeDtypeStruct((N, 2 * D2), jnp.float32),
            jax.ShapeDtypeStruct((NC, N, D2), jnp.bfloat16),
        ],
    )(cnt, acc, g, b, w)


def _tc_combine23(cnt, acc, g, b, w):

    def body(cnt_ref, acc_ref, g_ref, b_ref, w_ref, o_ref, t_ref):
        dinv = lax.rsqrt(1.0 + cnt_ref[0, :, 0:1] + cnt_ref[1, :, 0:1])
        a = jnp.concatenate([acc_ref[0], acc_ref[1]], axis=1).astype(jnp.float32)
        t = (a + g_ref[...]) * dinv + jnp.reshape(b_ref[...], (1, 2 * D2))
        t = jnp.maximum(t, 0.0)
        r = jnp.dot(t, w_ref[...], preferred_element_type=jnp.float32) * dinv
        o_ref[...] = r
        t_ref[...] = r.astype(jnp.bfloat16)

    return pl.pallas_call(
        body,
        grid=(N // _R,),
        in_specs=[
            _CNT_SPEC,
            pl.BlockSpec((NC, _R, D2), lambda i: (0, i, 0)),
            pl.BlockSpec((_R, 2 * D2), lambda i: (i, 0)),
            pl.BlockSpec((2 * D2,), lambda i: (0,)),
            pl.BlockSpec((2 * D2, D2), lambda i: (0, 0)),
        ],
        out_specs=[
            pl.BlockSpec((_R, D2), lambda i: (i, 0)),
            pl.BlockSpec((_R, D2), lambda i: (i, 0)),
        ],
        out_shape=[
            jax.ShapeDtypeStruct((N, D2), jnp.float32),
            jax.ShapeDtypeStruct((N, D2), jnp.bfloat16),
        ],
    )(cnt, acc, g, b, w)


def _tc_final(cnt, acc, g, b):

    def body(cnt_ref, acc_ref, g_ref, b_ref, o_ref):
        dinv = lax.rsqrt(1.0 + cnt_ref[0, :, 0:1] + cnt_ref[1, :, 0:1])
        a = acc_ref[0].astype(jnp.float32) + acc_ref[1].astype(jnp.float32)
        t = (a + g_ref[...]) * dinv
        o_ref[...] = t + jnp.reshape(b_ref[...], (1, D2))

    return pl.pallas_call(
        body,
        grid=(N // _R,),
        in_specs=[
            _CNT_SPEC,
            pl.BlockSpec((NC, _R, D2), lambda i: (0, i, 0)),
            pl.BlockSpec((_R, D2), lambda i: (i, 0)),
            pl.BlockSpec((D2,), lambda i: (0,)),
        ],
        out_specs=pl.BlockSpec((_R, D2), lambda i: (i, 0)),
        out_shape=jax.ShapeDtypeStruct((N, D2), jnp.float32),
    )(cnt, acc, g, b)


@jax.jit
def kernel(x, edge_index, W1, b1, W2, b2, W3, b3):
    pad = NS * EPS - E
    pad_src = jnp.arange(pad, dtype=jnp.int32) % N
    src = jnp.concatenate([edge_index[0], pad_src]).reshape(NS, CHT, B)
    dst = jnp.concatenate(
        [edge_index[1], jnp.full((pad,), N, jnp.int32)]).reshape(NS, CHT, B)

    cnt = _sc_degree(dst)

    h1 = _tc_matmul(x, W1)
    g1, g1t = _tc_scale(cnt, h1)

    acc1 = _sc_gs_cols(src, dst, g1t)
    g2, g2t = _tc_combine12(cnt, acc1, g1, b1, W2)

    acc2 = _sc_gs_cols(src, dst, g2t)
    g3, g3t = _tc_combine23(cnt, acc2, g2, b2, W3)

    acc3 = _sc_gs_edges(src, dst, g3t)
    return _tc_final(cnt, acc3, g3, b3)

# --- scband reference (transcript-rebuilt; emitter-appended) ---
"""Pipeline reference for scband-gcn-45930380263918 (READ-ONLY COPY).

The authoritative reference and input builder live on the scoring server;
editing this copy changes nothing except your own understanding.
"""

import jax, jax.numpy as jnp
import numpy as np

N = 10000
E = 320000
D_IN = 128
D_HID = 128
D_OUT = 64


def setup_inputs(seed: int = 0) -> dict:
    key = jax.random.key(seed)
    ks = jax.random.split(key, 9)
    x = jax.random.normal(ks[0], (N, D_IN), dtype=jnp.float32)
    edge_index = jax.random.randint(ks[1], (2, E), 0, N, dtype=jnp.int32)
    W1 = jax.random.normal(ks[2], (D_IN, D_HID), dtype=jnp.float32) / np.sqrt(D_IN)
    b1 = jnp.zeros((D_HID,), dtype=jnp.float32)
    W2 = jax.random.normal(ks[3], (D_HID, D_HID), dtype=jnp.float32) / np.sqrt(D_HID)
    b2 = jnp.zeros((D_HID,), dtype=jnp.float32)
    W3 = jax.random.normal(ks[4], (D_HID, D_OUT), dtype=jnp.float32) / np.sqrt(D_HID)
    b3 = jnp.zeros((D_OUT,), dtype=jnp.float32)
    return {"x": x, "edge_index": edge_index, "W1": W1, "b1": b1, "W2": W2, "b2": b2, "W3": W3, "b3": b3}


def _gcn_conv(x, edge_index, W, b):
    # PyG-style GCNConv: add self-loops, symmetric normalization, scatter-add aggregation
    n = x.shape[0]
    loop = jnp.arange(n, dtype=edge_index.dtype)
    src = jnp.concatenate([edge_index[0], loop])
    dst = jnp.concatenate([edge_index[1], loop])
    h = x @ W
    deg = jnp.zeros((n,), dtype=x.dtype).at[dst].add(1.0)
    dinv = jnp.where(deg > 0, 1.0 / jnp.sqrt(deg), 0.0)
    norm = dinv[src] * dinv[dst]
    msg = h[src] * norm[:, None]
    out = jnp.zeros((n, h.shape[1]), dtype=x.dtype).at[dst].add(msg)
    return out + b


def reference(x, edge_index, W1, b1, W2, b2, W3, b3):
    # layers = 3; dropout is identity in eval mode
    h = _gcn_conv(x, edge_index, W1, b1)
    h = jax.nn.relu(h)
    h = _gcn_conv(h, edge_index, W2, b2)
    h = jax.nn.relu(h)
    out = _gcn_conv(h, edge_index, W3, b3)
    return out

if __name__ == "__main__":
    import jax
    _d = setup_inputs()
    print(jax.jit(kernel)(*tuple(_d.values())))

</pallas_src>

<mosaic_0001>
#map = affine_map<(d0, d1) -> (0, 0, 0)>
module attributes {stable_mosaic.version = 14 : i64} {
  func.func @_sc_degree(%arg0: i32, %arg1: i32, %arg2: memref<16x160x128xi32, #tpu.memory_space<hbm>>, %arg3: memref<2x10240x16xf32, #tpu.memory_space<hbm>>, %arg4: memref<80x128xi32, #tpu.memory_space<vmem>>, %arg5: memref<128x16xf32, #tpu.memory_space<vmem>>, %arg6: memref<64x16xf32, #tpu.memory_space<vmem>>, %arg7: memref<10240x16xf32, #tpu.memory_space<vmem_shared>>) attributes {dimension_semantics = [#tpu.dimension_semantics<core_parallel>, #tpu.dimension_semantics<subcore_parallel>], iteration_bounds = array<i64: 2, 16>, scalar_prefetch = 0 : i64, scratch_operands = 4 : i64, tpu.core_type = #tpu.core_type<sc_vector_subcore>, window_params = [{transform_indices = #map}, {transform_indices = #map}]} {
    %mul3A = arith.constant 80 : i32
    %mul3A_0 = arith.muli %arg0, %mul3A : i32
    "tpu.region"() ({
      %run_scoped3A = tpu.sem_alloc : memref<!tpu.dma_semaphore, #tpu.memory_space<semaphore_mem>>
      %dma_start3A = arith.constant 0 : i32
      %dma_start3A_25 = tpu.memref_slice %arg2[%arg1, %mul3A_0, %dma_start3A] : memref<16x160x128xi32, #tpu.memory_space<hbm>> -> memref<1x80x128xi32, #tpu.memory_space<hbm>>
      %dma_start3A_26 = tpu.memref_squeeze %dma_start3A_25 : memref<1x80x128xi32, #tpu.memory_space<hbm>> -> memref<80x128xi32, #tpu.memory_space<hbm>>
      %dma_start3A_27 = arith.constant 0 : i32
      %dma_start3A_28 = tpu.memref_slice %arg2[%arg1, %mul3A_0, %dma_start3A_27] : memref<16x160x128xi32, #tpu.memory_space<hbm>> -> memref<1x80x128xi32, #tpu.memory_space<hbm>>
      %dma_start3A_29 = tpu.memref_squeeze %dma_start3A_28 : memref<1x80x128xi32, #tpu.memory_space<hbm>> -> memref<80x128xi32, #tpu.memory_space<hbm>>
      tpu.enqueue_dma source(%dma_start3A_29 : memref<80x128xi32, #tpu.memory_space<hbm>>) target(%arg4 : memref<80x128xi32, #tpu.memory_space<vmem>>) target_semaphore(%run_scoped3A : memref<!tpu.dma_semaphore, #tpu.memory_space<semaphore_mem>>)
      %dma_wait3A = arith.constant 0 : i32
      %dma_wait3A_30 = tpu.memref_slice %arg2[%arg1, %mul3A_0, %dma_wait3A] : memref<16x160x128xi32, #tpu.memory_space<hbm>> -> memref<1x80x128xi32, #tpu.memory_space<hbm>>
      %dma_wait3A_31 = tpu.memref_squeeze %dma_wait3A_30 : memref<1x80x128xi32, #tpu.memory_space<hbm>> -> memref<80x128xi32, #tpu.memory_space<hbm>>
      %dma_wait3A_32 = arith.constant 0 : i32
      %dma_wait3A_33 = tpu.memref_slice %arg2[%arg1, %mul3A_0, %dma_wait3A_32] : memref<16x160x128xi32, #tpu.memory_space<hbm>> -> memref<1x80x128xi32, #tpu.memory_space<hbm>>
      %dma_wait3A_34 = tpu.memref_squeeze %dma_wait3A_33 : memref<1x80x128xi32, #tpu.memory_space<hbm>> -> memref<80x128xi32, #tpu.memory_space<hbm>>
      tpu.wait_dma2 semaphore(%run_scoped3A : memref<!tpu.dma_semaphore, #tpu.memory_space<semaphore_mem>>) src(%dma_wait3A_34 : memref<80x128xi32, #tpu.memory_space<hbm>>) dst(%arg4 : memref<80x128xi32, #tpu.memory_space<vmem>>)
      tpu.yield
    }) : () -> ()
    %scan3A = arith.constant 0 : i32
    %scan3A_1 = arith.constant 128 : i32
    %scan3A_2 = arith.addi %scan3A, %scan3A_1 : i32
    %scan3A_3 = arith.constant 1 : i32
    scf.for %scan3A_25 = %scan3A to %scan3A_2 step %scan3A_3  : i32 {
      %mul3A_26 = arith.constant 1 : i32
      %mul3A_27 = arith.muli %scan3A_25, %mul3A_26 : i32
      %add3A = arith.constant 0 : i32
      %add3A_28 = arith.addi %add3A, %mul3A_27 : i32
      %broadcast_in_dim3A = arith.constant 1.000000e+00 : f32
      %broadcast_in_dim3A_29 = vector.broadcast %broadcast_in_dim3A : f32 to vector<16xf32>
      %swap3A = arith.index_cast %add3A_28 : i32 to index
      %swap3A_30 = arith.constant 0 : index
      %swap3A_31 = tpu.vector_load %arg5[%swap3A, %swap3A_30] {strides = array<i32>} : memref<128x16xf32, #tpu.memory_space<vmem>>, vector<1x16xf32>,
      %swap3A_32 = vector.shape_cast %swap3A_31 : vector<1x16xf32> to vector<16xf32>
      %swap3A_33 = vector.shape_cast %broadcast_in_dim3A_29 : vector<16xf32> to vector<1x16xf32>
      tpu.vector_store %arg5[%swap3A, %swap3A_30], %swap3A_33 {strides = array<i32>} : memref<128x16xf32, #tpu.memory_space<vmem>>, vector<1x16xf32>,
    }
    %scan3A_4 = arith.constant 128 : i32
    %scan3A_5 = arith.constant 0 : i32
    %scan3A_6 = arith.constant 64 : i32
    %scan3A_7 = arith.addi %scan3A_5, %scan3A_6 : i32
    %scan3A_8 = arith.constant 1 : i32
    scf.for %scan3A_25 = %scan3A_5 to %scan3A_7 step %scan3A_8  : i32 {
      %mul3A_26 = arith.constant 1 : i32
      %mul3A_27 = arith.muli %scan3A_25, %mul3A_26 : i32
      %add3A = arith.constant 0 : i32
      %add3A_28 = arith.addi %add3A, %mul3A_27 : i32
      %broadcast_in_dim3A = arith.constant 0.000000e+00 : f32
      %broadcast_in_dim3A_29 = vector.broadcast %broadcast_in_dim3A : f32 to vector<16xf32>
      %swap3A = arith.index_cast %add3A_28 : i32 to index
      %swap3A_30 = arith.constant 0 : index
      %swap3A_31 = tpu.vector_load %arg6[%swap3A, %swap3A_30] {strides = array<i32>} : memref<64x16xf32, #tpu.memory_space<vmem>>, vector<1x16xf32>,
      %swap3A_32 = vector.shape_cast %swap3A_31 : vector<1x16xf32> to vector<16xf32>
      %swap3A_33 = vector.shape_cast %broadcast_in_dim3A_29 : vector<16xf32> to vector<1x16xf32>
      tpu.vector_store %arg6[%swap3A, %swap3A_30], %swap3A_33 {strides = array<i32>} : memref<64x16xf32, #tpu.memory_space<vmem>>, vector<1x16xf32>,
    }
    %scan3A_9 = arith.constant 64 : i32
    %scan3A_10 = arith.constant 0 : i32
    %scan3A_11 = arith.constant 10 : i32
    %scan3A_12 = arith.addi %scan3A_10, %scan3A_11 : i32
    %scan3A_13 = arith.constant 1 : i32
    scf.for %scan3A_25 = %scan3A_10 to %scan3A_12 step %scan3A_13  : i32 {
      %mul3A_26 = arith.constant 64 : i32
      %mul3A_27 = arith.muli %scan3A_25, %mul3A_26 : i32
      %add3A = arith.constant 0 : i32
      %add3A_28 = arith.addi %add3A, %mul3A_27 : i32
      %mul3A_29 = arith.constant 640 : i32
      %mul3A_30 = arith.muli %arg1, %mul3A_29 : i32
      %add3A_31 = arith.addi %mul3A_30, %add3A_28 : i32
      "tpu.region"() ({
        %run_scoped3A = tpu.sem_alloc : memref<!tpu.dma_semaphore, #tpu.memory_space<semaphore_mem>>
        %dma_start3A = arith.constant 0 : i32
        %dma_start3A_32 = tpu.memref_slice %arg7[%add3A_31, %dma_start3A] : memref<10240x16xf32, #tpu.memory_space<vmem_shared>> -> memref<64x16xf32, #tpu.memory_space<vmem_shared>>
        %dma_start3A_33 = arith.constant 0 : i32
        %dma_start3A_34 = tpu.memref_slice %arg7[%add3A_31, %dma_start3A_33] : memref<10240x16xf32, #tpu.memory_space<vmem_shared>> -> memref<64x16xf32, #tpu.memory_space<vmem_shared>>
        tpu.enqueue_dma source(%arg6 : memref<64x16xf32, #tpu.memory_space<vmem>>) target(%dma_start3A_34 : memref<64x16xf32, #tpu.memory_space<vmem_shared>>) target_semaphore(%run_scoped3A : memref<!tpu.dma_semaphore, #tpu.memory_space<semaphore_mem>>)
        %dma_wait3A = arith.constant 0 : i32
        %dma_wait3A_35 = tpu.memref_slice %arg7[%add3A_31, %dma_wait3A] : memref<10240x16xf32, #tpu.memory_space<vmem_shared>> -> memref<64x16xf32, #tpu.memory_space<vmem_shared>>
        %dma_wait3A_36 = arith.constant 0 : i32
        %dma_wait3A_37 = tpu.memref_slice %arg7[%add3A_31, %dma_wait3A_36] : memref<10240x16xf32, #tpu.memory_space<vmem_shared>> -> memref<64x16xf32, #tpu.memory_space<vmem_shared>>
        tpu.wait_dma2 semaphore(%run_scoped3A : memref<!tpu.dma_semaphore, #tpu.memory_space<semaphore_mem>>) src(%arg6 : memref<64x16xf32, #tpu.memory_space<vmem>>) dst(%dma_wait3A_37 : memref<64x16xf32, #tpu.memory_space<vmem_shared>>)
        tpu.yield
      }) : () -> ()
    }
    %scan3A_14 = arith.constant 10 : i32
    %barrier3A = arith.constant 0 : index
    tpu.barrier barrier_id(%barrier3A)
    %scan3A_15 = arith.constant 0 : i32
    %scan3A_16 = arith.constant 80 : i32
    %scan3A_17 = arith.addi %scan3A_15, %scan3A_16 : i32
    %scan3A_18 = arith.constant 1 : i32
    scf.for %scan3A_25 = %scan3A_15 to %scan3A_17 step %scan3A_18  : i32 {
      %mul3A_26 = arith.constant 1 : i32
      %mul3A_27 = arith.muli %scan3A_25, %mul3A_26 : i32
      %add3A = arith.constant 0 : i32
      %add3A_28 = arith.addi %add3A, %mul3A_27 : i32
      "tpu.region"() ({
        %run_scoped3A = tpu.sem_alloc : memref<!tpu.dma_semaphore, #tpu.memory_space<semaphore_mem>>
        %dma_start3A = arith.constant 0 : i32
        %dma_start3A_29 = tpu.memref_slice %arg4[%add3A_28, %dma_start3A] : memref<80x128xi32, #tpu.memory_space<vmem>> -> memref<1x128xi32, #tpu.memory_space<vmem>>
        %dma_start3A_30 = tpu.memref_squeeze %dma_start3A_29 : memref<1x128xi32, #tpu.memory_space<vmem>> -> memref<128xi32, #tpu.memory_space<vmem>>
        %dma_start3A_31 = arith.constant 0 : i32
        %dma_start3A_32 = arith.constant 0 : i32
        %dma_start3A_33 = tpu.memref_slice %arg7[%dma_start3A_31, %dma_start3A_32] : memref<10240x16xf32, #tpu.memory_space<vmem_shared>> -> memref<10240x16xf32, #tpu.memory_space<vmem_shared>>
        tpu.enqueue_indirect_dma source(%arg5 : memref<128x16xf32, #tpu.memory_space<vmem>>) target(%dma_start3A_33 : memref<10240x16xf32, #tpu.memory_space<vmem_shared>>) offsets(%dma_start3A_30 : memref<128xi32, #tpu.memory_space<vmem>>) semaphore(%run_scoped3A : memref<!tpu.dma_semaphore, #tpu.memory_space<semaphore_mem>>) {add = true}
        %dma_wait3A = arith.constant 0 : i32
        %dma_wait3A_34 = tpu.memref_slice %arg4[%add3A_28, %dma_wait3A] : memref<80x128xi32, #tpu.memory_space<vmem>> -> memref<1x128xi32, #tpu.memory_space<vmem>>
        %dma_wait3A_35 = tpu.memref_squeeze %dma_wait3A_34 : memref<1x128xi32, #tpu.memory_space<vmem>> -> memref<128xi32, #tpu.memory_space<vmem>>
        %dma_wait3A_36 = arith.constant 0 : i32
        %dma_wait3A_37 = arith.constant 0 : i32
        %dma_wait3A_38 = tpu.memref_slice %arg7[%dma_wait3A_36, %dma_wait3A_37] : memref<10240x16xf32, #tpu.memory_space<vmem_shared>> -> memref<10240x16xf32, #tpu.memory_space<vmem_shared>>
        tpu.wait_indirect_dma semaphore(%run_scoped3A : memref<!tpu.dma_semaphore, #tpu.memory_space<semaphore_mem>>) src(%arg5 : memref<128x16xf32, #tpu.memory_space<vmem>>) dst(%dma_wait3A_38 : memref<10240x16xf32, #tpu.memory_space<vmem_shared>>)
        tpu.yield
      }) : () -> ()
    }
    %scan3A_19 = arith.constant 80 : i32
    %barrier3A_20 = arith.constant 0 : index
    tpu.barrier barrier_id(%barrier3A_20)
    %mul3A_21 = arith.constant 640 : i32
    %mul3A_22 = arith.muli %arg1, %mul3A_21 : i32
    %mul3A_23 = arith.constant 640 : i32
    %mul3A_24 = arith.muli %arg1, %mul3A_23 : i32
    "tpu.region"() ({
      %run_scoped3A = tpu.sem_alloc : memref<!tpu.dma_semaphore, #tpu.memory_space<semaphore_mem>>
      %dma_start3A = arith.constant 0 : i32
      %dma_start3A_25 = tpu.memref_slice %arg3[%arg0, %mul3A_24, %dma_start3A] : memref<2x10240x16xf32, #tpu.memory_space<hbm>> -> memref<1x640x16xf32, #tpu.memory_space<hbm>>
      %dma_start3A_26 = tpu.memref_squeeze %dma_start3A_25 : memref<1x640x16xf32, #tpu.memory_space<hbm>> -> memref<640x16xf32, #tpu.memory_space<hbm>>
      %dma_start3A_27 = arith.constant 0 : i32
      %dma_start3A_28 = tpu.memref_slice %arg7[%mul3A_22, %dma_start3A_27] : memref<10240x16xf32, #tpu.memory_space<vmem_shared>> -> memref<640x16xf32, #tpu.memory_space<vmem_shared>>
      tpu.enqueue_dma source(%dma_start3A_28 : memref<640x16xf32, #tpu.memory_space<vmem_shared>>) target(%dma_start3A_26 : memref<640x16xf32, #tpu.memory_space<hbm>>) target_semaphore(%run_scoped3A : memref<!tpu.dma_semaphore, #tpu.memory_space<semaphore_mem>>)
      %dma_wait3A = arith.constant 0 : i32
      %dma_wait3A_29 = tpu.memref_slice %arg3[%arg0, %mul3A_24, %dma_wait3A] : memref<2x10240x16xf32, #tpu.memory_space<hbm>> -> memref<1x640x16xf32, #tpu.memory_space<hbm>>
      %dma_wait3A_30 = tpu.memref_squeeze %dma_wait3A_29 : memref<1x640x16xf32, #tpu.memory_space<hbm>> -> memref<640x16xf32, #tpu.memory_space<hbm>>
      %dma_wait3A_31 = arith.constant 0 : i32
      %dma_wait3A_32 = tpu.memref_slice %arg7[%mul3A_22, %dma_wait3A_31] : memref<10240x16xf32, #tpu.memory_space<vmem_shared>> -> memref<640x16xf32, #tpu.memory_space<vmem_shared>>
      tpu.wait_dma2 semaphore(%run_scoped3A : memref<!tpu.dma_semaphore, #tpu.memory_space<semaphore_mem>>) src(%dma_wait3A_32 : memref<640x16xf32, #tpu.memory_space<vmem_shared>>) dst(%dma_wait3A_30 : memref<640x16xf32, #tpu.memory_space<hbm>>)
      tpu.yield
    }) : () -> ()
    return
  }
}

#map = affine_map<(d0, d1) -> (0, 0, 0)>
#map1 = affine_map<(d0, d1) -> (0, 0)>
module attributes {stable_mosaic.version = 14 : i64} {
  func.func @sc_kernel(%arg0: i32, %arg1: i32, %arg2: memref<16x160x128xi32, #tpu.memory_space<hbm>>, %arg3: memref<16x160x128xi32, #tpu.memory_space<hbm>>, %arg4: memref<10000x64xbf16, #tpu.memory_space<hbm>>, %arg5: memref<2x10240x64xbf16, #tpu.memory_space<hbm>>, %arg6: memref<8x128xi32, #tpu.memory_space<vmem>>, %arg7: memref<8x128xi32, #tpu.memory_space<vmem>>, %arg8: memref<8x128xi32, #tpu.memory_space<vmem>>, %arg9: memref<8x128xi32, #tpu.memory_space<vmem>>, %arg10: memref<128x64xbf16, #tpu.memory_space<vmem>>, %arg11: memref<128x64xbf16, #tpu.memory_space<vmem>>, %arg12: memref<128x64xbf16, #tpu.memory_space<vmem>>, %arg13: memref<128x64xbf16, #tpu.memory_space<vmem>>, %arg14: memref<128x64xbf16, #tpu.memory_space<vmem>>, %arg15: memref<128x64xbf16, #tpu.memory_space<vmem>>, %arg16: memref<128x64xbf16, #tpu.memory_space<vmem>>, %arg17: memref<128x64xbf16, #tpu.memory_space<vmem>>, %arg18: memref<64x64xbf16, #tpu.memory_space<vmem>>, %arg19: memref<10240x64xbf16, #tpu.memory_space<vmem_shared>>, %arg20: memref<!tpu.dma_semaphore, #tpu.memory_space<semaphore_mem>>, %arg21: memref<!tpu.dma_semaphore, #tpu.memory_space<semaphore_mem>>, %arg22: memref<!tpu.dma_semaphore, #tpu.memory_space<semaphore_mem>>, %arg23: memref<!tpu.dma_semaphore, #tpu.memory_space<semaphore_mem>>, %arg24: memref<!tpu.dma_semaphore, #tpu.memory_space<semaphore_mem>>, %arg25: memref<!tpu.dma_semaphore, #tpu.memory_space<semaphore_mem>>, %arg26: memref<!tpu.dma_semaphore, #tpu.memory_space<semaphore_mem>>, %arg27: memref<!tpu.dma_semaphore, #tpu.memory_space<semaphore_mem>>, %arg28: memref<!tpu.dma_semaphore, #tpu.memory_space<semaphore_mem>>, %arg29: memref<!tpu.dma_semaphore, #tpu.memory_space<semaphore_mem>>, %arg30: memref<!tpu.dma_semaphore, #tpu.memory_space<semaphore_mem>>, %arg31: memref<!tpu.dma_semaphore, #tpu.memory_space<semaphore_mem>>, %arg32: memref<!tpu.dma_semaphore, #tpu.memory_space<semaphore_mem>>, %arg33: memref<!tpu.dma_semaphore, #tpu.memory_space<semaphore_mem>>, %arg34: memref<!tpu.dma_semaphore, #tpu.memory_space<semaphore_mem>>, %arg35: memref<!tpu.dma_semaphore, #tpu.memory_space<semaphore_mem>>, %arg36: memref<!tpu.dma_semaphore, #tpu.memory_space<semaphore_mem>>, %arg37: memref<!tpu.dma_semaphore, #tpu.memory_space<semaphore_mem>>) attributes {dimension_semantics = [#tpu.dimension_semantics<core_parallel>, #tpu.dimension_semantics<subcore_parallel>], iteration_bounds = array<i64: 2, 16>, scalar_prefetch = 0 : i64, scratch_operands = 32 : i64, tpu.core_type = #tpu.core_type<sc_vector_subcore>, window_params = [{transform_indices = #map}, {transform_indices = #map}, {transform_indices = #map1}, {transform_indices = #map}]} {
    %mul3A = arith.constant 80 : i32
    %mul3A_0 = arith.muli %arg0, %mul3A : i32
    %add3A = arith.constant 0 : i32
    %add3A_1 = arith.addi %mul3A_0, %add3A : i32
    %dma_start3A = arith.constant 0 : i32
    %dma_start3A_2 = tpu.memref_slice %arg2[%arg1, %add3A_1, %dma_start3A] : memref<16x160x128xi32, #tpu.memory_space<hbm>> -> memref<1x8x128xi32, #tpu.memory_space<hbm>>
    %dma_start3A_3 = tpu.memref_squeeze %dma_start3A_2 : memref<1x8x128xi32, #tpu.memory_space<hbm>> -> memref<8x128xi32, #tpu.memory_space<hbm>>
    %dma_start3A_4 = arith.constant 0 : i32
    %dma_start3A_5 = tpu.memref_slice %arg2[%arg1, %add3A_1, %dma_start3A_4] : memref<16x160x128xi32, #tpu.memory_space<hbm>> -> memref<1x8x128xi32, #tpu.memory_space<hbm>>
    %dma_start3A_6 = tpu.memref_squeeze %dma_start3A_5 : memref<1x8x128xi32, #tpu.memory_space<hbm>> -> memref<8x128xi32, #tpu.memory_space<hbm>>
    tpu.enqueue_dma source(%dma_start3A_6 : memref<8x128xi32, #tpu.memory_space<hbm>>) target(%arg6 : memref<8x128xi32, #tpu.memory_space<vmem>>) target_semaphore(%arg36 : memref<!tpu.dma_semaphore, #tpu.memory_space<semaphore_mem>>)
    %add3A_7 = arith.constant 0 : i32
    %add3A_8 = arith.addi %mul3A_0, %add3A_7 : i32
    %dma_start3A_9 = arith.constant 0 : i32
    %dma_start3A_10 = tpu.memref_slice %arg3[%arg1, %add3A_8, %dma_start3A_9] : memref<16x160x128xi32, #tpu.memory_space<hbm>> -> memref<1x8x128xi32, #tpu.memory_space<hbm>>
    %dma_start3A_11 = tpu.memref_squeeze %dma_start3A_10 : memref<1x8x128xi32, #tpu.memory_space<hbm>> -> memref<8x128xi32, #tpu.memory_space<hbm>>
    %dma_start3A_12 = arith.constant 0 : i32
    %dma_start3A_13 = tpu.memref_slice %arg3[%arg1, %add3A_8, %dma_start3A_12] : memref<16x160x128xi32, #tpu.memory_space<hbm>> -> memref<1x8x128xi32, #tpu.memory_space<hbm>>
    %dma_start3A_14 = tpu.memref_squeeze %dma_start3A_13 : memref<1x8x128xi32, #tpu.memory_space<hbm>> -> memref<8x128xi32, #tpu.memory_space<hbm>>
    tpu.enqueue_dma source(%dma_start3A_14 : memref<8x128xi32, #tpu.memory_space<hbm>>) target(%arg8 : memref<8x128xi32, #tpu.memory_space<vmem>>) target_semaphore(%arg36 : memref<!tpu.dma_semaphore, #tpu.memory_space<semaphore_mem>>)
    %add3A_15 = arith.constant 8 : i32
    %add3A_16 = arith.addi %mul3A_0, %add3A_15 : i32
    %dma_start3A_17 = arith.constant 0 : i32
    %dma_start3A_18 = tpu.memref_slice %arg2[%arg1, %add3A_16, %dma_start3A_17] : memref<16x160x128xi32, #tpu.memory_space<hbm>> -> memref<1x8x128xi32, #tpu.memory_space<hbm>>
    %dma_start3A_19 = tpu.memref_squeeze %dma_start3A_18 : memref<1x8x128xi32, #tpu.memory_space<hbm>> -> memref<8x128xi32, #tpu.memory_space<hbm>>
    %dma_start3A_20 = arith.constant 0 : i32
    %dma_start3A_21 = tpu.memref_slice %arg2[%arg1, %add3A_16, %dma_start3A_20] : memref<16x160x128xi32, #tpu.memory_space<hbm>> -> memref<1x8x128xi32, #tpu.memory_space<hbm>>
    %dma_start3A_22 = tpu.memref_squeeze %dma_start3A_21 : memref<1x8x128xi32, #tpu.memory_space<hbm>> -> memref<8x128xi32, #tpu.memory_space<hbm>>
    tpu.enqueue_dma source(%dma_start3A_22 : memref<8x128xi32, #tpu.memory_space<hbm>>) target(%arg7 : memref<8x128xi32, #tpu.memory_space<vmem>>) target_semaphore(%arg37 : memref<!tpu.dma_semaphore, #tpu.memory_space<semaphore_mem>>)
    %add3A_23 = arith.constant 8 : i32
    %add3A_24 = arith.addi %mul3A_0, %add3A_23 : i32
    %dma_start3A_25 = arith.constant 0 : i32
    %dma_start3A_26 = tpu.memref_slice %arg3[%arg1, %add3A_24, %dma_start3A_25] : memref<16x160x128xi32, #tpu.memory_space<hbm>> -> memref<1x8x128xi32, #tpu.memory_space<hbm>>
    %dma_start3A_27 = tpu.memref_squeeze %dma_start3A_26 : memref<1x8x128xi32, #tpu.memory_space<hbm>> -> memref<8x128xi32, #tpu.memory_space<hbm>>
    %dma_start3A_28 = arith.constant 0 : i32
    %dma_start3A_29 = tpu.memref_slice %arg3[%arg1, %add3A_24, %dma_start3A_28] : memref<16x160x128xi32, #tpu.memory_space<hbm>> -> memref<1x8x128xi32, #tpu.memory_space<hbm>>
    %dma_start3A_30 = tpu.memref_squeeze %dma_start3A_29 : memref<1x8x128xi32, #tpu.memory_space<hbm>> -> memref<8x128xi32, #tpu.memory_space<hbm>>
    tpu.enqueue_dma source(%dma_start3A_30 : memref<8x128xi32, #tpu.memory_space<hbm>>) target(%arg9 : memref<8x128xi32, #tpu.memory_space<vmem>>) target_semaphore(%arg37 : memref<!tpu.dma_semaphore, #tpu.memory_space<semaphore_mem>>)
    %scan3A = arith.constant 0 : i32
    %scan3A_31 = arith.constant 64 : i32
    %scan3A_32 = arith.addi %scan3A, %scan3A_31 : i32
    %scan3A_33 = arith.constant 1 : i32
    scf.for %scan3A_121 = %scan3A to %scan3A_32 step %scan3A_33  : i32 {
      %mul3A_122 = arith.constant 1 : i32
      %mul3A_123 = arith.muli %scan3A_121, %mul3A_122 : i32
      %add3A_124 = arith.constant 0 : i32
      %add3A_125 = arith.addi %add3A_124, %mul3A_123 : i32
      %scan3A_126 = arith.constant 0 : i32
      %scan3A_127 = arith.constant 2 : i32
      %scan3A_128 = arith.addi %scan3A_126, %scan3A_127 : i32
      %scan3A_129 = arith.constant 1 : i32
      scf.for %scan3A_131 = %scan3A_126 to %scan3A_128 step %scan3A_129  : i32 {
        %mul3A_132 = arith.constant 32 : i32
        %mul3A_133 = arith.muli %scan3A_131, %mul3A_132 : i32
        %add3A_134 = arith.constant 0 : i32
        %add3A_135 = arith.addi %add3A_134, %mul3A_133 : i32
        %broadcast_in_dim3A = arith.constant 0.000000e+00 : bf16
        %broadcast_in_dim3A_136 = vector.broadcast %broadcast_in_dim3A : bf16 to vector<32xbf16>
        %swap3A = arith.index_cast %add3A_125 : i32 to index
        %swap3A_137 = arith.index_cast %add3A_135 : i32 to index
        %swap3A_138 = tpu.vector_load %arg18[%swap3A, %swap3A_137] {strides = array<i32>} : memref<64x64xbf16, #tpu.memory_space<vmem>>, vector<1x32xbf16>,
        %swap3A_139 = vector.shape_cast %swap3A_138 : vector<1x32xbf16> to vector<32xbf16>
        %swap3A_140 = vector.shape_cast %broadcast_in_dim3A_136 : vector<32xbf16> to vector<1x32xbf16>
        tpu.vector_store %arg18[%swap3A, %swap3A_137], %swap3A_140 {strides = array<i32>} : memref<64x64xbf16, #tpu.memory_space<vmem>>, vector<1x32xbf16>,
      }
      %scan3A_130 = arith.constant 2 : i32
    }
    %scan3A_34 = arith.constant 64 : i32
    %scan3A_35 = arith.constant 0 : i32
    %scan3A_36 = arith.constant 10 : i32
    %scan3A_37 = arith.addi %scan3A_35, %scan3A_36 : i32
    %scan3A_38 = arith.constant 1 : i32
    scf.for %scan3A_121 = %scan3A_35 to %scan3A_37 step %scan3A_38  : i32 {
      %mul3A_122 = arith.constant 64 : i32
      %mul3A_123 = arith.muli %scan3A_121, %mul3A_122 : i32
      %add3A_124 = arith.constant 0 : i32
      %add3A_125 = arith.addi %add3A_124, %mul3A_123 : i32
      %mul3A_126 = arith.constant 640 : i32
      %mul3A_127 = arith.muli %arg1, %mul3A_126 : i32
      %add3A_128 = arith.addi %mul3A_127, %add3A_125 : i32
      "tpu.region"() ({
        %run_scoped3A = tpu.sem_alloc : memref<!tpu.dma_semaphore, #tpu.memory_space<semaphore_mem>>
        %dma_start3A_129 = arith.constant 0 : i32
        %dma_start3A_130 = tpu.memref_slice %arg19[%add3A_128, %dma_start3A_129] : memref<10240x64xbf16, #tpu.memory_space<vmem_shared>> -> memref<64x64xbf16, #tpu.memory_space<vmem_shared>>
        %dma_start3A_131 = arith.constant 0 : i32
        %dma_start3A_132 = tpu.memref_slice %arg19[%add3A_128, %dma_start3A_131] : memref<10240x64xbf16, #tpu.memory_space<vmem_shared>> -> memref<64x64xbf16, #tpu.memory_space<vmem_shared>>
        tpu.enqueue_dma source(%arg18 : memref<64x64xbf16, #tpu.memory_space<vmem>>) target(%dma_start3A_132 : memref<64x64xbf16, #tpu.memory_space<vmem_shared>>) target_semaphore(%run_scoped3A : memref<!tpu.dma_semaphore, #tpu.memory_space<semaphore_mem>>)
        %dma_wait3A_133 = arith.constant 0 : i32
        %dma_wait3A_134 = tpu.memref_slice %arg19[%add3A_128, %dma_wait3A_133] : memref<10240x64xbf16, #tpu.memory_space<vmem_shared>> -> memref<64x64xbf16, #tpu.memory_space<vmem_shared>>
        %dma_wait3A_135 = arith.constant 0 : i32
        %dma_wait3A_136 = tpu.memref_slice %arg19[%add3A_128, %dma_wait3A_135] : memref<10240x64xbf16, #tpu.memory_space<vmem_shared>> -> memref<64x64xbf16, #tpu.memory_space<vmem_shared>>
        tpu.wait_dma2 semaphore(%run_scoped3A : memref<!tpu.dma_semaphore, #tpu.memory_space<semaphore_mem>>) src(%arg18 : memref<64x64xbf16, #tpu.memory_space<vmem>>) dst(%dma_wait3A_136 : memref<64x64xbf16, #tpu.memory_space<vmem_shared>>)
        tpu.yield
      }) : () -> ()
    }
    %scan3A_39 = arith.constant 10 : i32
    %barrier3A = arith.constant 0 : index
    tpu.barrier barrier_id(%barrier3A)
    %add3A_40 = arith.constant 0 : i32
    %add3A_41 = arith.addi %mul3A_0, %add3A_40 : i32
    %dma_wait3A = arith.constant 0 : i32
    %dma_wait3A_42 = tpu.memref_slice %arg2[%arg1, %add3A_41, %dma_wait3A] : memref<16x160x128xi32, #tpu.memory_space<hbm>> -> memref<1x8x128xi32, #tpu.memory_space<hbm>>
    %dma_wait3A_43 = tpu.memref_squeeze %dma_wait3A_42 : memref<1x8x128xi32, #tpu.memory_space<hbm>> -> memref<8x128xi32, #tpu.memory_space<hbm>>
    %dma_wait3A_44 = arith.constant 0 : i32
    %dma_wait3A_45 = tpu.memref_slice %arg2[%arg1, %add3A_41, %dma_wait3A_44] : memref<16x160x128xi32, #tpu.memory_space<hbm>> -> memref<1x8x128xi32, #tpu.memory_space<hbm>>
    %dma_wait3A_46 = tpu.memref_squeeze %dma_wait3A_45 : memref<1x8x128xi32, #tpu.memory_space<hbm>> -> memref<8x128xi32, #tpu.memory_space<hbm>>
    tpu.wait_dma2 semaphore(%arg36 : memref<!tpu.dma_semaphore, #tpu.memory_space<semaphore_mem>>) src(%dma_wait3A_46 : memref<8x128xi32, #tpu.memory_space<hbm>>) dst(%arg6 : memref<8x128xi32, #tpu.memory_space<vmem>>)
    %add3A_47 = arith.constant 0 : i32
    %add3A_48 = arith.addi %mul3A_0, %add3A_47 : i32
    %dma_wait3A_49 = arith.constant 0 : i32
    %dma_wait3A_50 = tpu.memref_slice %arg3[%arg1, %add3A_48, %dma_wait3A_49] : memref<16x160x128xi32, #tpu.memory_space<hbm>> -> memref<1x8x128xi32, #tpu.memory_space<hbm>>
    %dma_wait3A_51 = tpu.memref_squeeze %dma_wait3A_50 : memref<1x8x128xi32, #tpu.memory_space<hbm>> -> memref<8x128xi32, #tpu.memory_space<hbm>>
    %dma_wait3A_52 = arith.constant 0 : i32
    %dma_wait3A_53 = tpu.memref_slice %arg3[%arg1, %add3A_48, %dma_wait3A_52] : memref<16x160x128xi32, #tpu.memory_space<hbm>> -> memref<1x8x128xi32, #tpu.memory_space<hbm>>
    %dma_wait3A_54 = tpu.memref_squeeze %dma_wait3A_53 : memref<1x8x128xi32, #tpu.memory_space<hbm>> -> memref<8x128xi32, #tpu.memory_space<hbm>>
    tpu.wait_dma2 semaphore(%arg36 : memref<!tpu.dma_semaphore, #tpu.memory_space<semaphore_mem>>) src(%dma_wait3A_54 : memref<8x128xi32, #tpu.memory_space<hbm>>) dst(%arg8 : memref<8x128xi32, #tpu.memory_space<vmem>>)
    %dma_start3A_55 = arith.constant 0 : i32
    %dma_start3A_56 = arith.constant 0 : i32
    %dma_start3A_57 = tpu.memref_slice %arg6[%dma_start3A_55, %dma_start3A_56] : memref<8x128xi32, #tpu.memory_space<vmem>> -> memref<1x128xi32, #tpu.memory_space<vmem>>
    %dma_start3A_58 = tpu.memref_squeeze %dma_start3A_57 : memref<1x128xi32, #tpu.memory_space<vmem>> -> memref<128xi32, #tpu.memory_space<vmem>>
    %dma_start3A_59 = arith.constant 0 : i32
    %dma_start3A_60 = arith.constant 0 : i32
    %dma_start3A_61 = tpu.memref_slice %arg4[%dma_start3A_59, %dma_start3A_60] : memref<10000x64xbf16, #tpu.memory_space<hbm>> -> memref<10000x64xbf16, #tpu.memory_space<hbm>>
    tpu.enqueue_indirect_dma source(%dma_start3A_61 : memref<10000x64xbf16, #tpu.memory_space<hbm>>) target(%arg10 : memref<128x64xbf16, #tpu.memory_space<vmem>>) offsets(%dma_start3A_58 : memref<128xi32, #tpu.memory_space<vmem>>) semaphore(%arg20 : memref<!tpu.dma_semaphore, #tpu.memory_space<semaphore_mem>>)
    %dma_start3A_62 = arith.constant 1 : i32
    %dma_start3A_63 = arith.constant 0 : i32
    %dma_start3A_64 = tpu.memref_slice %arg6[%dma_start3A_62, %dma_start3A_63] : memref<8x128xi32, #tpu.memory_space<vmem>> -> memref<1x128xi32, #tpu.memory_space<vmem>>
    %dma_start3A_65 = tpu.memref_squeeze %dma_start3A_64 : memref<1x128xi32, #tpu.memory_space<vmem>> -> memref<128xi32, #tpu.memory_space<vmem>>
    %dma_start3A_66 = arith.constant 0 : i32
    %dma_start3A_67 = arith.constant 0 : i32
    %dma_start3A_68 = tpu.memref_slice %arg4[%dma_start3A_66, %dma_start3A_67] : memref<10000x64xbf16, #tpu.memory_space<hbm>> -> memref<10000x64xbf16, #tpu.memory_space<hbm>>
    tpu.enqueue_indirect_dma source(%dma_start3A_68 : memref<10000x64xbf16, #tpu.memory_space<hbm>>) target(%arg11 : memref<128x64xbf16, #tpu.memory_space<vmem>>) offsets(%dma_start3A_65 : memref<128xi32, #tpu.memory_space<vmem>>) semaphore(%arg21 : memref<!tpu.dma_semaphore, #tpu.memory_space<semaphore_mem>>)
    %dma_start3A_69 = arith.constant 2 : i32
    %dma_start3A_70 = arith.constant 0 : i32
    %dma_start3A_71 = tpu.memref_slice %arg6[%dma_start3A_69, %dma_start3A_70] : memref<8x128xi32, #tpu.memory_space<vmem>> -> memref<1x128xi32, #tpu.memory_space<vmem>>
    %dma_start3A_72 = tpu.memref_squeeze %dma_start3A_71 : memref<1x128xi32, #tpu.memory_space<vmem>> -> memref<128xi32, #tpu.memory_space<vmem>>
    %dma_start3A_73 = arith.constant 0 : i32
    %dma_start3A_74 = arith.constant 0 : i32
    %dma_start3A_75 = tpu.memref_slice %arg4[%dma_start3A_73, %dma_start3A_74] : memref<10000x64xbf16, #tpu.memory_space<hbm>> -> memref<10000x64xbf16, #tpu.memory_space<hbm>>
    tpu.enqueue_indirect_dma source(%dma_start3A_75 : memref<10000x64xbf16, #tpu.memory_space<hbm>>) target(%arg12 : memref<128x64xbf16, #tpu.memory_space<vmem>>) offsets(%dma_start3A_72 : memref<128xi32, #tpu.memory_space<vmem>>) semaphore(%arg22 : memref<!tpu.dma_semaphore, #tpu.memory_space<semaphore_mem>>)
    %dma_start3A_76 = arith.constant 3 : i32
    %dma_start3A_77 = arith.constant 0 : i32
    %dma_start3A_78 = tpu.memref_slice %arg6[%dma_start3A_76, %dma_start3A_77] : memref<8x128xi32, #tpu.memory_space<vmem>> -> memref<1x128xi32, #tpu.memory_space<vmem>>
    %dma_start3A_79 = tpu.memref_squeeze %dma_start3A_78 : memref<1x128xi32, #tpu.memory_space<vmem>> -> memref<128xi32, #tpu.memory_space<vmem>>
    %dma_start3A_80 = arith.constant 0 : i32
    %dma_start3A_81 = arith.constant 0 : i32
    %dma_start3A_82 = tpu.memref_slice %arg4[%dma_start3A_80, %dma_start3A_81] : memref<10000x64xbf16, #tpu.memory_space<hbm>> -> memref<10000x64xbf16, #tpu.memory_space<hbm>>
    tpu.enqueue_indirect_dma source(%dma_start3A_82 : memref<10000x64xbf16, #tpu.memory_space<hbm>>) target(%arg13 : memref<128x64xbf16, #tpu.memory_space<vmem>>) offsets(%dma_start3A_79 : memref<128xi32, #tpu.memory_space<vmem>>) semaphore(%arg23 : memref<!tpu.dma_semaphore, #tpu.memory_space<semaphore_mem>>)
    %dma_start3A_83 = arith.constant 4 : i32
    %dma_start3A_84 = arith.constant 0 : i32
    %dma_start3A_85 = tpu.memref_slice %arg6[%dma_start3A_83, %dma_start3A_84] : memref<8x128xi32, #tpu.memory_space<vmem>> -> memref<1x128xi32, #tpu.memory_space<vmem>>
    %dma_start3A_86 = tpu.memref_squeeze %dma_start3A_85 : memref<1x128xi32, #tpu.memory_space<vmem>> -> memref<128xi32, #tpu.memory_space<vmem>>
    %dma_start3A_87 = arith.constant 0 : i32
    %dma_start3A_88 = arith.constant 0 : i32
    %dma_start3A_89 = tpu.memref_slice %arg4[%dma_start3A_87, %dma_start3A_88] : memref<10000x64xbf16, #tpu.memory_space<hbm>> -> memref<10000x64xbf16, #tpu.memory_space<hbm>>
    tpu.enqueue_indirect_dma source(%dma_start3A_89 : memref<10000x64xbf16, #tpu.memory_space<hbm>>) target(%arg14 : memref<128x64xbf16, #tpu.memory_space<vmem>>) offsets(%dma_start3A_86 : memref<128xi32, #tpu.memory_space<vmem>>) semaphore(%arg24 : memref<!tpu.dma_semaphore, #tpu.memory_space<semaphore_mem>>)
    %dma_start3A_90 = arith.constant 5 : i32
    %dma_start3A_91 = arith.constant 0 : i32
    %dma_start3A_92 = tpu.memref_slice %arg6[%dma_start3A_90, %dma_start3A_91] : memref<8x128xi32, #tpu.memory_space<vmem>> -> memref<1x128xi32, #tpu.memory_space<vmem>>
    %dma_start3A_93 = tpu.memref_squeeze %dma_start3A_92 : memref<1x128xi32, #tpu.memory_space<vmem>> -> memref<128xi32, #tpu.memory_space<vmem>>
    %dma_start3A_94 = arith.constant 0 : i32
    %dma_start3A_95 = arith.constant 0 : i32
    %dma_start3A_96 = tpu.memref_slice %arg4[%dma_start3A_94, %dma_start3A_95] : memref<10000x64xbf16, #tpu.memory_space<hbm>> -> memref<10000x64xbf16, #tpu.memory_space<hbm>>
    tpu.enqueue_indirect_dma source(%dma_start3A_96 : memref<10000x64xbf16, #tpu.memory_space<hbm>>) target(%arg15 : memref<128x64xbf16, #tpu.memory_space<vmem>>) offsets(%dma_start3A_93 : memref<128xi32, #tpu.memory_space<vmem>>) semaphore(%arg25 : memref<!tpu.dma_semaphore, #tpu.memory_space<semaphore_mem>>)
    %dma_start3A_97 = arith.constant 6 : i32
    %dma_start3A_98 = arith.constant 0 : i32
    %dma_start3A_99 = tpu.memref_slice %arg6[%dma_start3A_97, %dma_start3A_98] : memref<8x128xi32, #tpu.memory_space<vmem>> -> memref<1x128xi32, #tpu.memory_space<vmem>>
    %dma_start3A_100 = tpu.memref_squeeze %dma_start3A_99 : memref<1x128xi32, #tpu.memory_space<vmem>> -> memref<128xi32, #tpu.memory_space<vmem>>
    %dma_start3A_101 = arith.constant 0 : i32
    %dma_start3A_102 = arith.constant 0 : i32
    %dma_start3A_103 = tpu.memref_slice %arg4[%dma_start3A_101, %dma_start3A_102] : memref<10000x64xbf16, #tpu.memory_space<hbm>> -> memref<10000x64xbf16, #tpu.memory_space<hbm>>
    tpu.enqueue_indirect_dma source(%dma_start3A_103 : memref<10000x64xbf16, #tpu.memory_space<hbm>>) target(%arg16 : memref<128x64xbf16, #tpu.memory_space<vmem>>) offsets(%dma_start3A_100 : memref<128xi32, #tpu.memory_space<vmem>>) semaphore(%arg26 : memref<!tpu.dma_semaphore, #tpu.memory_space<semaphore_mem>>)
    %dma_start3A_104 = arith.constant 7 : i32
    %dma_start3A_105 = arith.constant 0 : i32
    %dma_start3A_106 = tpu.memref_slice %arg6[%dma_start3A_104, %dma_start3A_105] : memref<8x128xi32, #tpu.memory_space<vmem>> -> memref<1x128xi32, #tpu.memory_space<vmem>>
    %dma_start3A_107 = tpu.memref_squeeze %dma_start3A_106 : memref<1x128xi32, #tpu.memory_space<vmem>> -> memref<128xi32, #tpu.memory_space<vmem>>
    %dma_start3A_108 = arith.constant 0 : i32
    %dma_start3A_109 = arith.constant 0 : i32
    %dma_start3A_110 = tpu.memref_slice %arg4[%dma_start3A_108, %dma_start3A_109] : memref<10000x64xbf16, #tpu.memory_space<hbm>> -> memref<10000x64xbf16, #tpu.memory_space<hbm>>
    tpu.enqueue_indirect_dma source(%dma_start3A_110 : memref<10000x64xbf16, #tpu.memory_space<hbm>>) target(%arg17 : memref<128x64xbf16, #tpu.memory_space<vmem>>) offsets(%dma_start3A_107 : memref<128xi32, #tpu.memory_space<vmem>>) semaphore(%arg27 : memref<!tpu.dma_semaphore, #tpu.memory_space<semaphore_mem>>)
    %scan3A_111 = arith.constant 0 : i32
    %scan3A_112 = arith.constant 5 : i32
    %scan3A_113 = arith.addi %scan3A_111, %scan3A_112 : i32
    %scan3A_114 = arith.constant 1 : i32
    scf.for %scan3A_121 = %scan3A_111 to %scan3A_113 step %scan3A_114  : i32 {
      %mul3A_122 = arith.constant 2 : i32
      %mul3A_123 = arith.muli %scan3A_121, %mul3A_122 : i32
      %add3A_124 = arith.constant 0 : i32
      %add3A_125 = arith.addi %add3A_124, %mul3A_123 : i32
      %dma_wait3A_126 = arith.constant 0 : i32
      %dma_wait3A_127 = arith.constant 0 : i32
      %dma_wait3A_128 = tpu.memref_slice %arg6[%dma_wait3A_126, %dma_wait3A_127] : memref<8x128xi32, #tpu.memory_space<vmem>> -> memref<1x128xi32, #tpu.memory_space<vmem>>
      %dma_wait3A_129 = tpu.memref_squeeze %dma_wait3A_128 : memref<1x128xi32, #tpu.memory_space<vmem>> -> memref<128xi32, #tpu.memory_space<vmem>>
      %dma_wait3A_130 = arith.constant 0 : i32
      %dma_wait3A_131 = arith.constant 0 : i32
      %dma_wait3A_132 = tpu.memref_slice %arg4[%dma_wait3A_130, %dma_wait3A_131] : memref<10000x64xbf16, #tpu.memory_space<hbm>> -> memref<10000x64xbf16, #tpu.memory_space<hbm>>
      tpu.wait_indirect_dma semaphore(%arg20 : memref<!tpu.dma_semaphore, #tpu.memory_space<semaphore_mem>>) src(%dma_wait3A_132 : memref<10000x64xbf16, #tpu.memory_space<hbm>>) dst(%arg10 : memref<128x64xbf16, #tpu.memory_space<vmem>>)
      %dma_start3A_133 = arith.constant 0 : i32
      %dma_start3A_134 = arith.constant 0 : i32
      %dma_start3A_135 = tpu.memref_slice %arg8[%dma_start3A_133, %dma_start3A_134] : memref<8x128xi32, #tpu.memory_space<vmem>> -> memref<1x128xi32, #tpu.memory_space<vmem>>
      %dma_start3A_136 = tpu.memref_squeeze %dma_start3A_135 : memref<1x128xi32, #tpu.memory_space<vmem>> -> memref<128xi32, #tpu.memory_space<vmem>>
      %dma_start3A_137 = arith.constant 0 : i32
      %dma_start3A_138 = arith.constant 0 : i32
      %dma_start3A_139 = tpu.memref_slice %arg19[%dma_start3A_137, %dma_start3A_138] : memref<10240x64xbf16, #tpu.memory_space<vmem_shared>> -> memref<10240x64xbf16, #tpu.memory_space<vmem_shared>>
      tpu.enqueue_indirect_dma source(%arg10 : memref<128x64xbf16, #tpu.memory_space<vmem>>) target(%dma_start3A_139 : memref<10240x64xbf16, #tpu.memory_space<vmem_shared>>) offsets(%dma_start3A_136 : memref<128xi32, #tpu.memory_space<vmem>>) semaphore(%arg28 : memref<!tpu.dma_semaphore, #tpu.memory_space<semaphore_mem>>) {add = true}
      %dma_wait3A_140 = arith.constant 1 : i32
      %dma_wait3A_141 = arith.constant 0 : i32
      %dma_wait3A_142 = tpu.memref_slice %arg6[%dma_wait3A_140, %dma_wait3A_141] : memref<8x128xi32, #tpu.memory_space<vmem>> -> memref<1x128xi32, #tpu.memory_space<vmem>>
      %dma_wait3A_143 = tpu.memref_squeeze %dma_wait3A_142 : memref<1x128xi32, #tpu.memory_space<vmem>> -> memref<128xi32, #tpu.memory_space<vmem>>
      %dma_wait3A_144 = arith.constant 0 : i32
      %dma_wait3A_145 = arith.constant 0 : i32
      %dma_wait3A_146 = tpu.memref_slice %arg4[%dma_wait3A_144, %dma_wait3A_145] : memref<10000x64xbf16, #tpu.memory_space<hbm>> -> memref<10000x64xbf16, #tpu.memory_space<hbm>>
      tpu.wait_indirect_dma semaphore(%arg21 : memref<!tpu.dma_semaphore, #tpu.memory_space<semaphore_mem>>) src(%dma_wait3A_146 : memref<10000x64xbf16, #tpu.memory_space<hbm>>) dst(%arg11 : memref<128x64xbf16, #tpu.memory_space<vmem>>)
      %dma_start3A_147 = arith.constant 1 : i32
      %dma_start3A_148 = arith.constant 0 : i32
      %dma_start3A_149 = tpu.memref_slice %arg8[%dma_start3A_147, %dma_start3A_148] : memref<8x128xi32, #tpu.memory_space<vmem>> -> memref<1x128xi32, #tpu.memory_space<vmem>>
      %dma_start3A_150 = tpu.memref_squeeze %dma_start3A_149 : memref<1x128xi32, #tpu.memory_space<vmem>> -> memref<128xi32, #tpu.memory_space<vmem>>
      %dma_start3A_151 = arith.constant 0 : i32
      %dma_start3A_152 = arith.constant 0 : i32
      %dma_start3A_153 = tpu.memref_slice %arg19[%dma_start3A_151, %dma_start3A_152] : memref<10240x64xbf16, #tpu.memory_space<vmem_shared>> -> memref<10240x64xbf16, #tpu.memory_space<vmem_shared>>
      tpu.enqueue_indirect_dma source(%arg11 : memref<128x64xbf16, #tpu.memory_space<vmem>>) target(%dma_start3A_153 : memref<10240x64xbf16, #tpu.memory_space<vmem_shared>>) offsets(%dma_start3A_150 : memref<128xi32, #tpu.memory_space<vmem>>) semaphore(%arg29 : memref<!tpu.dma_semaphore, #tpu.memory_space<semaphore_mem>>) {add = true}
      %dma_wait3A_154 = arith.constant 2 : i32
      %dma_wait3A_155 = arith.constant 0 : i32
      %dma_wait3A_156 = tpu.memref_slice %arg6[%dma_wait3A_154, %dma_wait3A_155] : memref<8x128xi32, #tpu.memory_space<vmem>> -> memref<1x128xi32, #tpu.memory_space<vmem>>
      %dma_wait3A_157 = tpu.memref_squeeze %dma_wait3A_156 : memref<1x128xi32, #tpu.memory_space<vmem>> -> memref<128xi32, #tpu.memory_space<vmem>>
      %dma_wait3A_158 = arith.constant 0 : i32
      %dma_wait3A_159 = arith.constant 0 : i32
      %dma_wait3A_160 = tpu.memref_slice %arg4[%dma_wait3A_158, %dma_wait3A_159] : memref<10000x64xbf16, #tpu.memory_space<hbm>> -> memref<10000x64xbf16, #tpu.memory_space<hbm>>
      tpu.wait_indirect_dma semaphore(%arg22 : memref<!tpu.dma_semaphore, #tpu.memory_space<semaphore_mem>>) src(%dma_wait3A_160 : memref<10000x64xbf16, #tpu.memory_space<hbm>>) dst(%arg12 : memref<128x64xbf16, #tpu.memory_space<vmem>>)
      %dma_start3A_161 = arith.constant 2 : i32
      %dma_start3A_162 = arith.constant 0 : i32
      %dma_start3A_163 = tpu.memref_slice %arg8[%dma_start3A_161, %dma_start3A_162] : memref<8x128xi32, #tpu.memory_space<vmem>> -> memref<1x128xi32, #tpu.memory_space<vmem>>
      %dma_start3A_164 = tpu.memref_squeeze %dma_start3A_163 : memref<1x128xi32, #tpu.memory_space<vmem>> -> memref<128xi32, #tpu.memory_space<vmem>>
      %dma_start3A_165 = arith.constant 0 : i32
      %dma_start3A_166 = arith.constant 0 : i32
      %dma_start3A_167 = tpu.memref_slice %arg19[%dma_start3A_165, %dma_start3A_166] : memref<10240x64xbf16, #tpu.memory_space<vmem_shared>> -> memref<10240x64xbf16, #tpu.memory_space<vmem_shared>>
      tpu.enqueue_indirect_dma source(%arg12 : memref<128x64xbf16, #tpu.memory_space<vmem>>) target(%dma_start3A_167 : memref<10240x64xbf16, #tpu.memory_space<vmem_shared>>) offsets(%dma_start3A_164 : memref<128xi32, #tpu.memory_space<vmem>>) semaphore(%arg30 : memref<!tpu.dma_semaphore, #tpu.memory_space<semaphore_mem>>) {add = true}
      %dma_wait3A_168 = arith.constant 3 : i32
      %dma_wait3A_169 = arith.constant 0 : i32
      %dma_wait3A_170 = tpu.memref_slice %arg6[%dma_wait3A_168, %dma_wait3A_169] : memref<8x128xi32, #tpu.memory_space<vmem>> -> memref<1x128xi32, #tpu.memory_space<vmem>>
      %dma_wait3A_171 = tpu.memref_squeeze %dma_wait3A_170 : memref<1x128xi32, #tpu.memory_space<vmem>> -> memref<128xi32, #tpu.memory_space<vmem>>
      %dma_wait3A_172 = arith.constant 0 : i32
      %dma_wait3A_173 = arith.constant 0 : i32
      %dma_wait3A_174 = tpu.memref_slice %arg4[%dma_wait3A_172, %dma_wait3A_173] : memref<10000x64xbf16, #tpu.memory_space<hbm>> -> memref<10000x64xbf16, #tpu.memory_space<hbm>>
      tpu.wait_indirect_dma semaphore(%arg23 : memref<!tpu.dma_semaphore, #tpu.memory_space<semaphore_mem>>) src(%dma_wait3A_174 : memref<10000x64xbf16, #tpu.memory_space<hbm>>) dst(%arg13 : memref<128x64xbf16, #tpu.memory_space<vmem>>)
      %dma_start3A_175 = arith.constant 3 : i32
      %dma_start3A_176 = arith.constant 0 : i32
      %dma_start3A_177 = tpu.memref_slice %arg8[%dma_start3A_175, %dma_start3A_176] : memref<8x128xi32, #tpu.memory_space<vmem>> -> memref<1x128xi32, #tpu.memory_space<vmem>>
      %dma_start3A_178 = tpu.memref_squeeze %dma_start3A_177 : memref<1x128xi32, #tpu.memory_space<vmem>> -> memref<128xi32, #tpu.memory_space<vmem>>
      %dma_start3A_179 = arith.constant 0 : i32
      %dma_start3A_180 = arith.constant 0 : i32
      %dma_start3A_181 = tpu.memref_slice %arg19[%dma_start3A_179, %dma_start3A_180] : memref<10240x64xbf16, #tpu.memory_space<vmem_shared>> -> memref<10240x64xbf16, #tpu.memory_space<vmem_shared>>
      tpu.enqueue_indirect_dma source(%arg13 : memref<128x64xbf16, #tpu.memory_space<vmem>>) target(%dma_start3A_181 : memref<10240x64xbf16, #tpu.memory_space<vmem_shared>>) offsets(%dma_start3A_178 : memref<128xi32, #tpu.memory_space<vmem>>) semaphore(%arg31 : memref<!tpu.dma_semaphore, #tpu.memory_space<semaphore_mem>>) {add = true}
      %dma_wait3A_182 = arith.constant 4 : i32
      %dma_wait3A_183 = arith.constant 0 : i32
      %dma_wait3A_184 = tpu.memref_slice %arg6[%dma_wait3A_182, %dma_wait3A_183] : memref<8x128xi32, #tpu.memory_space<vmem>> -> memref<1x128xi32, #tpu.memory_space<vmem>>
      %dma_wait3A_185 = tpu.memref_squeeze %dma_wait3A_184 : memref<1x128xi32, #tpu.memory_space<vmem>> -> memref<128xi32, #tpu.memory_space<vmem>>
      %dma_wait3A_186 = arith.constant 0 : i32
      %dma_wait3A_187 = arith.constant 0 : i32
      %dma_wait3A_188 = tpu.memref_slice %arg4[%dma_wait3A_186, %dma_wait3A_187] : memref<10000x64xbf16, #tpu.memory_space<hbm>> -> memref<10000x64xbf16, #tpu.memory_space<hbm>>
      tpu.wait_indirect_dma semaphore(%arg24 : memref<!tpu.dma_semaphore, #tpu.memory_space<semaphore_mem>>) src(%dma_wait3A_188 : memref<10000x64xbf16, #tpu.memory_space<hbm>>) dst(%arg14 : memref<128x64xbf16, #tpu.memory_space<vmem>>)
      %dma_start3A_189 = arith.constant 4 : i32
      %dma_start3A_190 = arith.constant 0 : i32
      %dma_start3A_191 = tpu.memref_slice %arg8[%dma_start3A_189, %dma_start3A_190] : memref<8x128xi32, #tpu.memory_space<vmem>> -> memref<1x128xi32, #tpu.memory_space<vmem>>
      %dma_start3A_192 = tpu.memref_squeeze %dma_start3A_191 : memref<1x128xi32, #tpu.memory_space<vmem>> -> memref<128xi32, #tpu.memory_space<vmem>>
      %dma_start3A_193 = arith.constant 0 : i32
      %dma_start3A_194 = arith.constant 0 : i32
      %dma_start3A_195 = tpu.memref_slice %arg19[%dma_start3A_193, %dma_start3A_194] : memref<10240x64xbf16, #tpu.memory_space<vmem_shared>> -> memref<10240x64xbf16, #tpu.memory_space<vmem_shared>>
      tpu.enqueue_indirect_dma source(%arg14 : memref<128x64xbf16, #tpu.memory_space<vmem>>) target(%dma_start3A_195 : memref<10240x64xbf16, #tpu.memory_space<vmem_shared>>) offsets(%dma_start3A_192 : memref<128xi32, #tpu.memory_space<vmem>>) semaphore(%arg32 : memref<!tpu.dma_semaphore, #tpu.memory_space<semaphore_mem>>) {add = true}
      %dma_wait3A_196 = arith.constant 5 : i32
      %dma_wait3A_197 = arith.constant 0 : i32
      %dma_wait3A_198 = tpu.memref_slice %arg6[%dma_wait3A_196, %dma_wait3A_197] : memref<8x128xi32, #tpu.memory_space<vmem>> -> memref<1x128xi32, #tpu.memory_space<vmem>>
      %dma_wait3A_199 = tpu.memref_squeeze %dma_wait3A_198 : memref<1x128xi32, #tpu.memory_space<vmem>> -> memref<128xi32, #tpu.memory_space<vmem>>
      %dma_wait3A_200 = arith.constant 0 : i32
      %dma_wait3A_201 = arith.constant 0 : i32
      %dma_wait3A_202 = tpu.memref_slice %arg4[%dma_wait3A_200, %dma_wait3A_201] : memref<10000x64xbf16, #tpu.memory_space<hbm>> -> memref<10000x64xbf16, #tpu.memory_space<hbm>>
      tpu.wait_indirect_dma semaphore(%arg25 : memref<!tpu.dma_semaphore, #tpu.memory_space<semaphore_mem>>) src(%dma_wait3A_202 : memref<10000x64xbf16, #tpu.memory_space<hbm>>) dst(%arg15 : memref<128x64xbf16, #tpu.memory_space<vmem>>)
      %dma_start3A_203 = arith.constant 5 : i32
      %dma_start3A_204 = arith.constant 0 : i32
      %dma_start3A_205 = tpu.memref_slice %arg8[%dma_start3A_203, %dma_start3A_204] : memref<8x128xi32, #tpu.memory_space<vmem>> -> memref<1x128xi32, #tpu.memory_space<vmem>>
      %dma_start3A_206 = tpu.memref_squeeze %dma_start3A_205 : memref<1x128xi32, #tpu.memory_space<vmem>> -> memref<128xi32, #tpu.memory_space<vmem>>
      %dma_start3A_207 = arith.constant 0 : i32
      %dma_start3A_208 = arith.constant 0 : i32
      %dma_start3A_209 = tpu.memref_slice %arg19[%dma_start3A_207, %dma_start3A_208] : memref<10240x64xbf16, #tpu.memory_space<vmem_shared>> -> memref<10240x64xbf16, #tpu.memory_space<vmem_shared>>
      tpu.enqueue_indirect_dma source(%arg15 : memref<128x64xbf16, #tpu.memory_space<vmem>>) target(%dma_start3A_209 : memref<10240x64xbf16, #tpu.memory_space<vmem_shared>>) offsets(%dma_start3A_206 : memref<128xi32, #tpu.memory_space<vmem>>) semaphore(%arg33 : memref<!tpu.dma_semaphore, #tpu.memory_space<semaphore_mem>>) {add = true}
      %dma_wait3A_210 = arith.constant 6 : i32
      %dma_wait3A_211 = arith.constant 0 : i32
      %dma_wait3A_212 = tpu.memref_slice %arg6[%dma_wait3A_210, %dma_wait3A_211] : memref<8x128xi32, #tpu.memory_space<vmem>> -> memref<1x128xi32, #tpu.memory_space<vmem>>
      %dma_wait3A_213 = tpu.memref_squeeze %dma_wait3A_212 : memref<1x128xi32, #tpu.memory_space<vmem>> -> memref<128xi32, #tpu.memory_space<vmem>>
      %dma_wait3A_214 = arith.constant 0 : i32
      %dma_wait3A_215 = arith.constant 0 : i32
      %dma_wait3A_216 = tpu.memref_slice %arg4[%dma_wait3A_214, %dma_wait3A_215] : memref<10000x64xbf16, #tpu.memory_space<hbm>> -> memref<10000x64xbf16, #tpu.memory_space<hbm>>
      tpu.wait_indirect_dma semaphore(%arg26 : memref<!tpu.dma_semaphore, #tpu.memory_space<semaphore_mem>>) src(%dma_wait3A_216 : memref<10000x64xbf16, #tpu.memory_space<hbm>>) dst(%arg16 : memref<128x64xbf16, #tpu.memory_space<vmem>>)
      %dma_start3A_217 = arith.constant 6 : i32
      %dma_start3A_218 = arith.constant 0 : i32
      %dma_start3A_219 = tpu.memref_slice %arg8[%dma_start3A_217, %dma_start3A_218] : memref<8x128xi32, #tpu.memory_space<vmem>> -> memref<1x128xi32, #tpu.memory_space<vmem>>
      %dma_start3A_220 = tpu.memref_squeeze %dma_start3A_219 : memref<1x128xi32, #tpu.memory_space<vmem>> -> memref<128xi32, #tpu.memory_space<vmem>>
      %dma_start3A_221 = arith.constant 0 : i32
      %dma_start3A_222 = arith.constant 0 : i32
      %dma_start3A_223 = tpu.memref_slice %arg19[%dma_start3A_221, %dma_start3A_222] : memref<10240x64xbf16, #tpu.memory_space<vmem_shared>> -> memref<10240x64xbf16, #tpu.memory_space<vmem_shared>>
      tpu.enqueue_indirect_dma source(%arg16 : memref<128x64xbf16, #tpu.memory_space<vmem>>) target(%dma_start3A_223 : memref<10240x64xbf16, #tpu.memory_space<vmem_shared>>) offsets(%dma_start3A_220 : memref<128xi32, #tpu.memory_space<vmem>>) semaphore(%arg34 : memref<!tpu.dma_semaphore, #tpu.memory_space<semaphore_mem>>) {add = true}
      %dma_wait3A_224 = arith.constant 7 : i32
      %dma_wait3A_225 = arith.constant 0 : i32
      %dma_wait3A_226 = tpu.memref_slice %arg6[%dma_wait3A_224, %dma_wait3A_225] : memref<8x128xi32, #tpu.memory_space<vmem>> -> memref<1x128xi32, #tpu.memory_space<vmem>>
      %dma_wait3A_227 = tpu.memref_squeeze %dma_wait3A_226 : memref<1x128xi32, #tpu.memory_space<vmem>> -> memref<128xi32, #tpu.memory_space<vmem>>
      %dma_wait3A_228 = arith.constant 0 : i32
      %dma_wait3A_229 = arith.constant 0 : i32
      %dma_wait3A_230 = tpu.memref_slice %arg4[%dma_wait3A_228, %dma_wait3A_229] : memref<10000x64xbf16, #tpu.memory_space<hbm>> -> memref<10000x64xbf16, #tpu.memory_space<hbm>>
      tpu.wait_indirect_dma semaphore(%arg27 : memref<!tpu.dma_semaphore, #tpu.memory_space<semaphore_mem>>) src(%dma_wait3A_230 : memref<10000x64xbf16, #tpu.memory_space<hbm>>) dst(%arg17 : memref<128x64xbf16, #tpu.memory_space<vmem>>)
      %dma_start3A_231 = arith.constant 7 : i32
      %dma_start3A_232 = arith.constant 0 : i32
      %dma_start3A_233 = tpu.memref_slice %arg8[%dma_start3A_231, %dma_start3A_232] : memref<8x128xi32, #tpu.memory_space<vmem>> -> memref<1x128xi32, #tpu.memory_space<vmem>>
      %dma_start3A_234 = tpu.memref_squeeze %dma_start3A_233 : memref<1x128xi32, #tpu.memory_space<vmem>> -> memref<128xi32, #tpu.memory_space<vmem>>
      %dma_start3A_235 = arith.constant 0 : i32
      %dma_start3A_236 = arith.constant 0 : i32
      %dma_start3A_237 = tpu.memref_slice %arg19[%dma_start3A_235, %dma_start3A_236] : memref<10240x64xbf16, #tpu.memory_space<vmem_shared>> -> memref<10240x64xbf16, #tpu.memory_space<vmem_shared>>
      tpu.enqueue_indirect_dma source(%arg17 : memref<128x64xbf16, #tpu.memory_space<vmem>>) target(%dma_start3A_237 : memref<10240x64xbf16, #tpu.memory_space<vmem_shared>>) offsets(%dma_start3A_234 : memref<128xi32, #tpu.memory_space<vmem>>) semaphore(%arg35 : memref<!tpu.dma_semaphore, #tpu.memory_space<semaphore_mem>>) {add = true}
      %add3A_238 = arith.constant 1 : i32
      %add3A_239 = arith.addi %add3A_125, %add3A_238 : i32
      %lt3A = arith.constant 10 : i32
      %lt3A_240 = arith.cmpi slt, %add3A_239, %lt3A : i32
      %convert_element_type3A = arith.extui %lt3A_240 : i1 to i32
      %cond3A = arith.constant 0 : i32
      %cond3A_241 = arith.cmpi ne, %convert_element_type3A, %cond3A : i32
      scf.if %cond3A_241 {
        %add3A_601 = arith.constant 1 : i32
        %add3A_602 = arith.addi %add3A_125, %add3A_601 : i32
        %mul3A_603 = arith.constant 8 : i32
        %mul3A_604 = arith.muli %add3A_602, %mul3A_603 : i32
        %add3A_605 = arith.addi %mul3A_0, %mul3A_604 : i32
        %dma_wait3A_606 = arith.constant 0 : i32
        %dma_wait3A_607 = tpu.memref_slice %arg2[%arg1, %add3A_605, %dma_wait3A_606] : memref<16x160x128xi32, #tpu.memory_space<hbm>> -> memref<1x8x128xi32, #tpu.memory_space<hbm>>
        %dma_wait3A_608 = tpu.memref_squeeze %dma_wait3A_607 : memref<1x8x128xi32, #tpu.memory_space<hbm>> -> memref<8x128xi32, #tpu.memory_space<hbm>>
        %dma_wait3A_609 = arith.constant 0 : i32
        %dma_wait3A_610 = tpu.memref_slice %arg2[%arg1, %add3A_605, %dma_wait3A_609] : memref<16x160x128xi32, #tpu.memory_space<hbm>> -> memref<1x8x128xi32, #tpu.memory_space<hbm>>
        %dma_wait3A_611 = tpu.memref_squeeze %dma_wait3A_610 : memref<1x8x128xi32, #tpu.memory_space<hbm>> -> memref<8x128xi32, #tpu.memory_space<hbm>>
        tpu.wait_dma2 semaphore(%arg37 : memref<!tpu.dma_semaphore, #tpu.memory_space<semaphore_mem>>) src(%dma_wait3A_611 : memref<8x128xi32, #tpu.memory_space<hbm>>) dst(%arg7 : memref<8x128xi32, #tpu.memory_space<vmem>>)
        %mul3A_612 = arith.constant 8 : i32
        %mul3A_613 = arith.muli %add3A_602, %mul3A_612 : i32
        %add3A_614 = arith.addi %mul3A_0, %mul3A_613 : i32
        %dma_wait3A_615 = arith.constant 0 : i32
        %dma_wait3A_616 = tpu.memref_slice %arg3[%arg1, %add3A_614, %dma_wait3A_615] : memref<16x160x128xi32, #tpu.memory_space<hbm>> -> memref<1x8x128xi32, #tpu.memory_space<hbm>>
        %dma_wait3A_617 = tpu.memref_squeeze %dma_wait3A_616 : memref<1x8x128xi32, #tpu.memory_space<hbm>> -> memref<8x128xi32, #tpu.memory_space<hbm>>
        %dma_wait3A_618 = arith.constant 0 : i32
        %dma_wait3A_619 = tpu.memref_slice %arg3[%arg1, %add3A_614, %dma_wait3A_618] : memref<16x160x128xi32, #tpu.memory_space<hbm>> -> memref<1x8x128xi32, #tpu.memory_space<hbm>>
        %dma_wait3A_620 = tpu.memref_squeeze %dma_wait3A_619 : memref<1x8x128xi32, #tpu.memory_space<hbm>> -> memref<8x128xi32, #tpu.memory_space<hbm>>
        tpu.wait_dma2 semaphore(%arg37 : memref<!tpu.dma_semaphore, #tpu.memory_space<semaphore_mem>>) src(%dma_wait3A_620 : memref<8x128xi32, #tpu.memory_space<hbm>>) dst(%arg9 : memref<8x128xi32, #tpu.memory_space<vmem>>)
      } else {
      }
      %dma_wait3A_242 = arith.constant 0 : i32
      %dma_wait3A_243 = arith.constant 0 : i32
      %dma_wait3A_244 = tpu.memref_slice %arg8[%dma_wait3A_242, %dma_wait3A_243] : memref<8x128xi32, #tpu.memory_space<vmem>> -> memref<1x128xi32, #tpu.memory_space<vmem>>
      %dma_wait3A_245 = tpu.memref_squeeze %dma_wait3A_244 : memref<1x128xi32, #tpu.memory_space<vmem>> -> memref<128xi32, #tpu.memory_space<vmem>>
      %dma_wait3A_246 = arith.constant 0 : i32
      %dma_wait3A_247 = arith.constant 0 : i32
      %dma_wait3A_248 = tpu.memref_slice %arg19[%dma_wait3A_246, %dma_wait3A_247] : memref<10240x64xbf16, #tpu.memory_space<vmem_shared>> -> memref<10240x64xbf16, #tpu.memory_space<vmem_shared>>
      tpu.wait_indirect_dma semaphore(%arg28 : memref<!tpu.dma_semaphore, #tpu.memory_space<semaphore_mem>>) src(%arg10 : memref<128x64xbf16, #tpu.memory_space<vmem>>) dst(%dma_wait3A_248 : memref<10240x64xbf16, #tpu.memory_space<vmem_shared>>)
      %add3A_249 = arith.constant 1 : i32
      %add3A_250 = arith.addi %add3A_125, %add3A_249 : i32
      %lt3A_251 = arith.constant 10 : i32
      %lt3A_252 = arith.cmpi slt, %add3A_250, %lt3A_251 : i32
      %convert_element_type3A_253 = arith.extui %lt3A_252 : i1 to i32
      %cond3A_254 = arith.constant 0 : i32
      %cond3A_255 = arith.cmpi ne, %convert_element_type3A_253, %cond3A_254 : i32
      scf.if %cond3A_255 {
        %dma_start3A_601 = arith.constant 0 : i32
        %dma_start3A_602 = arith.constant 0 : i32
        %dma_start3A_603 = tpu.memref_slice %arg7[%dma_start3A_601, %dma_start3A_602] : memref<8x128xi32, #tpu.memory_space<vmem>> -> memref<1x128xi32, #tpu.memory_space<vmem>>
        %dma_start3A_604 = tpu.memref_squeeze %dma_start3A_603 : memref<1x128xi32, #tpu.memory_space<vmem>> -> memref<128xi32, #tpu.memory_space<vmem>>
        %dma_start3A_605 = arith.constant 0 : i32
        %dma_start3A_606 = arith.constant 0 : i32
        %dma_start3A_607 = tpu.memref_slice %arg4[%dma_start3A_605, %dma_start3A_606] : memref<10000x64xbf16, #tpu.memory_space<hbm>> -> memref<10000x64xbf16, #tpu.memory_space<hbm>>
        tpu.enqueue_indirect_dma source(%dma_start3A_607 : memref<10000x64xbf16, #tpu.memory_space<hbm>>) target(%arg10 : memref<128x64xbf16, #tpu.memory_space<vmem>>) offsets(%dma_start3A_604 : memref<128xi32, #tpu.memory_space<vmem>>) semaphore(%arg20 : memref<!tpu.dma_semaphore, #tpu.memory_space<semaphore_mem>>)
      } else {
      }
      %dma_wait3A_256 = arith.constant 1 : i32
      %dma_wait3A_257 = arith.constant 0 : i32
      %dma_wait3A_258 = tpu.memref_slice %arg8[%dma_wait3A_256, %dma_wait3A_257] : memref<8x128xi32, #tpu.memory_space<vmem>> -> memref<1x128xi32, #tpu.memory_space<vmem>>
      %dma_wait3A_259 = tpu.memref_squeeze %dma_wait3A_258 : memref<1x128xi32, #tpu.memory_space<vmem>> -> memref<128xi32, #tpu.memory_space<vmem>>
      %dma_wait3A_260 = arith.constant 0 : i32
      %dma_wait3A_261 = arith.constant 0 : i32
      %dma_wait3A_262 = tpu.memref_slice %arg19[%dma_wait3A_260, %dma_wait3A_261] : memref<10240x64xbf16, #tpu.memory_space<vmem_shared>> -> memref<10240x64xbf16, #tpu.memory_space<vmem_shared>>
      tpu.wait_indirect_dma semaphore(%arg29 : memref<!tpu.dma_semaphore, #tpu.memory_space<semaphore_mem>>) src(%arg11 : memref<128x64xbf16, #tpu.memory_space<vmem>>) dst(%dma_wait3A_262 : memref<10240x64xbf16, #tpu.memory_space<vmem_shared>>)
      %add3A_263 = arith.constant 1 : i32
      %add3A_264 = arith.addi %add3A_125, %add3A_263 : i32
      %lt3A_265 = arith.constant 10 : i32
      %lt3A_266 = arith.cmpi slt, %add3A_264, %lt3A_265 : i32
      %convert_element_type3A_267 = arith.extui %lt3A_266 : i1 to i32
      %cond3A_268 = arith.constant 0 : i32
      %cond3A_269 = arith.cmpi ne, %convert_element_type3A_267, %cond3A_268 : i32
      scf.if %cond3A_269 {
        %dma_start3A_601 = arith.constant 1 : i32
        %dma_start3A_602 = arith.constant 0 : i32
        %dma_start3A_603 = tpu.memref_slice %arg7[%dma_start3A_601, %dma_start3A_602] : memref<8x128xi32, #tpu.memory_space<vmem>> -> memref<1x128xi32, #tpu.memory_space<vmem>>
        %dma_start3A_604 = tpu.memref_squeeze %dma_start3A_603 : memref<1x128xi32, #tpu.memory_space<vmem>> -> memref<128xi32, #tpu.memory_space<vmem>>
        %dma_start3A_605 = arith.constant 0 : i32
        %dma_start3A_606 = arith.constant 0 : i32
        %dma_start3A_607 = tpu.memref_slice %arg4[%dma_start3A_605, %dma_start3A_606] : memref<10000x64xbf16, #tpu.memory_space<hbm>> -> memref<10000x64xbf16, #tpu.memory_space<hbm>>
        tpu.enqueue_indirect_dma source(%dma_start3A_607 : memref<10000x64xbf16, #tpu.memory_space<hbm>>) target(%arg11 : memref<128x64xbf16, #tpu.memory_space<vmem>>) offsets(%dma_start3A_604 : memref<128xi32, #tpu.memory_space<vmem>>) semaphore(%arg21 : memref<!tpu.dma_semaphore, #tpu.memory_space<semaphore_mem>>)
      } else {
      }
      %dma_wait3A_270 = arith.constant 2 : i32
      %dma_wait3A_271 = arith.constant 0 : i32
      %dma_wait3A_272 = tpu.memref_slice %arg8[%dma_wait3A_270, %dma_wait3A_271] : memref<8x128xi32, #tpu.memory_space<vmem>> -> memref<1x128xi32, #tpu.memory_space<vmem>>
      %dma_wait3A_273 = tpu.memref_squeeze %dma_wait3A_272 : memref<1x128xi32, #tpu.memory_space<vmem>> -> memref<128xi32, #tpu.memory_space<vmem>>
      %dma_wait3A_274 = arith.constant 0 : i32
      %dma_wait3A_275 = arith.constant 0 : i32
      %dma_wait3A_276 = tpu.memref_slice %arg19[%dma_wait3A_274, %dma_wait3A_275] : memref<10240x64xbf16, #tpu.memory_space<vmem_shared>> -> memref<10240x64xbf16, #tpu.memory_space<vmem_shared>>
      tpu.wait_indirect_dma semaphore(%arg30 : memref<!tpu.dma_semaphore, #tpu.memory_space<semaphore_mem>>) src(%arg12 : memref<128x64xbf16, #tpu.memory_space<vmem>>) dst(%dma_wait3A_276 : memref<10240x64xbf16, #tpu.memory_space<vmem_shared>>)
      %add3A_277 = arith.constant 1 : i32
      %add3A_278 = arith.addi %add3A_125, %add3A_277 : i32
      %lt3A_279 = arith.constant 10 : i32
      %lt3A_280 = arith.cmpi slt, %add3A_278, %lt3A_279 : i32
      %convert_element_type3A_281 = arith.extui %lt3A_280 : i1 to i32
      %cond3A_282 = arith.constant 0 : i32
      %cond3A_283 = arith.cmpi ne, %convert_element_type3A_281, %cond3A_282 : i32
      scf.if %cond3A_283 {
        %dma_start3A_601 = arith.constant 2 : i32
        %dma_start3A_602 = arith.constant 0 : i32
        %dma_start3A_603 = tpu.memref_slice %arg7[%dma_start3A_601, %dma_start3A_602] : memref<8x128xi32, #tpu.memory_space<vmem>> -> memref<1x128xi32, #tpu.memory_space<vmem>>
        %dma_start3A_604 = tpu.memref_squeeze %dma_start3A_603 : memref<1x128xi32, #tpu.memory_space<vmem>> -> memref<128xi32, #tpu.memory_space<vmem>>
        %dma_start3A_605 = arith.constant 0 : i32
        %dma_start3A_606 = arith.constant 0 : i32
        %dma_start3A_607 = tpu.memref_slice %arg4[%dma_start3A_605, %dma_start3A_606] : memref<10000x64xbf16, #tpu.memory_space<hbm>> -> memref<10000x64xbf16, #tpu.memory_space<hbm>>
        tpu.enqueue_indirect_dma source(%dma_start3A_607 : memref<10000x64xbf16, #tpu.memory_space<hbm>>) target(%arg12 : memref<128x64xbf16, #tpu.memory_space<vmem>>) offsets(%dma_start3A_604 : memref<128xi32, #tpu.memory_space<vmem>>) semaphore(%arg22 : memref<!tpu.dma_semaphore, #tpu.memory_space<semaphore_mem>>)
      } else {
      }
      %dma_wait3A_284 = arith.constant 3 : i32
      %dma_wait3A_285 = arith.constant 0 : i32
      %dma_wait3A_286 = tpu.memref_slice %arg8[%dma_wait3A_284, %dma_wait3A_285] : memref<8x128xi32, #tpu.memory_space<vmem>> -> memref<1x128xi32, #tpu.memory_space<vmem>>
      %dma_wait3A_287 = tpu.memref_squeeze %dma_wait3A_286 : memref<1x128xi32, #tpu.memory_space<vmem>> -> memref<128xi32, #tpu.memory_space<vmem>>
      %dma_wait3A_288 = arith.constant 0 : i32
      %dma_wait3A_289 = arith.constant 0 : i32
      %dma_wait3A_290 = tpu.memref_slice %arg19[%dma_wait3A_288, %dma_wait3A_289] : memref<10240x64xbf16, #tpu.memory_space<vmem_shared>> -> memref<10240x64xbf16, #tpu.memory_space<vmem_shared>>
      tpu.wait_indirect_dma semaphore(%arg31 : memref<!tpu.dma_semaphore, #tpu.memory_space<semaphore_mem>>) src(%arg13 : memref<128x64xbf16, #tpu.memory_space<vmem>>) dst(%dma_wait3A_290 : memref<10240x64xbf16, #tpu.memory_space<vmem_shared>>)
      %add3A_291 = arith.constant 1 : i32
      %add3A_292 = arith.addi %add3A_125, %add3A_291 : i32
      %lt3A_293 = arith.constant 10 : i32
      %lt3A_294 = arith.cmpi slt, %add3A_292, %lt3A_293 : i32
      %convert_element_type3A_295 = arith.extui %lt3A_294 : i1 to i32
      %cond3A_296 = arith.constant 0 : i32
      %cond3A_297 = arith.cmpi ne, %convert_element_type3A_295, %cond3A_296 : i32
      scf.if %cond3A_297 {
        %dma_start3A_601 = arith.constant 3 : i32
        %dma_start3A_602 = arith.constant 0 : i32
        %dma_start3A_603 = tpu.memref_slice %arg7[%dma_start3A_601, %dma_start3A_602] : memref<8x128xi32, #tpu.memory_space<vmem>> -> memref<1x128xi32, #tpu.memory_space<vmem>>
        %dma_start3A_604 = tpu.memref_squeeze %dma_start3A_603 : memref<1x128xi32, #tpu.memory_space<vmem>> -> memref<128xi32, #tpu.memory_space<vmem>>
        %dma_start3A_605 = arith.constant 0 : i32
        %dma_start3A_606 = arith.constant 0 : i32
        %dma_start3A_607 = tpu.memref_slice %arg4[%dma_start3A_605, %dma_start3A_606] : memref<10000x64xbf16, #tpu.memory_space<hbm>> -> memref<10000x64xbf16, #tpu.memory_space<hbm>>
        tpu.enqueue_indirect_dma source(%dma_start3A_607 : memref<10000x64xbf16, #tpu.memory_space<hbm>>) target(%arg13 : memref<128x64xbf16, #tpu.memory_space<vmem>>) offsets(%dma_start3A_604 : memref<128xi32, #tpu.memory_space<vmem>>) semaphore(%arg23 : memref<!tpu.dma_semaphore, #tpu.memory_space<semaphore_mem>>)
      } else {
      }
      %dma_wait3A_298 = arith.constant 4 : i32
      %dma_wait3A_299 = arith.constant 0 : i32
      %dma_wait3A_300 = tpu.memref_slice %arg8[%dma_wait3A_298, %dma_wait3A_299] : memref<8x128xi32, #tpu.memory_space<vmem>> -> memref<1x128xi32, #tpu.memory_space<vmem>>
      %dma_wait3A_301 = tpu.memref_squeeze %dma_wait3A_300 : memref<1x128xi32, #tpu.memory_space<vmem>> -> memref<128xi32, #tpu.memory_space<vmem>>
      %dma_wait3A_302 = arith.constant 0 : i32
      %dma_wait3A_303 = arith.constant 0 : i32
      %dma_wait3A_304 = tpu.memref_slice %arg19[%dma_wait3A_302, %dma_wait3A_303] : memref<10240x64xbf16, #tpu.memory_space<vmem_shared>> -> memref<10240x64xbf16, #tpu.memory_space<vmem_shared>>
      tpu.wait_indirect_dma semaphore(%arg32 : memref<!tpu.dma_semaphore, #tpu.memory_space<semaphore_mem>>) src(%arg14 : memref<128x64xbf16, #tpu.memory_space<vmem>>) dst(%dma_wait3A_304 : memref<10240x64xbf16, #tpu.memory_space<vmem_shared>>)
      %add3A_305 = arith.constant 1 : i32
      %add3A_306 = arith.addi %add3A_125, %add3A_305 : i32
      %lt3A_307 = arith.constant 10 : i32
      %lt3A_308 = arith.cmpi slt, %add3A_306, %lt3A_307 : i32
      %convert_element_type3A_309 = arith.extui %lt3A_308 : i1 to i32
      %cond3A_310 = arith.constant 0 : i32
      %cond3A_311 = arith.cmpi ne, %convert_element_type3A_309, %cond3A_310 : i32
      scf.if %cond3A_311 {
        %dma_start3A_601 = arith.constant 4 : i32
        %dma_start3A_602 = arith.constant 0 : i32
        %dma_start3A_603 = tpu.memref_slice %arg7[%dma_start3A_601, %dma_start3A_602] : memref<8x128xi32, #tpu.memory_space<vmem>> -> memref<1x128xi32, #tpu.memory_space<vmem>>
        %dma_start3A_604 = tpu.memref_squeeze %dma_start3A_603 : memref<1x128xi32, #tpu.memory_space<vmem>> -> memref<128xi32, #tpu.memory_space<vmem>>
        %dma_start3A_605 = arith.constant 0 : i32
        %dma_start3A_606 = arith.constant 0 : i32
        %dma_start3A_607 = tpu.memref_slice %arg4[%dma_start3A_605, %dma_start3A_606] : memref<10000x64xbf16, #tpu.memory_space<hbm>> -> memref<10000x64xbf16, #tpu.memory_space<hbm>>
        tpu.enqueue_indirect_dma source(%dma_start3A_607 : memref<10000x64xbf16, #tpu.memory_space<hbm>>) target(%arg14 : memref<128x64xbf16, #tpu.memory_space<vmem>>) offsets(%dma_start3A_604 : memref<128xi32, #tpu.memory_space<vmem>>) semaphore(%arg24 : memref<!tpu.dma_semaphore, #tpu.memory_space<semaphore_mem>>)
      } else {
      }
      %dma_wait3A_312 = arith.constant 5 : i32
      %dma_wait3A_313 = arith.constant 0 : i32
      %dma_wait3A_314 = tpu.memref_slice %arg8[%dma_wait3A_312, %dma_wait3A_313] : memref<8x128xi32, #tpu.memory_space<vmem>> -> memref<1x128xi32, #tpu.memory_space<vmem>>
      %dma_wait3A_315 = tpu.memref_squeeze %dma_wait3A_314 : memref<1x128xi32, #tpu.memory_space<vmem>> -> memref<128xi32, #tpu.memory_space<vmem>>
      %dma_wait3A_316 = arith.constant 0 : i32
      %dma_wait3A_317 = arith.constant 0 : i32
      %dma_wait3A_318 = tpu.memref_slice %arg19[%dma_wait3A_316, %dma_wait3A_317] : memref<10240x64xbf16, #tpu.memory_space<vmem_shared>> -> memref<10240x64xbf16, #tpu.memory_space<vmem_shared>>
      tpu.wait_indirect_dma semaphore(%arg33 : memref<!tpu.dma_semaphore, #tpu.memory_space<semaphore_mem>>) src(%arg15 : memref<128x64xbf16, #tpu.memory_space<vmem>>) dst(%dma_wait3A_318 : memref<10240x64xbf16, #tpu.memory_space<vmem_shared>>)
      %add3A_319 = arith.constant 1 : i32
      %add3A_320 = arith.addi %add3A_125, %add3A_319 : i32
      %lt3A_321 = arith.constant 10 : i32
      %lt3A_322 = arith.cmpi slt, %add3A_320, %lt3A_321 : i32
      %convert_element_type3A_323 = arith.extui %lt3A_322 : i1 to i32
      %cond3A_324 = arith.constant 0 : i32
      %cond3A_325 = arith.cmpi ne, %convert_element_type3A_323, %cond3A_324 : i32
      scf.if %cond3A_325 {
        %dma_start3A_601 = arith.constant 5 : i32
        %dma_start3A_602 = arith.constant 0 : i32
        %dma_start3A_603 = tpu.memref_slice %arg7[%dma_start3A_601, %dma_start3A_602] : memref<8x128xi32, #tpu.memory_space<vmem>> -> memref<1x128xi32, #tpu.memory_space<vmem>>
        %dma_start3A_604 = tpu.memref_squeeze %dma_start3A_603 : memref<1x128xi32, #tpu.memory_space<vmem>> -> memref<128xi32, #tpu.memory_space<vmem>>
        %dma_start3A_605 = arith.constant 0 : i32
        %dma_start3A_606 = arith.constant 0 : i32
        %dma_start3A_607 = tpu.memref_slice %arg4[%dma_start3A_605, %dma_start3A_606] : memref<10000x64xbf16, #tpu.memory_space<hbm>> -> memref<10000x64xbf16, #tpu.memory_space<hbm>>
        tpu.enqueue_indirect_dma source(%dma_start3A_607 : memref<10000x64xbf16, #tpu.memory_space<hbm>>) target(%arg15 : memref<128x64xbf16, #tpu.memory_space<vmem>>) offsets(%dma_start3A_604 : memref<128xi32, #tpu.memory_space<vmem>>) semaphore(%arg25 : memref<!tpu.dma_semaphore, #tpu.memory_space<semaphore_mem>>)
      } else {
      }
      %dma_wait3A_326 = arith.constant 6 : i32
      %dma_wait3A_327 = arith.constant 0 : i32
      %dma_wait3A_328 = tpu.memref_slice %arg8[%dma_wait3A_326, %dma_wait3A_327] : memref<8x128xi32, #tpu.memory_space<vmem>> -> memref<1x128xi32, #tpu.memory_space<vmem>>
      %dma_wait3A_329 = tpu.memref_squeeze %dma_wait3A_328 : memref<1x128xi32, #tpu.memory_space<vmem>> -> memref<128xi32, #tpu.memory_space<vmem>>
      %dma_wait3A_330 = arith.constant 0 : i32
      %dma_wait3A_331 = arith.constant 0 : i32
      %dma_wait3A_332 = tpu.memref_slice %arg19[%dma_wait3A_330, %dma_wait3A_331] : memref<10240x64xbf16, #tpu.memory_space<vmem_shared>> -> memref<10240x64xbf16, #tpu.memory_space<vmem_shared>>
      tpu.wait_indirect_dma semaphore(%arg34 : memref<!tpu.dma_semaphore, #tpu.memory_space<semaphore_mem>>) src(%arg16 : memref<128x64xbf16, #tpu.memory_space<vmem>>) dst(%dma_wait3A_332 : memref<10240x64xbf16, #tpu.memory_space<vmem_shared>>)
      %add3A_333 = arith.constant 1 : i32
      %add3A_334 = arith.addi %add3A_125, %add3A_333 : i32
      %lt3A_335 = arith.constant 10 : i32
      %lt3A_336 = arith.cmpi slt, %add3A_334, %lt3A_335 : i32
      %convert_element_type3A_337 = arith.extui %lt3A_336 : i1 to i32
      %cond3A_338 = arith.constant 0 : i32
      %cond3A_339 = arith.cmpi ne, %convert_element_type3A_337, %cond3A_338 : i32
      scf.if %cond3A_339 {
        %dma_start3A_601 = arith.constant 6 : i32
        %dma_start3A_602 = arith.constant 0 : i32
        %dma_start3A_603 = tpu.memref_slice %arg7[%dma_start3A_601, %dma_start3A_602] : memref<8x128xi32, #tpu.memory_space<vmem>> -> memref<1x128xi32, #tpu.memory_space<vmem>>
        %dma_start3A_604 = tpu.memref_squeeze %dma_start3A_603 : memref<1x128xi32, #tpu.memory_space<vmem>> -> memref<128xi32, #tpu.memory_space<vmem>>
        %dma_start3A_605 = arith.constant 0 : i32
        %dma_start3A_606 = arith.constant 0 : i32
        %dma_start3A_607 = tpu.memref_slice %arg4[%dma_start3A_605, %dma_start3A_606] : memref<10000x64xbf16, #tpu.memory_space<hbm>> -> memref<10000x64xbf16, #tpu.memory_space<hbm>>
        tpu.enqueue_indirect_dma source(%dma_start3A_607 : memref<10000x64xbf16, #tpu.memory_space<hbm>>) target(%arg16 : memref<128x64xbf16, #tpu.memory_space<vmem>>) offsets(%dma_start3A_604 : memref<128xi32, #tpu.memory_space<vmem>>) semaphore(%arg26 : memref<!tpu.dma_semaphore, #tpu.memory_space<semaphore_mem>>)
      } else {
      }
      %dma_wait3A_340 = arith.constant 7 : i32
      %dma_wait3A_341 = arith.constant 0 : i32
      %dma_wait3A_342 = tpu.memref_slice %arg8[%dma_wait3A_340, %dma_wait3A_341] : memref<8x128xi32, #tpu.memory_space<vmem>> -> memref<1x128xi32, #tpu.memory_space<vmem>>
      %dma_wait3A_343 = tpu.memref_squeeze %dma_wait3A_342 : memref<1x128xi32, #tpu.memory_space<vmem>> -> memref<128xi32, #tpu.memory_space<vmem>>
      %dma_wait3A_344 = arith.constant 0 : i32
      %dma_wait3A_345 = arith.constant 0 : i32
      %dma_wait3A_346 = tpu.memref_slice %arg19[%dma_wait3A_344, %dma_wait3A_345] : memref<10240x64xbf16, #tpu.memory_space<vmem_shared>> -> memref<10240x64xbf16, #tpu.memory_space<vmem_shared>>
      tpu.wait_indirect_dma semaphore(%arg35 : memref<!tpu.dma_semaphore, #tpu.memory_space<semaphore_mem>>) src(%arg17 : memref<128x64xbf16, #tpu.memory_space<vmem>>) dst(%dma_wait3A_346 : memref<10240x64xbf16, #tpu.memory_space<vmem_shared>>)
      %add3A_347 = arith.constant 1 : i32
      %add3A_348 = arith.addi %add3A_125, %add3A_347 : i32
      %lt3A_349 = arith.constant 10 : i32
      %lt3A_350 = arith.cmpi slt, %add3A_348, %lt3A_349 : i32
      %convert_element_type3A_351 = arith.extui %lt3A_350 : i1 to i32
      %cond3A_352 = arith.constant 0 : i32
      %cond3A_353 = arith.cmpi ne, %convert_element_type3A_351, %cond3A_352 : i32
      scf.if %cond3A_353 {
        %dma_start3A_601 = arith.constant 7 : i32
        %dma_start3A_602 = arith.constant 0 : i32
        %dma_start3A_603 = tpu.memref_slice %arg7[%dma_start3A_601, %dma_start3A_602] : memref<8x128xi32, #tpu.memory_space<vmem>> -> memref<1x128xi32, #tpu.memory_space<vmem>>
        %dma_start3A_604 = tpu.memref_squeeze %dma_start3A_603 : memref<1x128xi32, #tpu.memory_space<vmem>> -> memref<128xi32, #tpu.memory_space<vmem>>
        %dma_start3A_605 = arith.constant 0 : i32
        %dma_start3A_606 = arith.constant 0 : i32
        %dma_start3A_607 = tpu.memref_slice %arg4[%dma_start3A_605, %dma_start3A_606] : memref<10000x64xbf16, #tpu.memory_space<hbm>> -> memref<10000x64xbf16, #tpu.memory_space<hbm>>
        tpu.enqueue_indirect_dma source(%dma_start3A_607 : memref<10000x64xbf16, #tpu.memory_space<hbm>>) target(%arg17 : memref<128x64xbf16, #tpu.memory_space<vmem>>) offsets(%dma_start3A_604 : memref<128xi32, #tpu.memory_space<vmem>>) semaphore(%arg27 : memref<!tpu.dma_semaphore, #tpu.memory_space<semaphore_mem>>)
      } else {
      }
      %add3A_354 = arith.constant 2 : i32
      %add3A_355 = arith.addi %add3A_125, %add3A_354 : i32
      %lt3A_356 = arith.constant 10 : i32
      %lt3A_357 = arith.cmpi slt, %add3A_355, %lt3A_356 : i32
      %convert_element_type3A_358 = arith.extui %lt3A_357 : i1 to i32
      %cond3A_359 = arith.constant 0 : i32
      %cond3A_360 = arith.cmpi ne, %convert_element_type3A_358, %cond3A_359 : i32
      scf.if %cond3A_360 {
        %add3A_601 = arith.constant 2 : i32
        %add3A_602 = arith.addi %add3A_125, %add3A_601 : i32
        %mul3A_603 = arith.constant 8 : i32
        %mul3A_604 = arith.muli %add3A_602, %mul3A_603 : i32
        %add3A_605 = arith.addi %mul3A_0, %mul3A_604 : i32
        %dma_start3A_606 = arith.constant 0 : i32
        %dma_start3A_607 = tpu.memref_slice %arg2[%arg1, %add3A_605, %dma_start3A_606] : memref<16x160x128xi32, #tpu.memory_space<hbm>> -> memref<1x8x128xi32, #tpu.memory_space<hbm>>
        %dma_start3A_608 = tpu.memref_squeeze %dma_start3A_607 : memref<1x8x128xi32, #tpu.memory_space<hbm>> -> memref<8x128xi32, #tpu.memory_space<hbm>>
        %dma_start3A_609 = arith.constant 0 : i32
        %dma_start3A_610 = tpu.memref_slice %arg2[%arg1, %add3A_605, %dma_start3A_609] : memref<16x160x128xi32, #tpu.memory_space<hbm>> -> memref<1x8x128xi32, #tpu.memory_space<hbm>>
        %dma_start3A_611 = tpu.memref_squeeze %dma_start3A_610 : memref<1x8x128xi32, #tpu.memory_space<hbm>> -> memref<8x128xi32, #tpu.memory_space<hbm>>
        tpu.enqueue_dma source(%dma_start3A_611 : memref<8x128xi32, #tpu.memory_space<hbm>>) target(%arg6 : memref<8x128xi32, #tpu.memory_space<vmem>>) target_semaphore(%arg36 : memref<!tpu.dma_semaphore, #tpu.memory_space<semaphore_mem>>)
        %mul3A_612 = arith.constant 8 : i32
        %mul3A_613 = arith.muli %add3A_602, %mul3A_612 : i32
        %add3A_614 = arith.addi %mul3A_0, %mul3A_613 : i32
        %dma_start3A_615 = arith.constant 0 : i32
        %dma_start3A_616 = tpu.memref_slice %arg3[%arg1, %add3A_614, %dma_start3A_615] : memref<16x160x128xi32, #tpu.memory_space<hbm>> -> memref<1x8x128xi32, #tpu.memory_space<hbm>>
        %dma_start3A_617 = tpu.memref_squeeze %dma_start3A_616 : memref<1x8x128xi32, #tpu.memory_space<hbm>> -> memref<8x128xi32, #tpu.memory_space<hbm>>
        %dma_start3A_618 = arith.constant 0 : i32
        %dma_start3A_619 = tpu.memref_slice %arg3[%arg1, %add3A_614, %dma_start3A_618] : memref<16x160x128xi32, #tpu.memory_space<hbm>> -> memref<1x8x128xi32, #tpu.memory_space<hbm>>
        %dma_start3A_620 = tpu.memref_squeeze %dma_start3A_619 : memref<1x8x128xi32, #tpu.memory_space<hbm>> -> memref<8x128xi32, #tpu.memory_space<hbm>>
        tpu.enqueue_dma source(%dma_start3A_620 : memref<8x128xi32, #tpu.memory_space<hbm>>) target(%arg8 : memref<8x128xi32, #tpu.memory_space<vmem>>) target_semaphore(%arg36 : memref<!tpu.dma_semaphore, #tpu.memory_space<semaphore_mem>>)
      } else {
      }
      %add3A_361 = arith.constant 1 : i32
      %add3A_362 = arith.addi %add3A_125, %add3A_361 : i32
      %dma_wait3A_363 = arith.constant 0 : i32
      %dma_wait3A_364 = arith.constant 0 : i32
      %dma_wait3A_365 = tpu.memref_slice %arg7[%dma_wait3A_363, %dma_wait3A_364] : memref<8x128xi32, #tpu.memory_space<vmem>> -> memref<1x128xi32, #tpu.memory_space<vmem>>
      %dma_wait3A_366 = tpu.memref_squeeze %dma_wait3A_365 : memref<1x128xi32, #tpu.memory_space<vmem>> -> memref<128xi32, #tpu.memory_space<vmem>>
      %dma_wait3A_367 = arith.constant 0 : i32
      %dma_wait3A_368 = arith.constant 0 : i32
      %dma_wait3A_369 = tpu.memref_slice %arg4[%dma_wait3A_367, %dma_wait3A_368] : memref<10000x64xbf16, #tpu.memory_space<hbm>> -> memref<10000x64xbf16, #tpu.memory_space<hbm>>
      tpu.wait_indirect_dma semaphore(%arg20 : memref<!tpu.dma_semaphore, #tpu.memory_space<semaphore_mem>>) src(%dma_wait3A_369 : memref<10000x64xbf16, #tpu.memory_space<hbm>>) dst(%arg10 : memref<128x64xbf16, #tpu.memory_space<vmem>>)
      %dma_start3A_370 = arith.constant 0 : i32
      %dma_start3A_371 = arith.constant 0 : i32
      %dma_start3A_372 = tpu.memref_slice %arg9[%dma_start3A_370, %dma_start3A_371] : memref<8x128xi32, #tpu.memory_space<vmem>> -> memref<1x128xi32, #tpu.memory_space<vmem>>
      %dma_start3A_373 = tpu.memref_squeeze %dma_start3A_372 : memref<1x128xi32, #tpu.memory_space<vmem>> -> memref<128xi32, #tpu.memory_space<vmem>>
      %dma_start3A_374 = arith.constant 0 : i32
      %dma_start3A_375 = arith.constant 0 : i32
      %dma_start3A_376 = tpu.memref_slice %arg19[%dma_start3A_374, %dma_start3A_375] : memref<10240x64xbf16, #tpu.memory_space<vmem_shared>> -> memref<10240x64xbf16, #tpu.memory_space<vmem_shared>>
      tpu.enqueue_indirect_dma source(%arg10 : memref<128x64xbf16, #tpu.memory_space<vmem>>) target(%dma_start3A_376 : memref<10240x64xbf16, #tpu.memory_space<vmem_shared>>) offsets(%dma_start3A_373 : memref<128xi32, #tpu.memory_space<vmem>>) semaphore(%arg28 : memref<!tpu.dma_semaphore, #tpu.memory_space<semaphore_mem>>) {add = true}
      %dma_wait3A_377 = arith.constant 1 : i32
      %dma_wait3A_378 = arith.constant 0 : i32
      %dma_wait3A_379 = tpu.memref_slice %arg7[%dma_wait3A_377, %dma_wait3A_378] : memref<8x128xi32, #tpu.memory_space<vmem>> -> memref<1x128xi32, #tpu.memory_space<vmem>>
      %dma_wait3A_380 = tpu.memref_squeeze %dma_wait3A_379 : memref<1x128xi32, #tpu.memory_space<vmem>> -> memref<128xi32, #tpu.memory_space<vmem>>
      %dma_wait3A_381 = arith.constant 0 : i32
      %dma_wait3A_382 = arith.constant 0 : i32
      %dma_wait3A_383 = tpu.memref_slice %arg4[%dma_wait3A_381, %dma_wait3A_382] : memref<10000x64xbf16, #tpu.memory_space<hbm>> -> memref<10000x64xbf16, #tpu.memory_space<hbm>>
      tpu.wait_indirect_dma semaphore(%arg21 : memref<!tpu.dma_semaphore, #tpu.memory_space<semaphore_mem>>) src(%dma_wait3A_383 : memref<10000x64xbf16, #tpu.memory_space<hbm>>) dst(%arg11 : memref<128x64xbf16, #tpu.memory_space<vmem>>)
      %dma_start3A_384 = arith.constant 1 : i32
      %dma_start3A_385 = arith.constant 0 : i32
      %dma_start3A_386 = tpu.memref_slice %arg9[%dma_start3A_384, %dma_start3A_385] : memref<8x128xi32, #tpu.memory_space<vmem>> -> memref<1x128xi32, #tpu.memory_space<vmem>>
      %dma_start3A_387 = tpu.memref_squeeze %dma_start3A_386 : memref<1x128xi32, #tpu.memory_space<vmem>> -> memref<128xi32, #tpu.memory_space<vmem>>
      %dma_start3A_388 = arith.constant 0 : i32
      %dma_start3A_389 = arith.constant 0 : i32
      %dma_start3A_390 = tpu.memref_slice %arg19[%dma_start3A_388, %dma_start3A_389] : memref<10240x64xbf16, #tpu.memory_space<vmem_shared>> -> memref<10240x64xbf16, #tpu.memory_space<vmem_shared>>
      tpu.enqueue_indirect_dma source(%arg11 : memref<128x64xbf16, #tpu.memory_space<vmem>>) target(%dma_start3A_390 : memref<10240x64xbf16, #tpu.memory_space<vmem_shared>>) offsets(%dma_start3A_387 : memref<128xi32, #tpu.memory_space<vmem>>) semaphore(%arg29 : memref<!tpu.dma_semaphore, #tpu.memory_space<semaphore_mem>>) {add = true}
      %dma_wait3A_391 = arith.constant 2 : i32
      %dma_wait3A_392 = arith.constant 0 : i32
      %dma_wait3A_393 = tpu.memref_slice %arg7[%dma_wait3A_391, %dma_wait3A_392] : memref<8x128xi32, #tpu.memory_space<vmem>> -> memref<1x128xi32, #tpu.memory_space<vmem>>
      %dma_wait3A_394 = tpu.memref_squeeze %dma_wait3A_393 : memref<1x128xi32, #tpu.memory_space<vmem>> -> memref<128xi32, #tpu.memory_space<vmem>>
      %dma_wait3A_395 = arith.constant 0 : i32
      %dma_wait3A_396 = arith.constant 0 : i32
      %dma_wait3A_397 = tpu.memref_slice %arg4[%dma_wait3A_395, %dma_wait3A_396] : memref<10000x64xbf16, #tpu.memory_space<hbm>> -> memref<10000x64xbf16, #tpu.memory_space<hbm>>
      tpu.wait_indirect_dma semaphore(%arg22 : memref<!tpu.dma_semaphore, #tpu.memory_space<semaphore_mem>>) src(%dma_wait3A_397 : memref<10000x64xbf16, #tpu.memory_space<hbm>>) dst(%arg12 : memref<128x64xbf16, #tpu.memory_space<vmem>>)
      %dma_start3A_398 = arith.constant 2 : i32
      %dma_start3A_399 = arith.constant 0 : i32
      %dma_start3A_400 = tpu.memref_slice %arg9[%dma_start3A_398, %dma_start3A_399] : memref<8x128xi32, #tpu.memory_space<vmem>> -> memref<1x128xi32, #tpu.memory_space<vmem>>
      %dma_start3A_401 = tpu.memref_squeeze %dma_start3A_400 : memref<1x128xi32, #tpu.memory_space<vmem>> -> memref<128xi32, #tpu.memory_space<vmem>>
      %dma_start3A_402 = arith.constant 0 : i32
      %dma_start3A_403 = arith.constant 0 : i32
      %dma_start3A_404 = tpu.memref_slice %arg19[%dma_start3A_402, %dma_start3A_403] : memref<10240x64xbf16, #tpu.memory_space<vmem_shared>> -> memref<10240x64xbf16, #tpu.memory_space<vmem_shared>>
      tpu.enqueue_indirect_dma source(%arg12 : memref<128x64xbf16, #tpu.memory_space<vmem>>) target(%dma_start3A_404 : memref<10240x64xbf16, #tpu.memory_space<vmem_shared>>) offsets(%dma_start3A_401 : memref<128xi32, #tpu.memory_space<vmem>>) semaphore(%arg30 : memref<!tpu.dma_semaphore, #tpu.memory_space<semaphore_mem>>) {add = true}
      %dma_wait3A_405 = arith.constant 3 : i32
      %dma_wait3A_406 = arith.constant 0 : i32
      %dma_wait3A_407 = tpu.memref_slice %arg7[%dma_wait3A_405, %dma_wait3A_406] : memref<8x128xi32, #tpu.memory_space<vmem>> -> memref<1x128xi32, #tpu.memory_space<vmem>>
      %dma_wait3A_408 = tpu.memref_squeeze %dma_wait3A_407 : memref<1x128xi32, #tpu.memory_space<vmem>> -> memref<128xi32, #tpu.memory_space<vmem>>
      %dma_wait3A_409 = arith.constant 0 : i32
      %dma_wait3A_410 = arith.constant 0 : i32
      %dma_wait3A_411 = tpu.memref_slice %arg4[%dma_wait3A_409, %dma_wait3A_410] : memref<10000x64xbf16, #tpu.memory_space<hbm>> -> memref<10000x64xbf16, #tpu.memory_space<hbm>>
      tpu.wait_indirect_dma semaphore(%arg23 : memref<!tpu.dma_semaphore, #tpu.memory_space<semaphore_mem>>) src(%dma_wait3A_411 : memref<10000x64xbf16, #tpu.memory_space<hbm>>) dst(%arg13 : memref<128x64xbf16, #tpu.memory_space<vmem>>)
      %dma_start3A_412 = arith.constant 3 : i32
      %dma_start3A_413 = arith.constant 0 : i32
      %dma_start3A_414 = tpu.memref_slice %arg9[%dma_start3A_412, %dma_start3A_413] : memref<8x128xi32, #tpu.memory_space<vmem>> -> memref<1x128xi32, #tpu.memory_space<vmem>>
      %dma_start3A_415 = tpu.memref_squeeze %dma_start3A_414 : memref<1x128xi32, #tpu.memory_space<vmem>> -> memref<128xi32, #tpu.memory_space<vmem>>
      %dma_start3A_416 = arith.constant 0 : i32
      %dma_start3A_417 = arith.constant 0 : i32
      %dma_start3A_418 = tpu.memref_slice %arg19[%dma_start3A_416, %dma_start3A_417] : memref<10240x64xbf16, #tpu.memory_space<vmem_shared>> -> memref<10240x64xbf16, #tpu.memory_space<vmem_shared>>
      tpu.enqueue_indirect_dma source(%arg13 : memref<128x64xbf16, #tpu.memory_space<vmem>>) target(%dma_start3A_418 : memref<10240x64xbf16, #tpu.memory_space<vmem_shared>>) offsets(%dma_start3A_415 : memref<128xi32, #tpu.memory_space<vmem>>) semaphore(%arg31 : memref<!tpu.dma_semaphore, #tpu.memory_space<semaphore_mem>>) {add = true}
      %dma_wait3A_419 = arith.constant 4 : i32
      %dma_wait3A_420 = arith.constant 0 : i32
      %dma_wait3A_421 = tpu.memref_slice %arg7[%dma_wait3A_419, %dma_wait3A_420] : memref<8x128xi32, #tpu.memory_space<vmem>> -> memref<1x128xi32, #tpu.memory_space<vmem>>
      %dma_wait3A_422 = tpu.memref_squeeze %dma_wait3A_421 : memref<1x128xi32, #tpu.memory_space<vmem>> -> memref<128xi32, #tpu.memory_space<vmem>>
      %dma_wait3A_423 = arith.constant 0 : i32
      %dma_wait3A_424 = arith.constant 0 : i32
      %dma_wait3A_425 = tpu.memref_slice %arg4[%dma_wait3A_423, %dma_wait3A_424] : memref<10000x64xbf16, #tpu.memory_space<hbm>> -> memref<10000x64xbf16, #tpu.memory_space<hbm>>
      tpu.wait_indirect_dma semaphore(%arg24 : memref<!tpu.dma_semaphore, #tpu.memory_space<semaphore_mem>>) src(%dma_wait3A_425 : memref<10000x64xbf16, #tpu.memory_space<hbm>>) dst(%arg14 : memref<128x64xbf16, #tpu.memory_space<vmem>>)
      %dma_start3A_426 = arith.constant 4 : i32
      %dma_start3A_427 = arith.constant 0 : i32
      %dma_start3A_428 = tpu.memref_slice %arg9[%dma_start3A_426, %dma_start3A_427] : memref<8x128xi32, #tpu.memory_space<vmem>> -> memref<1x128xi32, #tpu.memory_space<vmem>>
      %dma_start3A_429 = tpu.memref_squeeze %dma_start3A_428 : memref<1x128xi32, #tpu.memory_space<vmem>> -> memref<128xi32, #tpu.memory_space<vmem>>
      %dma_start3A_430 = arith.constant 0 : i32
      %dma_start3A_431 = arith.constant 0 : i32
      %dma_start3A_432 = tpu.memref_slice %arg19[%dma_start3A_430, %dma_start3A_431] : memref<10240x64xbf16, #tpu.memory_space<vmem_shared>> -> memref<10240x64xbf16, #tpu.memory_space<vmem_shared>>
      tpu.enqueue_indirect_dma source(%arg14 : memref<128x64xbf16, #tpu.memory_space<vmem>>) target(%dma_start3A_432 : memref<10240x64xbf16, #tpu.memory_space<vmem_shared>>) offsets(%dma_start3A_429 : memref<128xi32, #tpu.memory_space<vmem>>) semaphore(%arg32 : memref<!tpu.dma_semaphore, #tpu.memory_space<semaphore_mem>>) {add = true}
      %dma_wait3A_433 = arith.constant 5 : i32
      %dma_wait3A_434 = arith.constant 0 : i32
      %dma_wait3A_435 = tpu.memref_slice %arg7[%dma_wait3A_433, %dma_wait3A_434] : memref<8x128xi32, #tpu.memory_space<vmem>> -> memref<1x128xi32, #tpu.memory_space<vmem>>
      %dma_wait3A_436 = tpu.memref_squeeze %dma_wait3A_435 : memref<1x128xi32, #tpu.memory_space<vmem>> -> memref<128xi32, #tpu.memory_space<vmem>>
      %dma_wait3A_437 = arith.constant 0 : i32
      %dma_wait3A_438 = arith.constant 0 : i32
      %dma_wait3A_439 = tpu.memref_slice %arg4[%dma_wait3A_437, %dma_wait3A_438] : memref<10000x64xbf16, #tpu.memory_space<hbm>> -> memref<10000x64xbf16, #tpu.memory_space<hbm>>
      tpu.wait_indirect_dma semaphore(%arg25 : memref<!tpu.dma_semaphore, #tpu.memory_space<semaphore_mem>>) src(%dma_wait3A_439 : memref<10000x64xbf16, #tpu.memory_space<hbm>>) dst(%arg15 : memref<128x64xbf16, #tpu.memory_space<vmem>>)
      %dma_start3A_440 = arith.constant 5 : i32
      %dma_start3A_441 = arith.constant 0 : i32
      %dma_start3A_442 = tpu.memref_slice %arg9[%dma_start3A_440, %dma_start3A_441] : memref<8x128xi32, #tpu.memory_space<vmem>> -> memref<1x128xi32, #tpu.memory_space<vmem>>
      %dma_start3A_443 = tpu.memref_squeeze %dma_start3A_442 : memref<1x128xi32, #tpu.memory_space<vmem>> -> memref<128xi32, #tpu.memory_space<vmem>>
      %dma_start3A_444 = arith.constant 0 : i32
      %dma_start3A_445 = arith.constant 0 : i32
      %dma_start3A_446 = tpu.memref_slice %arg19[%dma_start3A_444, %dma_start3A_445] : memref<10240x64xbf16, #tpu.memory_space<vmem_shared>> -> memref<10240x64xbf16, #tpu.memory_space<vmem_shared>>
      tpu.enqueue_indirect_dma source(%arg15 : memref<128x64xbf16, #tpu.memory_space<vmem>>) target(%dma_start3A_446 : memref<10240x64xbf16, #tpu.memory_space<vmem_shared>>) offsets(%dma_start3A_443 : memref<128xi32, #tpu.memory_space<vmem>>) semaphore(%arg33 : memref<!tpu.dma_semaphore, #tpu.memory_space<semaphore_mem>>) {add = true}
      %dma_wait3A_447 = arith.constant 6 : i32
      %dma_wait3A_448 = arith.constant 0 : i32
      %dma_wait3A_449 = tpu.memref_slice %arg7[%dma_wait3A_447, %dma_wait3A_448] : memref<8x128xi32, #tpu.memory_space<vmem>> -> memref<1x128xi32, #tpu.memory_space<vmem>>
      %dma_wait3A_450 = tpu.memref_squeeze %dma_wait3A_449 : memref<1x128xi32, #tpu.memory_space<vmem>> -> memref<128xi32, #tpu.memory_space<vmem>>
      %dma_wait3A_451 = arith.constant 0 : i32
      %dma_wait3A_452 = arith.constant 0 : i32
      %dma_wait3A_453 = tpu.memref_slice %arg4[%dma_wait3A_451, %dma_wait3A_452] : memref<10000x64xbf16, #tpu.memory_space<hbm>> -> memref<10000x64xbf16, #tpu.memory_space<hbm>>
      tpu.wait_indirect_dma semaphore(%arg26 : memref<!tpu.dma_semaphore, #tpu.memory_space<semaphore_mem>>) src(%dma_wait3A_453 : memref<10000x64xbf16, #tpu.memory_space<hbm>>) dst(%arg16 : memref<128x64xbf16, #tpu.memory_space<vmem>>)
      %dma_start3A_454 = arith.constant 6 : i32
      %dma_start3A_455 = arith.constant 0 : i32
      %dma_start3A_456 = tpu.memref_slice %arg9[%dma_start3A_454, %dma_start3A_455] : memref<8x128xi32, #tpu.memory_space<vmem>> -> memref<1x128xi32, #tpu.memory_space<vmem>>
      %dma_start3A_457 = tpu.memref_squeeze %dma_start3A_456 : memref<1x128xi32, #tpu.memory_space<vmem>> -> memref<128xi32, #tpu.memory_space<vmem>>
      %dma_start3A_458 = arith.constant 0 : i32
      %dma_start3A_459 = arith.constant 0 : i32
      %dma_start3A_460 = tpu.memref_slice %arg19[%dma_start3A_458, %dma_start3A_459] : memref<10240x64xbf16, #tpu.memory_space<vmem_shared>> -> memref<10240x64xbf16, #tpu.memory_space<vmem_shared>>
      tpu.enqueue_indirect_dma source(%arg16 : memref<128x64xbf16, #tpu.memory_space<vmem>>) target(%dma_start3A_460 : memref<10240x64xbf16, #tpu.memory_space<vmem_shared>>) offsets(%dma_start3A_457 : memref<128xi32, #tpu.memory_space<vmem>>) semaphore(%arg34 : memref<!tpu.dma_semaphore, #tpu.memory_space<semaphore_mem>>) {add = true}
      %dma_wait3A_461 = arith.constant 7 : i32
      %dma_wait3A_462 = arith.constant 0 : i32
      %dma_wait3A_463 = tpu.memref_slice %arg7[%dma_wait3A_461, %dma_wait3A_462] : memref<8x128xi32, #tpu.memory_space<vmem>> -> memref<1x128xi32, #tpu.memory_space<vmem>>
      %dma_wait3A_464 = tpu.memref_squeeze %dma_wait3A_463 : memref<1x128xi32, #tpu.memory_space<vmem>> -> memref<128xi32, #tpu.memory_space<vmem>>
      %dma_wait3A_465 = arith.constant 0 : i32
      %dma_wait3A_466 = arith.constant 0 : i32
      %dma_wait3A_467 = tpu.memref_slice %arg4[%dma_wait3A_465, %dma_wait3A_466] : memref<10000x64xbf16, #tpu.memory_space<hbm>> -> memref<10000x64xbf16, #tpu.memory_space<hbm>>
      tpu.wait_indirect_dma semaphore(%arg27 : memref<!tpu.dma_semaphore, #tpu.memory_space<semaphore_mem>>) src(%dma_wait3A_467 : memref<10000x64xbf16, #tpu.memory_space<hbm>>) dst(%arg17 : memref<128x64xbf16, #tpu.memory_space<vmem>>)
      %dma_start3A_468 = arith.constant 7 : i32
      %dma_start3A_469 = arith.constant 0 : i32
      %dma_start3A_470 = tpu.memref_slice %arg9[%dma_start3A_468, %dma_start3A_469] : memref<8x128xi32, #tpu.memory_space<vmem>> -> memref<1x128xi32, #tpu.memory_space<vmem>>
      %dma_start3A_471 = tpu.memref_squeeze %dma_start3A_470 : memref<1x128xi32, #tpu.memory_space<vmem>> -> memref<128xi32, #tpu.memory_space<vmem>>
      %dma_start3A_472 = arith.constant 0 : i32
      %dma_start3A_473 = arith.constant 0 : i32
      %dma_start3A_474 = tpu.memref_slice %arg19[%dma_start3A_472, %dma_start3A_473] : memref<10240x64xbf16, #tpu.memory_space<vmem_shared>> -> memref<10240x64xbf16, #tpu.memory_space<vmem_shared>>
      tpu.enqueue_indirect_dma source(%arg17 : memref<128x64xbf16, #tpu.memory_space<vmem>>) target(%dma_start3A_474 : memref<10240x64xbf16, #tpu.memory_space<vmem_shared>>) offsets(%dma_start3A_471 : memref<128xi32, #tpu.memory_space<vmem>>) semaphore(%arg35 : memref<!tpu.dma_semaphore, #tpu.memory_space<semaphore_mem>>) {add = true}
      %add3A_475 = arith.constant 1 : i32
      %add3A_476 = arith.addi %add3A_362, %add3A_475 : i32
      %lt3A_477 = arith.constant 10 : i32
      %lt3A_478 = arith.cmpi slt, %add3A_476, %lt3A_477 : i32
      %convert_element_type3A_479 = arith.extui %lt3A_478 : i1 to i32
      %cond3A_480 = arith.constant 0 : i32
      %cond3A_481 = arith.cmpi ne, %convert_element_type3A_479, %cond3A_480 : i32
      scf.if %cond3A_481 {
        %add3A_601 = arith.constant 1 : i32
        %add3A_602 = arith.addi %add3A_362, %add3A_601 : i32
        %mul3A_603 = arith.constant 8 : i32
        %mul3A_604 = arith.muli %add3A_602, %mul3A_603 : i32
        %add3A_605 = arith.addi %mul3A_0, %mul3A_604 : i32
        %dma_wait3A_606 = arith.constant 0 : i32
        %dma_wait3A_607 = tpu.memref_slice %arg2[%arg1, %add3A_605, %dma_wait3A_606] : memref<16x160x128xi32, #tpu.memory_space<hbm>> -> memref<1x8x128xi32, #tpu.memory_space<hbm>>
        %dma_wait3A_608 = tpu.memref_squeeze %dma_wait3A_607 : memref<1x8x128xi32, #tpu.memory_space<hbm>> -> memref<8x128xi32, #tpu.memory_space<hbm>>
        %dma_wait3A_609 = arith.constant 0 : i32
        %dma_wait3A_610 = tpu.memref_slice %arg2[%arg1, %add3A_605, %dma_wait3A_609] : memref<16x160x128xi32, #tpu.memory_space<hbm>> -> memref<1x8x128xi32, #tpu.memory_space<hbm>>
        %dma_wait3A_611 = tpu.memref_squeeze %dma_wait3A_610 : memref<1x8x128xi32, #tpu.memory_space<hbm>> -> memref<8x128xi32, #tpu.memory_space<hbm>>
        tpu.wait_dma2 semaphore(%arg36 : memref<!tpu.dma_semaphore, #tpu.memory_space<semaphore_mem>>) src(%dma_wait3A_611 : memref<8x128xi32, #tpu.memory_space<hbm>>) dst(%arg6 : memref<8x128xi32, #tpu.memory_space<vmem>>)
        %mul3A_612 = arith.constant 8 : i32
        %mul3A_613 = arith.muli %add3A_602, %mul3A_612 : i32
        %add3A_614 = arith.addi %mul3A_0, %mul3A_613 : i32
        %dma_wait3A_615 = arith.constant 0 : i32
        %dma_wait3A_616 = tpu.memref_slice %arg3[%arg1, %add3A_614, %dma_wait3A_615] : memref<16x160x128xi32, #tpu.memory_space<hbm>> -> memref<1x8x128xi32, #tpu.memory_space<hbm>>
        %dma_wait3A_617 = tpu.memref_squeeze %dma_wait3A_616 : memref<1x8x128xi32, #tpu.memory_space<hbm>> -> memref<8x128xi32, #tpu.memory_space<hbm>>
        %dma_wait3A_618 = arith.constant 0 : i32
        %dma_wait3A_619 = tpu.memref_slice %arg3[%arg1, %add3A_614, %dma_wait3A_618] : memref<16x160x128xi32, #tpu.memory_space<hbm>> -> memref<1x8x128xi32, #tpu.memory_space<hbm>>
        %dma_wait3A_620 = tpu.memref_squeeze %dma_wait3A_619 : memref<1x8x128xi32, #tpu.memory_space<hbm>> -> memref<8x128xi32, #tpu.memory_space<hbm>>
        tpu.wait_dma2 semaphore(%arg36 : memref<!tpu.dma_semaphore, #tpu.memory_space<semaphore_mem>>) src(%dma_wait3A_620 : memref<8x128xi32, #tpu.memory_space<hbm>>) dst(%arg8 : memref<8x128xi32, #tpu.memory_space<vmem>>)
      } else {
      }
      %dma_wait3A_482 = arith.constant 0 : i32
      %dma_wait3A_483 = arith.constant 0 : i32
      %dma_wait3A_484 = tpu.memref_slice %arg9[%dma_wait3A_482, %dma_wait3A_483] : memref<8x128xi32, #tpu.memory_space<vmem>> -> memref<1x128xi32, #tpu.memory_space<vmem>>
      %dma_wait3A_485 = tpu.memref_squeeze %dma_wait3A_484 : memref<1x128xi32, #tpu.memory_space<vmem>> -> memref<128xi32, #tpu.memory_space<vmem>>
      %dma_wait3A_486 = arith.constant 0 : i32
      %dma_wait3A_487 = arith.constant 0 : i32
      %dma_wait3A_488 = tpu.memref_slice %arg19[%dma_wait3A_486, %dma_wait3A_487] : memref<10240x64xbf16, #tpu.memory_space<vmem_shared>> -> memref<10240x64xbf16, #tpu.memory_space<vmem_shared>>
      tpu.wait_indirect_dma semaphore(%arg28 : memref<!tpu.dma_semaphore, #tpu.memory_space<semaphore_mem>>) src(%arg10 : memref<128x64xbf16, #tpu.memory_space<vmem>>) dst(%dma_wait3A_488 : memref<10240x64xbf16, #tpu.memory_space<vmem_shared>>)
      %add3A_489 = arith.constant 1 : i32
      %add3A_490 = arith.addi %add3A_362, %add3A_489 : i32
      %lt3A_491 = arith.constant 10 : i32
      %lt3A_492 = arith.cmpi slt, %add3A_490, %lt3A_491 : i32
      %convert_element_type3A_493 = arith.extui %lt3A_492 : i1 to i32
      %cond3A_494 = arith.constant 0 : i32
      %cond3A_495 = arith.cmpi ne, %convert_element_type3A_493, %cond3A_494 : i32
      scf.if %cond3A_495 {
        %dma_start3A_601 = arith.constant 0 : i32
        %dma_start3A_602 = arith.constant 0 : i32
        %dma_start3A_603 = tpu.memref_slice %arg6[%dma_start3A_601, %dma_start3A_602] : memref<8x128xi32, #tpu.memory_space<vmem>> -> memref<1x128xi32, #tpu.memory_space<vmem>>
        %dma_start3A_604 = tpu.memref_squeeze %dma_start3A_603 : memref<1x128xi32, #tpu.memory_space<vmem>> -> memref<128xi32, #tpu.memory_space<vmem>>
        %dma_start3A_605 = arith.constant 0 : i32
        %dma_start3A_606 = arith.constant 0 : i32
        %dma_start3A_607 = tpu.memref_slice %arg4[%dma_start3A_605, %dma_start3A_606] : memref<10000x64xbf16, #tpu.memory_space<hbm>> -> memref<10000x64xbf16, #tpu.memory_space<hbm>>
        tpu.enqueue_indirect_dma source(%dma_start3A_607 : memref<10000x64xbf16, #tpu.memory_space<hbm>>) target(%arg10 : memref<128x64xbf16, #tpu.memory_space<vmem>>) offsets(%dma_start3A_604 : memref<128xi32, #tpu.memory_space<vmem>>) semaphore(%arg20 : memref<!tpu.dma_semaphore, #tpu.memory_space<semaphore_mem>>)
      } else {
      }
      %dma_wait3A_496 = arith.constant 1 : i32
      %dma_wait3A_497 = arith.constant 0 : i32
      %dma_wait3A_498 = tpu.memref_slice %arg9[%dma_wait3A_496, %dma_wait3A_497] : memref<8x128xi32, #tpu.memory_space<vmem>> -> memref<1x128xi32, #tpu.memory_space<vmem>>
      %dma_wait3A_499 = tpu.memref_squeeze %dma_wait3A_498 : memref<1x128xi32, #tpu.memory_space<vmem>> -> memref<128xi32, #tpu.memory_space<vmem>>
      %dma_wait3A_500 = arith.constant 0 : i32
      %dma_wait3A_501 = arith.constant 0 : i32
      %dma_wait3A_502 = tpu.memref_slice %arg19[%dma_wait3A_500, %dma_wait3A_501] : memref<10240x64xbf16, #tpu.memory_space<vmem_shared>> -> memref<10240x64xbf16, #tpu.memory_space<vmem_shared>>
      tpu.wait_indirect_dma semaphore(%arg29 : memref<!tpu.dma_semaphore, #tpu.memory_space<semaphore_mem>>) src(%arg11 : memref<128x64xbf16, #tpu.memory_space<vmem>>) dst(%dma_wait3A_502 : memref<10240x64xbf16, #tpu.memory_space<vmem_shared>>)
      %add3A_503 = arith.constant 1 : i32
      %add3A_504 = arith.addi %add3A_362, %add3A_503 : i32
      %lt3A_505 = arith.constant 10 : i32
      %lt3A_506 = arith.cmpi slt, %add3A_504, %lt3A_505 : i32
      %convert_element_type3A_507 = arith.extui %lt3A_506 : i1 to i32
      %cond3A_508 = arith.constant 0 : i32
      %cond3A_509 = arith.cmpi ne, %convert_element_type3A_507, %cond3A_508 : i32
      scf.if %cond3A_509 {
        %dma_start3A_601 = arith.constant 1 : i32
        %dma_start3A_602 = arith.constant 0 : i32
        %dma_start3A_603 = tpu.memref_slice %arg6[%dma_start3A_601, %dma_start3A_602] : memref<8x128xi32, #tpu.memory_space<vmem>> -> memref<1x128xi32, #tpu.memory_space<vmem>>
        %dma_start3A_604 = tpu.memref_squeeze %dma_start3A_603 : memref<1x128xi32, #tpu.memory_space<vmem>> -> memref<128xi32, #tpu.memory_space<vmem>>
        %dma_start3A_605 = arith.constant 0 : i32
        %dma_start3A_606 = arith.constant 0 : i32
        %dma_start3A_607 = tpu.memref_slice %arg4[%dma_start3A_605, %dma_start3A_606] : memref<10000x64xbf16, #tpu.memory_space<hbm>> -> memref<10000x64xbf16, #tpu.memory_space<hbm>>
        tpu.enqueue_indirect_dma source(%dma_start3A_607 : memref<10000x64xbf16, #tpu.memory_space<hbm>>) target(%arg11 : memref<128x64xbf16, #tpu.memory_space<vmem>>) offsets(%dma_start3A_604 : memref<128xi32, #tpu.memory_space<vmem>>) semaphore(%arg21 : memref<!tpu.dma_semaphore, #tpu.memory_space<semaphore_mem>>)
      } else {
      }
      %dma_wait3A_510 = arith.constant 2 : i32
      %dma_wait3A_511 = arith.constant 0 : i32
      %dma_wait3A_512 = tpu.memref_slice %arg9[%dma_wait3A_510, %dma_wait3A_511] : memref<8x128xi32, #tpu.memory_space<vmem>> -> memref<1x128xi32, #tpu.memory_space<vmem>>
      %dma_wait3A_513 = tpu.memref_squeeze %dma_wait3A_512 : memref<1x128xi32, #tpu.memory_space<vmem>> -> memref<128xi32, #tpu.memory_space<vmem>>
      %dma_wait3A_514 = arith.constant 0 : i32
      %dma_wait3A_515 = arith.constant 0 : i32
      %dma_wait3A_516 = tpu.memref_slice %arg19[%dma_wait3A_514, %dma_wait3A_515] : memref<10240x64xbf16, #tpu.memory_space<vmem_shared>> -> memref<10240x64xbf16, #tpu.memory_space<vmem_shared>>
      tpu.wait_indirect_dma semaphore(%arg30 : memref<!tpu.dma_semaphore, #tpu.memory_space<semaphore_mem>>) src(%arg12 : memref<128x64xbf16, #tpu.memory_space<vmem>>) dst(%dma_wait3A_516 : memref<10240x64xbf16, #tpu.memory_space<vmem_shared>>)
      %add3A_517 = arith.constant 1 : i32
      %add3A_518 = arith.addi %add3A_362, %add3A_517 : i32
      %lt3A_519 = arith.constant 10 : i32
      %lt3A_520 = arith.cmpi slt, %add3A_518, %lt3A_519 : i32
      %convert_element_type3A_521 = arith.extui %lt3A_520 : i1 to i32
      %cond3A_522 = arith.constant 0 : i32
      %cond3A_523 = arith.cmpi ne, %convert_element_type3A_521, %cond3A_522 : i32
      scf.if %cond3A_523 {
        %dma_start3A_601 = arith.constant 2 : i32
        %dma_start3A_602 = arith.constant 0 : i32
        %dma_start3A_603 = tpu.memref_slice %arg6[%dma_start3A_601, %dma_start3A_602] : memref<8x128xi32, #tpu.memory_space<vmem>> -> memref<1x128xi32, #tpu.memory_space<vmem>>
        %dma_start3A_604 = tpu.memref_squeeze %dma_start3A_603 : memref<1x128xi32, #tpu.memory_space<vmem>> -> memref<128xi32, #tpu.memory_space<vmem>>
        %dma_start3A_605 = arith.constant 0 : i32
        %dma_start3A_606 = arith.constant 0 : i32
        %dma_start3A_607 = tpu.memref_slice %arg4[%dma_start3A_605, %dma_start3A_606] : memref<10000x64xbf16, #tpu.memory_space<hbm>> -> memref<10000x64xbf16, #tpu.memory_space<hbm>>
        tpu.enqueue_indirect_dma source(%dma_start3A_607 : memref<10000x64xbf16, #tpu.memory_space<hbm>>) target(%arg12 : memref<128x64xbf16, #tpu.memory_space<vmem>>) offsets(%dma_start3A_604 : memref<128xi32, #tpu.memory_space<vmem>>) semaphore(%arg22 : memref<!tpu.dma_semaphore, #tpu.memory_space<semaphore_mem>>)
      } else {
      }
      %dma_wait3A_524 = arith.constant 3 : i32
      %dma_wait3A_525 = arith.constant 0 : i32
      %dma_wait3A_526 = tpu.memref_slice %arg9[%dma_wait3A_524, %dma_wait3A_525] : memref<8x128xi32, #tpu.memory_space<vmem>> -> memref<1x128xi32, #tpu.memory_space<vmem>>
      %dma_wait3A_527 = tpu.memref_squeeze %dma_wait3A_526 : memref<1x128xi32, #tpu.memory_space<vmem>> -> memref<128xi32, #tpu.memory_space<vmem>>
      %dma_wait3A_528 = arith.constant 0 : i32
      %dma_wait3A_529 = arith.constant 0 : i32
      %dma_wait3A_530 = tpu.memref_slice %arg19[%dma_wait3A_528, %dma_wait3A_529] : memref<10240x64xbf16, #tpu.memory_space<vmem_shared>> -> memref<10240x64xbf16, #tpu.memory_space<vmem_shared>>
      tpu.wait_indirect_dma semaphore(%arg31 : memref<!tpu.dma_semaphore, #tpu.memory_space<semaphore_mem>>) src(%arg13 : memref<128x64xbf16, #tpu.memory_space<vmem>>) dst(%dma_wait3A_530 : memref<10240x64xbf16, #tpu.memory_space<vmem_shared>>)
      %add3A_531 = arith.constant 1 : i32
      %add3A_532 = arith.addi %add3A_362, %add3A_531 : i32
      %lt3A_533 = arith.constant 10 : i32
      %lt3A_534 = arith.cmpi slt, %add3A_532, %lt3A_533 : i32
      %convert_element_type3A_535 = arith.extui %lt3A_534 : i1 to i32
      %cond3A_536 = arith.constant 0 : i32
      %cond3A_537 = arith.cmpi ne, %convert_element_type3A_535, %cond3A_536 : i32
      scf.if %cond3A_537 {
        %dma_start3A_601 = arith.constant 3 : i32
        %dma_start3A_602 = arith.constant 0 : i32
        %dma_start3A_603 = tpu.memref_slice %arg6[%dma_start3A_601, %dma_start3A_602] : memref<8x128xi32, #tpu.memory_space<vmem>> -> memref<1x128xi32, #tpu.memory_space<vmem>>
        %dma_start3A_604 = tpu.memref_squeeze %dma_start3A_603 : memref<1x128xi32, #tpu.memory_space<vmem>> -> memref<128xi32, #tpu.memory_space<vmem>>
        %dma_start3A_605 = arith.constant 0 : i32
        %dma_start3A_606 = arith.constant 0 : i32
        %dma_start3A_607 = tpu.memref_slice %arg4[%dma_start3A_605, %dma_start3A_606] : memref<10000x64xbf16, #tpu.memory_space<hbm>> -> memref<10000x64xbf16, #tpu.memory_space<hbm>>
        tpu.enqueue_indirect_dma source(%dma_start3A_607 : memref<10000x64xbf16, #tpu.memory_space<hbm>>) target(%arg13 : memref<128x64xbf16, #tpu.memory_space<vmem>>) offsets(%dma_start3A_604 : memref<128xi32, #tpu.memory_space<vmem>>) semaphore(%arg23 : memref<!tpu.dma_semaphore, #tpu.memory_space<semaphore_mem>>)
      } else {
      }
      %dma_wait3A_538 = arith.constant 4 : i32
      %dma_wait3A_539 = arith.constant 0 : i32
      %dma_wait3A_540 = tpu.memref_slice %arg9[%dma_wait3A_538, %dma_wait3A_539] : memref<8x128xi32, #tpu.memory_space<vmem>> -> memref<1x128xi32, #tpu.memory_space<vmem>>
      %dma_wait3A_541 = tpu.memref_squeeze %dma_wait3A_540 : memref<1x128xi32, #tpu.memory_space<vmem>> -> memref<128xi32, #tpu.memory_space<vmem>>
      %dma_wait3A_542 = arith.constant 0 : i32
      %dma_wait3A_543 = arith.constant 0 : i32
      %dma_wait3A_544 = tpu.memref_slice %arg19[%dma_wait3A_542, %dma_wait3A_543] : memref<10240x64xbf16, #tpu.memory_space<vmem_shared>> -> memref<10240x64xbf16, #tpu.memory_space<vmem_shared>>
      tpu.wait_indirect_dma semaphore(%arg32 : memref<!tpu.dma_semaphore, #tpu.memory_space<semaphore_mem>>) src(%arg14 : memref<128x64xbf16, #tpu.memory_space<vmem>>) dst(%dma_wait3A_544 : memref<10240x64xbf16, #tpu.memory_space<vmem_shared>>)
      %add3A_545 = arith.constant 1 : i32
      %add3A_546 = arith.addi %add3A_362, %add3A_545 : i32
      %lt3A_547 = arith.constant 10 : i32
      %lt3A_548 = arith.cmpi slt, %add3A_546, %lt3A_547 : i32
      %convert_element_type3A_549 = arith.extui %lt3A_548 : i1 to i32
      %cond3A_550 = arith.constant 0 : i32
      %cond3A_551 = arith.cmpi ne, %convert_element_type3A_549, %cond3A_550 : i32
      scf.if %cond3A_551 {
        %dma_start3A_601 = arith.constant 4 : i32
        %dma_start3A_602 = arith.constant 0 : i32
        %dma_start3A_603 = tpu.memref_slice %arg6[%dma_start3A_601, %dma_start3A_602] : memref<8x128xi32, #tpu.memory_space<vmem>> -> memref<1x128xi32, #tpu.memory_space<vmem>>
        %dma_start3A_604 = tpu.memref_squeeze %dma_start3A_603 : memref<1x128xi32, #tpu.memory_space<vmem>> -> memref<128xi32, #tpu.memory_space<vmem>>
        %dma_start3A_605 = arith.constant 0 : i32
        %dma_start3A_606 = arith.constant 0 : i32
        %dma_start3A_607 = tpu.memref_slice %arg4[%dma_start3A_605, %dma_start3A_606] : memref<10000x64xbf16, #tpu.memory_space<hbm>> -> memref<10000x64xbf16, #tpu.memory_space<hbm>>
        tpu.enqueue_indirect_dma source(%dma_start3A_607 : memref<10000x64xbf16, #tpu.memory_space<hbm>>) target(%arg14 : memref<128x64xbf16, #tpu.memory_space<vmem>>) offsets(%dma_start3A_604 : memref<128xi32, #tpu.memory_space<vmem>>) semaphore(%arg24 : memref<!tpu.dma_semaphore, #tpu.memory_space<semaphore_mem>>)
      } else {
      }
      %dma_wait3A_552 = arith.constant 5 : i32
      %dma_wait3A_553 = arith.constant 0 : i32
      %dma_wait3A_554 = tpu.memref_slice %arg9[%dma_wait3A_552, %dma_wait3A_553] : memref<8x128xi32, #tpu.memory_space<vmem>> -> memref<1x128xi32, #tpu.memory_space<vmem>>
      %dma_wait3A_555 = tpu.memref_squeeze %dma_wait3A_554 : memref<1x128xi32, #tpu.memory_space<vmem>> -> memref<128xi32, #tpu.memory_space<vmem>>
      %dma_wait3A_556 = arith.constant 0 : i32
      %dma_wait3A_557 = arith.constant 0 : i32
      %dma_wait3A_558 = tpu.memref_slice %arg19[%dma_wait3A_556, %dma_wait3A_557] : memref<10240x64xbf16, #tpu.memory_space<vmem_shared>> -> memref<10240x64xbf16, #tpu.memory_space<vmem_shared>>
      tpu.wait_indirect_dma semaphore(%arg33 : memref<!tpu.dma_semaphore, #tpu.memory_space<semaphore_mem>>) src(%arg15 : memref<128x64xbf16, #tpu.memory_space<vmem>>) dst(%dma_wait3A_558 : memref<10240x64xbf16, #tpu.memory_space<vmem_shared>>)
      %add3A_559 = arith.constant 1 : i32
      %add3A_560 = arith.addi %add3A_362, %add3A_559 : i32
      %lt3A_561 = arith.constant 10 : i32
      %lt3A_562 = arith.cmpi slt, %add3A_560, %lt3A_561 : i32
      %convert_element_type3A_563 = arith.extui %lt3A_562 : i1 to i32
      %cond3A_564 = arith.constant 0 : i32
      %cond3A_565 = arith.cmpi ne, %convert_element_type3A_563, %cond3A_564 : i32
      scf.if %cond3A_565 {
        %dma_start3A_601 = arith.constant 5 : i32
        %dma_start3A_602 = arith.constant 0 : i32
        %dma_start3A_603 = tpu.memref_slice %arg6[%dma_start3A_601, %dma_start3A_602] : memref<8x128xi32, #tpu.memory_space<vmem>> -> memref<1x128xi32, #tpu.memory_space<vmem>>
        %dma_start3A_604 = tpu.memref_squeeze %dma_start3A_603 : memref<1x128xi32, #tpu.memory_space<vmem>> -> memref<128xi32, #tpu.memory_space<vmem>>
        %dma_start3A_605 = arith.constant 0 : i32
        %dma_start3A_606 = arith.constant 0 : i32
        %dma_start3A_607 = tpu.memref_slice %arg4[%dma_start3A_605, %dma_start3A_606] : memref<10000x64xbf16, #tpu.memory_space<hbm>> -> memref<10000x64xbf16, #tpu.memory_space<hbm>>
        tpu.enqueue_indirect_dma source(%dma_start3A_607 : memref<10000x64xbf16, #tpu.memory_space<hbm>>) target(%arg15 : memref<128x64xbf16, #tpu.memory_space<vmem>>) offsets(%dma_start3A_604 : memref<128xi32, #tpu.memory_space<vmem>>) semaphore(%arg25 : memref<!tpu.dma_semaphore, #tpu.memory_space<semaphore_mem>>)
      } else {
      }
      %dma_wait3A_566 = arith.constant 6 : i32
      %dma_wait3A_567 = arith.constant 0 : i32
      %dma_wait3A_568 = tpu.memref_slice %arg9[%dma_wait3A_566, %dma_wait3A_567] : memref<8x128xi32, #tpu.memory_space<vmem>> -> memref<1x128xi32, #tpu.memory_space<vmem>>
      %dma_wait3A_569 = tpu.memref_squeeze %dma_wait3A_568 : memref<1x128xi32, #tpu.memory_space<vmem>> -> memref<128xi32, #tpu.memory_space<vmem>>
      %dma_wait3A_570 = arith.constant 0 : i32
      %dma_wait3A_571 = arith.constant 0 : i32
      %dma_wait3A_572 = tpu.memref_slice %arg19[%dma_wait3A_570, %dma_wait3A_571] : memref<10240x64xbf16, #tpu.memory_space<vmem_shared>> -> memref<10240x64xbf16, #tpu.memory_space<vmem_shared>>
      tpu.wait_indirect_dma semaphore(%arg34 : memref<!tpu.dma_semaphore, #tpu.memory_space<semaphore_mem>>) src(%arg16 : memref<128x64xbf16, #tpu.memory_space<vmem>>) dst(%dma_wait3A_572 : memref<10240x64xbf16, #tpu.memory_space<vmem_shared>>)
      %add3A_573 = arith.constant 1 : i32
      %add3A_574 = arith.addi %add3A_362, %add3A_573 : i32
      %lt3A_575 = arith.constant 10 : i32
      %lt3A_576 = arith.cmpi slt, %add3A_574, %lt3A_575 : i32
      %convert_element_type3A_577 = arith.extui %lt3A_576 : i1 to i32
      %cond3A_578 = arith.constant 0 : i32
      %cond3A_579 = arith.cmpi ne, %convert_element_type3A_577, %cond3A_578 : i32
      scf.if %cond3A_579 {
        %dma_start3A_601 = arith.constant 6 : i32
        %dma_start3A_602 = arith.constant 0 : i32
        %dma_start3A_603 = tpu.memref_slice %arg6[%dma_start3A_601, %dma_start3A_602] : memref<8x128xi32, #tpu.memory_space<vmem>> -> memref<1x128xi32, #tpu.memory_space<vmem>>
        %dma_start3A_604 = tpu.memref_squeeze %dma_start3A_603 : memref<1x128xi32, #tpu.memory_space<vmem>> -> memref<128xi32, #tpu.memory_space<vmem>>
        %dma_start3A_605 = arith.constant 0 : i32
        %dma_start3A_606 = arith.constant 0 : i32
        %dma_start3A_607 = tpu.memref_slice %arg4[%dma_start3A_605, %dma_start3A_606] : memref<10000x64xbf16, #tpu.memory_space<hbm>> -> memref<10000x64xbf16, #tpu.memory_space<hbm>>
        tpu.enqueue_indirect_dma source(%dma_start3A_607 : memref<10000x64xbf16, #tpu.memory_space<hbm>>) target(%arg16 : memref<128x64xbf16, #tpu.memory_space<vmem>>) offsets(%dma_start3A_604 : memref<128xi32, #tpu.memory_space<vmem>>) semaphore(%arg26 : memref<!tpu.dma_semaphore, #tpu.memory_space<semaphore_mem>>)
      } else {
      }
      %dma_wait3A_580 = arith.constant 7 : i32
      %dma_wait3A_581 = arith.constant 0 : i32
      %dma_wait3A_582 = tpu.memref_slice %arg9[%dma_wait3A_580, %dma_wait3A_581] : memref<8x128xi32, #tpu.memory_space<vmem>> -> memref<1x128xi32, #tpu.memory_space<vmem>>
      %dma_wait3A_583 = tpu.memref_squeeze %dma_wait3A_582 : memref<1x128xi32, #tpu.memory_space<vmem>> -> memref<128xi32, #tpu.memory_space<vmem>>
      %dma_wait3A_584 = arith.constant 0 : i32
      %dma_wait3A_585 = arith.constant 0 : i32
      %dma_wait3A_586 = tpu.memref_slice %arg19[%dma_wait3A_584, %dma_wait3A_585] : memref<10240x64xbf16, #tpu.memory_space<vmem_shared>> -> memref<10240x64xbf16, #tpu.memory_space<vmem_shared>>
      tpu.wait_indirect_dma semaphore(%arg35 : memref<!tpu.dma_semaphore, #tpu.memory_space<semaphore_mem>>) src(%arg17 : memref<128x64xbf16, #tpu.memory_space<vmem>>) dst(%dma_wait3A_586 : memref<10240x64xbf16, #tpu.memory_space<vmem_shared>>)
      %add3A_587 = arith.constant 1 : i32
      %add3A_588 = arith.addi %add3A_362, %add3A_587 : i32
      %lt3A_589 = arith.constant 10 : i32
      %lt3A_590 = arith.cmpi slt, %add3A_588, %lt3A_589 : i32
      %convert_element_type3A_591 = arith.extui %lt3A_590 : i1 to i32
      %cond3A_592 = arith.constant 0 : i32
      %cond3A_593 = arith.cmpi ne, %convert_element_type3A_591, %cond3A_592 : i32
      scf.if %cond3A_593 {
        %dma_start3A_601 = arith.constant 7 : i32
        %dma_start3A_602 = arith.constant 0 : i32
        %dma_start3A_603 = tpu.memref_slice %arg6[%dma_start3A_601, %dma_start3A_602] : memref<8x128xi32, #tpu.memory_space<vmem>> -> memref<1x128xi32, #tpu.memory_space<vmem>>
        %dma_start3A_604 = tpu.memref_squeeze %dma_start3A_603 : memref<1x128xi32, #tpu.memory_space<vmem>> -> memref<128xi32, #tpu.memory_space<vmem>>
        %dma_start3A_605 = arith.constant 0 : i32
        %dma_start3A_606 = arith.constant 0 : i32
        %dma_start3A_607 = tpu.memref_slice %arg4[%dma_start3A_605, %dma_start3A_606] : memref<10000x64xbf16, #tpu.memory_space<hbm>> -> memref<10000x64xbf16, #tpu.memory_space<hbm>>
        tpu.enqueue_indirect_dma source(%dma_start3A_607 : memref<10000x64xbf16, #tpu.memory_space<hbm>>) target(%arg17 : memref<128x64xbf16, #tpu.memory_space<vmem>>) offsets(%dma_start3A_604 : memref<128xi32, #tpu.memory_space<vmem>>) semaphore(%arg27 : memref<!tpu.dma_semaphore, #tpu.memory_space<semaphore_mem>>)
      } else {
      }
      %add3A_594 = arith.constant 2 : i32
      %add3A_595 = arith.addi %add3A_362, %add3A_594 : i32
      %lt3A_596 = arith.constant 10 : i32
      %lt3A_597 = arith.cmpi slt, %add3A_595, %lt3A_596 : i32
      %convert_element_type3A_598 = arith.extui %lt3A_597 : i1 to i32
      %cond3A_599 = arith.constant 0 : i32
      %cond3A_600 = arith.cmpi ne, %convert_element_type3A_598, %cond3A_599 : i32
      scf.if %cond3A_600 {
        %add3A_601 = arith.constant 2 : i32
        %add3A_602 = arith.addi %add3A_362, %add3A_601 : i32
        %mul3A_603 = arith.constant 8 : i32
        %mul3A_604 = arith.muli %add3A_602, %mul3A_603 : i32
        %add3A_605 = arith.addi %mul3A_0, %mul3A_604 : i32
        %dma_start3A_606 = arith.constant 0 : i32
        %dma_start3A_607 = tpu.memref_slice %arg2[%arg1, %add3A_605, %dma_start3A_606] : memref<16x160x128xi32, #tpu.memory_space<hbm>> -> memref<1x8x128xi32, #tpu.memory_space<hbm>>
        %dma_start3A_608 = tpu.memref_squeeze %dma_start3A_607 : memref<1x8x128xi32, #tpu.memory_space<hbm>> -> memref<8x128xi32, #tpu.memory_space<hbm>>
        %dma_start3A_609 = arith.constant 0 : i32
        %dma_start3A_610 = tpu.memref_slice %arg2[%arg1, %add3A_605, %dma_start3A_609] : memref<16x160x128xi32, #tpu.memory_space<hbm>> -> memref<1x8x128xi32, #tpu.memory_space<hbm>>
        %dma_start3A_611 = tpu.memref_squeeze %dma_start3A_610 : memref<1x8x128xi32, #tpu.memory_space<hbm>> -> memref<8x128xi32, #tpu.memory_space<hbm>>
        tpu.enqueue_dma source(%dma_start3A_611 : memref<8x128xi32, #tpu.memory_space<hbm>>) target(%arg7 : memref<8x128xi32, #tpu.memory_space<vmem>>) target_semaphore(%arg37 : memref<!tpu.dma_semaphore, #tpu.memory_space<semaphore_mem>>)
        %mul3A_612 = arith.constant 8 : i32
        %mul3A_613 = arith.muli %add3A_602, %mul3A_612 : i32
        %add3A_614 = arith.addi %mul3A_0, %mul3A_613 : i32
        %dma_start3A_615 = arith.constant 0 : i32
        %dma_start3A_616 = tpu.memref_slice %arg3[%arg1, %add3A_614, %dma_start3A_615] : memref<16x160x128xi32, #tpu.memory_space<hbm>> -> memref<1x8x128xi32, #tpu.memory_space<hbm>>
        %dma_start3A_617 = tpu.memref_squeeze %dma_start3A_616 : memref<1x8x128xi32, #tpu.memory_space<hbm>> -> memref<8x128xi32, #tpu.memory_space<hbm>>
        %dma_start3A_618 = arith.constant 0 : i32
        %dma_start3A_619 = tpu.memref_slice %arg3[%arg1, %add3A_614, %dma_start3A_618] : memref<16x160x128xi32, #tpu.memory_space<hbm>> -> memref<1x8x128xi32, #tpu.memory_space<hbm>>
        %dma_start3A_620 = tpu.memref_squeeze %dma_start3A_619 : memref<1x8x128xi32, #tpu.memory_space<hbm>> -> memref<8x128xi32, #tpu.memory_space<hbm>>
        tpu.enqueue_dma source(%dma_start3A_620 : memref<8x128xi32, #tpu.memory_space<hbm>>) target(%arg9 : memref<8x128xi32, #tpu.memory_space<vmem>>) target_semaphore(%arg37 : memref<!tpu.dma_semaphore, #tpu.memory_space<semaphore_mem>>)
      } else {
      }
    }
    %scan3A_115 = arith.constant 5 : i32
    %barrier3A_116 = arith.constant 0 : index
    tpu.barrier barrier_id(%barrier3A_116)
    %mul3A_117 = arith.constant 640 : i32
    %mul3A_118 = arith.muli %arg1, %mul3A_117 : i32
    %mul3A_119 = arith.constant 640 : i32
    %mul3A_120 = arith.muli %arg1, %mul3A_119 : i32
    "tpu.region"() ({
      %run_scoped3A = tpu.sem_alloc : memref<!tpu.dma_semaphore, #tpu.memory_space<semaphore_mem>>
      %dma_start3A_121 = arith.constant 0 : i32
      %dma_start3A_122 = tpu.memref_slice %arg5[%arg0, %mul3A_120, %dma_start3A_121] : memref<2x10240x64xbf16, #tpu.memory_space<hbm>> -> memref<1x640x64xbf16, #tpu.memory_space<hbm>>
      %dma_start3A_123 = tpu.memref_squeeze %dma_start3A_122 : memref<1x640x64xbf16, #tpu.memory_space<hbm>> -> memref<640x64xbf16, #tpu.memory_space<hbm>>
      %dma_start3A_124 = arith.constant 0 : i32
      %dma_start3A_125 = tpu.memref_slice %arg19[%mul3A_118, %dma_start3A_124] : memref<10240x64xbf16, #tpu.memory_space<vmem_shared>> -> memref<640x64xbf16, #tpu.memory_space<vmem_shared>>
      tpu.enqueue_dma source(%dma_start3A_125 : memref<640x64xbf16, #tpu.memory_space<vmem_shared>>) target(%dma_start3A_123 : memref<640x64xbf16, #tpu.memory_space<hbm>>) target_semaphore(%run_scoped3A : memref<!tpu.dma_semaphore, #tpu.memory_space<semaphore_mem>>)
      %dma_wait3A_126 = arith.constant 0 : i32
      %dma_wait3A_127 = tpu.memref_slice %arg5[%arg0, %mul3A_120, %dma_wait3A_126] : memref<2x10240x64xbf16, #tpu.memory_space<hbm>> -> memref<1x640x64xbf16, #tpu.memory_space<hbm>>
      %dma_wait3A_128 = tpu.memref_squeeze %dma_wait3A_127 : memref<1x640x64xbf16, #tpu.memory_space<hbm>> -> memref<640x64xbf16, #tpu.memory_space<hbm>>
      %dma_wait3A_129 = arith.constant 0 : i32
      %dma_wait3A_130 = tpu.memref_slice %arg19[%mul3A_118, %dma_wait3A_129] : memref<10240x64xbf16, #tpu.memory_space<vmem_shared>> -> memref<640x64xbf16, #tpu.memory_space<vmem_shared>>
      tpu.wait_dma2 semaphore(%run_scoped3A : memref<!tpu.dma_semaphore, #tpu.memory_space<semaphore_mem>>) src(%dma_wait3A_130 : memref<640x64xbf16, #tpu.memory_space<vmem_shared>>) dst(%dma_wait3A_128 : memref<640x64xbf16, #tpu.memory_space<hbm>>)
      tpu.yield
    }) : () -> ()
    return
  }
}

#map = affine_map<(d0, d1) -> (0, 0, 0)>
module attributes {stable_mosaic.version = 14 : i64} {
  func.func @sc_kernel(%arg0: i32, %arg1: i32, %arg2: memref<16x160x128xi32, #tpu.memory_space<hbm>>, %arg3: memref<16x160x128xi32, #tpu.memory_space<hbm>>, %arg4: memref<2x10000x64xbf16, #tpu.memory_space<hbm>>, %arg5: memref<2x10240x64xbf16, #tpu.memory_space<hbm>>, %arg6: memref<8x128xi32, #tpu.memory_space<vmem>>, %arg7: memref<8x128xi32, #tpu.memory_space<vmem>>, %arg8: memref<8x128xi32, #tpu.memory_space<vmem>>, %arg9: memref<8x128xi32, #tpu.memory_space<vmem>>, %arg10: memref<128x64xbf16, #tpu.memory_space<vmem>>, %arg11: memref<128x64xbf16, #tpu.memory_space<vmem>>, %arg12: memref<128x64xbf16, #tpu.memory_space<vmem>>, %arg13: memref<128x64xbf16, #tpu.memory_space<vmem>>, %arg14: memref<128x64xbf16, #tpu.memory_space<vmem>>, %arg15: memref<128x64xbf16, #tpu.memory_space<vmem>>, %arg16: memref<128x64xbf16, #tpu.memory_space<vmem>>, %arg17: memref<128x64xbf16, #tpu.memory_space<vmem>>, %arg18: memref<64x64xbf16, #tpu.memory_space<vmem>>, %arg19: memref<10240x64xbf16, #tpu.memory_space<vmem_shared>>, %arg20: memref<!tpu.dma_semaphore, #tpu.memory_space<semaphore_mem>>, %arg21: memref<!tpu.dma_semaphore, #tpu.memory_space<semaphore_mem>>, %arg22: memref<!tpu.dma_semaphore, #tpu.memory_space<semaphore_mem>>, %arg23: memref<!tpu.dma_semaphore, #tpu.memory_space<semaphore_mem>>, %arg24: memref<!tpu.dma_semaphore, #tpu.memory_space<semaphore_mem>>, %arg25: memref<!tpu.dma_semaphore, #tpu.memory_space<semaphore_mem>>, %arg26: memref<!tpu.dma_semaphore, #tpu.memory_space<semaphore_mem>>, %arg27: memref<!tpu.dma_semaphore, #tpu.memory_space<semaphore_mem>>, %arg28: memref<!tpu.dma_semaphore, #tpu.memory_space<semaphore_mem>>, %arg29: memref<!tpu.dma_semaphore, #tpu.memory_space<semaphore_mem>>, %arg30: memref<!tpu.dma_semaphore, #tpu.memory_space<semaphore_mem>>, %arg31: memref<!tpu.dma_semaphore, #tpu.memory_space<semaphore_mem>>, %arg32: memref<!tpu.dma_semaphore, #tpu.memory_space<semaphore_mem>>, %arg33: memref<!tpu.dma_semaphore, #tpu.memory_space<semaphore_mem>>, %arg34: memref<!tpu.dma_semaphore, #tpu.memory_space<semaphore_mem>>, %arg35: memref<!tpu.dma_semaphore, #tpu.memory_space<semaphore_mem>>, %arg36: memref<!tpu.dma_semaphore, #tpu.memory_space<semaphore_mem>>, %arg37: memref<!tpu.dma_semaphore, #tpu.memory_space<semaphore_mem>>) attributes {dimension_semantics = [#tpu.dimension_semantics<core_parallel>, #tpu.dimension_semantics<subcore_parallel>], iteration_bounds = array<i64: 2, 16>, scalar_prefetch = 0 : i64, scratch_operands = 32 : i64, tpu.core_type = #tpu.core_type<sc_vector_subcore>, window_params = [{transform_indices = #map}, {transform_indices = #map}, {transform_indices = #map}, {transform_indices = #map}]} {
    %dma_start3A = arith.constant 0 : i32
    %dma_start3A_0 = arith.constant 0 : i32
    %dma_start3A_1 = tpu.memref_slice %arg2[%arg1, %dma_start3A, %dma_start3A_0] : memref<16x160x128xi32, #tpu.memory_space<hbm>> -> memref<1x8x128xi32, #tpu.memory_space<hbm>>
    %dma_start3A_2 = tpu.memref_squeeze %dma_start3A_1 : memref<1x8x128xi32, #tpu.memory_space<hbm>> -> memref<8x128xi32, #tpu.memory_space<hbm>>
    %dma_start3A_3 = arith.constant 0 : i32
    %dma_start3A_4 = arith.constant 0 : i32
    %dma_start3A_5 = tpu.memref_slice %arg2[%arg1, %dma_start3A_3, %dma_start3A_4] : memref<16x160x128xi32, #tpu.memory_space<hbm>> -> memref<1x8x128xi32, #tpu.memory_space<hbm>>
    %dma_start3A_6 = tpu.memref_squeeze %dma_start3A_5 : memref<1x8x128xi32, #tpu.memory_space<hbm>> -> memref<8x128xi32, #tpu.memory_space<hbm>>
    tpu.enqueue_dma source(%dma_start3A_6 : memref<8x128xi32, #tpu.memory_space<hbm>>) target(%arg6 : memref<8x128xi32, #tpu.memory_space<vmem>>) target_semaphore(%arg36 : memref<!tpu.dma_semaphore, #tpu.memory_space<semaphore_mem>>)
    %dma_start3A_7 = arith.constant 0 : i32
    %dma_start3A_8 = arith.constant 0 : i32
    %dma_start3A_9 = tpu.memref_slice %arg3[%arg1, %dma_start3A_7, %dma_start3A_8] : memref<16x160x128xi32, #tpu.memory_space<hbm>> -> memref<1x8x128xi32, #tpu.memory_space<hbm>>
    %dma_start3A_10 = tpu.memref_squeeze %dma_start3A_9 : memref<1x8x128xi32, #tpu.memory_space<hbm>> -> memref<8x128xi32, #tpu.memory_space<hbm>>
    %dma_start3A_11 = arith.constant 0 : i32
    %dma_start3A_12 = arith.constant 0 : i32
    %dma_start3A_13 = tpu.memref_slice %arg3[%arg1, %dma_start3A_11, %dma_start3A_12] : memref<16x160x128xi32, #tpu.memory_space<hbm>> -> memref<1x8x128xi32, #tpu.memory_space<hbm>>
    %dma_start3A_14 = tpu.memref_squeeze %dma_start3A_13 : memref<1x8x128xi32, #tpu.memory_space<hbm>> -> memref<8x128xi32, #tpu.memory_space<hbm>>
    tpu.enqueue_dma source(%dma_start3A_14 : memref<8x128xi32, #tpu.memory_space<hbm>>) target(%arg8 : memref<8x128xi32, #tpu.memory_space<vmem>>) target_semaphore(%arg36 : memref<!tpu.dma_semaphore, #tpu.memory_space<semaphore_mem>>)
    %dma_start3A_15 = arith.constant 8 : i32
    %dma_start3A_16 = arith.constant 0 : i32
    %dma_start3A_17 = tpu.memref_slice %arg2[%arg1, %dma_start3A_15, %dma_start3A_16] : memref<16x160x128xi32, #tpu.memory_space<hbm>> -> memref<1x8x128xi32, #tpu.memory_space<hbm>>
    %dma_start3A_18 = tpu.memref_squeeze %dma_start3A_17 : memref<1x8x128xi32, #tpu.memory_space<hbm>> -> memref<8x128xi32, #tpu.memory_space<hbm>>
    %dma_start3A_19 = arith.constant 8 : i32
    %dma_start3A_20 = arith.constant 0 : i32
    %dma_start3A_21 = tpu.memref_slice %arg2[%arg1, %dma_start3A_19, %dma_start3A_20] : memref<16x160x128xi32, #tpu.memory_space<hbm>> -> memref<1x8x128xi32, #tpu.memory_space<hbm>>
    %dma_start3A_22 = tpu.memref_squeeze %dma_start3A_21 : memref<1x8x128xi32, #tpu.memory_space<hbm>> -> memref<8x128xi32, #tpu.memory_space<hbm>>
    tpu.enqueue_dma source(%dma_start3A_22 : memref<8x128xi32, #tpu.memory_space<hbm>>) target(%arg7 : memref<8x128xi32, #tpu.memory_space<vmem>>) target_semaphore(%arg37 : memref<!tpu.dma_semaphore, #tpu.memory_space<semaphore_mem>>)
    %dma_start3A_23 = arith.constant 8 : i32
    %dma_start3A_24 = arith.constant 0 : i32
    %dma_start3A_25 = tpu.memref_slice %arg3[%arg1, %dma_start3A_23, %dma_start3A_24] : memref<16x160x128xi32, #tpu.memory_space<hbm>> -> memref<1x8x128xi32, #tpu.memory_space<hbm>>
    %dma_start3A_26 = tpu.memref_squeeze %dma_start3A_25 : memref<1x8x128xi32, #tpu.memory_space<hbm>> -> memref<8x128xi32, #tpu.memory_space<hbm>>
    %dma_start3A_27 = arith.constant 8 : i32
    %dma_start3A_28 = arith.constant 0 : i32
    %dma_start3A_29 = tpu.memref_slice %arg3[%arg1, %dma_start3A_27, %dma_start3A_28] : memref<16x160x128xi32, #tpu.memory_space<hbm>> -> memref<1x8x128xi32, #tpu.memory_space<hbm>>
    %dma_start3A_30 = tpu.memref_squeeze %dma_start3A_29 : memref<1x8x128xi32, #tpu.memory_space<hbm>> -> memref<8x128xi32, #tpu.memory_space<hbm>>
    tpu.enqueue_dma source(%dma_start3A_30 : memref<8x128xi32, #tpu.memory_space<hbm>>) target(%arg9 : memref<8x128xi32, #tpu.memory_space<vmem>>) target_semaphore(%arg37 : memref<!tpu.dma_semaphore, #tpu.memory_space<semaphore_mem>>)
    %scan3A = arith.constant 0 : i32
    %scan3A_31 = arith.constant 64 : i32
    %scan3A_32 = arith.addi %scan3A, %scan3A_31 : i32
    %scan3A_33 = arith.constant 1 : i32
    scf.for %scan3A_152 = %scan3A to %scan3A_32 step %scan3A_33  : i32 {
      %mul3A_153 = arith.constant 1 : i32
      %mul3A_154 = arith.muli %scan3A_152, %mul3A_153 : i32
      %add3A = arith.constant 0 : i32
      %add3A_155 = arith.addi %add3A, %mul3A_154 : i32
      %scan3A_156 = arith.constant 0 : i32
      %scan3A_157 = arith.constant 2 : i32
      %scan3A_158 = arith.addi %scan3A_156, %scan3A_157 : i32
      %scan3A_159 = arith.constant 1 : i32
      scf.for %scan3A_161 = %scan3A_156 to %scan3A_158 step %scan3A_159  : i32 {
        %mul3A_162 = arith.constant 32 : i32
        %mul3A_163 = arith.muli %scan3A_161, %mul3A_162 : i32
        %add3A_164 = arith.constant 0 : i32
        %add3A_165 = arith.addi %add3A_164, %mul3A_163 : i32
        %broadcast_in_dim3A = arith.constant 0.000000e+00 : bf16
        %broadcast_in_dim3A_166 = vector.broadcast %broadcast_in_dim3A : bf16 to vector<32xbf16>
        %swap3A = arith.index_cast %add3A_155 : i32 to index
        %swap3A_167 = arith.index_cast %add3A_165 : i32 to index
        %swap3A_168 = tpu.vector_load %arg18[%swap3A, %swap3A_167] {strides = array<i32>} : memref<64x64xbf16, #tpu.memory_space<vmem>>, vector<1x32xbf16>,
        %swap3A_169 = vector.shape_cast %swap3A_168 : vector<1x32xbf16> to vector<32xbf16>
        %swap3A_170 = vector.shape_cast %broadcast_in_dim3A_166 : vector<32xbf16> to vector<1x32xbf16>
        tpu.vector_store %arg18[%swap3A, %swap3A_167], %swap3A_170 {strides = array<i32>} : memref<64x64xbf16, #tpu.memory_space<vmem>>, vector<1x32xbf16>,
      }
      %scan3A_160 = arith.constant 2 : i32
    }
    %scan3A_34 = arith.constant 64 : i32
    %scan3A_35 = arith.constant 0 : i32
    %scan3A_36 = arith.constant 10 : i32
    %scan3A_37 = arith.addi %scan3A_35, %scan3A_36 : i32
    %scan3A_38 = arith.constant 1 : i32
    scf.for %scan3A_152 = %scan3A_35 to %scan3A_37 step %scan3A_38  : i32 {
      %mul3A_153 = arith.constant 64 : i32
      %mul3A_154 = arith.muli %scan3A_152, %mul3A_153 : i32
      %add3A = arith.constant 0 : i32
      %add3A_155 = arith.addi %add3A, %mul3A_154 : i32
      %mul3A_156 = arith.constant 640 : i32
      %mul3A_157 = arith.muli %arg1, %mul3A_156 : i32
      %add3A_158 = arith.addi %mul3A_157, %add3A_155 : i32
      "tpu.region"() ({
        %run_scoped3A = tpu.sem_alloc : memref<!tpu.dma_semaphore, #tpu.memory_space<semaphore_mem>>
        %dma_start3A_159 = arith.constant 0 : i32
        %dma_start3A_160 = tpu.memref_slice %arg19[%add3A_158, %dma_start3A_159] : memref<10240x64xbf16, #tpu.memory_space<vmem_shared>> -> memref<64x64xbf16, #tpu.memory_space<vmem_shared>>
        %dma_start3A_161 = arith.constant 0 : i32
        %dma_start3A_162 = tpu.memref_slice %arg19[%add3A_158, %dma_start3A_161] : memref<10240x64xbf16, #tpu.memory_space<vmem_shared>> -> memref<64x64xbf16, #tpu.memory_space<vmem_shared>>
        tpu.enqueue_dma source(%arg18 : memref<64x64xbf16, #tpu.memory_space<vmem>>) target(%dma_start3A_162 : memref<64x64xbf16, #tpu.memory_space<vmem_shared>>) target_semaphore(%run_scoped3A : memref<!tpu.dma_semaphore, #tpu.memory_space<semaphore_mem>>)
        %dma_wait3A_163 = arith.constant 0 : i32
        %dma_wait3A_164 = tpu.memref_slice %arg19[%add3A_158, %dma_wait3A_163] : memref<10240x64xbf16, #tpu.memory_space<vmem_shared>> -> memref<64x64xbf16, #tpu.memory_space<vmem_shared>>
        %dma_wait3A_165 = arith.constant 0 : i32
        %dma_wait3A_166 = tpu.memref_slice %arg19[%add3A_158, %dma_wait3A_165] : memref<10240x64xbf16, #tpu.memory_space<vmem_shared>> -> memref<64x64xbf16, #tpu.memory_space<vmem_shared>>
        tpu.wait_dma2 semaphore(%run_scoped3A : memref<!tpu.dma_semaphore, #tpu.memory_space<semaphore_mem>>) src(%arg18 : memref<64x64xbf16, #tpu.memory_space<vmem>>) dst(%dma_wait3A_166 : memref<64x64xbf16, #tpu.memory_space<vmem_shared>>)
        tpu.yield
      }) : () -> ()
    }
    %scan3A_39 = arith.constant 10 : i32
    %barrier3A = arith.constant 0 : index
    tpu.barrier barrier_id(%barrier3A)
    %dma_wait3A = arith.constant 0 : i32
    %dma_wait3A_40 = arith.constant 0 : i32
    %dma_wait3A_41 = tpu.memref_slice %arg2[%arg1, %dma_wait3A, %dma_wait3A_40] : memref<16x160x128xi32, #tpu.memory_space<hbm>> -> memref<1x8x128xi32, #tpu.memory_space<hbm>>
    %dma_wait3A_42 = tpu.memref_squeeze %dma_wait3A_41 : memref<1x8x128xi32, #tpu.memory_space<hbm>> -> memref<8x128xi32, #tpu.memory_space<hbm>>
    %dma_wait3A_43 = arith.constant 0 : i32
    %dma_wait3A_44 = arith.constant 0 : i32
    %dma_wait3A_45 = tpu.memref_slice %arg2[%arg1, %dma_wait3A_43, %dma_wait3A_44] : memref<16x160x128xi32, #tpu.memory_space<hbm>> -> memref<1x8x128xi32, #tpu.memory_space<hbm>>
    %dma_wait3A_46 = tpu.memref_squeeze %dma_wait3A_45 : memref<1x8x128xi32, #tpu.memory_space<hbm>> -> memref<8x128xi32, #tpu.memory_space<hbm>>
    tpu.wait_dma2 semaphore(%arg36 : memref<!tpu.dma_semaphore, #tpu.memory_space<semaphore_mem>>) src(%dma_wait3A_46 : memref<8x128xi32, #tpu.memory_space<hbm>>) dst(%arg6 : memref<8x128xi32, #tpu.memory_space<vmem>>)
    %dma_wait3A_47 = arith.constant 0 : i32
    %dma_wait3A_48 = arith.constant 0 : i32
    %dma_wait3A_49 = tpu.memref_slice %arg3[%arg1, %dma_wait3A_47, %dma_wait3A_48] : memref<16x160x128xi32, #tpu.memory_space<hbm>> -> memref<1x8x128xi32, #tpu.memory_space<hbm>>
    %dma_wait3A_50 = tpu.memref_squeeze %dma_wait3A_49 : memref<1x8x128xi32, #tpu.memory_space<hbm>> -> memref<8x128xi32, #tpu.memory_space<hbm>>
    %dma_wait3A_51 = arith.constant 0 : i32
    %dma_wait3A_52 = arith.constant 0 : i32
    %dma_wait3A_53 = tpu.memref_slice %arg3[%arg1, %dma_wait3A_51, %dma_wait3A_52] : memref<16x160x128xi32, #tpu.memory_space<hbm>> -> memref<1x8x128xi32, #tpu.memory_space<hbm>>
    %dma_wait3A_54 = tpu.memref_squeeze %dma_wait3A_53 : memref<1x8x128xi32, #tpu.memory_space<hbm>> -> memref<8x128xi32, #tpu.memory_space<hbm>>
    tpu.wait_dma2 semaphore(%arg36 : memref<!tpu.dma_semaphore, #tpu.memory_space<semaphore_mem>>) src(%dma_wait3A_54 : memref<8x128xi32, #tpu.memory_space<hbm>>) dst(%arg8 : memref<8x128xi32, #tpu.memory_space<vmem>>)
    %dma_start3A_55 = arith.constant 0 : i32
    %dma_start3A_56 = arith.constant 0 : i32
    %dma_start3A_57 = tpu.memref_slice %arg6[%dma_start3A_55, %dma_start3A_56] : memref<8x128xi32, #tpu.memory_space<vmem>> -> memref<1x128xi32, #tpu.memory_space<vmem>>
    %dma_start3A_58 = tpu.memref_squeeze %dma_start3A_57 : memref<1x128xi32, #tpu.memory_space<vmem>> -> memref<128xi32, #tpu.memory_space<vmem>>
    %dma_start3A_59 = arith.constant 0 : i32
    %dma_start3A_60 = arith.constant 0 : i32
    %dma_start3A_61 = tpu.memref_slice %arg4[%arg0, %dma_start3A_59, %dma_start3A_60] : memref<2x10000x64xbf16, #tpu.memory_space<hbm>> -> memref<1x10000x64xbf16, #tpu.memory_space<hbm>>
    %dma_start3A_62 = tpu.memref_squeeze %dma_start3A_61 : memref<1x10000x64xbf16, #tpu.memory_space<hbm>> -> memref<10000x64xbf16, #tpu.memory_space<hbm>>
    %dma_start3A_63 = arith.constant 0 : i32
    %dma_start3A_64 = arith.constant 0 : i32
    %dma_start3A_65 = tpu.memref_slice %dma_start3A_62[%dma_start3A_63, %dma_start3A_64] : memref<10000x64xbf16, #tpu.memory_space<hbm>> -> memref<10000x64xbf16, #tpu.memory_space<hbm>>
    tpu.enqueue_indirect_dma source(%dma_start3A_65 : memref<10000x64xbf16, #tpu.memory_space<hbm>>) target(%arg10 : memref<128x64xbf16, #tpu.memory_space<vmem>>) offsets(%dma_start3A_58 : memref<128xi32, #tpu.memory_space<vmem>>) semaphore(%arg20 : memref<!tpu.dma_semaphore, #tpu.memory_space<semaphore_mem>>)
    %dma_start3A_66 = arith.constant 1 : i32
    %dma_start3A_67 = arith.constant 0 : i32
    %dma_start3A_68 = tpu.memref_slice %arg6[%dma_start3A_66, %dma_start3A_67] : memref<8x128xi32, #tpu.memory_space<vmem>> -> memref<1x128xi32, #tpu.memory_space<vmem>>
    %dma_start3A_69 = tpu.memref_squeeze %dma_start3A_68 : memref<1x128xi32, #tpu.memory_space<vmem>> -> memref<128xi32, #tpu.memory_space<vmem>>
    %dma_start3A_70 = arith.constant 0 : i32
    %dma_start3A_71 = arith.constant 0 : i32
    %dma_start3A_72 = tpu.memref_slice %arg4[%arg0, %dma_start3A_70, %dma_start3A_71] : memref<2x10000x64xbf16, #tpu.memory_space<hbm>> -> memref<1x10000x64xbf16, #tpu.memory_space<hbm>>
    %dma_start3A_73 = tpu.memref_squeeze %dma_start3A_72 : memref<1x10000x64xbf16, #tpu.memory_space<hbm>> -> memref<10000x64xbf16, #tpu.memory_space<hbm>>
    %dma_start3A_74 = arith.constant 0 : i32
    %dma_start3A_75 = arith.constant 0 : i32
    %dma_start3A_76 = tpu.memref_slice %dma_start3A_73[%dma_start3A_74, %dma_start3A_75] : memref<10000x64xbf16, #tpu.memory_space<hbm>> -> memref<10000x64xbf16, #tpu.memory_space<hbm>>
    tpu.enqueue_indirect_dma source(%dma_start3A_76 : memref<10000x64xbf16, #tpu.memory_space<hbm>>) target(%arg11 : memref<128x64xbf16, #tpu.memory_space<vmem>>) offsets(%dma_start3A_69 : memref<128xi32, #tpu.memory_space<vmem>>) semaphore(%arg21 : memref<!tpu.dma_semaphore, #tpu.memory_space<semaphore_mem>>)
    %dma_start3A_77 = arith.constant 2 : i32
    %dma_start3A_78 = arith.constant 0 : i32
    %dma_start3A_79 = tpu.memref_slice %arg6[%dma_start3A_77, %dma_start3A_78] : memref<8x128xi32, #tpu.memory_space<vmem>> -> memref<1x128xi32, #tpu.memory_space<vmem>>
    %dma_start3A_80 = tpu.memref_squeeze %dma_start3A_79 : memref<1x128xi32, #tpu.memory_space<vmem>> -> memref<128xi32, #tpu.memory_space<vmem>>
    %dma_start3A_81 = arith.constant 0 : i32
    %dma_start3A_82 = arith.constant 0 : i32
    %dma_start3A_83 = tpu.memref_slice %arg4[%arg0, %dma_start3A_81, %dma_start3A_82] : memref<2x10000x64xbf16, #tpu.memory_space<hbm>> -> memref<1x10000x64xbf16, #tpu.memory_space<hbm>>
    %dma_start3A_84 = tpu.memref_squeeze %dma_start3A_83 : memref<1x10000x64xbf16, #tpu.memory_space<hbm>> -> memref<10000x64xbf16, #tpu.memory_space<hbm>>
    %dma_start3A_85 = arith.constant 0 : i32
    %dma_start3A_86 = arith.constant 0 : i32
    %dma_start3A_87 = tpu.memref_slice %dma_start3A_84[%dma_start3A_85, %dma_start3A_86] : memref<10000x64xbf16, #tpu.memory_space<hbm>> -> memref<10000x64xbf16, #tpu.memory_space<hbm>>
    tpu.enqueue_indirect_dma source(%dma_start3A_87 : memref<10000x64xbf16, #tpu.memory_space<hbm>>) target(%arg12 : memref<128x64xbf16, #tpu.memory_space<vmem>>) offsets(%dma_start3A_80 : memref<128xi32, #tpu.memory_space<vmem>>) semaphore(%arg22 : memref<!tpu.dma_semaphore, #tpu.memory_space<semaphore_mem>>)
    %dma_start3A_88 = arith.constant 3 : i32
    %dma_start3A_89 = arith.constant 0 : i32
    %dma_start3A_90 = tpu.memref_slice %arg6[%dma_start3A_88, %dma_start3A_89] : memref<8x128xi32, #tpu.memory_space<vmem>> -> memref<1x128xi32, #tpu.memory_space<vmem>>
    %dma_start3A_91 = tpu.memref_squeeze %dma_start3A_90 : memref<1x128xi32, #tpu.memory_space<vmem>> -> memref<128xi32, #tpu.memory_space<vmem>>
    %dma_start3A_92 = arith.constant 0 : i32
    %dma_start3A_93 = arith.constant 0 : i32
    %dma_start3A_94 = tpu.memref_slice %arg4[%arg0, %dma_start3A_92, %dma_start3A_93] : memref<2x10000x64xbf16, #tpu.memory_space<hbm>> -> memref<1x10000x64xbf16, #tpu.memory_space<hbm>>
    %dma_start3A_95 = tpu.memref_squeeze %dma_start3A_94 : memref<1x10000x64xbf16, #tpu.memory_space<hbm>> -> memref<10000x64xbf16, #tpu.memory_space<hbm>>
    %dma_start3A_96 = arith.constant 0 : i32
    %dma_start3A_97 = arith.constant 0 : i32
    %dma_start3A_98 = tpu.memref_slice %dma_start3A_95[%dma_start3A_96, %dma_start3A_97] : memref<10000x64xbf16, #tpu.memory_space<hbm>> -> memref<10000x64xbf16, #tpu.memory_space<hbm>>
    tpu.enqueue_indirect_dma source(%dma_start3A_98 : memref<10000x64xbf16, #tpu.memory_space<hbm>>) target(%arg13 : memref<128x64xbf16, #tpu.memory_space<vmem>>) offsets(%dma_start3A_91 : memref<128xi32, #tpu.memory_space<vmem>>) semaphore(%arg23 : memref<!tpu.dma_semaphore, #tpu.memory_space<semaphore_mem>>)
    %dma_start3A_99 = arith.constant 4 : i32
    %dma_start3A_100 = arith.constant 0 : i32
    %dma_start3A_101 = tpu.memref_slice %arg6[%dma_start3A_99, %dma_start3A_100] : memref<8x128xi32, #tpu.memory_space<vmem>> -> memref<1x128xi32, #tpu.memory_space<vmem>>
    %dma_start3A_102 = tpu.memref_squeeze %dma_start3A_101 : memref<1x128xi32, #tpu.memory_space<vmem>> -> memref<128xi32, #tpu.memory_space<vmem>>
    %dma_start3A_103 = arith.constant 0 : i32
    %dma_start3A_104 = arith.constant 0 : i32
    %dma_start3A_105 = tpu.memref_slice %arg4[%arg0, %dma_start3A_103, %dma_start3A_104] : memref<2x10000x64xbf16, #tpu.memory_space<hbm>> -> memref<1x10000x64xbf16, #tpu.memory_space<hbm>>
    %dma_start3A_106 = tpu.memref_squeeze %dma_start3A_105 : memref<1x10000x64xbf16, #tpu.memory_space<hbm>> -> memref<10000x64xbf16, #tpu.memory_space<hbm>>
    %dma_start3A_107 = arith.constant 0 : i32
    %dma_start3A_108 = arith.constant 0 : i32
    %dma_start3A_109 = tpu.memref_slice %dma_start3A_106[%dma_start3A_107, %dma_start3A_108] : memref<10000x64xbf16, #tpu.memory_space<hbm>> -> memref<10000x64xbf16, #tpu.memory_space<hbm>>
    tpu.enqueue_indirect_dma source(%dma_start3A_109 : memref<10000x64xbf16, #tpu.memory_space<hbm>>) target(%arg14 : memref<128x64xbf16, #tpu.memory_space<vmem>>) offsets(%dma_start3A_102 : memref<128xi32, #tpu.memory_space<vmem>>) semaphore(%arg24 : memref<!tpu.dma_semaphore, #tpu.memory_space<semaphore_mem>>)
    %dma_start3A_110 = arith.constant 5 : i32
    %dma_start3A_111 = arith.constant 0 : i32
    %dma_start3A_112 = tpu.memref_slice %arg6[%dma_start3A_110, %dma_start3A_111] : memref<8x128xi32, #tpu.memory_space<vmem>> -> memref<1x128xi32, #tpu.memory_space<vmem>>
    %dma_start3A_113 = tpu.memref_squeeze %dma_start3A_112 : memref<1x128xi32, #tpu.memory_space<vmem>> -> memref<128xi32, #tpu.memory_space<vmem>>
    %dma_start3A_114 = arith.constant 0 : i32
    %dma_start3A_115 = arith.constant 0 : i32
    %dma_start3A_116 = tpu.memref_slice %arg4[%arg0, %dma_start3A_114, %dma_start3A_115] : memref<2x10000x64xbf16, #tpu.memory_space<hbm>> -> memref<1x10000x64xbf16, #tpu.memory_space<hbm>>
    %dma_start3A_117 = tpu.memref_squeeze %dma_start3A_116 : memref<1x10000x64xbf16, #tpu.memory_space<hbm>> -> memref<10000x64xbf16, #tpu.memory_space<hbm>>
    %dma_start3A_118 = arith.constant 0 : i32
    %dma_start3A_119 = arith.constant 0 : i32
    %dma_start3A_120 = tpu.memref_slice %dma_start3A_117[%dma_start3A_118, %dma_start3A_119] : memref<10000x64xbf16, #tpu.memory_space<hbm>> -> memref<10000x64xbf16, #tpu.memory_space<hbm>>
    tpu.enqueue_indirect_dma source(%dma_start3A_120 : memref<10000x64xbf16, #tpu.memory_space<hbm>>) target(%arg15 : memref<128x64xbf16, #tpu.memory_space<vmem>>) offsets(%dma_start3A_113 : memref<128xi32, #tpu.memory_space<vmem>>) semaphore(%arg25 : memref<!tpu.dma_semaphore, #tpu.memory_space<semaphore_mem>>)
    %dma_start3A_121 = arith.constant 6 : i32
    %dma_start3A_122 = arith.constant 0 : i32
    %dma_start3A_123 = tpu.memref_slice %arg6[%dma_start3A_121, %dma_start3A_122] : memref<8x128xi32, #tpu.memory_space<vmem>> -> memref<1x128xi32, #tpu.memory_space<vmem>>
    %dma_start3A_124 = tpu.memref_squeeze %dma_start3A_123 : memref<1x128xi32, #tpu.memory_space<vmem>> -> memref<128xi32, #tpu.memory_space<vmem>>
    %dma_start3A_125 = arith.constant 0 : i32
    %dma_start3A_126 = arith.constant 0 : i32
    %dma_start3A_127 = tpu.memref_slice %arg4[%arg0, %dma_start3A_125, %dma_start3A_126] : memref<2x10000x64xbf16, #tpu.memory_space<hbm>> -> memref<1x10000x64xbf16, #tpu.memory_space<hbm>>
    %dma_start3A_128 = tpu.memref_squeeze %dma_start3A_127 : memref<1x10000x64xbf16, #tpu.memory_space<hbm>> -> memref<10000x64xbf16, #tpu.memory_space<hbm>>
    %dma_start3A_129 = arith.constant 0 : i32
    %dma_start3A_130 = arith.constant 0 : i32
    %dma_start3A_131 = tpu.memref_slice %dma_start3A_128[%dma_start3A_129, %dma_start3A_130] : memref<10000x64xbf16, #tpu.memory_space<hbm>> -> memref<10000x64xbf16, #tpu.memory_space<hbm>>
    tpu.enqueue_indirect_dma source(%dma_start3A_131 : memref<10000x64xbf16, #tpu.memory_space<hbm>>) target(%arg16 : memref<128x64xbf16, #tpu.memory_space<vmem>>) offsets(%dma_start3A_124 : memref<128xi32, #tpu.memory_space<vmem>>) semaphore(%arg26 : memref<!tpu.dma_semaphore, #tpu.memory_space<semaphore_mem>>)
    %dma_start3A_132 = arith.constant 7 : i32
    %dma_start3A_133 = arith.constant 0 : i32
    %dma_start3A_134 = tpu.memref_slice %arg6[%dma_start3A_132, %dma_start3A_133] : memref<8x128xi32, #tpu.memory_space<vmem>> -> memref<1x128xi32, #tpu.memory_space<vmem>>
    %dma_start3A_135 = tpu.memref_squeeze %dma_start3A_134 : memref<1x128xi32, #tpu.memory_space<vmem>> -> memref<128xi32, #tpu.memory_space<vmem>>
    %dma_start3A_136 = arith.constant 0 : i32
    %dma_start3A_137 = arith.constant 0 : i32
    %dma_start3A_138 = tpu.memref_slice %arg4[%arg0, %dma_start3A_136, %dma_start3A_137] : memref<2x10000x64xbf16, #tpu.memory_space<hbm>> -> memref<1x10000x64xbf16, #tpu.memory_space<hbm>>
    %dma_start3A_139 = tpu.memref_squeeze %dma_start3A_138 : memref<1x10000x64xbf16, #tpu.memory_space<hbm>> -> memref<10000x64xbf16, #tpu.memory_space<hbm>>
    %dma_start3A_140 = arith.constant 0 : i32
    %dma_start3A_141 = arith.constant 0 : i32
    %dma_start3A_142 = tpu.memref_slice %dma_start3A_139[%dma_start3A_140, %dma_start3A_141] : memref<10000x64xbf16, #tpu.memory_space<hbm>> -> memref<10000x64xbf16, #tpu.memory_space<hbm>>
    tpu.enqueue_indirect_dma source(%dma_start3A_142 : memref<10000x64xbf16, #tpu.memory_space<hbm>>) target(%arg17 : memref<128x64xbf16, #tpu.memory_space<vmem>>) offsets(%dma_start3A_135 : memref<128xi32, #tpu.memory_space<vmem>>) semaphore(%arg27 : memref<!tpu.dma_semaphore, #tpu.memory_space<semaphore_mem>>)
    %scan3A_143 = arith.constant 0 : i32
    %scan3A_144 = arith.constant 10 : i32
    %scan3A_145 = arith.addi %scan3A_143, %scan3A_144 : i32
    %scan3A_146 = arith.constant 1 : i32
    scf.for %scan3A_152 = %scan3A_143 to %scan3A_145 step %scan3A_146  : i32 {
      %mul3A_153 = arith.constant 2 : i32
      %mul3A_154 = arith.muli %scan3A_152, %mul3A_153 : i32
      %add3A = arith.constant 0 : i32
      %add3A_155 = arith.addi %add3A, %mul3A_154 : i32
      %dma_wait3A_156 = arith.constant 0 : i32
      %dma_wait3A_157 = arith.constant 0 : i32
      %dma_wait3A_158 = tpu.memref_slice %arg6[%dma_wait3A_156, %dma_wait3A_157] : memref<8x128xi32, #tpu.memory_space<vmem>> -> memref<1x128xi32, #tpu.memory_space<vmem>>
      %dma_wait3A_159 = tpu.memref_squeeze %dma_wait3A_158 : memref<1x128xi32, #tpu.memory_space<vmem>> -> memref<128xi32, #tpu.memory_space<vmem>>
      %dma_wait3A_160 = arith.constant 0 : i32
      %dma_wait3A_161 = arith.constant 0 : i32
      %dma_wait3A_162 = tpu.memref_slice %arg4[%arg0, %dma_wait3A_160, %dma_wait3A_161] : memref<2x10000x64xbf16, #tpu.memory_space<hbm>> -> memref<1x10000x64xbf16, #tpu.memory_space<hbm>>
      %dma_wait3A_163 = tpu.memref_squeeze %dma_wait3A_162 : memref<1x10000x64xbf16, #tpu.memory_space<hbm>> -> memref<10000x64xbf16, #tpu.memory_space<hbm>>
      %dma_wait3A_164 = arith.constant 0 : i32
      %dma_wait3A_165 = arith.constant 0 : i32
      %dma_wait3A_166 = tpu.memref_slice %dma_wait3A_163[%dma_wait3A_164, %dma_wait3A_165] : memref<10000x64xbf16, #tpu.memory_space<hbm>> -> memref<10000x64xbf16, #tpu.memory_space<hbm>>
      tpu.wait_indirect_dma semaphore(%arg20 : memref<!tpu.dma_semaphore, #tpu.memory_space<semaphore_mem>>) src(%dma_wait3A_166 : memref<10000x64xbf16, #tpu.memory_space<hbm>>) dst(%arg10 : memref<128x64xbf16, #tpu.memory_space<vmem>>)
      %dma_start3A_167 = arith.constant 0 : i32
      %dma_start3A_168 = arith.constant 0 : i32
      %dma_start3A_169 = tpu.memref_slice %arg8[%dma_start3A_167, %dma_start3A_168] : memref<8x128xi32, #tpu.memory_space<vmem>> -> memref<1x128xi32, #tpu.memory_space<vmem>>
      %dma_start3A_170 = tpu.memref_squeeze %dma_start3A_169 : memref<1x128xi32, #tpu.memory_space<vmem>> -> memref<128xi32, #tpu.memory_space<vmem>>
      %dma_start3A_171 = arith.constant 0 : i32
      %dma_start3A_172 = arith.constant 0 : i32
      %dma_start3A_173 = tpu.memref_slice %arg19[%dma_start3A_171, %dma_start3A_172] : memref<10240x64xbf16, #tpu.memory_space<vmem_shared>> -> memref<10240x64xbf16, #tpu.memory_space<vmem_shared>>
      tpu.enqueue_indirect_dma source(%arg10 : memref<128x64xbf16, #tpu.memory_space<vmem>>) target(%dma_start3A_173 : memref<10240x64xbf16, #tpu.memory_space<vmem_shared>>) offsets(%dma_start3A_170 : memref<128xi32, #tpu.memory_space<vmem>>) semaphore(%arg28 : memref<!tpu.dma_semaphore, #tpu.memory_space<semaphore_mem>>) {add = true}
      %dma_wait3A_174 = arith.constant 1 : i32
      %dma_wait3A_175 = arith.constant 0 : i32
      %dma_wait3A_176 = tpu.memref_slice %arg6[%dma_wait3A_174, %dma_wait3A_175] : memref<8x128xi32, #tpu.memory_space<vmem>> -> memref<1x128xi32, #tpu.memory_space<vmem>>
      %dma_wait3A_177 = tpu.memref_squeeze %dma_wait3A_176 : memref<1x128xi32, #tpu.memory_space<vmem>> -> memref<128xi32, #tpu.memory_space<vmem>>
      %dma_wait3A_178 = arith.constant 0 : i32
      %dma_wait3A_179 = arith.constant 0 : i32
      %dma_wait3A_180 = tpu.memref_slice %arg4[%arg0, %dma_wait3A_178, %dma_wait3A_179] : memref<2x10000x64xbf16, #tpu.memory_space<hbm>> -> memref<1x10000x64xbf16, #tpu.memory_space<hbm>>
      %dma_wait3A_181 = tpu.memref_squeeze %dma_wait3A_180 : memref<1x10000x64xbf16, #tpu.memory_space<hbm>> -> memref<10000x64xbf16, #tpu.memory_space<hbm>>
      %dma_wait3A_182 = arith.constant 0 : i32
      %dma_wait3A_183 = arith.constant 0 : i32
      %dma_wait3A_184 = tpu.memref_slice %dma_wait3A_181[%dma_wait3A_182, %dma_wait3A_183] : memref<10000x64xbf16, #tpu.memory_space<hbm>> -> memref<10000x64xbf16, #tpu.memory_space<hbm>>
      tpu.wait_indirect_dma semaphore(%arg21 : memref<!tpu.dma_semaphore, #tpu.memory_space<semaphore_mem>>) src(%dma_wait3A_184 : memref<10000x64xbf16, #tpu.memory_space<hbm>>) dst(%arg11 : memref<128x64xbf16, #tpu.memory_space<vmem>>)
      %dma_start3A_185 = arith.constant 1 : i32
      %dma_start3A_186 = arith.constant 0 : i32
      %dma_start3A_187 = tpu.memref_slice %arg8[%dma_start3A_185, %dma_start3A_186] : memref<8x128xi32, #tpu.memory_space<vmem>> -> memref<1x128xi32, #tpu.memory_space<vmem>>
      %dma_start3A_188 = tpu.memref_squeeze %dma_start3A_187 : memref<1x128xi32, #tpu.memory_space<vmem>> -> memref<128xi32, #tpu.memory_space<vmem>>
      %dma_start3A_189 = arith.constant 0 : i32
      %dma_start3A_190 = arith.constant 0 : i32
      %dma_start3A_191 = tpu.memref_slice %arg19[%dma_start3A_189, %dma_start3A_190] : memref<10240x64xbf16, #tpu.memory_space<vmem_shared>> -> memref<10240x64xbf16, #tpu.memory_space<vmem_shared>>
      tpu.enqueue_indirect_dma source(%arg11 : memref<128x64xbf16, #tpu.memory_space<vmem>>) target(%dma_start3A_191 : memref<10240x64xbf16, #tpu.memory_space<vmem_shared>>) offsets(%dma_start3A_188 : memref<128xi32, #tpu.memory_space<vmem>>) semaphore(%arg29 : memref<!tpu.dma_semaphore, #tpu.memory_space<semaphore_mem>>) {add = true}
      %dma_wait3A_192 = arith.constant 2 : i32
      %dma_wait3A_193 = arith.constant 0 : i32
      %dma_wait3A_194 = tpu.memref_slice %arg6[%dma_wait3A_192, %dma_wait3A_193] : memref<8x128xi32, #tpu.memory_space<vmem>> -> memref<1x128xi32, #tpu.memory_space<vmem>>
      %dma_wait3A_195 = tpu.memref_squeeze %dma_wait3A_194 : memref<1x128xi32, #tpu.memory_space<vmem>> -> memref<128xi32, #tpu.memory_space<vmem>>
      %dma_wait3A_196 = arith.constant 0 : i32
      %dma_wait3A_197 = arith.constant 0 : i32
      %dma_wait3A_198 = tpu.memref_slice %arg4[%arg0, %dma_wait3A_196, %dma_wait3A_197] : memref<2x10000x64xbf16, #tpu.memory_space<hbm>> -> memref<1x10000x64xbf16, #tpu.memory_space<hbm>>
      %dma_wait3A_199 = tpu.memref_squeeze %dma_wait3A_198 : memref<1x10000x64xbf16, #tpu.memory_space<hbm>> -> memref<10000x64xbf16, #tpu.memory_space<hbm>>
      %dma_wait3A_200 = arith.constant 0 : i32
      %dma_wait3A_201 = arith.constant 0 : i32
      %dma_wait3A_202 = tpu.memref_slice %dma_wait3A_199[%dma_wait3A_200, %dma_wait3A_201] : memref<10000x64xbf16, #tpu.memory_space<hbm>> -> memref<10000x64xbf16, #tpu.memory_space<hbm>>
      tpu.wait_indirect_dma semaphore(%arg22 : memref<!tpu.dma_semaphore, #tpu.memory_space<semaphore_mem>>) src(%dma_wait3A_202 : memref<10000x64xbf16, #tpu.memory_space<hbm>>) dst(%arg12 : memref<128x64xbf16, #tpu.memory_space<vmem>>)
      %dma_start3A_203 = arith.constant 2 : i32
      %dma_start3A_204 = arith.constant 0 : i32
      %dma_start3A_205 = tpu.memref_slice %arg8[%dma_start3A_203, %dma_start3A_204] : memref<8x128xi32, #tpu.memory_space<vmem>> -> memref<1x128xi32, #tpu.memory_space<vmem>>
      %dma_start3A_206 = tpu.memref_squeeze %dma_start3A_205 : memref<1x128xi32, #tpu.memory_space<vmem>> -> memref<128xi32, #tpu.memory_space<vmem>>
      %dma_start3A_207 = arith.constant 0 : i32
      %dma_start3A_208 = arith.constant 0 : i32
      %dma_start3A_209 = tpu.memref_slice %arg19[%dma_start3A_207, %dma_start3A_208] : memref<10240x64xbf16, #tpu.memory_space<vmem_shared>> -> memref<10240x64xbf16, #tpu.memory_space<vmem_shared>>
      tpu.enqueue_indirect_dma source(%arg12 : memref<128x64xbf16, #tpu.memory_space<vmem>>) target(%dma_start3A_209 : memref<10240x64xbf16, #tpu.memory_space<vmem_shared>>) offsets(%dma_start3A_206 : memref<128xi32, #tpu.memory_space<vmem>>) semaphore(%arg30 : memref<!tpu.dma_semaphore, #tpu.memory_space<semaphore_mem>>) {add = true}
      %dma_wait3A_210 = arith.constant 3 : i32
      %dma_wait3A_211 = arith.constant 0 : i32
      %dma_wait3A_212 = tpu.memref_slice %arg6[%dma_wait3A_210, %dma_wait3A_211] : memref<8x128xi32, #tpu.memory_space<vmem>> -> memref<1x128xi32, #tpu.memory_space<vmem>>
      %dma_wait3A_213 = tpu.memref_squeeze %dma_wait3A_212 : memref<1x128xi32, #tpu.memory_space<vmem>> -> memref<128xi32, #tpu.memory_space<vmem>>
      %dma_wait3A_214 = arith.constant 0 : i32
      %dma_wait3A_215 = arith.constant 0 : i32
      %dma_wait3A_216 = tpu.memref_slice %arg4[%arg0, %dma_wait3A_214, %dma_wait3A_215] : memref<2x10000x64xbf16, #tpu.memory_space<hbm>> -> memref<1x10000x64xbf16, #tpu.memory_space<hbm>>
      %dma_wait3A_217 = tpu.memref_squeeze %dma_wait3A_216 : memref<1x10000x64xbf16, #tpu.memory_space<hbm>> -> memref<10000x64xbf16, #tpu.memory_space<hbm>>
      %dma_wait3A_218 = arith.constant 0 : i32
      %dma_wait3A_219 = arith.constant 0 : i32
      %dma_wait3A_220 = tpu.memref_slice %dma_wait3A_217[%dma_wait3A_218, %dma_wait3A_219] : memref<10000x64xbf16, #tpu.memory_space<hbm>> -> memref<10000x64xbf16, #tpu.memory_space<hbm>>
      tpu.wait_indirect_dma semaphore(%arg23 : memref<!tpu.dma_semaphore, #tpu.memory_space<semaphore_mem>>) src(%dma_wait3A_220 : memref<10000x64xbf16, #tpu.memory_space<hbm>>) dst(%arg13 : memref<128x64xbf16, #tpu.memory_space<vmem>>)
      %dma_start3A_221 = arith.constant 3 : i32
      %dma_start3A_222 = arith.constant 0 : i32
      %dma_start3A_223 = tpu.memref_slice %arg8[%dma_start3A_221, %dma_start3A_222] : memref<8x128xi32, #tpu.memory_space<vmem>> -> memref<1x128xi32, #tpu.memory_space<vmem>>
      %dma_start3A_224 = tpu.memref_squeeze %dma_start3A_223 : memref<1x128xi32, #tpu.memory_space<vmem>> -> memref<128xi32, #tpu.memory_space<vmem>>
      %dma_start3A_225 = arith.constant 0 : i32
      %dma_start3A_226 = arith.constant 0 : i32
      %dma_start3A_227 = tpu.memref_slice %arg19[%dma_start3A_225, %dma_start3A_226] : memref<10240x64xbf16, #tpu.memory_space<vmem_shared>> -> memref<10240x64xbf16, #tpu.memory_space<vmem_shared>>
      tpu.enqueue_indirect_dma source(%arg13 : memref<128x64xbf16, #tpu.memory_space<vmem>>) target(%dma_start3A_227 : memref<10240x64xbf16, #tpu.memory_space<vmem_shared>>) offsets(%dma_start3A_224 : memref<128xi32, #tpu.memory_space<vmem>>) semaphore(%arg31 : memref<!tpu.dma_semaphore, #tpu.memory_space<semaphore_mem>>) {add = true}
      %dma_wait3A_228 = arith.constant 4 : i32
      %dma_wait3A_229 = arith.constant 0 : i32
      %dma_wait3A_230 = tpu.memref_slice %arg6[%dma_wait3A_228, %dma_wait3A_229] : memref<8x128xi32, #tpu.memory_space<vmem>> -> memref<1x128xi32, #tpu.memory_space<vmem>>
      %dma_wait3A_231 = tpu.memref_squeeze %dma_wait3A_230 : memref<1x128xi32, #tpu.memory_space<vmem>> -> memref<128xi32, #tpu.memory_space<vmem>>
      %dma_wait3A_232 = arith.constant 0 : i32
      %dma_wait3A_233 = arith.constant 0 : i32
      %dma_wait3A_234 = tpu.memref_slice %arg4[%arg0, %dma_wait3A_232, %dma_wait3A_233] : memref<2x10000x64xbf16, #tpu.memory_space<hbm>> -> memref<1x10000x64xbf16, #tpu.memory_space<hbm>>
      %dma_wait3A_235 = tpu.memref_squeeze %dma_wait3A_234 : memref<1x10000x64xbf16, #tpu.memory_space<hbm>> -> memref<10000x64xbf16, #tpu.memory_space<hbm>>
      %dma_wait3A_236 = arith.constant 0 : i32
      %dma_wait3A_237 = arith.constant 0 : i32
      %dma_wait3A_238 = tpu.memref_slice %dma_wait3A_235[%dma_wait3A_236, %dma_wait3A_237] : memref<10000x64xbf16, #tpu.memory_space<hbm>> -> memref<10000x64xbf16, #tpu.memory_space<hbm>>
      tpu.wait_indirect_dma semaphore(%arg24 : memref<!tpu.dma_semaphore, #tpu.memory_space<semaphore_mem>>) src(%dma_wait3A_238 : memref<10000x64xbf16, #tpu.memory_space<hbm>>) dst(%arg14 : memref<128x64xbf16, #tpu.memory_space<vmem>>)
      %dma_start3A_239 = arith.constant 4 : i32
      %dma_start3A_240 = arith.constant 0 : i32
      %dma_start3A_241 = tpu.memref_slice %arg8[%dma_start3A_239, %dma_start3A_240] : memref<8x128xi32, #tpu.memory_space<vmem>> -> memref<1x128xi32, #tpu.memory_space<vmem>>
      %dma_start3A_242 = tpu.memref_squeeze %dma_start3A_241 : memref<1x128xi32, #tpu.memory_space<vmem>> -> memref<128xi32, #tpu.memory_space<vmem>>
      %dma_start3A_243 = arith.constant 0 : i32
      %dma_start3A_244 = arith.constant 0 : i32
      %dma_start3A_245 = tpu.memref_slice %arg19[%dma_start3A_243, %dma_start3A_244] : memref<10240x64xbf16, #tpu.memory_space<vmem_shared>> -> memref<10240x64xbf16, #tpu.memory_space<vmem_shared>>
      tpu.enqueue_indirect_dma source(%arg14 : memref<128x64xbf16, #tpu.memory_space<vmem>>) target(%dma_start3A_245 : memref<10240x64xbf16, #tpu.memory_space<vmem_shared>>) offsets(%dma_start3A_242 : memref<128xi32, #tpu.memory_space<vmem>>) semaphore(%arg32 : memref<!tpu.dma_semaphore, #tpu.memory_space<semaphore_mem>>) {add = true}
      %dma_wait3A_246 = arith.constant 5 : i32
      %dma_wait3A_247 = arith.constant 0 : i32
      %dma_wait3A_248 = tpu.memref_slice %arg6[%dma_wait3A_246, %dma_wait3A_247] : memref<8x128xi32, #tpu.memory_space<vmem>> -> memref<1x128xi32, #tpu.memory_space<vmem>>
      %dma_wait3A_249 = tpu.memref_squeeze %dma_wait3A_248 : memref<1x128xi32, #tpu.memory_space<vmem>> -> memref<128xi32, #tpu.memory_space<vmem>>
      %dma_wait3A_250 = arith.constant 0 : i32
      %dma_wait3A_251 = arith.constant 0 : i32
      %dma_wait3A_252 = tpu.memref_slice %arg4[%arg0, %dma_wait3A_250, %dma_wait3A_251] : memref<2x10000x64xbf16, #tpu.memory_space<hbm>> -> memref<1x10000x64xbf16, #tpu.memory_space<hbm>>
      %dma_wait3A_253 = tpu.memref_squeeze %dma_wait3A_252 : memref<1x10000x64xbf16, #tpu.memory_space<hbm>> -> memref<10000x64xbf16, #tpu.memory_space<hbm>>
      %dma_wait3A_254 = arith.constant 0 : i32
      %dma_wait3A_255 = arith.constant 0 : i32
      %dma_wait3A_256 = tpu.memref_slice %dma_wait3A_253[%dma_wait3A_254, %dma_wait3A_255] : memref<10000x64xbf16, #tpu.memory_space<hbm>> -> memref<10000x64xbf16, #tpu.memory_space<hbm>>
      tpu.wait_indirect_dma semaphore(%arg25 : memref<!tpu.dma_semaphore, #tpu.memory_space<semaphore_mem>>) src(%dma_wait3A_256 : memref<10000x64xbf16, #tpu.memory_space<hbm>>) dst(%arg15 : memref<128x64xbf16, #tpu.memory_space<vmem>>)
      %dma_start3A_257 = arith.constant 5 : i32
      %dma_start3A_258 = arith.constant 0 : i32
      %dma_start3A_259 = tpu.memref_slice %arg8[%dma_start3A_257, %dma_start3A_258] : memref<8x128xi32, #tpu.memory_space<vmem>> -> memref<1x128xi32, #tpu.memory_space<vmem>>
      %dma_start3A_260 = tpu.memref_squeeze %dma_start3A_259 : memref<1x128xi32, #tpu.memory_space<vmem>> -> memref<128xi32, #tpu.memory_space<vmem>>
      %dma_start3A_261 = arith.constant 0 : i32
      %dma_start3A_262 = arith.constant 0 : i32
      %dma_start3A_263 = tpu.memref_slice %arg19[%dma_start3A_261, %dma_start3A_262] : memref<10240x64xbf16, #tpu.memory_space<vmem_shared>> -> memref<10240x64xbf16, #tpu.memory_space<vmem_shared>>
      tpu.enqueue_indirect_dma source(%arg15 : memref<128x64xbf16, #tpu.memory_space<vmem>>) target(%dma_start3A_263 : memref<10240x64xbf16, #tpu.memory_space<vmem_shared>>) offsets(%dma_start3A_260 : memref<128xi32, #tpu.memory_space<vmem>>) semaphore(%arg33 : memref<!tpu.dma_semaphore, #tpu.memory_space<semaphore_mem>>) {add = true}
      %dma_wait3A_264 = arith.constant 6 : i32
      %dma_wait3A_265 = arith.constant 0 : i32
      %dma_wait3A_266 = tpu.memref_slice %arg6[%dma_wait3A_264, %dma_wait3A_265] : memref<8x128xi32, #tpu.memory_space<vmem>> -> memref<1x128xi32, #tpu.memory_space<vmem>>
      %dma_wait3A_267 = tpu.memref_squeeze %dma_wait3A_266 : memref<1x128xi32, #tpu.memory_space<vmem>> -> memref<128xi32, #tpu.memory_space<vmem>>
      %dma_wait3A_268 = arith.constant 0 : i32
      %dma_wait3A_269 = arith.constant 0 : i32
      %dma_wait3A_270 = tpu.memref_slice %arg4[%arg0, %dma_wait3A_268, %dma_wait3A_269] : memref<2x10000x64xbf16, #tpu.memory_space<hbm>> -> memref<1x10000x64xbf16, #tpu.memory_space<hbm>>
      %dma_wait3A_271 = tpu.memref_squeeze %dma_wait3A_270 : memref<1x10000x64xbf16, #tpu.memory_space<hbm>> -> memref<10000x64xbf16, #tpu.memory_space<hbm>>
      %dma_wait3A_272 = arith.constant 0 : i32
      %dma_wait3A_273 = arith.constant 0 : i32
      %dma_wait3A_274 = tpu.memref_slice %dma_wait3A_271[%dma_wait3A_272, %dma_wait3A_273] : memref<10000x64xbf16, #tpu.memory_space<hbm>> -> memref<10000x64xbf16, #tpu.memory_space<hbm>>
      tpu.wait_indirect_dma semaphore(%arg26 : memref<!tpu.dma_semaphore, #tpu.memory_space<semaphore_mem>>) src(%dma_wait3A_274 : memref<10000x64xbf16, #tpu.memory_space<hbm>>) dst(%arg16 : memref<128x64xbf16, #tpu.memory_space<vmem>>)
      %dma_start3A_275 = arith.constant 6 : i32
      %dma_start3A_276 = arith.constant 0 : i32
      %dma_start3A_277 = tpu.memref_slice %arg8[%dma_start3A_275, %dma_start3A_276] : memref<8x128xi32, #tpu.memory_space<vmem>> -> memref<1x128xi32, #tpu.memory_space<vmem>>
      %dma_start3A_278 = tpu.memref_squeeze %dma_start3A_277 : memref<1x128xi32, #tpu.memory_space<vmem>> -> memref<128xi32, #tpu.memory_space<vmem>>
      %dma_start3A_279 = arith.constant 0 : i32
      %dma_start3A_280 = arith.constant 0 : i32
      %dma_start3A_281 = tpu.memref_slice %arg19[%dma_start3A_279, %dma_start3A_280] : memref<10240x64xbf16, #tpu.memory_space<vmem_shared>> -> memref<10240x64xbf16, #tpu.memory_space<vmem_shared>>
      tpu.enqueue_indirect_dma source(%arg16 : memref<128x64xbf16, #tpu.memory_space<vmem>>) target(%dma_start3A_281 : memref<10240x64xbf16, #tpu.memory_space<vmem_shared>>) offsets(%dma_start3A_278 : memref<128xi32, #tpu.memory_space<vmem>>) semaphore(%arg34 : memref<!tpu.dma_semaphore, #tpu.memory_space<semaphore_mem>>) {add = true}
      %dma_wait3A_282 = arith.constant 7 : i32
      %dma_wait3A_283 = arith.constant 0 : i32
      %dma_wait3A_284 = tpu.memref_slice %arg6[%dma_wait3A_282, %dma_wait3A_283] : memref<8x128xi32, #tpu.memory_space<vmem>> -> memref<1x128xi32, #tpu.memory_space<vmem>>
      %dma_wait3A_285 = tpu.memref_squeeze %dma_wait3A_284 : memref<1x128xi32, #tpu.memory_space<vmem>> -> memref<128xi32, #tpu.memory_space<vmem>>
      %dma_wait3A_286 = arith.constant 0 : i32
      %dma_wait3A_287 = arith.constant 0 : i32
      %dma_wait3A_288 = tpu.memref_slice %arg4[%arg0, %dma_wait3A_286, %dma_wait3A_287] : memref<2x10000x64xbf16, #tpu.memory_space<hbm>> -> memref<1x10000x64xbf16, #tpu.memory_space<hbm>>
      %dma_wait3A_289 = tpu.memref_squeeze %dma_wait3A_288 : memref<1x10000x64xbf16, #tpu.memory_space<hbm>> -> memref<10000x64xbf16, #tpu.memory_space<hbm>>
      %dma_wait3A_290 = arith.constant 0 : i32
      %dma_wait3A_291 = arith.constant 0 : i32
      %dma_wait3A_292 = tpu.memref_slice %dma_wait3A_289[%dma_wait3A_290, %dma_wait3A_291] : memref<10000x64xbf16, #tpu.memory_space<hbm>> -> memref<10000x64xbf16, #tpu.memory_space<hbm>>
      tpu.wait_indirect_dma semaphore(%arg27 : memref<!tpu.dma_semaphore, #tpu.memory_space<semaphore_mem>>) src(%dma_wait3A_292 : memref<10000x64xbf16, #tpu.memory_space<hbm>>) dst(%arg17 : memref<128x64xbf16, #tpu.memory_space<vmem>>)
      %dma_start3A_293 = arith.constant 7 : i32
      %dma_start3A_294 = arith.constant 0 : i32
      %dma_start3A_295 = tpu.memref_slice %arg8[%dma_start3A_293, %dma_start3A_294] : memref<8x128xi32, #tpu.memory_space<vmem>> -> memref<1x128xi32, #tpu.memory_space<vmem>>
      %dma_start3A_296 = tpu.memref_squeeze %dma_start3A_295 : memref<1x128xi32, #tpu.memory_space<vmem>> -> memref<128xi32, #tpu.memory_space<vmem>>
      %dma_start3A_297 = arith.constant 0 : i32
      %dma_start3A_298 = arith.constant 0 : i32
      %dma_start3A_299 = tpu.memref_slice %arg19[%dma_start3A_297, %dma_start3A_298] : memref<10240x64xbf16, #tpu.memory_space<vmem_shared>> -> memref<10240x64xbf16, #tpu.memory_space<vmem_shared>>
      tpu.enqueue_indirect_dma source(%arg17 : memref<128x64xbf16, #tpu.memory_space<vmem>>) target(%dma_start3A_299 : memref<10240x64xbf16, #tpu.memory_space<vmem_shared>>) offsets(%dma_start3A_296 : memref<128xi32, #tpu.memory_space<vmem>>) semaphore(%arg35 : memref<!tpu.dma_semaphore, #tpu.memory_space<semaphore_mem>>) {add = true}
      %add3A_300 = arith.constant 1 : i32
      %add3A_301 = arith.addi %add3A_155, %add3A_300 : i32
      %lt3A = arith.constant 20 : i32
      %lt3A_302 = arith.cmpi slt, %add3A_301, %lt3A : i32
      %convert_element_type3A = arith.extui %lt3A_302 : i1 to i32
      %cond3A = arith.constant 0 : i32
      %cond3A_303 = arith.cmpi ne, %convert_element_type3A, %cond3A : i32
      scf.if %cond3A_303 {
        %add3A_695 = arith.constant 1 : i32
        %add3A_696 = arith.addi %add3A_155, %add3A_695 : i32
        %mul3A_697 = arith.constant 8 : i32
        %mul3A_698 = arith.muli %add3A_696, %mul3A_697 : i32
        %add3A_699 = arith.constant 0 : i32
        %add3A_700 = arith.addi %add3A_699, %mul3A_698 : i32
        %dma_wait3A_701 = arith.constant 0 : i32
        %dma_wait3A_702 = tpu.memref_slice %arg2[%arg1, %add3A_700, %dma_wait3A_701] : memref<16x160x128xi32, #tpu.memory_space<hbm>> -> memref<1x8x128xi32, #tpu.memory_space<hbm>>
        %dma_wait3A_703 = tpu.memref_squeeze %dma_wait3A_702 : memref<1x8x128xi32, #tpu.memory_space<hbm>> -> memref<8x128xi32, #tpu.memory_space<hbm>>
        %dma_wait3A_704 = arith.constant 0 : i32
        %dma_wait3A_705 = tpu.memref_slice %arg2[%arg1, %add3A_700, %dma_wait3A_704] : memref<16x160x128xi32, #tpu.memory_space<hbm>> -> memref<1x8x128xi32, #tpu.memory_space<hbm>>
        %dma_wait3A_706 = tpu.memref_squeeze %dma_wait3A_705 : memref<1x8x128xi32, #tpu.memory_space<hbm>> -> memref<8x128xi32, #tpu.memory_space<hbm>>
        tpu.wait_dma2 semaphore(%arg37 : memref<!tpu.dma_semaphore, #tpu.memory_space<semaphore_mem>>) src(%dma_wait3A_706 : memref<8x128xi32, #tpu.memory_space<hbm>>) dst(%arg7 : memref<8x128xi32, #tpu.memory_space<vmem>>)
        %mul3A_707 = arith.constant 8 : i32
        %mul3A_708 = arith.muli %add3A_696, %mul3A_707 : i32
        %add3A_709 = arith.constant 0 : i32
        %add3A_710 = arith.addi %add3A_709, %mul3A_708 : i32
        %dma_wait3A_711 = arith.constant 0 : i32
        %dma_wait3A_712 = tpu.memref_slice %arg3[%arg1, %add3A_710, %dma_wait3A_711] : memref<16x160x128xi32, #tpu.memory_space<hbm>> -> memref<1x8x128xi32, #tpu.memory_space<hbm>>
        %dma_wait3A_713 = tpu.memref_squeeze %dma_wait3A_712 : memref<1x8x128xi32, #tpu.memory_space<hbm>> -> memref<8x128xi32, #tpu.memory_space<hbm>>
        %dma_wait3A_714 = arith.constant 0 : i32
        %dma_wait3A_715 = tpu.memref_slice %arg3[%arg1, %add3A_710, %dma_wait3A_714] : memref<16x160x128xi32, #tpu.memory_space<hbm>> -> memref<1x8x128xi32, #tpu.memory_space<hbm>>
        %dma_wait3A_716 = tpu.memref_squeeze %dma_wait3A_715 : memref<1x8x128xi32, #tpu.memory_space<hbm>> -> memref<8x128xi32, #tpu.memory_space<hbm>>
        tpu.wait_dma2 semaphore(%arg37 : memref<!tpu.dma_semaphore, #tpu.memory_space<semaphore_mem>>) src(%dma_wait3A_716 : memref<8x128xi32, #tpu.memory_space<hbm>>) dst(%arg9 : memref<8x128xi32, #tpu.memory_space<vmem>>)
      } else {
      }
      %dma_wait3A_304 = arith.constant 0 : i32
      %dma_wait3A_305 = arith.constant 0 : i32
      %dma_wait3A_306 = tpu.memref_slice %arg8[%dma_wait3A_304, %dma_wait3A_305] : memref<8x128xi32, #tpu.memory_space<vmem>> -> memref<1x128xi32, #tpu.memory_space<vmem>>
      %dma_wait3A_307 = tpu.memref_squeeze %dma_wait3A_306 : memref<1x128xi32, #tpu.memory_space<vmem>> -> memref<128xi32, #tpu.memory_space<vmem>>
      %dma_wait3A_308 = arith.constant 0 : i32
      %dma_wait3A_309 = arith.constant 0 : i32
      %dma_wait3A_310 = tpu.memref_slice %arg19[%dma_wait3A_308, %dma_wait3A_309] : memref<10240x64xbf16, #tpu.memory_space<vmem_shared>> -> memref<10240x64xbf16, #tpu.memory_space<vmem_shared>>
      tpu.wait_indirect_dma semaphore(%arg28 : memref<!tpu.dma_semaphore, #tpu.memory_space<semaphore_mem>>) src(%arg10 : memref<128x64xbf16, #tpu.memory_space<vmem>>) dst(%dma_wait3A_310 : memref<10240x64xbf16, #tpu.memory_space<vmem_shared>>)
      %add3A_311 = arith.constant 1 : i32
      %add3A_312 = arith.addi %add3A_155, %add3A_311 : i32
      %lt3A_313 = arith.constant 20 : i32
      %lt3A_314 = arith.cmpi slt, %add3A_312, %lt3A_313 : i32
      %convert_element_type3A_315 = arith.extui %lt3A_314 : i1 to i32
      %cond3A_316 = arith.constant 0 : i32
      %cond3A_317 = arith.cmpi ne, %convert_element_type3A_315, %cond3A_316 : i32
      scf.if %cond3A_317 {
        %dma_start3A_695 = arith.constant 0 : i32
        %dma_start3A_696 = arith.constant 0 : i32
        %dma_start3A_697 = tpu.memref_slice %arg7[%dma_start3A_695, %dma_start3A_696] : memref<8x128xi32, #tpu.memory_space<vmem>> -> memref<1x128xi32, #tpu.memory_space<vmem>>
        %dma_start3A_698 = tpu.memref_squeeze %dma_start3A_697 : memref<1x128xi32, #tpu.memory_space<vmem>> -> memref<128xi32, #tpu.memory_space<vmem>>
        %dma_start3A_699 = arith.constant 0 : i32
        %dma_start3A_700 = arith.constant 0 : i32
        %dma_start3A_701 = tpu.memref_slice %arg4[%arg0, %dma_start3A_699, %dma_start3A_700] : memref<2x10000x64xbf16, #tpu.memory_space<hbm>> -> memref<1x10000x64xbf16, #tpu.memory_space<hbm>>
        %dma_start3A_702 = tpu.memref_squeeze %dma_start3A_701 : memref<1x10000x64xbf16, #tpu.memory_space<hbm>> -> memref<10000x64xbf16, #tpu.memory_space<hbm>>
        %dma_start3A_703 = arith.constant 0 : i32
        %dma_start3A_704 = arith.constant 0 : i32
        %dma_start3A_705 = tpu.memref_slice %dma_start3A_702[%dma_start3A_703, %dma_start3A_704] : memref<10000x64xbf16, #tpu.memory_space<hbm>> -> memref<10000x64xbf16, #tpu.memory_space<hbm>>
        tpu.enqueue_indirect_dma source(%dma_start3A_705 : memref<10000x64xbf16, #tpu.memory_space<hbm>>) target(%arg10 : memref<128x64xbf16, #tpu.memory_space<vmem>>) offsets(%dma_start3A_698 : memref<128xi32, #tpu.memory_space<vmem>>) semaphore(%arg20 : memref<!tpu.dma_semaphore, #tpu.memory_space<semaphore_mem>>)
      } else {
      }
      %dma_wait3A_318 = arith.constant 1 : i32
      %dma_wait3A_319 = arith.constant 0 : i32
      %dma_wait3A_320 = tpu.memref_slice %arg8[%dma_wait3A_318, %dma_wait3A_319] : memref<8x128xi32, #tpu.memory_space<vmem>> -> memref<1x128xi32, #tpu.memory_space<vmem>>
      %dma_wait3A_321 = tpu.memref_squeeze %dma_wait3A_320 : memref<1x128xi32, #tpu.memory_space<vmem>> -> memref<128xi32, #tpu.memory_space<vmem>>
      %dma_wait3A_322 = arith.constant 0 : i32
      %dma_wait3A_323 = arith.constant 0 : i32
      %dma_wait3A_324 = tpu.memref_slice %arg19[%dma_wait3A_322, %dma_wait3A_323] : memref<10240x64xbf16, #tpu.memory_space<vmem_shared>> -> memref<10240x64xbf16, #tpu.memory_space<vmem_shared>>
      tpu.wait_indirect_dma semaphore(%arg29 : memref<!tpu.dma_semaphore, #tpu.memory_space<semaphore_mem>>) src(%arg11 : memref<128x64xbf16, #tpu.memory_space<vmem>>) dst(%dma_wait3A_324 : memref<10240x64xbf16, #tpu.memory_space<vmem_shared>>)
      %add3A_325 = arith.constant 1 : i32
      %add3A_326 = arith.addi %add3A_155, %add3A_325 : i32
      %lt3A_327 = arith.constant 20 : i32
      %lt3A_328 = arith.cmpi slt, %add3A_326, %lt3A_327 : i32
      %convert_element_type3A_329 = arith.extui %lt3A_328 : i1 to i32
      %cond3A_330 = arith.constant 0 : i32
      %cond3A_331 = arith.cmpi ne, %convert_element_type3A_329, %cond3A_330 : i32
      scf.if %cond3A_331 {
        %dma_start3A_695 = arith.constant 1 : i32
        %dma_start3A_696 = arith.constant 0 : i32
        %dma_start3A_697 = tpu.memref_slice %arg7[%dma_start3A_695, %dma_start3A_696] : memref<8x128xi32, #tpu.memory_space<vmem>> -> memref<1x128xi32, #tpu.memory_space<vmem>>
        %dma_start3A_698 = tpu.memref_squeeze %dma_start3A_697 : memref<1x128xi32, #tpu.memory_space<vmem>> -> memref<128xi32, #tpu.memory_space<vmem>>
        %dma_start3A_699 = arith.constant 0 : i32
        %dma_start3A_700 = arith.constant 0 : i32
        %dma_start3A_701 = tpu.memref_slice %arg4[%arg0, %dma_start3A_699, %dma_start3A_700] : memref<2x10000x64xbf16, #tpu.memory_space<hbm>> -> memref<1x10000x64xbf16, #tpu.memory_space<hbm>>
        %dma_start3A_702 = tpu.memref_squeeze %dma_start3A_701 : memref<1x10000x64xbf16, #tpu.memory_space<hbm>> -> memref<10000x64xbf16, #tpu.memory_space<hbm>>
        %dma_start3A_703 = arith.constant 0 : i32
        %dma_start3A_704 = arith.constant 0 : i32
        %dma_start3A_705 = tpu.memref_slice %dma_start3A_702[%dma_start3A_703, %dma_start3A_704] : memref<10000x64xbf16, #tpu.memory_space<hbm>> -> memref<10000x64xbf16, #tpu.memory_space<hbm>>
        tpu.enqueue_indirect_dma source(%dma_start3A_705 : memref<10000x64xbf16, #tpu.memory_space<hbm>>) target(%arg11 : memref<128x64xbf16, #tpu.memory_space<vmem>>) offsets(%dma_start3A_698 : memref<128xi32, #tpu.memory_space<vmem>>) semaphore(%arg21 : memref<!tpu.dma_semaphore, #tpu.memory_space<semaphore_mem>>)
      } else {
      }
      %dma_wait3A_332 = arith.constant 2 : i32
      %dma_wait3A_333 = arith.constant 0 : i32
      %dma_wait3A_334 = tpu.memref_slice %arg8[%dma_wait3A_332, %dma_wait3A_333] : memref<8x128xi32, #tpu.memory_space<vmem>> -> memref<1x128xi32, #tpu.memory_space<vmem>>
      %dma_wait3A_335 = tpu.memref_squeeze %dma_wait3A_334 : memref<1x128xi32, #tpu.memory_space<vmem>> -> memref<128xi32, #tpu.memory_space<vmem>>
      %dma_wait3A_336 = arith.constant 0 : i32
      %dma_wait3A_337 = arith.constant 0 : i32
      %dma_wait3A_338 = tpu.memref_slice %arg19[%dma_wait3A_336, %dma_wait3A_337] : memref<10240x64xbf16, #tpu.memory_space<vmem_shared>> -> memref<10240x64xbf16, #tpu.memory_space<vmem_shared>>
      tpu.wait_indirect_dma semaphore(%arg30 : memref<!tpu.dma_semaphore, #tpu.memory_space<semaphore_mem>>) src(%arg12 : memref<128x64xbf16, #tpu.memory_space<vmem>>) dst(%dma_wait3A_338 : memref<10240x64xbf16, #tpu.memory_space<vmem_shared>>)
      %add3A_339 = arith.constant 1 : i32
      %add3A_340 = arith.addi %add3A_155, %add3A_339 : i32
      %lt3A_341 = arith.constant 20 : i32
      %lt3A_342 = arith.cmpi slt, %add3A_340, %lt3A_341 : i32
      %convert_element_type3A_343 = arith.extui %lt3A_342 : i1 to i32
      %cond3A_344 = arith.constant 0 : i32
      %cond3A_345 = arith.cmpi ne, %convert_element_type3A_343, %cond3A_344 : i32
      scf.if %cond3A_345 {
        %dma_start3A_695 = arith.constant 2 : i32
        %dma_start3A_696 = arith.constant 0 : i32
        %dma_start3A_697 = tpu.memref_slice %arg7[%dma_start3A_695, %dma_start3A_696] : memref<8x128xi32, #tpu.memory_space<vmem>> -> memref<1x128xi32, #tpu.memory_space<vmem>>
        %dma_start3A_698 = tpu.memref_squeeze %dma_start3A_697 : memref<1x128xi32, #tpu.memory_space<vmem>> -> memref<128xi32, #tpu.memory_space<vmem>>
        %dma_start3A_699 = arith.constant 0 : i32
        %dma_start3A_700 = arith.constant 0 : i32
        %dma_start3A_701 = tpu.memref_slice %arg4[%arg0, %dma_start3A_699, %dma_start3A_700] : memref<2x10000x64xbf16, #tpu.memory_space<hbm>> -> memref<1x10000x64xbf16, #tpu.memory_space<hbm>>
        %dma_start3A_702 = tpu.memref_squeeze %dma_start3A_701 : memref<1x10000x64xbf16, #tpu.memory_space<hbm>> -> memref<10000x64xbf16, #tpu.memory_space<hbm>>
        %dma_start3A_703 = arith.constant 0 : i32
        %dma_start3A_704 = arith.constant 0 : i32
        %dma_start3A_705 = tpu.memref_slice %dma_start3A_702[%dma_start3A_703, %dma_start3A_704] : memref<10000x64xbf16, #tpu.memory_space<hbm>> -> memref<10000x64xbf16, #tpu.memory_space<hbm>>
        tpu.enqueue_indirect_dma source(%dma_start3A_705 : memref<10000x64xbf16, #tpu.memory_space<hbm>>) target(%arg12 : memref<128x64xbf16, #tpu.memory_space<vmem>>) offsets(%dma_start3A_698 : memref<128xi32, #tpu.memory_space<vmem>>) semaphore(%arg22 : memref<!tpu.dma_semaphore, #tpu.memory_space<semaphore_mem>>)
      } else {
      }
      %dma_wait3A_346 = arith.constant 3 : i32
      %dma_wait3A_347 = arith.constant 0 : i32
      %dma_wait3A_348 = tpu.memref_slice %arg8[%dma_wait3A_346, %dma_wait3A_347] : memref<8x128xi32, #tpu.memory_space<vmem>> -> memref<1x128xi32, #tpu.memory_space<vmem>>
      %dma_wait3A_349 = tpu.memref_squeeze %dma_wait3A_348 : memref<1x128xi32, #tpu.memory_space<vmem>> -> memref<128xi32, #tpu.memory_space<vmem>>
      %dma_wait3A_350 = arith.constant 0 : i32
      %dma_wait3A_351 = arith.constant 0 : i32
      %dma_wait3A_352 = tpu.memref_slice %arg19[%dma_wait3A_350, %dma_wait3A_351] : memref<10240x64xbf16, #tpu.memory_space<vmem_shared>> -> memref<10240x64xbf16, #tpu.memory_space<vmem_shared>>
      tpu.wait_indirect_dma semaphore(%arg31 : memref<!tpu.dma_semaphore, #tpu.memory_space<semaphore_mem>>) src(%arg13 : memref<128x64xbf16, #tpu.memory_space<vmem>>) dst(%dma_wait3A_352 : memref<10240x64xbf16, #tpu.memory_space<vmem_shared>>)
      %add3A_353 = arith.constant 1 : i32
      %add3A_354 = arith.addi %add3A_155, %add3A_353 : i32
      %lt3A_355 = arith.constant 20 : i32
      %lt3A_356 = arith.cmpi slt, %add3A_354, %lt3A_355 : i32
      %convert_element_type3A_357 = arith.extui %lt3A_356 : i1 to i32
      %cond3A_358 = arith.constant 0 : i32
      %cond3A_359 = arith.cmpi ne, %convert_element_type3A_357, %cond3A_358 : i32
      scf.if %cond3A_359 {
        %dma_start3A_695 = arith.constant 3 : i32
        %dma_start3A_696 = arith.constant 0 : i32
        %dma_start3A_697 = tpu.memref_slice %arg7[%dma_start3A_695, %dma_start3A_696] : memref<8x128xi32, #tpu.memory_space<vmem>> -> memref<1x128xi32, #tpu.memory_space<vmem>>
        %dma_start3A_698 = tpu.memref_squeeze %dma_start3A_697 : memref<1x128xi32, #tpu.memory_space<vmem>> -> memref<128xi32, #tpu.memory_space<vmem>>
        %dma_start3A_699 = arith.constant 0 : i32
        %dma_start3A_700 = arith.constant 0 : i32
        %dma_start3A_701 = tpu.memref_slice %arg4[%arg0, %dma_start3A_699, %dma_start3A_700] : memref<2x10000x64xbf16, #tpu.memory_space<hbm>> -> memref<1x10000x64xbf16, #tpu.memory_space<hbm>>
        %dma_start3A_702 = tpu.memref_squeeze %dma_start3A_701 : memref<1x10000x64xbf16, #tpu.memory_space<hbm>> -> memref<10000x64xbf16, #tpu.memory_space<hbm>>
        %dma_start3A_703 = arith.constant 0 : i32
        %dma_start3A_704 = arith.constant 0 : i32
        %dma_start3A_705 = tpu.memref_slice %dma_start3A_702[%dma_start3A_703, %dma_start3A_704] : memref<10000x64xbf16, #tpu.memory_space<hbm>> -> memref<10000x64xbf16, #tpu.memory_space<hbm>>
        tpu.enqueue_indirect_dma source(%dma_start3A_705 : memref<10000x64xbf16, #tpu.memory_space<hbm>>) target(%arg13 : memref<128x64xbf16, #tpu.memory_space<vmem>>) offsets(%dma_start3A_698 : memref<128xi32, #tpu.memory_space<vmem>>) semaphore(%arg23 : memref<!tpu.dma_semaphore, #tpu.memory_space<semaphore_mem>>)
      } else {
      }
      %dma_wait3A_360 = arith.constant 4 : i32
      %dma_wait3A_361 = arith.constant 0 : i32
      %dma_wait3A_362 = tpu.memref_slice %arg8[%dma_wait3A_360, %dma_wait3A_361] : memref<8x128xi32, #tpu.memory_space<vmem>> -> memref<1x128xi32, #tpu.memory_space<vmem>>
      %dma_wait3A_363 = tpu.memref_squeeze %dma_wait3A_362 : memref<1x128xi32, #tpu.memory_space<vmem>> -> memref<128xi32, #tpu.memory_space<vmem>>
      %dma_wait3A_364 = arith.constant 0 : i32
      %dma_wait3A_365 = arith.constant 0 : i32
      %dma_wait3A_366 = tpu.memref_slice %arg19[%dma_wait3A_364, %dma_wait3A_365] : memref<10240x64xbf16, #tpu.memory_space<vmem_shared>> -> memref<10240x64xbf16, #tpu.memory_space<vmem_shared>>
      tpu.wait_indirect_dma semaphore(%arg32 : memref<!tpu.dma_semaphore, #tpu.memory_space<semaphore_mem>>) src(%arg14 : memref<128x64xbf16, #tpu.memory_space<vmem>>) dst(%dma_wait3A_366 : memref<10240x64xbf16, #tpu.memory_space<vmem_shared>>)
      %add3A_367 = arith.constant 1 : i32
      %add3A_368 = arith.addi %add3A_155, %add3A_367 : i32
      %lt3A_369 = arith.constant 20 : i32
      %lt3A_370 = arith.cmpi slt, %add3A_368, %lt3A_369 : i32
      %convert_element_type3A_371 = arith.extui %lt3A_370 : i1 to i32
      %cond3A_372 = arith.constant 0 : i32
      %cond3A_373 = arith.cmpi ne, %convert_element_type3A_371, %cond3A_372 : i32
      scf.if %cond3A_373 {
        %dma_start3A_695 = arith.constant 4 : i32
        %dma_start3A_696 = arith.constant 0 : i32
        %dma_start3A_697 = tpu.memref_slice %arg7[%dma_start3A_695, %dma_start3A_696] : memref<8x128xi32, #tpu.memory_space<vmem>> -> memref<1x128xi32, #tpu.memory_space<vmem>>
        %dma_start3A_698 = tpu.memref_squeeze %dma_start3A_697 : memref<1x128xi32, #tpu.memory_space<vmem>> -> memref<128xi32, #tpu.memory_space<vmem>>
        %dma_start3A_699 = arith.constant 0 : i32
        %dma_start3A_700 = arith.constant 0 : i32
        %dma_start3A_701 = tpu.memref_slice %arg4[%arg0, %dma_start3A_699, %dma_start3A_700] : memref<2x10000x64xbf16, #tpu.memory_space<hbm>> -> memref<1x10000x64xbf16, #tpu.memory_space<hbm>>
        %dma_start3A_702 = tpu.memref_squeeze %dma_start3A_701 : memref<1x10000x64xbf16, #tpu.memory_space<hbm>> -> memref<10000x64xbf16, #tpu.memory_space<hbm>>
        %dma_start3A_703 = arith.constant 0 : i32
        %dma_start3A_704 = arith.constant 0 : i32
        %dma_start3A_705 = tpu.memref_slice %dma_start3A_702[%dma_start3A_703, %dma_start3A_704] : memref<10000x64xbf16, #tpu.memory_space<hbm>> -> memref<10000x64xbf16, #tpu.memory_space<hbm>>
        tpu.enqueue_indirect_dma source(%dma_start3A_705 : memref<10000x64xbf16, #tpu.memory_space<hbm>>) target(%arg14 : memref<128x64xbf16, #tpu.memory_space<vmem>>) offsets(%dma_start3A_698 : memref<128xi32, #tpu.memory_space<vmem>>) semaphore(%arg24 : memref<!tpu.dma_semaphore, #tpu.memory_space<semaphore_mem>>)
      } else {
      }
      %dma_wait3A_374 = arith.constant 5 : i32
      %dma_wait3A_375 = arith.constant 0 : i32
      %dma_wait3A_376 = tpu.memref_slice %arg8[%dma_wait3A_374, %dma_wait3A_375] : memref<8x128xi32, #tpu.memory_space<vmem>> -> memref<1x128xi32, #tpu.memory_space<vmem>>
      %dma_wait3A_377 = tpu.memref_squeeze %dma_wait3A_376 : memref<1x128xi32, #tpu.memory_space<vmem>> -> memref<128xi32, #tpu.memory_space<vmem>>
      %dma_wait3A_378 = arith.constant 0 : i32
      %dma_wait3A_379 = arith.constant 0 : i32
      %dma_wait3A_380 = tpu.memref_slice %arg19[%dma_wait3A_378, %dma_wait3A_379] : memref<10240x64xbf16, #tpu.memory_space<vmem_shared>> -> memref<10240x64xbf16, #tpu.memory_space<vmem_shared>>
      tpu.wait_indirect_dma semaphore(%arg33 : memref<!tpu.dma_semaphore, #tpu.memory_space<semaphore_mem>>) src(%arg15 : memref<128x64xbf16, #tpu.memory_space<vmem>>) dst(%dma_wait3A_380 : memref<10240x64xbf16, #tpu.memory_space<vmem_shared>>)
      %add3A_381 = arith.constant 1 : i32
      %add3A_382 = arith.addi %add3A_155, %add3A_381 : i32
      %lt3A_383 = arith.constant 20 : i32
      %lt3A_384 = arith.cmpi slt, %add3A_382, %lt3A_383 : i32
      %convert_element_type3A_385 = arith.extui %lt3A_384 : i1 to i32
      %cond3A_386 = arith.constant 0 : i32
      %cond3A_387 = arith.cmpi ne, %convert_element_type3A_385, %cond3A_386 : i32
      scf.if %cond3A_387 {
        %dma_start3A_695 = arith.constant 5 : i32
        %dma_start3A_696 = arith.constant 0 : i32
        %dma_start3A_697 = tpu.memref_slice %arg7[%dma_start3A_695, %dma_start3A_696] : memref<8x128xi32, #tpu.memory_space<vmem>> -> memref<1x128xi32, #tpu.memory_space<vmem>>
        %dma_start3A_698 = tpu.memref_squeeze %dma_start3A_697 : memref<1x128xi32, #tpu.memory_space<vmem>> -> memref<128xi32, #tpu.memory_space<vmem>>
        %dma_start3A_699 = arith.constant 0 : i32
        %dma_start3A_700 = arith.constant 0 : i32
        %dma_start3A_701 = tpu.memref_slice %arg4[%arg0, %dma_start3A_699, %dma_start3A_700] : memref<2x10000x64xbf16, #tpu.memory_space<hbm>> -> memref<1x10000x64xbf16, #tpu.memory_space<hbm>>
        %dma_start3A_702 = tpu.memref_squeeze %dma_start3A_701 : memref<1x10000x64xbf16, #tpu.memory_space<hbm>> -> memref<10000x64xbf16, #tpu.memory_space<hbm>>
        %dma_start3A_703 = arith.constant 0 : i32
        %dma_start3A_704 = arith.constant 0 : i32
        %dma_start3A_705 = tpu.memref_slice %dma_start3A_702[%dma_start3A_703, %dma_start3A_704] : memref<10000x64xbf16, #tpu.memory_space<hbm>> -> memref<10000x64xbf16, #tpu.memory_space<hbm>>
        tpu.enqueue_indirect_dma source(%dma_start3A_705 : memref<10000x64xbf16, #tpu.memory_space<hbm>>) target(%arg15 : memref<128x64xbf16, #tpu.memory_space<vmem>>) offsets(%dma_start3A_698 : memref<128xi32, #tpu.memory_space<vmem>>) semaphore(%arg25 : memref<!tpu.dma_semaphore, #tpu.memory_space<semaphore_mem>>)
      } else {
      }
      %dma_wait3A_388 = arith.constant 6 : i32
      %dma_wait3A_389 = arith.constant 0 : i32
      %dma_wait3A_390 = tpu.memref_slice %arg8[%dma_wait3A_388, %dma_wait3A_389] : memref<8x128xi32, #tpu.memory_space<vmem>> -> memref<1x128xi32, #tpu.memory_space<vmem>>
      %dma_wait3A_391 = tpu.memref_squeeze %dma_wait3A_390 : memref<1x128xi32, #tpu.memory_space<vmem>> -> memref<128xi32, #tpu.memory_space<vmem>>
      %dma_wait3A_392 = arith.constant 0 : i32
      %dma_wait3A_393 = arith.constant 0 : i32
      %dma_wait3A_394 = tpu.memref_slice %arg19[%dma_wait3A_392, %dma_wait3A_393] : memref<10240x64xbf16, #tpu.memory_space<vmem_shared>> -> memref<10240x64xbf16, #tpu.memory_space<vmem_shared>>
      tpu.wait_indirect_dma semaphore(%arg34 : memref<!tpu.dma_semaphore, #tpu.memory_space<semaphore_mem>>) src(%arg16 : memref<128x64xbf16, #tpu.memory_space<vmem>>) dst(%dma_wait3A_394 : memref<10240x64xbf16, #tpu.memory_space<vmem_shared>>)
      %add3A_395 = arith.constant 1 : i32
      %add3A_396 = arith.addi %add3A_155, %add3A_395 : i32
      %lt3A_397 = arith.constant 20 : i32
      %lt3A_398 = arith.cmpi slt, %add3A_396, %lt3A_397 : i32
      %convert_element_type3A_399 = arith.extui %lt3A_398 : i1 to i32
      %cond3A_400 = arith.constant 0 : i32
      %cond3A_401 = arith.cmpi ne, %convert_element_type3A_399, %cond3A_400 : i32
      scf.if %cond3A_401 {
        %dma_start3A_695 = arith.constant 6 : i32
        %dma_start3A_696 = arith.constant 0 : i32
        %dma_start3A_697 = tpu.memref_slice %arg7[%dma_start3A_695, %dma_start3A_696] : memref<8x128xi32, #tpu.memory_space<vmem>> -> memref<1x128xi32, #tpu.memory_space<vmem>>
        %dma_start3A_698 = tpu.memref_squeeze %dma_start3A_697 : memref<1x128xi32, #tpu.memory_space<vmem>> -> memref<128xi32, #tpu.memory_space<vmem>>
        %dma_start3A_699 = arith.constant 0 : i32
        %dma_start3A_700 = arith.constant 0 : i32
        %dma_start3A_701 = tpu.memref_slice %arg4[%arg0, %dma_start3A_699, %dma_start3A_700] : memref<2x10000x64xbf16, #tpu.memory_space<hbm>> -> memref<1x10000x64xbf16, #tpu.memory_space<hbm>>
        %dma_start3A_702 = tpu.memref_squeeze %dma_start3A_701 : memref<1x10000x64xbf16, #tpu.memory_space<hbm>> -> memref<10000x64xbf16, #tpu.memory_space<hbm>>
        %dma_start3A_703 = arith.constant 0 : i32
        %dma_start3A_704 = arith.constant 0 : i32
        %dma_start3A_705 = tpu.memref_slice %dma_start3A_702[%dma_start3A_703, %dma_start3A_704] : memref<10000x64xbf16, #tpu.memory_space<hbm>> -> memref<10000x64xbf16, #tpu.memory_space<hbm>>
        tpu.enqueue_indirect_dma source(%dma_start3A_705 : memref<10000x64xbf16, #tpu.memory_space<hbm>>) target(%arg16 : memref<128x64xbf16, #tpu.memory_space<vmem>>) offsets(%dma_start3A_698 : memref<128xi32, #tpu.memory_space<vmem>>) semaphore(%arg26 : memref<!tpu.dma_semaphore, #tpu.memory_space<semaphore_mem>>)
      } else {
      }
      %dma_wait3A_402 = arith.constant 7 : i32
      %dma_wait3A_403 = arith.constant 0 : i32
      %dma_wait3A_404 = tpu.memref_slice %arg8[%dma_wait3A_402, %dma_wait3A_403] : memref<8x128xi32, #tpu.memory_space<vmem>> -> memref<1x128xi32, #tpu.memory_space<vmem>>
      %dma_wait3A_405 = tpu.memref_squeeze %dma_wait3A_404 : memref<1x128xi32, #tpu.memory_space<vmem>> -> memref<128xi32, #tpu.memory_space<vmem>>
      %dma_wait3A_406 = arith.constant 0 : i32
      %dma_wait3A_407 = arith.constant 0 : i32
      %dma_wait3A_408 = tpu.memref_slice %arg19[%dma_wait3A_406, %dma_wait3A_407] : memref<10240x64xbf16, #tpu.memory_space<vmem_shared>> -> memref<10240x64xbf16, #tpu.memory_space<vmem_shared>>
      tpu.wait_indirect_dma semaphore(%arg35 : memref<!tpu.dma_semaphore, #tpu.memory_space<semaphore_mem>>) src(%arg17 : memref<128x64xbf16, #tpu.memory_space<vmem>>) dst(%dma_wait3A_408 : memref<10240x64xbf16, #tpu.memory_space<vmem_shared>>)
      %add3A_409 = arith.constant 1 : i32
      %add3A_410 = arith.addi %add3A_155, %add3A_409 : i32
      %lt3A_411 = arith.constant 20 : i32
      %lt3A_412 = arith.cmpi slt, %add3A_410, %lt3A_411 : i32
      %convert_element_type3A_413 = arith.extui %lt3A_412 : i1 to i32
      %cond3A_414 = arith.constant 0 : i32
      %cond3A_415 = arith.cmpi ne, %convert_element_type3A_413, %cond3A_414 : i32
      scf.if %cond3A_415 {
        %dma_start3A_695 = arith.constant 7 : i32
        %dma_start3A_696 = arith.constant 0 : i32
        %dma_start3A_697 = tpu.memref_slice %arg7[%dma_start3A_695, %dma_start3A_696] : memref<8x128xi32, #tpu.memory_space<vmem>> -> memref<1x128xi32, #tpu.memory_space<vmem>>
        %dma_start3A_698 = tpu.memref_squeeze %dma_start3A_697 : memref<1x128xi32, #tpu.memory_space<vmem>> -> memref<128xi32, #tpu.memory_space<vmem>>
        %dma_start3A_699 = arith.constant 0 : i32
        %dma_start3A_700 = arith.constant 0 : i32
        %dma_start3A_701 = tpu.memref_slice %arg4[%arg0, %dma_start3A_699, %dma_start3A_700] : memref<2x10000x64xbf16, #tpu.memory_space<hbm>> -> memref<1x10000x64xbf16, #tpu.memory_space<hbm>>
        %dma_start3A_702 = tpu.memref_squeeze %dma_start3A_701 : memref<1x10000x64xbf16, #tpu.memory_space<hbm>> -> memref<10000x64xbf16, #tpu.memory_space<hbm>>
        %dma_start3A_703 = arith.constant 0 : i32
        %dma_start3A_704 = arith.constant 0 : i32
        %dma_start3A_705 = tpu.memref_slice %dma_start3A_702[%dma_start3A_703, %dma_start3A_704] : memref<10000x64xbf16, #tpu.memory_space<hbm>> -> memref<10000x64xbf16, #tpu.memory_space<hbm>>
        tpu.enqueue_indirect_dma source(%dma_start3A_705 : memref<10000x64xbf16, #tpu.memory_space<hbm>>) target(%arg17 : memref<128x64xbf16, #tpu.memory_space<vmem>>) offsets(%dma_start3A_698 : memref<128xi32, #tpu.memory_space<vmem>>) semaphore(%arg27 : memref<!tpu.dma_semaphore, #tpu.memory_space<semaphore_mem>>)
      } else {
      }
      %add3A_416 = arith.constant 2 : i32
      %add3A_417 = arith.addi %add3A_155, %add3A_416 : i32
      %lt3A_418 = arith.constant 20 : i32
      %lt3A_419 = arith.cmpi slt, %add3A_417, %lt3A_418 : i32
      %convert_element_type3A_420 = arith.extui %lt3A_419 : i1 to i32
      %cond3A_421 = arith.constant 0 : i32
      %cond3A_422 = arith.cmpi ne, %convert_element_type3A_420, %cond3A_421 : i32
      scf.if %cond3A_422 {
        %add3A_695 = arith.constant 2 : i32
        %add3A_696 = arith.addi %add3A_155, %add3A_695 : i32
        %mul3A_697 = arith.constant 8 : i32
        %mul3A_698 = arith.muli %add3A_696, %mul3A_697 : i32
        %add3A_699 = arith.constant 0 : i32
        %add3A_700 = arith.addi %add3A_699, %mul3A_698 : i32
        %dma_start3A_701 = arith.constant 0 : i32
        %dma_start3A_702 = tpu.memref_slice %arg2[%arg1, %add3A_700, %dma_start3A_701] : memref<16x160x128xi32, #tpu.memory_space<hbm>> -> memref<1x8x128xi32, #tpu.memory_space<hbm>>
        %dma_start3A_703 = tpu.memref_squeeze %dma_start3A_702 : memref<1x8x128xi32, #tpu.memory_space<hbm>> -> memref<8x128xi32, #tpu.memory_space<hbm>>
        %dma_start3A_704 = arith.constant 0 : i32
        %dma_start3A_705 = tpu.memref_slice %arg2[%arg1, %add3A_700, %dma_start3A_704] : memref<16x160x128xi32, #tpu.memory_space<hbm>> -> memref<1x8x128xi32, #tpu.memory_space<hbm>>
        %dma_start3A_706 = tpu.memref_squeeze %dma_start3A_705 : memref<1x8x128xi32, #tpu.memory_space<hbm>> -> memref<8x128xi32, #tpu.memory_space<hbm>>
        tpu.enqueue_dma source(%dma_start3A_706 : memref<8x128xi32, #tpu.memory_space<hbm>>) target(%arg6 : memref<8x128xi32, #tpu.memory_space<vmem>>) target_semaphore(%arg36 : memref<!tpu.dma_semaphore, #tpu.memory_space<semaphore_mem>>)
        %mul3A_707 = arith.constant 8 : i32
        %mul3A_708 = arith.muli %add3A_696, %mul3A_707 : i32
        %add3A_709 = arith.constant 0 : i32
        %add3A_710 = arith.addi %add3A_709, %mul3A_708 : i32
        %dma_start3A_711 = arith.constant 0 : i32
        %dma_start3A_712 = tpu.memref_slice %arg3[%arg1, %add3A_710, %dma_start3A_711] : memref<16x160x128xi32, #tpu.memory_space<hbm>> -> memref<1x8x128xi32, #tpu.memory_space<hbm>>
        %dma_start3A_713 = tpu.memref_squeeze %dma_start3A_712 : memref<1x8x128xi32, #tpu.memory_space<hbm>> -> memref<8x128xi32, #tpu.memory_space<hbm>>
        %dma_start3A_714 = arith.constant 0 : i32
        %dma_start3A_715 = tpu.memref_slice %arg3[%arg1, %add3A_710, %dma_start3A_714] : memref<16x160x128xi32, #tpu.memory_space<hbm>> -> memref<1x8x128xi32, #tpu.memory_space<hbm>>
        %dma_start3A_716 = tpu.memref_squeeze %dma_start3A_715 : memref<1x8x128xi32, #tpu.memory_space<hbm>> -> memref<8x128xi32, #tpu.memory_space<hbm>>
        tpu.enqueue_dma source(%dma_start3A_716 : memref<8x128xi32, #tpu.memory_space<hbm>>) target(%arg8 : memref<8x128xi32, #tpu.memory_space<vmem>>) target_semaphore(%arg36 : memref<!tpu.dma_semaphore, #tpu.memory_space<semaphore_mem>>)
      } else {
      }
      %add3A_423 = arith.constant 1 : i32
      %add3A_424 = arith.addi %add3A_155, %add3A_423 : i32
      %dma_wait3A_425 = arith.constant 0 : i32
      %dma_wait3A_426 = arith.constant 0 : i32
      %dma_wait3A_427 = tpu.memref_slice %arg7[%dma_wait3A_425, %dma_wait3A_426] : memref<8x128xi32, #tpu.memory_space<vmem>> -> memref<1x128xi32, #tpu.memory_space<vmem>>
      %dma_wait3A_428 = tpu.memref_squeeze %dma_wait3A_427 : memref<1x128xi32, #tpu.memory_space<vmem>> -> memref<128xi32, #tpu.memory_space<vmem>>
      %dma_wait3A_429 = arith.constant 0 : i32
      %dma_wait3A_430 = arith.constant 0 : i32
      %dma_wait3A_431 = tpu.memref_slice %arg4[%arg0, %dma_wait3A_429, %dma_wait3A_430] : memref<2x10000x64xbf16, #tpu.memory_space<hbm>> -> memref<1x10000x64xbf16, #tpu.memory_space<hbm>>
      %dma_wait3A_432 = tpu.memref_squeeze %dma_wait3A_431 : memref<1x10000x64xbf16, #tpu.memory_space<hbm>> -> memref<10000x64xbf16, #tpu.memory_space<hbm>>
      %dma_wait3A_433 = arith.constant 0 : i32
      %dma_wait3A_434 = arith.constant 0 : i32
      %dma_wait3A_435 = tpu.memref_slice %dma_wait3A_432[%dma_wait3A_433, %dma_wait3A_434] : memref<10000x64xbf16, #tpu.memory_space<hbm>> -> memref<10000x64xbf16, #tpu.memory_space<hbm>>
      tpu.wait_indirect_dma semaphore(%arg20 : memref<!tpu.dma_semaphore, #tpu.memory_space<semaphore_mem>>) src(%dma_wait3A_435 : memref<10000x64xbf16, #tpu.memory_space<hbm>>) dst(%arg10 : memref<128x64xbf16, #tpu.memory_space<vmem>>)
      %dma_start3A_436 = arith.constant 0 : i32
      %dma_start3A_437 = arith.constant 0 : i32
      %dma_start3A_438 = tpu.memref_slice %arg9[%dma_start3A_436, %dma_start3A_437] : memref<8x128xi32, #tpu.memory_space<vmem>> -> memref<1x128xi32, #tpu.memory_space<vmem>>
      %dma_start3A_439 = tpu.memref_squeeze %dma_start3A_438 : memref<1x128xi32, #tpu.memory_space<vmem>> -> memref<128xi32, #tpu.memory_space<vmem>>
      %dma_start3A_440 = arith.constant 0 : i32
      %dma_start3A_441 = arith.constant 0 : i32
      %dma_start3A_442 = tpu.memref_slice %arg19[%dma_start3A_440, %dma_start3A_441] : memref<10240x64xbf16, #tpu.memory_space<vmem_shared>> -> memref<10240x64xbf16, #tpu.memory_space<vmem_shared>>
      tpu.enqueue_indirect_dma source(%arg10 : memref<128x64xbf16, #tpu.memory_space<vmem>>) target(%dma_start3A_442 : memref<10240x64xbf16, #tpu.memory_space<vmem_shared>>) offsets(%dma_start3A_439 : memref<128xi32, #tpu.memory_space<vmem>>) semaphore(%arg28 : memref<!tpu.dma_semaphore, #tpu.memory_space<semaphore_mem>>) {add = true}
      %dma_wait3A_443 = arith.constant 1 : i32
      %dma_wait3A_444 = arith.constant 0 : i32
      %dma_wait3A_445 = tpu.memref_slice %arg7[%dma_wait3A_443, %dma_wait3A_444] : memref<8x128xi32, #tpu.memory_space<vmem>> -> memref<1x128xi32, #tpu.memory_space<vmem>>
      %dma_wait3A_446 = tpu.memref_squeeze %dma_wait3A_445 : memref<1x128xi32, #tpu.memory_space<vmem>> -> memref<128xi32, #tpu.memory_space<vmem>>
      %dma_wait3A_447 = arith.constant 0 : i32
      %dma_wait3A_448 = arith.constant 0 : i32
      %dma_wait3A_449 = tpu.memref_slice %arg4[%arg0, %dma_wait3A_447, %dma_wait3A_448] : memref<2x10000x64xbf16, #tpu.memory_space<hbm>> -> memref<1x10000x64xbf16, #tpu.memory_space<hbm>>
      %dma_wait3A_450 = tpu.memref_squeeze %dma_wait3A_449 : memref<1x10000x64xbf16, #tpu.memory_space<hbm>> -> memref<10000x64xbf16, #tpu.memory_space<hbm>>
      %dma_wait3A_451 = arith.constant 0 : i32
      %dma_wait3A_452 = arith.constant 0 : i32
      %dma_wait3A_453 = tpu.memref_slice %dma_wait3A_450[%dma_wait3A_451, %dma_wait3A_452] : memref<10000x64xbf16, #tpu.memory_space<hbm>> -> memref<10000x64xbf16, #tpu.memory_space<hbm>>
      tpu.wait_indirect_dma semaphore(%arg21 : memref<!tpu.dma_semaphore, #tpu.memory_space<semaphore_mem>>) src(%dma_wait3A_453 : memref<10000x64xbf16, #tpu.memory_space<hbm>>) dst(%arg11 : memref<128x64xbf16, #tpu.memory_space<vmem>>)
      %dma_start3A_454 = arith.constant 1 : i32
      %dma_start3A_455 = arith.constant 0 : i32
      %dma_start3A_456 = tpu.memref_slice %arg9[%dma_start3A_454, %dma_start3A_455] : memref<8x128xi32, #tpu.memory_space<vmem>> -> memref<1x128xi32, #tpu.memory_space<vmem>>
      %dma_start3A_457 = tpu.memref_squeeze %dma_start3A_456 : memref<1x128xi32, #tpu.memory_space<vmem>> -> memref<128xi32, #tpu.memory_space<vmem>>
      %dma_start3A_458 = arith.constant 0 : i32
      %dma_start3A_459 = arith.constant 0 : i32
      %dma_start3A_460 = tpu.memref_slice %arg19[%dma_start3A_458, %dma_start3A_459] : memref<10240x64xbf16, #tpu.memory_space<vmem_shared>> -> memref<10240x64xbf16, #tpu.memory_space<vmem_shared>>
      tpu.enqueue_indirect_dma source(%arg11 : memref<128x64xbf16, #tpu.memory_space<vmem>>) target(%dma_start3A_460 : memref<10240x64xbf16, #tpu.memory_space<vmem_shared>>) offsets(%dma_start3A_457 : memref<128xi32, #tpu.memory_space<vmem>>) semaphore(%arg29 : memref<!tpu.dma_semaphore, #tpu.memory_space<semaphore_mem>>) {add = true}
      %dma_wait3A_461 = arith.constant 2 : i32
      %dma_wait3A_462 = arith.constant 0 : i32
      %dma_wait3A_463 = tpu.memref_slice %arg7[%dma_wait3A_461, %dma_wait3A_462] : memref<8x128xi32, #tpu.memory_space<vmem>> -> memref<1x128xi32, #tpu.memory_space<vmem>>
      %dma_wait3A_464 = tpu.memref_squeeze %dma_wait3A_463 : memref<1x128xi32, #tpu.memory_space<vmem>> -> memref<128xi32, #tpu.memory_space<vmem>>
      %dma_wait3A_465 = arith.constant 0 : i32
      %dma_wait3A_466 = arith.constant 0 : i32
      %dma_wait3A_467 = tpu.memref_slice %arg4[%arg0, %dma_wait3A_465, %dma_wait3A_466] : memref<2x10000x64xbf16, #tpu.memory_space<hbm>> -> memref<1x10000x64xbf16, #tpu.memory_space<hbm>>
      %dma_wait3A_468 = tpu.memref_squeeze %dma_wait3A_467 : memref<1x10000x64xbf16, #tpu.memory_space<hbm>> -> memref<10000x64xbf16, #tpu.memory_space<hbm>>
      %dma_wait3A_469 = arith.constant 0 : i32
      %dma_wait3A_470 = arith.constant 0 : i32
      %dma_wait3A_471 = tpu.memref_slice %dma_wait3A_468[%dma_wait3A_469, %dma_wait3A_470] : memref<10000x64xbf16, #tpu.memory_space<hbm>> -> memref<10000x64xbf16, #tpu.memory_space<hbm>>
      tpu.wait_indirect_dma semaphore(%arg22 : memref<!tpu.dma_semaphore, #tpu.memory_space<semaphore_mem>>) src(%dma_wait3A_471 : memref<10000x64xbf16, #tpu.memory_space<hbm>>) dst(%arg12 : memref<128x64xbf16, #tpu.memory_space<vmem>>)
      %dma_start3A_472 = arith.constant 2 : i32
      %dma_start3A_473 = arith.constant 0 : i32
      %dma_start3A_474 = tpu.memref_slice %arg9[%dma_start3A_472, %dma_start3A_473] : memref<8x128xi32, #tpu.memory_space<vmem>> -> memref<1x128xi32, #tpu.memory_space<vmem>>
      %dma_start3A_475 = tpu.memref_squeeze %dma_start3A_474 : memref<1x128xi32, #tpu.memory_space<vmem>> -> memref<128xi32, #tpu.memory_space<vmem>>
      %dma_start3A_476 = arith.constant 0 : i32
      %dma_start3A_477 = arith.constant 0 : i32
      %dma_start3A_478 = tpu.memref_slice %arg19[%dma_start3A_476, %dma_start3A_477] : memref<10240x64xbf16, #tpu.memory_space<vmem_shared>> -> memref<10240x64xbf16, #tpu.memory_space<vmem_shared>>
      tpu.enqueue_indirect_dma source(%arg12 : memref<128x64xbf16, #tpu.memory_space<vmem>>) target(%dma_start3A_478 : memref<10240x64xbf16, #tpu.memory_space<vmem_shared>>) offsets(%dma_start3A_475 : memref<128xi32, #tpu.memory_space<vmem>>) semaphore(%arg30 : memref<!tpu.dma_semaphore, #tpu.memory_space<semaphore_mem>>) {add = true}
      %dma_wait3A_479 = arith.constant 3 : i32
      %dma_wait3A_480 = arith.constant 0 : i32
      %dma_wait3A_481 = tpu.memref_slice %arg7[%dma_wait3A_479, %dma_wait3A_480] : memref<8x128xi32, #tpu.memory_space<vmem>> -> memref<1x128xi32, #tpu.memory_space<vmem>>
      %dma_wait3A_482 = tpu.memref_squeeze %dma_wait3A_481 : memref<1x128xi32, #tpu.memory_space<vmem>> -> memref<128xi32, #tpu.memory_space<vmem>>
      %dma_wait3A_483 = arith.constant 0 : i32
      %dma_wait3A_484 = arith.constant 0 : i32
      %dma_wait3A_485 = tpu.memref_slice %arg4[%arg0, %dma_wait3A_483, %dma_wait3A_484] : memref<2x10000x64xbf16, #tpu.memory_space<hbm>> -> memref<1x10000x64xbf16, #tpu.memory_space<hbm>>
      %dma_wait3A_486 = tpu.memref_squeeze %dma_wait3A_485 : memref<1x10000x64xbf16, #tpu.memory_space<hbm>> -> memref<10000x64xbf16, #tpu.memory_space<hbm>>
      %dma_wait3A_487 = arith.constant 0 : i32
      %dma_wait3A_488 = arith.constant 0 : i32
      %dma_wait3A_489 = tpu.memref_slice %dma_wait3A_486[%dma_wait3A_487, %dma_wait3A_488] : memref<10000x64xbf16, #tpu.memory_space<hbm>> -> memref<10000x64xbf16, #tpu.memory_space<hbm>>
      tpu.wait_indirect_dma semaphore(%arg23 : memref<!tpu.dma_semaphore, #tpu.memory_space<semaphore_mem>>) src(%dma_wait3A_489 : memref<10000x64xbf16, #tpu.memory_space<hbm>>) dst(%arg13 : memref<128x64xbf16, #tpu.memory_space<vmem>>)
      %dma_start3A_490 = arith.constant 3 : i32
      %dma_start3A_491 = arith.constant 0 : i32
      %dma_start3A_492 = tpu.memref_slice %arg9[%dma_start3A_490, %dma_start3A_491] : memref<8x128xi32, #tpu.memory_space<vmem>> -> memref<1x128xi32, #tpu.memory_space<vmem>>
      %dma_start3A_493 = tpu.memref_squeeze %dma_start3A_492 : memref<1x128xi32, #tpu.memory_space<vmem>> -> memref<128xi32, #tpu.memory_space<vmem>>
      %dma_start3A_494 = arith.constant 0 : i32
      %dma_start3A_495 = arith.constant 0 : i32
      %dma_start3A_496 = tpu.memref_slice %arg19[%dma_start3A_494, %dma_start3A_495] : memref<10240x64xbf16, #tpu.memory_space<vmem_shared>> -> memref<10240x64xbf16, #tpu.memory_space<vmem_shared>>
      tpu.enqueue_indirect_dma source(%arg13 : memref<128x64xbf16, #tpu.memory_space<vmem>>) target(%dma_start3A_496 : memref<10240x64xbf16, #tpu.memory_space<vmem_shared>>) offsets(%dma_start3A_493 : memref<128xi32, #tpu.memory_space<vmem>>) semaphore(%arg31 : memref<!tpu.dma_semaphore, #tpu.memory_space<semaphore_mem>>) {add = true}
      %dma_wait3A_497 = arith.constant 4 : i32
      %dma_wait3A_498 = arith.constant 0 : i32
      %dma_wait3A_499 = tpu.memref_slice %arg7[%dma_wait3A_497, %dma_wait3A_498] : memref<8x128xi32, #tpu.memory_space<vmem>> -> memref<1x128xi32, #tpu.memory_space<vmem>>
      %dma_wait3A_500 = tpu.memref_squeeze %dma_wait3A_499 : memref<1x128xi32, #tpu.memory_space<vmem>> -> memref<128xi32, #tpu.memory_space<vmem>>
      %dma_wait3A_501 = arith.constant 0 : i32
      %dma_wait3A_502 = arith.constant 0 : i32
      %dma_wait3A_503 = tpu.memref_slice %arg4[%arg0, %dma_wait3A_501, %dma_wait3A_502] : memref<2x10000x64xbf16, #tpu.memory_space<hbm>> -> memref<1x10000x64xbf16, #tpu.memory_space<hbm>>
      %dma_wait3A_504 = tpu.memref_squeeze %dma_wait3A_503 : memref<1x10000x64xbf16, #tpu.memory_space<hbm>> -> memref<10000x64xbf16, #tpu.memory_space<hbm>>
      %dma_wait3A_505 = arith.constant 0 : i32
      %dma_wait3A_506 = arith.constant 0 : i32
      %dma_wait3A_507 = tpu.memref_slice %dma_wait3A_504[%dma_wait3A_505, %dma_wait3A_506] : memref<10000x64xbf16, #tpu.memory_space<hbm>> -> memref<10000x64xbf16, #tpu.memory_space<hbm>>
      tpu.wait_indirect_dma semaphore(%arg24 : memref<!tpu.dma_semaphore, #tpu.memory_space<semaphore_mem>>) src(%dma_wait3A_507 : memref<10000x64xbf16, #tpu.memory_space<hbm>>) dst(%arg14 : memref<128x64xbf16, #tpu.memory_space<vmem>>)
      %dma_start3A_508 = arith.constant 4 : i32
      %dma_start3A_509 = arith.constant 0 : i32
      %dma_start3A_510 = tpu.memref_slice %arg9[%dma_start3A_508, %dma_start3A_509] : memref<8x128xi32, #tpu.memory_space<vmem>> -> memref<1x128xi32, #tpu.memory_space<vmem>>
      %dma_start3A_511 = tpu.memref_squeeze %dma_start3A_510 : memref<1x128xi32, #tpu.memory_space<vmem>> -> memref<128xi32, #tpu.memory_space<vmem>>
      %dma_start3A_512 = arith.constant 0 : i32
      %dma_start3A_513 = arith.constant 0 : i32
      %dma_start3A_514 = tpu.memref_slice %arg19[%dma_start3A_512, %dma_start3A_513] : memref<10240x64xbf16, #tpu.memory_space<vmem_shared>> -> memref<10240x64xbf16, #tpu.memory_space<vmem_shared>>
      tpu.enqueue_indirect_dma source(%arg14 : memref<128x64xbf16, #tpu.memory_space<vmem>>) target(%dma_start3A_514 : memref<10240x64xbf16, #tpu.memory_space<vmem_shared>>) offsets(%dma_start3A_511 : memref<128xi32, #tpu.memory_space<vmem>>) semaphore(%arg32 : memref<!tpu.dma_semaphore, #tpu.memory_space<semaphore_mem>>) {add = true}
      %dma_wait3A_515 = arith.constant 5 : i32
      %dma_wait3A_516 = arith.constant 0 : i32
      %dma_wait3A_517 = tpu.memref_slice %arg7[%dma_wait3A_515, %dma_wait3A_516] : memref<8x128xi32, #tpu.memory_space<vmem>> -> memref<1x128xi32, #tpu.memory_space<vmem>>
      %dma_wait3A_518 = tpu.memref_squeeze %dma_wait3A_517 : memref<1x128xi32, #tpu.memory_space<vmem>> -> memref<128xi32, #tpu.memory_space<vmem>>
      %dma_wait3A_519 = arith.constant 0 : i32
      %dma_wait3A_520 = arith.constant 0 : i32
      %dma_wait3A_521 = tpu.memref_slice %arg4[%arg0, %dma_wait3A_519, %dma_wait3A_520] : memref<2x10000x64xbf16, #tpu.memory_space<hbm>> -> memref<1x10000x64xbf16, #tpu.memory_space<hbm>>
      %dma_wait3A_522 = tpu.memref_squeeze %dma_wait3A_521 : memref<1x10000x64xbf16, #tpu.memory_space<hbm>> -> memref<10000x64xbf16, #tpu.memory_space<hbm>>
      %dma_wait3A_523 = arith.constant 0 : i32
      %dma_wait3A_524 = arith.constant 0 : i32
      %dma_wait3A_525 = tpu.memref_slice %dma_wait3A_522[%dma_wait3A_523, %dma_wait3A_524] : memref<10000x64xbf16, #tpu.memory_space<hbm>> -> memref<10000x64xbf16, #tpu.memory_space<hbm>>
      tpu.wait_indirect_dma semaphore(%arg25 : memref<!tpu.dma_semaphore, #tpu.memory_space<semaphore_mem>>) src(%dma_wait3A_525 : memref<10000x64xbf16, #tpu.memory_space<hbm>>) dst(%arg15 : memref<128x64xbf16, #tpu.memory_space<vmem>>)
      %dma_start3A_526 = arith.constant 5 : i32
      %dma_start3A_527 = arith.constant 0 : i32
      %dma_start3A_528 = tpu.memref_slice %arg9[%dma_start3A_526, %dma_start3A_527] : memref<8x128xi32, #tpu.memory_space<vmem>> -> memref<1x128xi32, #tpu.memory_space<vmem>>
      %dma_start3A_529 = tpu.memref_squeeze %dma_start3A_528 : memref<1x128xi32, #tpu.memory_space<vmem>> -> memref<128xi32, #tpu.memory_space<vmem>>
      %dma_start3A_530 = arith.constant 0 : i32
      %dma_start3A_531 = arith.constant 0 : i32
      %dma_start3A_532 = tpu.memref_slice %arg19[%dma_start3A_530, %dma_start3A_531] : memref<10240x64xbf16, #tpu.memory_space<vmem_shared>> -> memref<10240x64xbf16, #tpu.memory_space<vmem_shared>>
      tpu.enqueue_indirect_dma source(%arg15 : memref<128x64xbf16, #tpu.memory_space<vmem>>) target(%dma_start3A_532 : memref<10240x64xbf16, #tpu.memory_space<vmem_shared>>) offsets(%dma_start3A_529 : memref<128xi32, #tpu.memory_space<vmem>>) semaphore(%arg33 : memref<!tpu.dma_semaphore, #tpu.memory_space<semaphore_mem>>) {add = true}
      %dma_wait3A_533 = arith.constant 6 : i32
      %dma_wait3A_534 = arith.constant 0 : i32
      %dma_wait3A_535 = tpu.memref_slice %arg7[%dma_wait3A_533, %dma_wait3A_534] : memref<8x128xi32, #tpu.memory_space<vmem>> -> memref<1x128xi32, #tpu.memory_space<vmem>>
      %dma_wait3A_536 = tpu.memref_squeeze %dma_wait3A_535 : memref<1x128xi32, #tpu.memory_space<vmem>> -> memref<128xi32, #tpu.memory_space<vmem>>
      %dma_wait3A_537 = arith.constant 0 : i32
      %dma_wait3A_538 = arith.constant 0 : i32
      %dma_wait3A_539 = tpu.memref_slice %arg4[%arg0, %dma_wait3A_537, %dma_wait3A_538] : memref<2x10000x64xbf16, #tpu.memory_space<hbm>> -> memref<1x10000x64xbf16, #tpu.memory_space<hbm>>
      %dma_wait3A_540 = tpu.memref_squeeze %dma_wait3A_539 : memref<1x10000x64xbf16, #tpu.memory_space<hbm>> -> memref<10000x64xbf16, #tpu.memory_space<hbm>>
      %dma_wait3A_541 = arith.constant 0 : i32
      %dma_wait3A_542 = arith.constant 0 : i32
      %dma_wait3A_543 = tpu.memref_slice %dma_wait3A_540[%dma_wait3A_541, %dma_wait3A_542] : memref<10000x64xbf16, #tpu.memory_space<hbm>> -> memref<10000x64xbf16, #tpu.memory_space<hbm>>
      tpu.wait_indirect_dma semaphore(%arg26 : memref<!tpu.dma_semaphore, #tpu.memory_space<semaphore_mem>>) src(%dma_wait3A_543 : memref<10000x64xbf16, #tpu.memory_space<hbm>>) dst(%arg16 : memref<128x64xbf16, #tpu.memory_space<vmem>>)
      %dma_start3A_544 = arith.constant 6 : i32
      %dma_start3A_545 = arith.constant 0 : i32
      %dma_start3A_546 = tpu.memref_slice %arg9[%dma_start3A_544, %dma_start3A_545] : memref<8x128xi32, #tpu.memory_space<vmem>> -> memref<1x128xi32, #tpu.memory_space<vmem>>
      %dma_start3A_547 = tpu.memref_squeeze %dma_start3A_546 : memref<1x128xi32, #tpu.memory_space<vmem>> -> memref<128xi32, #tpu.memory_space<vmem>>
      %dma_start3A_548 = arith.constant 0 : i32
      %dma_start3A_549 = arith.constant 0 : i32
      %dma_start3A_550 = tpu.memref_slice %arg19[%dma_start3A_548, %dma_start3A_549] : memref<10240x64xbf16, #tpu.memory_space<vmem_shared>> -> memref<10240x64xbf16, #tpu.memory_space<vmem_shared>>
      tpu.enqueue_indirect_dma source(%arg16 : memref<128x64xbf16, #tpu.memory_space<vmem>>) target(%dma_start3A_550 : memref<10240x64xbf16, #tpu.memory_space<vmem_shared>>) offsets(%dma_start3A_547 : memref<128xi32, #tpu.memory_space<vmem>>) semaphore(%arg34 : memref<!tpu.dma_semaphore, #tpu.memory_space<semaphore_mem>>) {add = true}
      %dma_wait3A_551 = arith.constant 7 : i32
      %dma_wait3A_552 = arith.constant 0 : i32
      %dma_wait3A_553 = tpu.memref_slice %arg7[%dma_wait3A_551, %dma_wait3A_552] : memref<8x128xi32, #tpu.memory_space<vmem>> -> memref<1x128xi32, #tpu.memory_space<vmem>>
      %dma_wait3A_554 = tpu.memref_squeeze %dma_wait3A_553 : memref<1x128xi32, #tpu.memory_space<vmem>> -> memref<128xi32, #tpu.memory_space<vmem>>
      %dma_wait3A_555 = arith.constant 0 : i32
      %dma_wait3A_556 = arith.constant 0 : i32
      %dma_wait3A_557 = tpu.memref_slice %arg4[%arg0, %dma_wait3A_555, %dma_wait3A_556] : memref<2x10000x64xbf16, #tpu.memory_space<hbm>> -> memref<1x10000x64xbf16, #tpu.memory_space<hbm>>
      %dma_wait3A_558 = tpu.memref_squeeze %dma_wait3A_557 : memref<1x10000x64xbf16, #tpu.memory_space<hbm>> -> memref<10000x64xbf16, #tpu.memory_space<hbm>>
      %dma_wait3A_559 = arith.constant 0 : i32
      %dma_wait3A_560 = arith.constant 0 : i32
      %dma_wait3A_561 = tpu.memref_slice %dma_wait3A_558[%dma_wait3A_559, %dma_wait3A_560] : memref<10000x64xbf16, #tpu.memory_space<hbm>> -> memref<10000x64xbf16, #tpu.memory_space<hbm>>
      tpu.wait_indirect_dma semaphore(%arg27 : memref<!tpu.dma_semaphore, #tpu.memory_space<semaphore_mem>>) src(%dma_wait3A_561 : memref<10000x64xbf16, #tpu.memory_space<hbm>>) dst(%arg17 : memref<128x64xbf16, #tpu.memory_space<vmem>>)
      %dma_start3A_562 = arith.constant 7 : i32
      %dma_start3A_563 = arith.constant 0 : i32
      %dma_start3A_564 = tpu.memref_slice %arg9[%dma_start3A_562, %dma_start3A_563] : memref<8x128xi32, #tpu.memory_space<vmem>> -> memref<1x128xi32, #tpu.memory_space<vmem>>
      %dma_start3A_565 = tpu.memref_squeeze %dma_start3A_564 : memref<1x128xi32, #tpu.memory_space<vmem>> -> memref<128xi32, #tpu.memory_space<vmem>>
      %dma_start3A_566 = arith.constant 0 : i32
      %dma_start3A_567 = arith.constant 0 : i32
      %dma_start3A_568 = tpu.memref_slice %arg19[%dma_start3A_566, %dma_start3A_567] : memref<10240x64xbf16, #tpu.memory_space<vmem_shared>> -> memref<10240x64xbf16, #tpu.memory_space<vmem_shared>>
      tpu.enqueue_indirect_dma source(%arg17 : memref<128x64xbf16, #tpu.memory_space<vmem>>) target(%dma_start3A_568 : memref<10240x64xbf16, #tpu.memory_space<vmem_shared>>) offsets(%dma_start3A_565 : memref<128xi32, #tpu.memory_space<vmem>>) semaphore(%arg35 : memref<!tpu.dma_semaphore, #tpu.memory_space<semaphore_mem>>) {add = true}
      %add3A_569 = arith.constant 1 : i32
      %add3A_570 = arith.addi %add3A_424, %add3A_569 : i32
      %lt3A_571 = arith.constant 20 : i32
      %lt3A_572 = arith.cmpi slt, %add3A_570, %lt3A_571 : i32
      %convert_element_type3A_573 = arith.extui %lt3A_572 : i1 to i32
      %cond3A_574 = arith.constant 0 : i32
      %cond3A_575 = arith.cmpi ne, %convert_element_type3A_573, %cond3A_574 : i32
      scf.if %cond3A_575 {
        %add3A_695 = arith.constant 1 : i32
        %add3A_696 = arith.addi %add3A_424, %add3A_695 : i32
        %mul3A_697 = arith.constant 8 : i32
        %mul3A_698 = arith.muli %add3A_696, %mul3A_697 : i32
        %add3A_699 = arith.constant 0 : i32
        %add3A_700 = arith.addi %add3A_699, %mul3A_698 : i32
        %dma_wait3A_701 = arith.constant 0 : i32
        %dma_wait3A_702 = tpu.memref_slice %arg2[%arg1, %add3A_700, %dma_wait3A_701] : memref<16x160x128xi32, #tpu.memory_space<hbm>> -> memref<1x8x128xi32, #tpu.memory_space<hbm>>
        %dma_wait3A_703 = tpu.memref_squeeze %dma_wait3A_702 : memref<1x8x128xi32, #tpu.memory_space<hbm>> -> memref<8x128xi32, #tpu.memory_space<hbm>>
        %dma_wait3A_704 = arith.constant 0 : i32
        %dma_wait3A_705 = tpu.memref_slice %arg2[%arg1, %add3A_700, %dma_wait3A_704] : memref<16x160x128xi32, #tpu.memory_space<hbm>> -> memref<1x8x128xi32, #tpu.memory_space<hbm>>
        %dma_wait3A_706 = tpu.memref_squeeze %dma_wait3A_705 : memref<1x8x128xi32, #tpu.memory_space<hbm>> -> memref<8x128xi32, #tpu.memory_space<hbm>>
        tpu.wait_dma2 semaphore(%arg36 : memref<!tpu.dma_semaphore, #tpu.memory_space<semaphore_mem>>) src(%dma_wait3A_706 : memref<8x128xi32, #tpu.memory_space<hbm>>) dst(%arg6 : memref<8x128xi32, #tpu.memory_space<vmem>>)
        %mul3A_707 = arith.constant 8 : i32
        %mul3A_708 = arith.muli %add3A_696, %mul3A_707 : i32
        %add3A_709 = arith.constant 0 : i32
        %add3A_710 = arith.addi %add3A_709, %mul3A_708 : i32
        %dma_wait3A_711 = arith.constant 0 : i32
        %dma_wait3A_712 = tpu.memref_slice %arg3[%arg1, %add3A_710, %dma_wait3A_711] : memref<16x160x128xi32, #tpu.memory_space<hbm>> -> memref<1x8x128xi32, #tpu.memory_space<hbm>>
        %dma_wait3A_713 = tpu.memref_squeeze %dma_wait3A_712 : memref<1x8x128xi32, #tpu.memory_space<hbm>> -> memref<8x128xi32, #tpu.memory_space<hbm>>
        %dma_wait3A_714 = arith.constant 0 : i32
        %dma_wait3A_715 = tpu.memref_slice %arg3[%arg1, %add3A_710, %dma_wait3A_714] : memref<16x160x128xi32, #tpu.memory_space<hbm>> -> memref<1x8x128xi32, #tpu.memory_space<hbm>>
        %dma_wait3A_716 = tpu.memref_squeeze %dma_wait3A_715 : memref<1x8x128xi32, #tpu.memory_space<hbm>> -> memref<8x128xi32, #tpu.memory_space<hbm>>
        tpu.wait_dma2 semaphore(%arg36 : memref<!tpu.dma_semaphore, #tpu.memory_space<semaphore_mem>>) src(%dma_wait3A_716 : memref<8x128xi32, #tpu.memory_space<hbm>>) dst(%arg8 : memref<8x128xi32, #tpu.memory_space<vmem>>)
      } else {
      }
      %dma_wait3A_576 = arith.constant 0 : i32
      %dma_wait3A_577 = arith.constant 0 : i32
      %dma_wait3A_578 = tpu.memref_slice %arg9[%dma_wait3A_576, %dma_wait3A_577] : memref<8x128xi32, #tpu.memory_space<vmem>> -> memref<1x128xi32, #tpu.memory_space<vmem>>
      %dma_wait3A_579 = tpu.memref_squeeze %dma_wait3A_578 : memref<1x128xi32, #tpu.memory_space<vmem>> -> memref<128xi32, #tpu.memory_space<vmem>>
      %dma_wait3A_580 = arith.constant 0 : i32
      %dma_wait3A_581 = arith.constant 0 : i32
      %dma_wait3A_582 = tpu.memref_slice %arg19[%dma_wait3A_580, %dma_wait3A_581] : memref<10240x64xbf16, #tpu.memory_space<vmem_shared>> -> memref<10240x64xbf16, #tpu.memory_space<vmem_shared>>
      tpu.wait_indirect_dma semaphore(%arg28 : memref<!tpu.dma_semaphore, #tpu.memory_space<semaphore_mem>>) src(%arg10 : memref<128x64xbf16, #tpu.memory_space<vmem>>) dst(%dma_wait3A_582 : memref<10240x64xbf16, #tpu.memory_space<vmem_shared>>)
      %add3A_583 = arith.constant 1 : i32
      %add3A_584 = arith.addi %add3A_424, %add3A_583 : i32
      %lt3A_585 = arith.constant 20 : i32
      %lt3A_586 = arith.cmpi slt, %add3A_584, %lt3A_585 : i32
      %convert_element_type3A_587 = arith.extui %lt3A_586 : i1 to i32
      %cond3A_588 = arith.constant 0 : i32
      %cond3A_589 = arith.cmpi ne, %convert_element_type3A_587, %cond3A_588 : i32
      scf.if %cond3A_589 {
        %dma_start3A_695 = arith.constant 0 : i32
        %dma_start3A_696 = arith.constant 0 : i32
        %dma_start3A_697 = tpu.memref_slice %arg6[%dma_start3A_695, %dma_start3A_696] : memref<8x128xi32, #tpu.memory_space<vmem>> -> memref<1x128xi32, #tpu.memory_space<vmem>>
        %dma_start3A_698 = tpu.memref_squeeze %dma_start3A_697 : memref<1x128xi32, #tpu.memory_space<vmem>> -> memref<128xi32, #tpu.memory_space<vmem>>
        %dma_start3A_699 = arith.constant 0 : i32
        %dma_start3A_700 = arith.constant 0 : i32
        %dma_start3A_701 = tpu.memref_slice %arg4[%arg0, %dma_start3A_699, %dma_start3A_700] : memref<2x10000x64xbf16, #tpu.memory_space<hbm>> -> memref<1x10000x64xbf16, #tpu.memory_space<hbm>>
        %dma_start3A_702 = tpu.memref_squeeze %dma_start3A_701 : memref<1x10000x64xbf16, #tpu.memory_space<hbm>> -> memref<10000x64xbf16, #tpu.memory_space<hbm>>
        %dma_start3A_703 = arith.constant 0 : i32
        %dma_start3A_704 = arith.constant 0 : i32
        %dma_start3A_705 = tpu.memref_slice %dma_start3A_702[%dma_start3A_703, %dma_start3A_704] : memref<10000x64xbf16, #tpu.memory_space<hbm>> -> memref<10000x64xbf16, #tpu.memory_space<hbm>>
        tpu.enqueue_indirect_dma source(%dma_start3A_705 : memref<10000x64xbf16, #tpu.memory_space<hbm>>) target(%arg10 : memref<128x64xbf16, #tpu.memory_space<vmem>>) offsets(%dma_start3A_698 : memref<128xi32, #tpu.memory_space<vmem>>) semaphore(%arg20 : memref<!tpu.dma_semaphore, #tpu.memory_space<semaphore_mem>>)
      } else {
      }
      %dma_wait3A_590 = arith.constant 1 : i32
      %dma_wait3A_591 = arith.constant 0 : i32
      %dma_wait3A_592 = tpu.memref_slice %arg9[%dma_wait3A_590, %dma_wait3A_591] : memref<8x128xi32, #tpu.memory_space<vmem>> -> memref<1x128xi32, #tpu.memory_space<vmem>>
      %dma_wait3A_593 = tpu.memref_squeeze %dma_wait3A_592 : memref<1x128xi32, #tpu.memory_space<vmem>> -> memref<128xi32, #tpu.memory_space<vmem>>
      %dma_wait3A_594 = arith.constant 0 : i32
      %dma_wait3A_595 = arith.constant 0 : i32
      %dma_wait3A_596 = tpu.memref_slice %arg19[%dma_wait3A_594, %dma_wait3A_595] : memref<10240x64xbf16, #tpu.memory_space<vmem_shared>> -> memref<10240x64xbf16, #tpu.memory_space<vmem_shared>>
      tpu.wait_indirect_dma semaphore(%arg29 : memref<!tpu.dma_semaphore, #tpu.memory_space<semaphore_mem>>) src(%arg11 : memref<128x64xbf16, #tpu.memory_space<vmem>>) dst(%dma_wait3A_596 : memref<10240x64xbf16, #tpu.memory_space<vmem_shared>>)
      %add3A_597 = arith.constant 1 : i32
      %add3A_598 = arith.addi %add3A_424, %add3A_597 : i32
      %lt3A_599 = arith.constant 20 : i32
      %lt3A_600 = arith.cmpi slt, %add3A_598, %lt3A_599 : i32
      %convert_element_type3A_601 = arith.extui %lt3A_600 : i1 to i32
      %cond3A_602 = arith.constant 0 : i32
      %cond3A_603 = arith.cmpi ne, %convert_element_type3A_601, %cond3A_602 : i32
      scf.if %cond3A_603 {
        %dma_start3A_695 = arith.constant 1 : i32
        %dma_start3A_696 = arith.constant 0 : i32
        %dma_start3A_697 = tpu.memref_slice %arg6[%dma_start3A_695, %dma_start3A_696] : memref<8x128xi32, #tpu.memory_space<vmem>> -> memref<1x128xi32, #tpu.memory_space<vmem>>
        %dma_start3A_698 = tpu.memref_squeeze %dma_start3A_697 : memref<1x128xi32, #tpu.memory_space<vmem>> -> memref<128xi32, #tpu.memory_space<vmem>>
        %dma_start3A_699 = arith.constant 0 : i32
        %dma_start3A_700 = arith.constant 0 : i32
        %dma_start3A_701 = tpu.memref_slice %arg4[%arg0, %dma_start3A_699, %dma_start3A_700] : memref<2x10000x64xbf16, #tpu.memory_space<hbm>> -> memref<1x10000x64xbf16, #tpu.memory_space<hbm>>
        %dma_start3A_702 = tpu.memref_squeeze %dma_start3A_701 : memref<1x10000x64xbf16, #tpu.memory_space<hbm>> -> memref<10000x64xbf16, #tpu.memory_space<hbm>>
        %dma_start3A_703 = arith.constant 0 : i32
        %dma_start3A_704 = arith.constant 0 : i32
        %dma_start3A_705 = tpu.memref_slice %dma_start3A_702[%dma_start3A_703, %dma_start3A_704] : memref<10000x64xbf16, #tpu.memory_space<hbm>> -> memref<10000x64xbf16, #tpu.memory_space<hbm>>
        tpu.enqueue_indirect_dma source(%dma_start3A_705 : memref<10000x64xbf16, #tpu.memory_space<hbm>>) target(%arg11 : memref<128x64xbf16, #tpu.memory_space<vmem>>) offsets(%dma_start3A_698 : memref<128xi32, #tpu.memory_space<vmem>>) semaphore(%arg21 : memref<!tpu.dma_semaphore, #tpu.memory_space<semaphore_mem>>)
      } else {
      }
      %dma_wait3A_604 = arith.constant 2 : i32
      %dma_wait3A_605 = arith.constant 0 : i32
      %dma_wait3A_606 = tpu.memref_slice %arg9[%dma_wait3A_604, %dma_wait3A_605] : memref<8x128xi32, #tpu.memory_space<vmem>> -> memref<1x128xi32, #tpu.memory_space<vmem>>
      %dma_wait3A_607 = tpu.memref_squeeze %dma_wait3A_606 : memref<1x128xi32, #tpu.memory_space<vmem>> -> memref<128xi32, #tpu.memory_space<vmem>>
      %dma_wait3A_608 = arith.constant 0 : i32
      %dma_wait3A_609 = arith.constant 0 : i32
      %dma_wait3A_610 = tpu.memref_slice %arg19[%dma_wait3A_608, %dma_wait3A_609] : memref<10240x64xbf16, #tpu.memory_space<vmem_shared>> -> memref<10240x64xbf16, #tpu.memory_space<vmem_shared>>
      tpu.wait_indirect_dma semaphore(%arg30 : memref<!tpu.dma_semaphore, #tpu.memory_space<semaphore_mem>>) src(%arg12 : memref<128x64xbf16, #tpu.memory_space<vmem>>) dst(%dma_wait3A_610 : memref<10240x64xbf16, #tpu.memory_space<vmem_shared>>)
      %add3A_611 = arith.constant 1 : i32
      %add3A_612 = arith.addi %add3A_424, %add3A_611 : i32
      %lt3A_613 = arith.constant 20 : i32
      %lt3A_614 = arith.cmpi slt, %add3A_612, %lt3A_613 : i32
      %convert_element_type3A_615 = arith.extui %lt3A_614 : i1 to i32
      %cond3A_616 = arith.constant 0 : i32
      %cond3A_617 = arith.cmpi ne, %convert_element_type3A_615, %cond3A_616 : i32
      scf.if %cond3A_617 {
        %dma_start3A_695 = arith.constant 2 : i32
        %dma_start3A_696 = arith.constant 0 : i32
        %dma_start3A_697 = tpu.memref_slice %arg6[%dma_start3A_695, %dma_start3A_696] : memref<8x128xi32, #tpu.memory_space<vmem>> -> memref<1x128xi32, #tpu.memory_space<vmem>>
        %dma_start3A_698 = tpu.memref_squeeze %dma_start3A_697 : memref<1x128xi32, #tpu.memory_space<vmem>> -> memref<128xi32, #tpu.memory_space<vmem>>
        %dma_start3A_699 = arith.constant 0 : i32
        %dma_start3A_700 = arith.constant 0 : i32
        %dma_start3A_701 = tpu.memref_slice %arg4[%arg0, %dma_start3A_699, %dma_start3A_700] : memref<2x10000x64xbf16, #tpu.memory_space<hbm>> -> memref<1x10000x64xbf16, #tpu.memory_space<hbm>>
        %dma_start3A_702 = tpu.memref_squeeze %dma_start3A_701 : memref<1x10000x64xbf16, #tpu.memory_space<hbm>> -> memref<10000x64xbf16, #tpu.memory_space<hbm>>
        %dma_start3A_703 = arith.constant 0 : i32
        %dma_start3A_704 = arith.constant 0 : i32
        %dma_start3A_705 = tpu.memref_slice %dma_start3A_702[%dma_start3A_703, %dma_start3A_704] : memref<10000x64xbf16, #tpu.memory_space<hbm>> -> memref<10000x64xbf16, #tpu.memory_space<hbm>>
        tpu.enqueue_indirect_dma source(%dma_start3A_705 : memref<10000x64xbf16, #tpu.memory_space<hbm>>) target(%arg12 : memref<128x64xbf16, #tpu.memory_space<vmem>>) offsets(%dma_start3A_698 : memref<128xi32, #tpu.memory_space<vmem>>) semaphore(%arg22 : memref<!tpu.dma_semaphore, #tpu.memory_space<semaphore_mem>>)
      } else {
      }
      %dma_wait3A_618 = arith.constant 3 : i32
      %dma_wait3A_619 = arith.constant 0 : i32
      %dma_wait3A_620 = tpu.memref_slice %arg9[%dma_wait3A_618, %dma_wait3A_619] : memref<8x128xi32, #tpu.memory_space<vmem>> -> memref<1x128xi32, #tpu.memory_space<vmem>>
      %dma_wait3A_621 = tpu.memref_squeeze %dma_wait3A_620 : memref<1x128xi32, #tpu.memory_space<vmem>> -> memref<128xi32, #tpu.memory_space<vmem>>
      %dma_wait3A_622 = arith.constant 0 : i32
      %dma_wait3A_623 = arith.constant 0 : i32
      %dma_wait3A_624 = tpu.memref_slice %arg19[%dma_wait3A_622, %dma_wait3A_623] : memref<10240x64xbf16, #tpu.memory_space<vmem_shared>> -> memref<10240x64xbf16, #tpu.memory_space<vmem_shared>>
      tpu.wait_indirect_dma semaphore(%arg31 : memref<!tpu.dma_semaphore, #tpu.memory_space<semaphore_mem>>) src(%arg13 : memref<128x64xbf16, #tpu.memory_space<vmem>>) dst(%dma_wait3A_624 : memref<10240x64xbf16, #tpu.memory_space<vmem_shared>>)
      %add3A_625 = arith.constant 1 : i32
      %add3A_626 = arith.addi %add3A_424, %add3A_625 : i32
      %lt3A_627 = arith.constant 20 : i32
      %lt3A_628 = arith.cmpi slt, %add3A_626, %lt3A_627 : i32
      %convert_element_type3A_629 = arith.extui %lt3A_628 : i1 to i32
      %cond3A_630 = arith.constant 0 : i32
      %cond3A_631 = arith.cmpi ne, %convert_element_type3A_629, %cond3A_630 : i32
      scf.if %cond3A_631 {
        %dma_start3A_695 = arith.constant 3 : i32
        %dma_start3A_696 = arith.constant 0 : i32
        %dma_start3A_697 = tpu.memref_slice %arg6[%dma_start3A_695, %dma_start3A_696] : memref<8x128xi32, #tpu.memory_space<vmem>> -> memref<1x128xi32, #tpu.memory_space<vmem>>
        %dma_start3A_698 = tpu.memref_squeeze %dma_start3A_697 : memref<1x128xi32, #tpu.memory_space<vmem>> -> memref<128xi32, #tpu.memory_space<vmem>>
        %dma_start3A_699 = arith.constant 0 : i32
        %dma_start3A_700 = arith.constant 0 : i32
        %dma_start3A_701 = tpu.memref_slice %arg4[%arg0, %dma_start3A_699, %dma_start3A_700] : memref<2x10000x64xbf16, #tpu.memory_space<hbm>> -> memref<1x10000x64xbf16, #tpu.memory_space<hbm>>
        %dma_start3A_702 = tpu.memref_squeeze %dma_start3A_701 : memref<1x10000x64xbf16, #tpu.memory_space<hbm>> -> memref<10000x64xbf16, #tpu.memory_space<hbm>>
        %dma_start3A_703 = arith.constant 0 : i32
        %dma_start3A_704 = arith.constant 0 : i32
        %dma_start3A_705 = tpu.memref_slice %dma_start3A_702[%dma_start3A_703, %dma_start3A_704] : memref<10000x64xbf16, #tpu.memory_space<hbm>> -> memref<10000x64xbf16, #tpu.memory_space<hbm>>
        tpu.enqueue_indirect_dma source(%dma_start3A_705 : memref<10000x64xbf16, #tpu.memory_space<hbm>>) target(%arg13 : memref<128x64xbf16, #tpu.memory_space<vmem>>) offsets(%dma_start3A_698 : memref<128xi32, #tpu.memory_space<vmem>>) semaphore(%arg23 : memref<!tpu.dma_semaphore, #tpu.memory_space<semaphore_mem>>)
      } else {
      }
      %dma_wait3A_632 = arith.constant 4 : i32
      %dma_wait3A_633 = arith.constant 0 : i32
      %dma_wait3A_634 = tpu.memref_slice %arg9[%dma_wait3A_632, %dma_wait3A_633] : memref<8x128xi32, #tpu.memory_space<vmem>> -> memref<1x128xi32, #tpu.memory_space<vmem>>
      %dma_wait3A_635 = tpu.memref_squeeze %dma_wait3A_634 : memref<1x128xi32, #tpu.memory_space<vmem>> -> memref<128xi32, #tpu.memory_space<vmem>>
      %dma_wait3A_636 = arith.constant 0 : i32
      %dma_wait3A_637 = arith.constant 0 : i32
      %dma_wait3A_638 = tpu.memref_slice %arg19[%dma_wait3A_636, %dma_wait3A_637] : memref<10240x64xbf16, #tpu.memory_space<vmem_shared>> -> memref<10240x64xbf16, #tpu.memory_space<vmem_shared>>
      tpu.wait_indirect_dma semaphore(%arg32 : memref<!tpu.dma_semaphore, #tpu.memory_space<semaphore_mem>>) src(%arg14 : memref<128x64xbf16, #tpu.memory_space<vmem>>) dst(%dma_wait3A_638 : memref<10240x64xbf16, #tpu.memory_space<vmem_shared>>)
      %add3A_639 = arith.constant 1 : i32
      %add3A_640 = arith.addi %add3A_424, %add3A_639 : i32
      %lt3A_641 = arith.constant 20 : i32
      %lt3A_642 = arith.cmpi slt, %add3A_640, %lt3A_641 : i32
      %convert_element_type3A_643 = arith.extui %lt3A_642 : i1 to i32
      %cond3A_644 = arith.constant 0 : i32
      %cond3A_645 = arith.cmpi ne, %convert_element_type3A_643, %cond3A_644 : i32
      scf.if %cond3A_645 {
        %dma_start3A_695 = arith.constant 4 : i32
        %dma_start3A_696 = arith.constant 0 : i32
        %dma_start3A_697 = tpu.memref_slice %arg6[%dma_start3A_695, %dma_start3A_696] : memref<8x128xi32, #tpu.memory_space<vmem>> -> memref<1x128xi32, #tpu.memory_space<vmem>>
        %dma_start3A_698 = tpu.memref_squeeze %dma_start3A_697 : memref<1x128xi32, #tpu.memory_space<vmem>> -> memref<128xi32, #tpu.memory_space<vmem>>
        %dma_start3A_699 = arith.constant 0 : i32
        %dma_start3A_700 = arith.constant 0 : i32
        %dma_start3A_701 = tpu.memref_slice %arg4[%arg0, %dma_start3A_699, %dma_start3A_700] : memref<2x10000x64xbf16, #tpu.memory_space<hbm>> -> memref<1x10000x64xbf16, #tpu.memory_space<hbm>>
        %dma_start3A_702 = tpu.memref_squeeze %dma_start3A_701 : memref<1x10000x64xbf16, #tpu.memory_space<hbm>> -> memref<10000x64xbf16, #tpu.memory_space<hbm>>
        %dma_start3A_703 = arith.constant 0 : i32
        %dma_start3A_704 = arith.constant 0 : i32
        %dma_start3A_705 = tpu.memref_slice %dma_start3A_702[%dma_start3A_703, %dma_start3A_704] : memref<10000x64xbf16, #tpu.memory_space<hbm>> -> memref<10000x64xbf16, #tpu.memory_space<hbm>>
        tpu.enqueue_indirect_dma source(%dma_start3A_705 : memref<10000x64xbf16, #tpu.memory_space<hbm>>) target(%arg14 : memref<128x64xbf16, #tpu.memory_space<vmem>>) offsets(%dma_start3A_698 : memref<128xi32, #tpu.memory_space<vmem>>) semaphore(%arg24 : memref<!tpu.dma_semaphore, #tpu.memory_space<semaphore_mem>>)
      } else {
      }
      %dma_wait3A_646 = arith.constant 5 : i32
      %dma_wait3A_647 = arith.constant 0 : i32
      %dma_wait3A_648 = tpu.memref_slice %arg9[%dma_wait3A_646, %dma_wait3A_647] : memref<8x128xi32, #tpu.memory_space<vmem>> -> memref<1x128xi32, #tpu.memory_space<vmem>>
      %dma_wait3A_649 = tpu.memref_squeeze %dma_wait3A_648 : memref<1x128xi32, #tpu.memory_space<vmem>> -> memref<128xi32, #tpu.memory_space<vmem>>
      %dma_wait3A_650 = arith.constant 0 : i32
      %dma_wait3A_651 = arith.constant 0 : i32
      %dma_wait3A_652 = tpu.memref_slice %arg19[%dma_wait3A_650, %dma_wait3A_651] : memref<10240x64xbf16, #tpu.memory_space<vmem_shared>> -> memref<10240x64xbf16, #tpu.memory_space<vmem_shared>>
      tpu.wait_indirect_dma semaphore(%arg33 : memref<!tpu.dma_semaphore, #tpu.memory_space<semaphore_mem>>) src(%arg15 : memref<128x64xbf16, #tpu.memory_space<vmem>>) dst(%dma_wait3A_652 : memref<10240x64xbf16, #tpu.memory_space<vmem_shared>>)
      %add3A_653 = arith.constant 1 : i32
      %add3A_654 = arith.addi %add3A_424, %add3A_653 : i32
      %lt3A_655 = arith.constant 20 : i32
      %lt3A_656 = arith.cmpi slt, %add3A_654, %lt3A_655 : i32
      %convert_element_type3A_657 = arith.extui %lt3A_656 : i1 to i32
      %cond3A_658 = arith.constant 0 : i32
      %cond3A_659 = arith.cmpi ne, %convert_element_type3A_657, %cond3A_658 : i32
      scf.if %cond3A_659 {
        %dma_start3A_695 = arith.constant 5 : i32
        %dma_start3A_696 = arith.constant 0 : i32
        %dma_start3A_697 = tpu.memref_slice %arg6[%dma_start3A_695, %dma_start3A_696] : memref<8x128xi32, #tpu.memory_space<vmem>> -> memref<1x128xi32, #tpu.memory_space<vmem>>
        %dma_start3A_698 = tpu.memref_squeeze %dma_start3A_697 : memref<1x128xi32, #tpu.memory_space<vmem>> -> memref<128xi32, #tpu.memory_space<vmem>>
        %dma_start3A_699 = arith.constant 0 : i32
        %dma_start3A_700 = arith.constant 0 : i32
        %dma_start3A_701 = tpu.memref_slice %arg4[%arg0, %dma_start3A_699, %dma_start3A_700] : memref<2x10000x64xbf16, #tpu.memory_space<hbm>> -> memref<1x10000x64xbf16, #tpu.memory_space<hbm>>
        %dma_start3A_702 = tpu.memref_squeeze %dma_start3A_701 : memref<1x10000x64xbf16, #tpu.memory_space<hbm>> -> memref<10000x64xbf16, #tpu.memory_space<hbm>>
        %dma_start3A_703 = arith.constant 0 : i32
        %dma_start3A_704 = arith.constant 0 : i32
        %dma_start3A_705 = tpu.memref_slice %dma_start3A_702[%dma_start3A_703, %dma_start3A_704] : memref<10000x64xbf16, #tpu.memory_space<hbm>> -> memref<10000x64xbf16, #tpu.memory_space<hbm>>
        tpu.enqueue_indirect_dma source(%dma_start3A_705 : memref<10000x64xbf16, #tpu.memory_space<hbm>>) target(%arg15 : memref<128x64xbf16, #tpu.memory_space<vmem>>) offsets(%dma_start3A_698 : memref<128xi32, #tpu.memory_space<vmem>>) semaphore(%arg25 : memref<!tpu.dma_semaphore, #tpu.memory_space<semaphore_mem>>)
      } else {
      }
      %dma_wait3A_660 = arith.constant 6 : i32
      %dma_wait3A_661 = arith.constant 0 : i32
      %dma_wait3A_662 = tpu.memref_slice %arg9[%dma_wait3A_660, %dma_wait3A_661] : memref<8x128xi32, #tpu.memory_space<vmem>> -> memref<1x128xi32, #tpu.memory_space<vmem>>
      %dma_wait3A_663 = tpu.memref_squeeze %dma_wait3A_662 : memref<1x128xi32, #tpu.memory_space<vmem>> -> memref<128xi32, #tpu.memory_space<vmem>>
      %dma_wait3A_664 = arith.constant 0 : i32
      %dma_wait3A_665 = arith.constant 0 : i32
      %dma_wait3A_666 = tpu.memref_slice %arg19[%dma_wait3A_664, %dma_wait3A_665] : memref<10240x64xbf16, #tpu.memory_space<vmem_shared>> -> memref<10240x64xbf16, #tpu.memory_space<vmem_shared>>
      tpu.wait_indirect_dma semaphore(%arg34 : memref<!tpu.dma_semaphore, #tpu.memory_space<semaphore_mem>>) src(%arg16 : memref<128x64xbf16, #tpu.memory_space<vmem>>) dst(%dma_wait3A_666 : memref<10240x64xbf16, #tpu.memory_space<vmem_shared>>)
      %add3A_667 = arith.constant 1 : i32
      %add3A_668 = arith.addi %add3A_424, %add3A_667 : i32
      %lt3A_669 = arith.constant 20 : i32
      %lt3A_670 = arith.cmpi slt, %add3A_668, %lt3A_669 : i32
      %convert_element_type3A_671 = arith.extui %lt3A_670 : i1 to i32
      %cond3A_672 = arith.constant 0 : i32
      %cond3A_673 = arith.cmpi ne, %convert_element_type3A_671, %cond3A_672 : i32
      scf.if %cond3A_673 {
        %dma_start3A_695 = arith.constant 6 : i32
        %dma_start3A_696 = arith.constant 0 : i32
        %dma_start3A_697 = tpu.memref_slice %arg6[%dma_start3A_695, %dma_start3A_696] : memref<8x128xi32, #tpu.memory_space<vmem>> -> memref<1x128xi32, #tpu.memory_space<vmem>>
        %dma_start3A_698 = tpu.memref_squeeze %dma_start3A_697 : memref<1x128xi32, #tpu.memory_space<vmem>> -> memref<128xi32, #tpu.memory_space<vmem>>
        %dma_start3A_699 = arith.constant 0 : i32
        %dma_start3A_700 = arith.constant 0 : i32
        %dma_start3A_701 = tpu.memref_slice %arg4[%arg0, %dma_start3A_699, %dma_start3A_700] : memref<2x10000x64xbf16, #tpu.memory_space<hbm>> -> memref<1x10000x64xbf16, #tpu.memory_space<hbm>>
        %dma_start3A_702 = tpu.memref_squeeze %dma_start3A_701 : memref<1x10000x64xbf16, #tpu.memory_space<hbm>> -> memref<10000x64xbf16, #tpu.memory_space<hbm>>
        %dma_start3A_703 = arith.constant 0 : i32
        %dma_start3A_704 = arith.constant 0 : i32
        %dma_start3A_705 = tpu.memref_slice %dma_start3A_702[%dma_start3A_703, %dma_start3A_704] : memref<10000x64xbf16, #tpu.memory_space<hbm>> -> memref<10000x64xbf16, #tpu.memory_space<hbm>>
        tpu.enqueue_indirect_dma source(%dma_start3A_705 : memref<10000x64xbf16, #tpu.memory_space<hbm>>) target(%arg16 : memref<128x64xbf16, #tpu.memory_space<vmem>>) offsets(%dma_start3A_698 : memref<128xi32, #tpu.memory_space<vmem>>) semaphore(%arg26 : memref<!tpu.dma_semaphore, #tpu.memory_space<semaphore_mem>>)
      } else {
      }
      %dma_wait3A_674 = arith.constant 7 : i32
      %dma_wait3A_675 = arith.constant 0 : i32
      %dma_wait3A_676 = tpu.memref_slice %arg9[%dma_wait3A_674, %dma_wait3A_675] : memref<8x128xi32, #tpu.memory_space<vmem>> -> memref<1x128xi32, #tpu.memory_space<vmem>>
      %dma_wait3A_677 = tpu.memref_squeeze %dma_wait3A_676 : memref<1x128xi32, #tpu.memory_space<vmem>> -> memref<128xi32, #tpu.memory_space<vmem>>
      %dma_wait3A_678 = arith.constant 0 : i32
      %dma_wait3A_679 = arith.constant 0 : i32
      %dma_wait3A_680 = tpu.memref_slice %arg19[%dma_wait3A_678, %dma_wait3A_679] : memref<10240x64xbf16, #tpu.memory_space<vmem_shared>> -> memref<10240x64xbf16, #tpu.memory_space<vmem_shared>>
      tpu.wait_indirect_dma semaphore(%arg35 : memref<!tpu.dma_semaphore, #tpu.memory_space<semaphore_mem>>) src(%arg17 : memref<128x64xbf16, #tpu.memory_space<vmem>>) dst(%dma_wait3A_680 : memref<10240x64xbf16, #tpu.memory_space<vmem_shared>>)
      %add3A_681 = arith.constant 1 : i32
      %add3A_682 = arith.addi %add3A_424, %add3A_681 : i32
      %lt3A_683 = arith.constant 20 : i32
      %lt3A_684 = arith.cmpi slt, %add3A_682, %lt3A_683 : i32
      %convert_element_type3A_685 = arith.extui %lt3A_684 : i1 to i32
      %cond3A_686 = arith.constant 0 : i32
      %cond3A_687 = arith.cmpi ne, %convert_element_type3A_685, %cond3A_686 : i32
      scf.if %cond3A_687 {
        %dma_start3A_695 = arith.constant 7 : i32
        %dma_start3A_696 = arith.constant 0 : i32
        %dma_start3A_697 = tpu.memref_slice %arg6[%dma_start3A_695, %dma_start3A_696] : memref<8x128xi32, #tpu.memory_space<vmem>> -> memref<1x128xi32, #tpu.memory_space<vmem>>
        %dma_start3A_698 = tpu.memref_squeeze %dma_start3A_697 : memref<1x128xi32, #tpu.memory_space<vmem>> -> memref<128xi32, #tpu.memory_space<vmem>>
        %dma_start3A_699 = arith.constant 0 : i32
        %dma_start3A_700 = arith.constant 0 : i32
        %dma_start3A_701 = tpu.memref_slice %arg4[%arg0, %dma_start3A_699, %dma_start3A_700] : memref<2x10000x64xbf16, #tpu.memory_space<hbm>> -> memref<1x10000x64xbf16, #tpu.memory_space<hbm>>
        %dma_start3A_702 = tpu.memref_squeeze %dma_start3A_701 : memref<1x10000x64xbf16, #tpu.memory_space<hbm>> -> memref<10000x64xbf16, #tpu.memory_space<hbm>>
        %dma_start3A_703 = arith.constant 0 : i32
        %dma_start3A_704 = arith.constant 0 : i32
        %dma_start3A_705 = tpu.memref_slice %dma_start3A_702[%dma_start3A_703, %dma_start3A_704] : memref<10000x64xbf16, #tpu.memory_space<hbm>> -> memref<10000x64xbf16, #tpu.memory_space<hbm>>
        tpu.enqueue_indirect_dma source(%dma_start3A_705 : memref<10000x64xbf16, #tpu.memory_space<hbm>>) target(%arg17 : memref<128x64xbf16, #tpu.memory_space<vmem>>) offsets(%dma_start3A_698 : memref<128xi32, #tpu.memory_space<vmem>>) semaphore(%arg27 : memref<!tpu.dma_semaphore, #tpu.memory_space<semaphore_mem>>)
      } else {
      }
      %add3A_688 = arith.constant 2 : i32
      %add3A_689 = arith.addi %add3A_424, %add3A_688 : i32
      %lt3A_690 = arith.constant 20 : i32
      %lt3A_691 = arith.cmpi slt, %add3A_689, %lt3A_690 : i32
      %convert_element_type3A_692 = arith.extui %lt3A_691 : i1 to i32
      %cond3A_693 = arith.constant 0 : i32
      %cond3A_694 = arith.cmpi ne, %convert_element_type3A_692, %cond3A_693 : i32
      scf.if %cond3A_694 {
        %add3A_695 = arith.constant 2 : i32
        %add3A_696 = arith.addi %add3A_424, %add3A_695 : i32
        %mul3A_697 = arith.constant 8 : i32
        %mul3A_698 = arith.muli %add3A_696, %mul3A_697 : i32
        %add3A_699 = arith.constant 0 : i32
        %add3A_700 = arith.addi %add3A_699, %mul3A_698 : i32
        %dma_start3A_701 = arith.constant 0 : i32
        %dma_start3A_702 = tpu.memref_slice %arg2[%arg1, %add3A_700, %dma_start3A_701] : memref<16x160x128xi32, #tpu.memory_space<hbm>> -> memref<1x8x128xi32, #tpu.memory_space<hbm>>
        %dma_start3A_703 = tpu.memref_squeeze %dma_start3A_702 : memref<1x8x128xi32, #tpu.memory_space<hbm>> -> memref<8x128xi32, #tpu.memory_space<hbm>>
        %dma_start3A_704 = arith.constant 0 : i32
        %dma_start3A_705 = tpu.memref_slice %arg2[%arg1, %add3A_700, %dma_start3A_704] : memref<16x160x128xi32, #tpu.memory_space<hbm>> -> memref<1x8x128xi32, #tpu.memory_space<hbm>>
        %dma_start3A_706 = tpu.memref_squeeze %dma_start3A_705 : memref<1x8x128xi32, #tpu.memory_space<hbm>> -> memref<8x128xi32, #tpu.memory_space<hbm>>
        tpu.enqueue_dma source(%dma_start3A_706 : memref<8x128xi32, #tpu.memory_space<hbm>>) target(%arg7 : memref<8x128xi32, #tpu.memory_space<vmem>>) target_semaphore(%arg37 : memref<!tpu.dma_semaphore, #tpu.memory_space<semaphore_mem>>)
        %mul3A_707 = arith.constant 8 : i32
        %mul3A_708 = arith.muli %add3A_696, %mul3A_707 : i32
        %add3A_709 = arith.constant 0 : i32
        %add3A_710 = arith.addi %add3A_709, %mul3A_708 : i32
        %dma_start3A_711 = arith.constant 0 : i32
        %dma_start3A_712 = tpu.memref_slice %arg3[%arg1, %add3A_710, %dma_start3A_711] : memref<16x160x128xi32, #tpu.memory_space<hbm>> -> memref<1x8x128xi32, #tpu.memory_space<hbm>>
        %dma_start3A_713 = tpu.memref_squeeze %dma_start3A_712 : memref<1x8x128xi32, #tpu.memory_space<hbm>> -> memref<8x128xi32, #tpu.memory_space<hbm>>
        %dma_start3A_714 = arith.constant 0 : i32
        %dma_start3A_715 = tpu.memref_slice %arg3[%arg1, %add3A_710, %dma_start3A_714] : memref<16x160x128xi32, #tpu.memory_space<hbm>> -> memref<1x8x128xi32, #tpu.memory_space<hbm>>
        %dma_start3A_716 = tpu.memref_squeeze %dma_start3A_715 : memref<1x8x128xi32, #tpu.memory_space<hbm>> -> memref<8x128xi32, #tpu.memory_space<hbm>>
        tpu.enqueue_dma source(%dma_start3A_716 : memref<8x128xi32, #tpu.memory_space<hbm>>) target(%arg9 : memref<8x128xi32, #tpu.memory_space<vmem>>) target_semaphore(%arg37 : memref<!tpu.dma_semaphore, #tpu.memory_space<semaphore_mem>>)
      } else {
      }
    }
    %scan3A_147 = arith.constant 10 : i32
    %barrier3A_148 = arith.constant 0 : index
    tpu.barrier barrier_id(%barrier3A_148)
    %mul3A = arith.constant 640 : i32
    %mul3A_149 = arith.muli %arg1, %mul3A : i32
    %mul3A_150 = arith.constant 640 : i32
    %mul3A_151 = arith.muli %arg1, %mul3A_150 : i32
    "tpu.region"() ({
      %run_scoped3A = tpu.sem_alloc : memref<!tpu.dma_semaphore, #tpu.memory_space<semaphore_mem>>
      %dma_start3A_152 = arith.constant 0 : i32
      %dma_start3A_153 = tpu.memref_slice %arg5[%arg0, %mul3A_151, %dma_start3A_152] : memref<2x10240x64xbf16, #tpu.memory_space<hbm>> -> memref<1x640x64xbf16, #tpu.memory_space<hbm>>
      %dma_start3A_154 = tpu.memref_squeeze %dma_start3A_153 : memref<1x640x64xbf16, #tpu.memory_space<hbm>> -> memref<640x64xbf16, #tpu.memory_space<hbm>>
      %dma_start3A_155 = arith.constant 0 : i32
      %dma_start3A_156 = tpu.memref_slice %arg19[%mul3A_149, %dma_start3A_155] : memref<10240x64xbf16, #tpu.memory_space<vmem_shared>> -> memref<640x64xbf16, #tpu.memory_space<vmem_shared>>
      tpu.enqueue_dma source(%dma_start3A_156 : memref<640x64xbf16, #tpu.memory_space<vmem_shared>>) target(%dma_start3A_154 : memref<640x64xbf16, #tpu.memory_space<hbm>>) target_semaphore(%run_scoped3A : memref<!tpu.dma_semaphore, #tpu.memory_space<semaphore_mem>>)
      %dma_wait3A_157 = arith.constant 0 : i32
      %dma_wait3A_158 = tpu.memref_slice %arg5[%arg0, %mul3A_151, %dma_wait3A_157] : memref<2x10240x64xbf16, #tpu.memory_space<hbm>> -> memref<1x640x64xbf16, #tpu.memory_space<hbm>>
      %dma_wait3A_159 = tpu.memref_squeeze %dma_wait3A_158 : memref<1x640x64xbf16, #tpu.memory_space<hbm>> -> memref<640x64xbf16, #tpu.memory_space<hbm>>
      %dma_wait3A_160 = arith.constant 0 : i32
      %dma_wait3A_161 = tpu.memref_slice %arg19[%mul3A_149, %dma_wait3A_160] : memref<10240x64xbf16, #tpu.memory_space<vmem_shared>> -> memref<640x64xbf16, #tpu.memory_space<vmem_shared>>
      tpu.wait_dma2 semaphore(%run_scoped3A : memref<!tpu.dma_semaphore, #tpu.memory_space<semaphore_mem>>) src(%dma_wait3A_161 : memref<640x64xbf16, #tpu.memory_space<vmem_shared>>) dst(%dma_wait3A_159 : memref<640x64xbf16, #tpu.memory_space<hbm>>)
      tpu.yield
    }) : () -> ()
    return
  }
}

#map = affine_map<(d0, d1) -> (0, 0, 0)>
module attributes {stable_mosaic.version = 14 : i64} {
  func.func @sc_kernel(%arg0: i32, %arg1: i32, %arg2: memref<16x160x128xi32, #tpu.memory_space<hbm>>, %arg3: memref<16x160x128xi32, #tpu.memory_space<hbm>>, %arg4: memref<2x10000x64xbf16, #tpu.memory_space<hbm>>, %arg5: memref<2x10240x64xbf16, #tpu.memory_space<hbm>>, %arg6: memref<8x128xi32, #tpu.memory_space<vmem>>, %arg7: memref<8x128xi32, #tpu.memory_space<vmem>>, %arg8: memref<8x128xi32, #tpu.memory_space<vmem>>, %arg9: memref<8x128xi32, #tpu.memory_space<vmem>>, %arg10: memref<128x64xbf16, #tpu.memory_space<vmem>>, %arg11: memref<128x64xbf16, #tpu.memory_space<vmem>>, %arg12: memref<128x64xbf16, #tpu.memory_space<vmem>>, %arg13: memref<128x64xbf16, #tpu.memory_space<vmem>>, %arg14: memref<128x64xbf16, #tpu.memory_space<vmem>>, %arg15: memref<128x64xbf16, #tpu.memory_space<vmem>>, %arg16: memref<128x64xbf16, #tpu.memory_space<vmem>>, %arg17: memref<128x64xbf16, #tpu.memory_space<vmem>>, %arg18: memref<64x64xbf16, #tpu.memory_space<vmem>>, %arg19: memref<10240x64xbf16, #tpu.memory_space<vmem_shared>>, %arg20: memref<!tpu.dma_semaphore, #tpu.memory_space<semaphore_mem>>, %arg21: memref<!tpu.dma_semaphore, #tpu.memory_space<semaphore_mem>>, %arg22: memref<!tpu.dma_semaphore, #tpu.memory_space<semaphore_mem>>, %arg23: memref<!tpu.dma_semaphore, #tpu.memory_space<semaphore_mem>>, %arg24: memref<!tpu.dma_semaphore, #tpu.memory_space<semaphore_mem>>, %arg25: memref<!tpu.dma_semaphore, #tpu.memory_space<semaphore_mem>>, %arg26: memref<!tpu.dma_semaphore, #tpu.memory_space<semaphore_mem>>, %arg27: memref<!tpu.dma_semaphore, #tpu.memory_space<semaphore_mem>>, %arg28: memref<!tpu.dma_semaphore, #tpu.memory_space<semaphore_mem>>, %arg29: memref<!tpu.dma_semaphore, #tpu.memory_space<semaphore_mem>>, %arg30: memref<!tpu.dma_semaphore, #tpu.memory_space<semaphore_mem>>, %arg31: memref<!tpu.dma_semaphore, #tpu.memory_space<semaphore_mem>>, %arg32: memref<!tpu.dma_semaphore, #tpu.memory_space<semaphore_mem>>, %arg33: memref<!tpu.dma_semaphore, #tpu.memory_space<semaphore_mem>>, %arg34: memref<!tpu.dma_semaphore, #tpu.memory_space<semaphore_mem>>, %arg35: memref<!tpu.dma_semaphore, #tpu.memory_space<semaphore_mem>>, %arg36: memref<!tpu.dma_semaphore, #tpu.memory_space<semaphore_mem>>, %arg37: memref<!tpu.dma_semaphore, #tpu.memory_space<semaphore_mem>>) attributes {dimension_semantics = [#tpu.dimension_semantics<core_parallel>, #tpu.dimension_semantics<subcore_parallel>], iteration_bounds = array<i64: 2, 16>, scalar_prefetch = 0 : i64, scratch_operands = 32 : i64, tpu.core_type = #tpu.core_type<sc_vector_subcore>, window_params = [{transform_indices = #map}, {transform_indices = #map}, {transform_indices = #map}, {transform_indices = #map}]} {
    %dma_start3A = arith.constant 0 : i32
    %dma_start3A_0 = arith.constant 0 : i32
    %dma_start3A_1 = tpu.memref_slice %arg2[%arg1, %dma_start3A, %dma_start3A_0] : memref<16x160x128xi32, #tpu.memory_space<hbm>> -> memref<1x8x128xi32, #tpu.memory_space<hbm>>
    %dma_start3A_2 = tpu.memref_squeeze %dma_start3A_1 : memref<1x8x128xi32, #tpu.memory_space<hbm>> -> memref<8x128xi32, #tpu.memory_space<hbm>>
    %dma_start3A_3 = arith.constant 0 : i32
    %dma_start3A_4 = arith.constant 0 : i32
    %dma_start3A_5 = tpu.memref_slice %arg2[%arg1, %dma_start3A_3, %dma_start3A_4] : memref<16x160x128xi32, #tpu.memory_space<hbm>> -> memref<1x8x128xi32, #tpu.memory_space<hbm>>
    %dma_start3A_6 = tpu.memref_squeeze %dma_start3A_5 : memref<1x8x128xi32, #tpu.memory_space<hbm>> -> memref<8x128xi32, #tpu.memory_space<hbm>>
    tpu.enqueue_dma source(%dma_start3A_6 : memref<8x128xi32, #tpu.memory_space<hbm>>) target(%arg6 : memref<8x128xi32, #tpu.memory_space<vmem>>) target_semaphore(%arg36 : memref<!tpu.dma_semaphore, #tpu.memory_space<semaphore_mem>>)
    %dma_start3A_7 = arith.constant 0 : i32
    %dma_start3A_8 = arith.constant 0 : i32
    %dma_start3A_9 = tpu.memref_slice %arg3[%arg1, %dma_start3A_7, %dma_start3A_8] : memref<16x160x128xi32, #tpu.memory_space<hbm>> -> memref<1x8x128xi32, #tpu.memory_space<hbm>>
    %dma_start3A_10 = tpu.memref_squeeze %dma_start3A_9 : memref<1x8x128xi32, #tpu.memory_space<hbm>> -> memref<8x128xi32, #tpu.memory_space<hbm>>
    %dma_start3A_11 = arith.constant 0 : i32
    %dma_start3A_12 = arith.constant 0 : i32
    %dma_start3A_13 = tpu.memref_slice %arg3[%arg1, %dma_start3A_11, %dma_start3A_12] : memref<16x160x128xi32, #tpu.memory_space<hbm>> -> memref<1x8x128xi32, #tpu.memory_space<hbm>>
    %dma_start3A_14 = tpu.memref_squeeze %dma_start3A_13 : memref<1x8x128xi32, #tpu.memory_space<hbm>> -> memref<8x128xi32, #tpu.memory_space<hbm>>
    tpu.enqueue_dma source(%dma_start3A_14 : memref<8x128xi32, #tpu.memory_space<hbm>>) target(%arg8 : memref<8x128xi32, #tpu.memory_space<vmem>>) target_semaphore(%arg36 : memref<!tpu.dma_semaphore, #tpu.memory_space<semaphore_mem>>)
    %dma_start3A_15 = arith.constant 8 : i32
    %dma_start3A_16 = arith.constant 0 : i32
    %dma_start3A_17 = tpu.memref_slice %arg2[%arg1, %dma_start3A_15, %dma_start3A_16] : memref<16x160x128xi32, #tpu.memory_space<hbm>> -> memref<1x8x128xi32, #tpu.memory_space<hbm>>
    %dma_start3A_18 = tpu.memref_squeeze %dma_start3A_17 : memref<1x8x128xi32, #tpu.memory_space<hbm>> -> memref<8x128xi32, #tpu.memory_space<hbm>>
    %dma_start3A_19 = arith.constant 8 : i32
    %dma_start3A_20 = arith.constant 0 : i32
    %dma_start3A_21 = tpu.memref_slice %arg2[%arg1, %dma_start3A_19, %dma_start3A_20] : memref<16x160x128xi32, #tpu.memory_space<hbm>> -> memref<1x8x128xi32, #tpu.memory_space<hbm>>
    %dma_start3A_22 = tpu.memref_squeeze %dma_start3A_21 : memref<1x8x128xi32, #tpu.memory_space<hbm>> -> memref<8x128xi32, #tpu.memory_space<hbm>>
    tpu.enqueue_dma source(%dma_start3A_22 : memref<8x128xi32, #tpu.memory_space<hbm>>) target(%arg7 : memref<8x128xi32, #tpu.memory_space<vmem>>) target_semaphore(%arg37 : memref<!tpu.dma_semaphore, #tpu.memory_space<semaphore_mem>>)
    %dma_start3A_23 = arith.constant 8 : i32
    %dma_start3A_24 = arith.constant 0 : i32
    %dma_start3A_25 = tpu.memref_slice %arg3[%arg1, %dma_start3A_23, %dma_start3A_24] : memref<16x160x128xi32, #tpu.memory_space<hbm>> -> memref<1x8x128xi32, #tpu.memory_space<hbm>>
    %dma_start3A_26 = tpu.memref_squeeze %dma_start3A_25 : memref<1x8x128xi32, #tpu.memory_space<hbm>> -> memref<8x128xi32, #tpu.memory_space<hbm>>
    %dma_start3A_27 = arith.constant 8 : i32
    %dma_start3A_28 = arith.constant 0 : i32
    %dma_start3A_29 = tpu.memref_slice %arg3[%arg1, %dma_start3A_27, %dma_start3A_28] : memref<16x160x128xi32, #tpu.memory_space<hbm>> -> memref<1x8x128xi32, #tpu.memory_space<hbm>>
    %dma_start3A_30 = tpu.memref_squeeze %dma_start3A_29 : memref<1x8x128xi32, #tpu.memory_space<hbm>> -> memref<8x128xi32, #tpu.memory_space<hbm>>
    tpu.enqueue_dma source(%dma_start3A_30 : memref<8x128xi32, #tpu.memory_space<hbm>>) target(%arg9 : memref<8x128xi32, #tpu.memory_space<vmem>>) target_semaphore(%arg37 : memref<!tpu.dma_semaphore, #tpu.memory_space<semaphore_mem>>)
    %scan3A = arith.constant 0 : i32
    %scan3A_31 = arith.constant 64 : i32
    %scan3A_32 = arith.addi %scan3A, %scan3A_31 : i32
    %scan3A_33 = arith.constant 1 : i32
    scf.for %scan3A_152 = %scan3A to %scan3A_32 step %scan3A_33  : i32 {
      %mul3A_153 = arith.constant 1 : i32
      %mul3A_154 = arith.muli %scan3A_152, %mul3A_153 : i32
      %add3A = arith.constant 0 : i32
      %add3A_155 = arith.addi %add3A, %mul3A_154 : i32
      %scan3A_156 = arith.constant 0 : i32
      %scan3A_157 = arith.constant 2 : i32
      %scan3A_158 = arith.addi %scan3A_156, %scan3A_157 : i32
      %scan3A_159 = arith.constant 1 : i32
      scf.for %scan3A_161 = %scan3A_156 to %scan3A_158 step %scan3A_159  : i32 {
        %mul3A_162 = arith.constant 32 : i32
        %mul3A_163 = arith.muli %scan3A_161, %mul3A_162 : i32
        %add3A_164 = arith.constant 0 : i32
        %add3A_165 = arith.addi %add3A_164, %mul3A_163 : i32
        %broadcast_in_dim3A = arith.constant 0.000000e+00 : bf16
        %broadcast_in_dim3A_166 = vector.broadcast %broadcast_in_dim3A : bf16 to vector<32xbf16>
        %swap3A = arith.index_cast %add3A_155 : i32 to index
        %swap3A_167 = arith.index_cast %add3A_165 : i32 to index
        %swap3A_168 = tpu.vector_load %arg18[%swap3A, %swap3A_167] {strides = array<i32>} : memref<64x64xbf16, #tpu.memory_space<vmem>>, vector<1x32xbf16>,
        %swap3A_169 = vector.shape_cast %swap3A_168 : vector<1x32xbf16> to vector<32xbf16>
        %swap3A_170 = vector.shape_cast %broadcast_in_dim3A_166 : vector<32xbf16> to vector<1x32xbf16>
        tpu.vector_store %arg18[%swap3A, %swap3A_167], %swap3A_170 {strides = array<i32>} : memref<64x64xbf16, #tpu.memory_space<vmem>>, vector<1x32xbf16>,
      }
      %scan3A_160 = arith.constant 2 : i32
    }
    %scan3A_34 = arith.constant 64 : i32
    %scan3A_35 = arith.constant 0 : i32
    %scan3A_36 = arith.constant 10 : i32
    %scan3A_37 = arith.addi %scan3A_35, %scan3A_36 : i32
    %scan3A_38 = arith.constant 1 : i32
    scf.for %scan3A_152 = %scan3A_35 to %scan3A_37 step %scan3A_38  : i32 {
      %mul3A_153 = arith.constant 64 : i32
      %mul3A_154 = arith.muli %scan3A_152, %mul3A_153 : i32
      %add3A = arith.constant 0 : i32
      %add3A_155 = arith.addi %add3A, %mul3A_154 : i32
      %mul3A_156 = arith.constant 640 : i32
      %mul3A_157 = arith.muli %arg1, %mul3A_156 : i32
      %add3A_158 = arith.addi %mul3A_157, %add3A_155 : i32
      "tpu.region"() ({
        %run_scoped3A = tpu.sem_alloc : memref<!tpu.dma_semaphore, #tpu.memory_space<semaphore_mem>>
        %dma_start3A_159 = arith.constant 0 : i32
        %dma_start3A_160 = tpu.memref_slice %arg19[%add3A_158, %dma_start3A_159] : memref<10240x64xbf16, #tpu.memory_space<vmem_shared>> -> memref<64x64xbf16, #tpu.memory_space<vmem_shared>>
        %dma_start3A_161 = arith.constant 0 : i32
        %dma_start3A_162 = tpu.memref_slice %arg19[%add3A_158, %dma_start3A_161] : memref<10240x64xbf16, #tpu.memory_space<vmem_shared>> -> memref<64x64xbf16, #tpu.memory_space<vmem_shared>>
        tpu.enqueue_dma source(%arg18 : memref<64x64xbf16, #tpu.memory_space<vmem>>) target(%dma_start3A_162 : memref<64x64xbf16, #tpu.memory_space<vmem_shared>>) target_semaphore(%run_scoped3A : memref<!tpu.dma_semaphore, #tpu.memory_space<semaphore_mem>>)
        %dma_wait3A_163 = arith.constant 0 : i32
        %dma_wait3A_164 = tpu.memref_slice %arg19[%add3A_158, %dma_wait3A_163] : memref<10240x64xbf16, #tpu.memory_space<vmem_shared>> -> memref<64x64xbf16, #tpu.memory_space<vmem_shared>>
        %dma_wait3A_165 = arith.constant 0 : i32
        %dma_wait3A_166 = tpu.memref_slice %arg19[%add3A_158, %dma_wait3A_165] : memref<10240x64xbf16, #tpu.memory_space<vmem_shared>> -> memref<64x64xbf16, #tpu.memory_space<vmem_shared>>
        tpu.wait_dma2 semaphore(%run_scoped3A : memref<!tpu.dma_semaphore, #tpu.memory_space<semaphore_mem>>) src(%arg18 : memref<64x64xbf16, #tpu.memory_space<vmem>>) dst(%dma_wait3A_166 : memref<64x64xbf16, #tpu.memory_space<vmem_shared>>)
        tpu.yield
      }) : () -> ()
    }
    %scan3A_39 = arith.constant 10 : i32
    %barrier3A = arith.constant 0 : index
    tpu.barrier barrier_id(%barrier3A)
    %dma_wait3A = arith.constant 0 : i32
    %dma_wait3A_40 = arith.constant 0 : i32
    %dma_wait3A_41 = tpu.memref_slice %arg2[%arg1, %dma_wait3A, %dma_wait3A_40] : memref<16x160x128xi32, #tpu.memory_space<hbm>> -> memref<1x8x128xi32, #tpu.memory_space<hbm>>
    %dma_wait3A_42 = tpu.memref_squeeze %dma_wait3A_41 : memref<1x8x128xi32, #tpu.memory_space<hbm>> -> memref<8x128xi32, #tpu.memory_space<hbm>>
    %dma_wait3A_43 = arith.constant 0 : i32
    %dma_wait3A_44 = arith.constant 0 : i32
    %dma_wait3A_45 = tpu.memref_slice %arg2[%arg1, %dma_wait3A_43, %dma_wait3A_44] : memref<16x160x128xi32, #tpu.memory_space<hbm>> -> memref<1x8x128xi32, #tpu.memory_space<hbm>>
    %dma_wait3A_46 = tpu.memref_squeeze %dma_wait3A_45 : memref<1x8x128xi32, #tpu.memory_space<hbm>> -> memref<8x128xi32, #tpu.memory_space<hbm>>
    tpu.wait_dma2 semaphore(%arg36 : memref<!tpu.dma_semaphore, #tpu.memory_space<semaphore_mem>>) src(%dma_wait3A_46 : memref<8x128xi32, #tpu.memory_space<hbm>>) dst(%arg6 : memref<8x128xi32, #tpu.memory_space<vmem>>)
    %dma_wait3A_47 = arith.constant 0 : i32
    %dma_wait3A_48 = arith.constant 0 : i32
    %dma_wait3A_49 = tpu.memref_slice %arg3[%arg1, %dma_wait3A_47, %dma_wait3A_48] : memref<16x160x128xi32, #tpu.memory_space<hbm>> -> memref<1x8x128xi32, #tpu.memory_space<hbm>>
    %dma_wait3A_50 = tpu.memref_squeeze %dma_wait3A_49 : memref<1x8x128xi32, #tpu.memory_space<hbm>> -> memref<8x128xi32, #tpu.memory_space<hbm>>
    %dma_wait3A_51 = arith.constant 0 : i32
    %dma_wait3A_52 = arith.constant 0 : i32
    %dma_wait3A_53 = tpu.memref_slice %arg3[%arg1, %dma_wait3A_51, %dma_wait3A_52] : memref<16x160x128xi32, #tpu.memory_space<hbm>> -> memref<1x8x128xi32, #tpu.memory_space<hbm>>
    %dma_wait3A_54 = tpu.memref_squeeze %dma_wait3A_53 : memref<1x8x128xi32, #tpu.memory_space<hbm>> -> memref<8x128xi32, #tpu.memory_space<hbm>>
    tpu.wait_dma2 semaphore(%arg36 : memref<!tpu.dma_semaphore, #tpu.memory_space<semaphore_mem>>) src(%dma_wait3A_54 : memref<8x128xi32, #tpu.memory_space<hbm>>) dst(%arg8 : memref<8x128xi32, #tpu.memory_space<vmem>>)
    %dma_start3A_55 = arith.constant 0 : i32
    %dma_start3A_56 = arith.constant 0 : i32
    %dma_start3A_57 = tpu.memref_slice %arg6[%dma_start3A_55, %dma_start3A_56] : memref<8x128xi32, #tpu.memory_space<vmem>> -> memref<1x128xi32, #tpu.memory_space<vmem>>
    %dma_start3A_58 = tpu.memref_squeeze %dma_start3A_57 : memref<1x128xi32, #tpu.memory_space<vmem>> -> memref<128xi32, #tpu.memory_space<vmem>>
    %dma_start3A_59 = arith.constant 0 : i32
    %dma_start3A_60 = arith.constant 0 : i32
    %dma_start3A_61 = tpu.memref_slice %arg4[%arg0, %dma_start3A_59, %dma_start3A_60] : memref<2x10000x64xbf16, #tpu.memory_space<hbm>> -> memref<1x10000x64xbf16, #tpu.memory_space<hbm>>
    %dma_start3A_62 = tpu.memref_squeeze %dma_start3A_61 : memref<1x10000x64xbf16, #tpu.memory_space<hbm>> -> memref<10000x64xbf16, #tpu.memory_space<hbm>>
    %dma_start3A_63 = arith.constant 0 : i32
    %dma_start3A_64 = arith.constant 0 : i32
    %dma_start3A_65 = tpu.memref_slice %dma_start3A_62[%dma_start3A_63, %dma_start3A_64] : memref<10000x64xbf16, #tpu.memory_space<hbm>> -> memref<10000x64xbf16, #tpu.memory_space<hbm>>
    tpu.enqueue_indirect_dma source(%dma_start3A_65 : memref<10000x64xbf16, #tpu.memory_space<hbm>>) target(%arg10 : memref<128x64xbf16, #tpu.memory_space<vmem>>) offsets(%dma_start3A_58 : memref<128xi32, #tpu.memory_space<vmem>>) semaphore(%arg20 : memref<!tpu.dma_semaphore, #tpu.memory_space<semaphore_mem>>)
    %dma_start3A_66 = arith.constant 1 : i32
    %dma_start3A_67 = arith.constant 0 : i32
    %dma_start3A_68 = tpu.memref_slice %arg6[%dma_start3A_66, %dma_start3A_67] : memref<8x128xi32, #tpu.memory_space<vmem>> -> memref<1x128xi32, #tpu.memory_space<vmem>>
    %dma_start3A_69 = tpu.memref_squeeze %dma_start3A_68 : memref<1x128xi32, #tpu.memory_space<vmem>> -> memref<128xi32, #tpu.memory_space<vmem>>
    %dma_start3A_70 = arith.constant 0 : i32
    %dma_start3A_71 = arith.constant 0 : i32
    %dma_start3A_72 = tpu.memref_slice %arg4[%arg0, %dma_start3A_70, %dma_start3A_71] : memref<2x10000x64xbf16, #tpu.memory_space<hbm>> -> memref<1x10000x64xbf16, #tpu.memory_space<hbm>>
    %dma_start3A_73 = tpu.memref_squeeze %dma_start3A_72 : memref<1x10000x64xbf16, #tpu.memory_space<hbm>> -> memref<10000x64xbf16, #tpu.memory_space<hbm>>
    %dma_start3A_74 = arith.constant 0 : i32
    %dma_start3A_75 = arith.constant 0 : i32
    %dma_start3A_76 = tpu.memref_slice %dma_start3A_73[%dma_start3A_74, %dma_start3A_75] : memref<10000x64xbf16, #tpu.memory_space<hbm>> -> memref<10000x64xbf16, #tpu.memory_space<hbm>>
    tpu.enqueue_indirect_dma source(%dma_start3A_76 : memref<10000x64xbf16, #tpu.memory_space<hbm>>) target(%arg11 : memref<128x64xbf16, #tpu.memory_space<vmem>>) offsets(%dma_start3A_69 : memref<128xi32, #tpu.memory_space<vmem>>) semaphore(%arg21 : memref<!tpu.dma_semaphore, #tpu.memory_space<semaphore_mem>>)
    %dma_start3A_77 = arith.constant 2 : i32
    %dma_start3A_78 = arith.constant 0 : i32
    %dma_start3A_79 = tpu.memref_slice %arg6[%dma_start3A_77, %dma_start3A_78] : memref<8x128xi32, #tpu.memory_space<vmem>> -> memref<1x128xi32, #tpu.memory_space<vmem>>
    %dma_start3A_80 = tpu.memref_squeeze %dma_start3A_79 : memref<1x128xi32, #tpu.memory_space<vmem>> -> memref<128xi32, #tpu.memory_space<vmem>>
    %dma_start3A_81 = arith.constant 0 : i32
    %dma_start3A_82 = arith.constant 0 : i32
    %dma_start3A_83 = tpu.memref_slice %arg4[%arg0, %dma_start3A_81, %dma_start3A_82] : memref<2x10000x64xbf16, #tpu.memory_space<hbm>> -> memref<1x10000x64xbf16, #tpu.memory_space<hbm>>
    %dma_start3A_84 = tpu.memref_squeeze %dma_start3A_83 : memref<1x10000x64xbf16, #tpu.memory_space<hbm>> -> memref<10000x64xbf16, #tpu.memory_space<hbm>>
    %dma_start3A_85 = arith.constant 0 : i32
    %dma_start3A_86 = arith.constant 0 : i32
    %dma_start3A_87 = tpu.memref_slice %dma_start3A_84[%dma_start3A_85, %dma_start3A_86] : memref<10000x64xbf16, #tpu.memory_space<hbm>> -> memref<10000x64xbf16, #tpu.memory_space<hbm>>
    tpu.enqueue_indirect_dma source(%dma_start3A_87 : memref<10000x64xbf16, #tpu.memory_space<hbm>>) target(%arg12 : memref<128x64xbf16, #tpu.memory_space<vmem>>) offsets(%dma_start3A_80 : memref<128xi32, #tpu.memory_space<vmem>>) semaphore(%arg22 : memref<!tpu.dma_semaphore, #tpu.memory_space<semaphore_mem>>)
    %dma_start3A_88 = arith.constant 3 : i32
    %dma_start3A_89 = arith.constant 0 : i32
    %dma_start3A_90 = tpu.memref_slice %arg6[%dma_start3A_88, %dma_start3A_89] : memref<8x128xi32, #tpu.memory_space<vmem>> -> memref<1x128xi32, #tpu.memory_space<vmem>>
    %dma_start3A_91 = tpu.memref_squeeze %dma_start3A_90 : memref<1x128xi32, #tpu.memory_space<vmem>> -> memref<128xi32, #tpu.memory_space<vmem>>
    %dma_start3A_92 = arith.constant 0 : i32
    %dma_start3A_93 = arith.constant 0 : i32
    %dma_start3A_94 = tpu.memref_slice %arg4[%arg0, %dma_start3A_92, %dma_start3A_93] : memref<2x10000x64xbf16, #tpu.memory_space<hbm>> -> memref<1x10000x64xbf16, #tpu.memory_space<hbm>>
    %dma_start3A_95 = tpu.memref_squeeze %dma_start3A_94 : memref<1x10000x64xbf16, #tpu.memory_space<hbm>> -> memref<10000x64xbf16, #tpu.memory_space<hbm>>
    %dma_start3A_96 = arith.constant 0 : i32
    %dma_start3A_97 = arith.constant 0 : i32
    %dma_start3A_98 = tpu.memref_slice %dma_start3A_95[%dma_start3A_96, %dma_start3A_97] : memref<10000x64xbf16, #tpu.memory_space<hbm>> -> memref<10000x64xbf16, #tpu.memory_space<hbm>>
    tpu.enqueue_indirect_dma source(%dma_start3A_98 : memref<10000x64xbf16, #tpu.memory_space<hbm>>) target(%arg13 : memref<128x64xbf16, #tpu.memory_space<vmem>>) offsets(%dma_start3A_91 : memref<128xi32, #tpu.memory_space<vmem>>) semaphore(%arg23 : memref<!tpu.dma_semaphore, #tpu.memory_space<semaphore_mem>>)
    %dma_start3A_99 = arith.constant 4 : i32
    %dma_start3A_100 = arith.constant 0 : i32
    %dma_start3A_101 = tpu.memref_slice %arg6[%dma_start3A_99, %dma_start3A_100] : memref<8x128xi32, #tpu.memory_space<vmem>> -> memref<1x128xi32, #tpu.memory_space<vmem>>
    %dma_start3A_102 = tpu.memref_squeeze %dma_start3A_101 : memref<1x128xi32, #tpu.memory_space<vmem>> -> memref<128xi32, #tpu.memory_space<vmem>>
    %dma_start3A_103 = arith.constant 0 : i32
    %dma_start3A_104 = arith.constant 0 : i32
    %dma_start3A_105 = tpu.memref_slice %arg4[%arg0, %dma_start3A_103, %dma_start3A_104] : memref<2x10000x64xbf16, #tpu.memory_space<hbm>> -> memref<1x10000x64xbf16, #tpu.memory_space<hbm>>
    %dma_start3A_106 = tpu.memref_squeeze %dma_start3A_105 : memref<1x10000x64xbf16, #tpu.memory_space<hbm>> -> memref<10000x64xbf16, #tpu.memory_space<hbm>>
    %dma_start3A_107 = arith.constant 0 : i32
    %dma_start3A_108 = arith.constant 0 : i32
    %dma_start3A_109 = tpu.memref_slice %dma_start3A_106[%dma_start3A_107, %dma_start3A_108] : memref<10000x64xbf16, #tpu.memory_space<hbm>> -> memref<10000x64xbf16, #tpu.memory_space<hbm>>
    tpu.enqueue_indirect_dma source(%dma_start3A_109 : memref<10000x64xbf16, #tpu.memory_space<hbm>>) target(%arg14 : memref<128x64xbf16, #tpu.memory_space<vmem>>) offsets(%dma_start3A_102 : memref<128xi32, #tpu.memory_space<vmem>>) semaphore(%arg24 : memref<!tpu.dma_semaphore, #tpu.memory_space<semaphore_mem>>)
    %dma_start3A_110 = arith.constant 5 : i32
    %dma_start3A_111 = arith.constant 0 : i32
    %dma_start3A_112 = tpu.memref_slice %arg6[%dma_start3A_110, %dma_start3A_111] : memref<8x128xi32, #tpu.memory_space<vmem>> -> memref<1x128xi32, #tpu.memory_space<vmem>>
    %dma_start3A_113 = tpu.memref_squeeze %dma_start3A_112 : memref<1x128xi32, #tpu.memory_space<vmem>> -> memref<128xi32, #tpu.memory_space<vmem>>
    %dma_start3A_114 = arith.constant 0 : i32
    %dma_start3A_115 = arith.constant 0 : i32
    %dma_start3A_116 = tpu.memref_slice %arg4[%arg0, %dma_start3A_114, %dma_start3A_115] : memref<2x10000x64xbf16, #tpu.memory_space<hbm>> -> memref<1x10000x64xbf16, #tpu.memory_space<hbm>>
    %dma_start3A_117 = tpu.memref_squeeze %dma_start3A_116 : memref<1x10000x64xbf16, #tpu.memory_space<hbm>> -> memref<10000x64xbf16, #tpu.memory_space<hbm>>
    %dma_start3A_118 = arith.constant 0 : i32
    %dma_start3A_119 = arith.constant 0 : i32
    %dma_start3A_120 = tpu.memref_slice %dma_start3A_117[%dma_start3A_118, %dma_start3A_119] : memref<10000x64xbf16, #tpu.memory_space<hbm>> -> memref<10000x64xbf16, #tpu.memory_space<hbm>>
    tpu.enqueue_indirect_dma source(%dma_start3A_120 : memref<10000x64xbf16, #tpu.memory_space<hbm>>) target(%arg15 : memref<128x64xbf16, #tpu.memory_space<vmem>>) offsets(%dma_start3A_113 : memref<128xi32, #tpu.memory_space<vmem>>) semaphore(%arg25 : memref<!tpu.dma_semaphore, #tpu.memory_space<semaphore_mem>>)
    %dma_start3A_121 = arith.constant 6 : i32
    %dma_start3A_122 = arith.constant 0 : i32
    %dma_start3A_123 = tpu.memref_slice %arg6[%dma_start3A_121, %dma_start3A_122] : memref<8x128xi32, #tpu.memory_space<vmem>> -> memref<1x128xi32, #tpu.memory_space<vmem>>
    %dma_start3A_124 = tpu.memref_squeeze %dma_start3A_123 : memref<1x128xi32, #tpu.memory_space<vmem>> -> memref<128xi32, #tpu.memory_space<vmem>>
    %dma_start3A_125 = arith.constant 0 : i32
    %dma_start3A_126 = arith.constant 0 : i32
    %dma_start3A_127 = tpu.memref_slice %arg4[%arg0, %dma_start3A_125, %dma_start3A_126] : memref<2x10000x64xbf16, #tpu.memory_space<hbm>> -> memref<1x10000x64xbf16, #tpu.memory_space<hbm>>
    %dma_start3A_128 = tpu.memref_squeeze %dma_start3A_127 : memref<1x10000x64xbf16, #tpu.memory_space<hbm>> -> memref<10000x64xbf16, #tpu.memory_space<hbm>>
    %dma_start3A_129 = arith.constant 0 : i32
    %dma_start3A_130 = arith.constant 0 : i32
    %dma_start3A_131 = tpu.memref_slice %dma_start3A_128[%dma_start3A_129, %dma_start3A_130] : memref<10000x64xbf16, #tpu.memory_space<hbm>> -> memref<10000x64xbf16, #tpu.memory_space<hbm>>
    tpu.enqueue_indirect_dma source(%dma_start3A_131 : memref<10000x64xbf16, #tpu.memory_space<hbm>>) target(%arg16 : memref<128x64xbf16, #tpu.memory_space<vmem>>) offsets(%dma_start3A_124 : memref<128xi32, #tpu.memory_space<vmem>>) semaphore(%arg26 : memref<!tpu.dma_semaphore, #tpu.memory_space<semaphore_mem>>)
    %dma_start3A_132 = arith.constant 7 : i32
    %dma_start3A_133 = arith.constant 0 : i32
    %dma_start3A_134 = tpu.memref_slice %arg6[%dma_start3A_132, %dma_start3A_133] : memref<8x128xi32, #tpu.memory_space<vmem>> -> memref<1x128xi32, #tpu.memory_space<vmem>>
    %dma_start3A_135 = tpu.memref_squeeze %dma_start3A_134 : memref<1x128xi32, #tpu.memory_space<vmem>> -> memref<128xi32, #tpu.memory_space<vmem>>
    %dma_start3A_136 = arith.constant 0 : i32
    %dma_start3A_137 = arith.constant 0 : i32
    %dma_start3A_138 = tpu.memref_slice %arg4[%arg0, %dma_start3A_136, %dma_start3A_137] : memref<2x10000x64xbf16, #tpu.memory_space<hbm>> -> memref<1x10000x64xbf16, #tpu.memory_space<hbm>>
    %dma_start3A_139 = tpu.memref_squeeze %dma_start3A_138 : memref<1x10000x64xbf16, #tpu.memory_space<hbm>> -> memref<10000x64xbf16, #tpu.memory_space<hbm>>
    %dma_start3A_140 = arith.constant 0 : i32
    %dma_start3A_141 = arith.constant 0 : i32
    %dma_start3A_142 = tpu.memref_slice %dma_start3A_139[%dma_start3A_140, %dma_start3A_141] : memref<10000x64xbf16, #tpu.memory_space<hbm>> -> memref<10000x64xbf16, #tpu.memory_space<hbm>>
    tpu.enqueue_indirect_dma source(%dma_start3A_142 : memref<10000x64xbf16, #tpu.memory_space<hbm>>) target(%arg17 : memref<128x64xbf16, #tpu.memory_space<vmem>>) offsets(%dma_start3A_135 : memref<128xi32, #tpu.memory_space<vmem>>) semaphore(%arg27 : memref<!tpu.dma_semaphore, #tpu.memory_space<semaphore_mem>>)
    %scan3A_143 = arith.constant 0 : i32
    %scan3A_144 = arith.constant 10 : i32
    %scan3A_145 = arith.addi %scan3A_143, %scan3A_144 : i32
    %scan3A_146 = arith.constant 1 : i32
    scf.for %scan3A_152 = %scan3A_143 to %scan3A_145 step %scan3A_146  : i32 {
      %mul3A_153 = arith.constant 2 : i32
      %mul3A_154 = arith.muli %scan3A_152, %mul3A_153 : i32
      %add3A = arith.constant 0 : i32
      %add3A_155 = arith.addi %add3A, %mul3A_154 : i32
      %dma_wait3A_156 = arith.constant 0 : i32
      %dma_wait3A_157 = arith.constant 0 : i32
      %dma_wait3A_158 = tpu.memref_slice %arg6[%dma_wait3A_156, %dma_wait3A_157] : memref<8x128xi32, #tpu.memory_space<vmem>> -> memref<1x128xi32, #tpu.memory_space<vmem>>
      %dma_wait3A_159 = tpu.memref_squeeze %dma_wait3A_158 : memref<1x128xi32, #tpu.memory_space<vmem>> -> memref<128xi32, #tpu.memory_space<vmem>>
      %dma_wait3A_160 = arith.constant 0 : i32
      %dma_wait3A_161 = arith.constant 0 : i32
      %dma_wait3A_162 = tpu.memref_slice %arg4[%arg0, %dma_wait3A_160, %dma_wait3A_161] : memref<2x10000x64xbf16, #tpu.memory_space<hbm>> -> memref<1x10000x64xbf16, #tpu.memory_space<hbm>>
      %dma_wait3A_163 = tpu.memref_squeeze %dma_wait3A_162 : memref<1x10000x64xbf16, #tpu.memory_space<hbm>> -> memref<10000x64xbf16, #tpu.memory_space<hbm>>
      %dma_wait3A_164 = arith.constant 0 : i32
      %dma_wait3A_165 = arith.constant 0 : i32
      %dma_wait3A_166 = tpu.memref_slice %dma_wait3A_163[%dma_wait3A_164, %dma_wait3A_165] : memref<10000x64xbf16, #tpu.memory_space<hbm>> -> memref<10000x64xbf16, #tpu.memory_space<hbm>>
      tpu.wait_indirect_dma semaphore(%arg20 : memref<!tpu.dma_semaphore, #tpu.memory_space<semaphore_mem>>) src(%dma_wait3A_166 : memref<10000x64xbf16, #tpu.memory_space<hbm>>) dst(%arg10 : memref<128x64xbf16, #tpu.memory_space<vmem>>)
      %dma_start3A_167 = arith.constant 0 : i32
      %dma_start3A_168 = arith.constant 0 : i32
      %dma_start3A_169 = tpu.memref_slice %arg8[%dma_start3A_167, %dma_start3A_168] : memref<8x128xi32, #tpu.memory_space<vmem>> -> memref<1x128xi32, #tpu.memory_space<vmem>>
      %dma_start3A_170 = tpu.memref_squeeze %dma_start3A_169 : memref<1x128xi32, #tpu.memory_space<vmem>> -> memref<128xi32, #tpu.memory_space<vmem>>
      %dma_start3A_171 = arith.constant 0 : i32
      %dma_start3A_172 = arith.constant 0 : i32
      %dma_start3A_173 = tpu.memref_slice %arg19[%dma_start3A_171, %dma_start3A_172] : memref<10240x64xbf16, #tpu.memory_space<vmem_shared>> -> memref<10240x64xbf16, #tpu.memory_space<vmem_shared>>
      tpu.enqueue_indirect_dma source(%arg10 : memref<128x64xbf16, #tpu.memory_space<vmem>>) target(%dma_start3A_173 : memref<10240x64xbf16, #tpu.memory_space<vmem_shared>>) offsets(%dma_start3A_170 : memref<128xi32, #tpu.memory_space<vmem>>) semaphore(%arg28 : memref<!tpu.dma_semaphore, #tpu.memory_space<semaphore_mem>>) {add = true}
      %dma_wait3A_174 = arith.constant 1 : i32
      %dma_wait3A_175 = arith.constant 0 : i32
      %dma_wait3A_176 = tpu.memref_slice %arg6[%dma_wait3A_174, %dma_wait3A_175] : memref<8x128xi32, #tpu.memory_space<vmem>> -> memref<1x128xi32, #tpu.memory_space<vmem>>
      %dma_wait3A_177 = tpu.memref_squeeze %dma_wait3A_176 : memref<1x128xi32, #tpu.memory_space<vmem>> -> memref<128xi32, #tpu.memory_space<vmem>>
      %dma_wait3A_178 = arith.constant 0 : i32
      %dma_wait3A_179 = arith.constant 0 : i32
      %dma_wait3A_180 = tpu.memref_slice %arg4[%arg0, %dma_wait3A_178, %dma_wait3A_179] : memref<2x10000x64xbf16, #tpu.memory_space<hbm>> -> memref<1x10000x64xbf16, #tpu.memory_space<hbm>>
      %dma_wait3A_181 = tpu.memref_squeeze %dma_wait3A_180 : memref<1x10000x64xbf16, #tpu.memory_space<hbm>> -> memref<10000x64xbf16, #tpu.memory_space<hbm>>
      %dma_wait3A_182 = arith.constant 0 : i32
      %dma_wait3A_183 = arith.constant 0 : i32
      %dma_wait3A_184 = tpu.memref_slice %dma_wait3A_181[%dma_wait3A_182, %dma_wait3A_183] : memref<10000x64xbf16, #tpu.memory_space<hbm>> -> memref<10000x64xbf16, #tpu.memory_space<hbm>>
      tpu.wait_indirect_dma semaphore(%arg21 : memref<!tpu.dma_semaphore, #tpu.memory_space<semaphore_mem>>) src(%dma_wait3A_184 : memref<10000x64xbf16, #tpu.memory_space<hbm>>) dst(%arg11 : memref<128x64xbf16, #tpu.memory_space<vmem>>)
      %dma_start3A_185 = arith.constant 1 : i32
      %dma_start3A_186 = arith.constant 0 : i32
      %dma_start3A_187 = tpu.memref_slice %arg8[%dma_start3A_185, %dma_start3A_186] : memref<8x128xi32, #tpu.memory_space<vmem>> -> memref<1x128xi32, #tpu.memory_space<vmem>>
      %dma_start3A_188 = tpu.memref_squeeze %dma_start3A_187 : memref<1x128xi32, #tpu.memory_space<vmem>> -> memref<128xi32, #tpu.memory_space<vmem>>
      %dma_start3A_189 = arith.constant 0 : i32
      %dma_start3A_190 = arith.constant 0 : i32
      %dma_start3A_191 = tpu.memref_slice %arg19[%dma_start3A_189, %dma_start3A_190] : memref<10240x64xbf16, #tpu.memory_space<vmem_shared>> -> memref<10240x64xbf16, #tpu.memory_space<vmem_shared>>
      tpu.enqueue_indirect_dma source(%arg11 : memref<128x64xbf16, #tpu.memory_space<vmem>>) target(%dma_start3A_191 : memref<10240x64xbf16, #tpu.memory_space<vmem_shared>>) offsets(%dma_start3A_188 : memref<128xi32, #tpu.memory_space<vmem>>) semaphore(%arg29 : memref<!tpu.dma_semaphore, #tpu.memory_space<semaphore_mem>>) {add = true}
      %dma_wait3A_192 = arith.constant 2 : i32
      %dma_wait3A_193 = arith.constant 0 : i32
      %dma_wait3A_194 = tpu.memref_slice %arg6[%dma_wait3A_192, %dma_wait3A_193] : memref<8x128xi32, #tpu.memory_space<vmem>> -> memref<1x128xi32, #tpu.memory_space<vmem>>
      %dma_wait3A_195 = tpu.memref_squeeze %dma_wait3A_194 : memref<1x128xi32, #tpu.memory_space<vmem>> -> memref<128xi32, #tpu.memory_space<vmem>>
      %dma_wait3A_196 = arith.constant 0 : i32
      %dma_wait3A_197 = arith.constant 0 : i32
      %dma_wait3A_198 = tpu.memref_slice %arg4[%arg0, %dma_wait3A_196, %dma_wait3A_197] : memref<2x10000x64xbf16, #tpu.memory_space<hbm>> -> memref<1x10000x64xbf16, #tpu.memory_space<hbm>>
      %dma_wait3A_199 = tpu.memref_squeeze %dma_wait3A_198 : memref<1x10000x64xbf16, #tpu.memory_space<hbm>> -> memref<10000x64xbf16, #tpu.memory_space<hbm>>
      %dma_wait3A_200 = arith.constant 0 : i32
      %dma_wait3A_201 = arith.constant 0 : i32
      %dma_wait3A_202 = tpu.memref_slice %dma_wait3A_199[%dma_wait3A_200, %dma_wait3A_201] : memref<10000x64xbf16, #tpu.memory_space<hbm>> -> memref<10000x64xbf16, #tpu.memory_space<hbm>>
      tpu.wait_indirect_dma semaphore(%arg22 : memref<!tpu.dma_semaphore, #tpu.memory_space<semaphore_mem>>) src(%dma_wait3A_202 : memref<10000x64xbf16, #tpu.memory_space<hbm>>) dst(%arg12 : memref<128x64xbf16, #tpu.memory_space<vmem>>)
      %dma_start3A_203 = arith.constant 2 : i32
      %dma_start3A_204 = arith.constant 0 : i32
      %dma_start3A_205 = tpu.memref_slice %arg8[%dma_start3A_203, %dma_start3A_204] : memref<8x128xi32, #tpu.memory_space<vmem>> -> memref<1x128xi32, #tpu.memory_space<vmem>>
      %dma_start3A_206 = tpu.memref_squeeze %dma_start3A_205 : memref<1x128xi32, #tpu.memory_space<vmem>> -> memref<128xi32, #tpu.memory_space<vmem>>
      %dma_start3A_207 = arith.constant 0 : i32
      %dma_start3A_208 = arith.constant 0 : i32
      %dma_start3A_209 = tpu.memref_slice %arg19[%dma_start3A_207, %dma_start3A_208] : memref<10240x64xbf16, #tpu.memory_space<vmem_shared>> -> memref<10240x64xbf16, #tpu.memory_space<vmem_shared>>
      tpu.enqueue_indirect_dma source(%arg12 : memref<128x64xbf16, #tpu.memory_space<vmem>>) target(%dma_start3A_209 : memref<10240x64xbf16, #tpu.memory_space<vmem_shared>>) offsets(%dma_start3A_206 : memref<128xi32, #tpu.memory_space<vmem>>) semaphore(%arg30 : memref<!tpu.dma_semaphore, #tpu.memory_space<semaphore_mem>>) {add = true}
      %dma_wait3A_210 = arith.constant 3 : i32
      %dma_wait3A_211 = arith.constant 0 : i32
      %dma_wait3A_212 = tpu.memref_slice %arg6[%dma_wait3A_210, %dma_wait3A_211] : memref<8x128xi32, #tpu.memory_space<vmem>> -> memref<1x128xi32, #tpu.memory_space<vmem>>
      %dma_wait3A_213 = tpu.memref_squeeze %dma_wait3A_212 : memref<1x128xi32, #tpu.memory_space<vmem>> -> memref<128xi32, #tpu.memory_space<vmem>>
      %dma_wait3A_214 = arith.constant 0 : i32
      %dma_wait3A_215 = arith.constant 0 : i32
      %dma_wait3A_216 = tpu.memref_slice %arg4[%arg0, %dma_wait3A_214, %dma_wait3A_215] : memref<2x10000x64xbf16, #tpu.memory_space<hbm>> -> memref<1x10000x64xbf16, #tpu.memory_space<hbm>>
      %dma_wait3A_217 = tpu.memref_squeeze %dma_wait3A_216 : memref<1x10000x64xbf16, #tpu.memory_space<hbm>> -> memref<10000x64xbf16, #tpu.memory_space<hbm>>
      %dma_wait3A_218 = arith.constant 0 : i32
      %dma_wait3A_219 = arith.constant 0 : i32
      %dma_wait3A_220 = tpu.memref_slice %dma_wait3A_217[%dma_wait3A_218, %dma_wait3A_219] : memref<10000x64xbf16, #tpu.memory_space<hbm>> -> memref<10000x64xbf16, #tpu.memory_space<hbm>>
      tpu.wait_indirect_dma semaphore(%arg23 : memref<!tpu.dma_semaphore, #tpu.memory_space<semaphore_mem>>) src(%dma_wait3A_220 : memref<10000x64xbf16, #tpu.memory_space<hbm>>) dst(%arg13 : memref<128x64xbf16, #tpu.memory_space<vmem>>)
      %dma_start3A_221 = arith.constant 3 : i32
      %dma_start3A_222 = arith.constant 0 : i32
      %dma_start3A_223 = tpu.memref_slice %arg8[%dma_start3A_221, %dma_start3A_222] : memref<8x128xi32, #tpu.memory_space<vmem>> -> memref<1x128xi32, #tpu.memory_space<vmem>>
      %dma_start3A_224 = tpu.memref_squeeze %dma_start3A_223 : memref<1x128xi32, #tpu.memory_space<vmem>> -> memref<128xi32, #tpu.memory_space<vmem>>
      %dma_start3A_225 = arith.constant 0 : i32
      %dma_start3A_226 = arith.constant 0 : i32
      %dma_start3A_227 = tpu.memref_slice %arg19[%dma_start3A_225, %dma_start3A_226] : memref<10240x64xbf16, #tpu.memory_space<vmem_shared>> -> memref<10240x64xbf16, #tpu.memory_space<vmem_shared>>
      tpu.enqueue_indirect_dma source(%arg13 : memref<128x64xbf16, #tpu.memory_space<vmem>>) target(%dma_start3A_227 : memref<10240x64xbf16, #tpu.memory_space<vmem_shared>>) offsets(%dma_start3A_224 : memref<128xi32, #tpu.memory_space<vmem>>) semaphore(%arg31 : memref<!tpu.dma_semaphore, #tpu.memory_space<semaphore_mem>>) {add = true}
      %dma_wait3A_228 = arith.constant 4 : i32
      %dma_wait3A_229 = arith.constant 0 : i32
      %dma_wait3A_230 = tpu.memref_slice %arg6[%dma_wait3A_228, %dma_wait3A_229] : memref<8x128xi32, #tpu.memory_space<vmem>> -> memref<1x128xi32, #tpu.memory_space<vmem>>
      %dma_wait3A_231 = tpu.memref_squeeze %dma_wait3A_230 : memref<1x128xi32, #tpu.memory_space<vmem>> -> memref<128xi32, #tpu.memory_space<vmem>>
      %dma_wait3A_232 = arith.constant 0 : i32
      %dma_wait3A_233 = arith.constant 0 : i32
      %dma_wait3A_234 = tpu.memref_slice %arg4[%arg0, %dma_wait3A_232, %dma_wait3A_233] : memref<2x10000x64xbf16, #tpu.memory_space<hbm>> -> memref<1x10000x64xbf16, #tpu.memory_space<hbm>>
      %dma_wait3A_235 = tpu.memref_squeeze %dma_wait3A_234 : memref<1x10000x64xbf16, #tpu.memory_space<hbm>> -> memref<10000x64xbf16, #tpu.memory_space<hbm>>
      %dma_wait3A_236 = arith.constant 0 : i32
      %dma_wait3A_237 = arith.constant 0 : i32
      %dma_wait3A_238 = tpu.memref_slice %dma_wait3A_235[%dma_wait3A_236, %dma_wait3A_237] : memref<10000x64xbf16, #tpu.memory_space<hbm>> -> memref<10000x64xbf16, #tpu.memory_space<hbm>>
      tpu.wait_indirect_dma semaphore(%arg24 : memref<!tpu.dma_semaphore, #tpu.memory_space<semaphore_mem>>) src(%dma_wait3A_238 : memref<10000x64xbf16, #tpu.memory_space<hbm>>) dst(%arg14 : memref<128x64xbf16, #tpu.memory_space<vmem>>)
      %dma_start3A_239 = arith.constant 4 : i32
      %dma_start3A_240 = arith.constant 0 : i32
      %dma_start3A_241 = tpu.memref_slice %arg8[%dma_start3A_239, %dma_start3A_240] : memref<8x128xi32, #tpu.memory_space<vmem>> -> memref<1x128xi32, #tpu.memory_space<vmem>>
      %dma_start3A_242 = tpu.memref_squeeze %dma_start3A_241 : memref<1x128xi32, #tpu.memory_space<vmem>> -> memref<128xi32, #tpu.memory_space<vmem>>
      %dma_start3A_243 = arith.constant 0 : i32
      %dma_start3A_244 = arith.constant 0 : i32
      %dma_start3A_245 = tpu.memref_slice %arg19[%dma_start3A_243, %dma_start3A_244] : memref<10240x64xbf16, #tpu.memory_space<vmem_shared>> -> memref<10240x64xbf16, #tpu.memory_space<vmem_shared>>
      tpu.enqueue_indirect_dma source(%arg14 : memref<128x64xbf16, #tpu.memory_space<vmem>>) target(%dma_start3A_245 : memref<10240x64xbf16, #tpu.memory_space<vmem_shared>>) offsets(%dma_start3A_242 : memref<128xi32, #tpu.memory_space<vmem>>) semaphore(%arg32 : memref<!tpu.dma_semaphore, #tpu.memory_space<semaphore_mem>>) {add = true}
      %dma_wait3A_246 = arith.constant 5 : i32
      %dma_wait3A_247 = arith.constant 0 : i32
      %dma_wait3A_248 = tpu.memref_slice %arg6[%dma_wait3A_246, %dma_wait3A_247] : memref<8x128xi32, #tpu.memory_space<vmem>> -> memref<1x128xi32, #tpu.memory_space<vmem>>
      %dma_wait3A_249 = tpu.memref_squeeze %dma_wait3A_248 : memref<1x128xi32, #tpu.memory_space<vmem>> -> memref<128xi32, #tpu.memory_space<vmem>>
      %dma_wait3A_250 = arith.constant 0 : i32
      %dma_wait3A_251 = arith.constant 0 : i32
      %dma_wait3A_252 = tpu.memref_slice %arg4[%arg0, %dma_wait3A_250, %dma_wait3A_251] : memref<2x10000x64xbf16, #tpu.memory_space<hbm>> -> memref<1x10000x64xbf16, #tpu.memory_space<hbm>>
      %dma_wait3A_253 = tpu.memref_squeeze %dma_wait3A_252 : memref<1x10000x64xbf16, #tpu.memory_space<hbm>> -> memref<10000x64xbf16, #tpu.memory_space<hbm>>
      %dma_wait3A_254 = arith.constant 0 : i32
      %dma_wait3A_255 = arith.constant 0 : i32
      %dma_wait3A_256 = tpu.memref_slice %dma_wait3A_253[%dma_wait3A_254, %dma_wait3A_255] : memref<10000x64xbf16, #tpu.memory_space<hbm>> -> memref<10000x64xbf16, #tpu.memory_space<hbm>>
      tpu.wait_indirect_dma semaphore(%arg25 : memref<!tpu.dma_semaphore, #tpu.memory_space<semaphore_mem>>) src(%dma_wait3A_256 : memref<10000x64xbf16, #tpu.memory_space<hbm>>) dst(%arg15 : memref<128x64xbf16, #tpu.memory_space<vmem>>)
      %dma_start3A_257 = arith.constant 5 : i32
      %dma_start3A_258 = arith.constant 0 : i32
      %dma_start3A_259 = tpu.memref_slice %arg8[%dma_start3A_257, %dma_start3A_258] : memref<8x128xi32, #tpu.memory_space<vmem>> -> memref<1x128xi32, #tpu.memory_space<vmem>>
      %dma_start3A_260 = tpu.memref_squeeze %dma_start3A_259 : memref<1x128xi32, #tpu.memory_space<vmem>> -> memref<128xi32, #tpu.memory_space<vmem>>
      %dma_start3A_261 = arith.constant 0 : i32
      %dma_start3A_262 = arith.constant 0 : i32
      %dma_start3A_263 = tpu.memref_slice %arg19[%dma_start3A_261, %dma_start3A_262] : memref<10240x64xbf16, #tpu.memory_space<vmem_shared>> -> memref<10240x64xbf16, #tpu.memory_space<vmem_shared>>
      tpu.enqueue_indirect_dma source(%arg15 : memref<128x64xbf16, #tpu.memory_space<vmem>>) target(%dma_start3A_263 : memref<10240x64xbf16, #tpu.memory_space<vmem_shared>>) offsets(%dma_start3A_260 : memref<128xi32, #tpu.memory_space<vmem>>) semaphore(%arg33 : memref<!tpu.dma_semaphore, #tpu.memory_space<semaphore_mem>>) {add = true}
      %dma_wait3A_264 = arith.constant 6 : i32
      %dma_wait3A_265 = arith.constant 0 : i32
      %dma_wait3A_266 = tpu.memref_slice %arg6[%dma_wait3A_264, %dma_wait3A_265] : memref<8x128xi32, #tpu.memory_space<vmem>> -> memref<1x128xi32, #tpu.memory_space<vmem>>
      %dma_wait3A_267 = tpu.memref_squeeze %dma_wait3A_266 : memref<1x128xi32, #tpu.memory_space<vmem>> -> memref<128xi32, #tpu.memory_space<vmem>>
      %dma_wait3A_268 = arith.constant 0 : i32
      %dma_wait3A_269 = arith.constant 0 : i32
      %dma_wait3A_270 = tpu.memref_slice %arg4[%arg0, %dma_wait3A_268, %dma_wait3A_269] : memref<2x10000x64xbf16, #tpu.memory_space<hbm>> -> memref<1x10000x64xbf16, #tpu.memory_space<hbm>>
      %dma_wait3A_271 = tpu.memref_squeeze %dma_wait3A_270 : memref<1x10000x64xbf16, #tpu.memory_space<hbm>> -> memref<10000x64xbf16, #tpu.memory_space<hbm>>
      %dma_wait3A_272 = arith.constant 0 : i32
      %dma_wait3A_273 = arith.constant 0 : i32
      %dma_wait3A_274 = tpu.memref_slice %dma_wait3A_271[%dma_wait3A_272, %dma_wait3A_273] : memref<10000x64xbf16, #tpu.memory_space<hbm>> -> memref<10000x64xbf16, #tpu.memory_space<hbm>>
      tpu.wait_indirect_dma semaphore(%arg26 : memref<!tpu.dma_semaphore, #tpu.memory_space<semaphore_mem>>) src(%dma_wait3A_274 : memref<10000x64xbf16, #tpu.memory_space<hbm>>) dst(%arg16 : memref<128x64xbf16, #tpu.memory_space<vmem>>)
      %dma_start3A_275 = arith.constant 6 : i32
      %dma_start3A_276 = arith.constant 0 : i32
      %dma_start3A_277 = tpu.memref_slice %arg8[%dma_start3A_275, %dma_start3A_276] : memref<8x128xi32, #tpu.memory_space<vmem>> -> memref<1x128xi32, #tpu.memory_space<vmem>>
      %dma_start3A_278 = tpu.memref_squeeze %dma_start3A_277 : memref<1x128xi32, #tpu.memory_space<vmem>> -> memref<128xi32, #tpu.memory_space<vmem>>
      %dma_start3A_279 = arith.constant 0 : i32
      %dma_start3A_280 = arith.constant 0 : i32
      %dma_start3A_281 = tpu.memref_slice %arg19[%dma_start3A_279, %dma_start3A_280] : memref<10240x64xbf16, #tpu.memory_space<vmem_shared>> -> memref<10240x64xbf16, #tpu.memory_space<vmem_shared>>
      tpu.enqueue_indirect_dma source(%arg16 : memref<128x64xbf16, #tpu.memory_space<vmem>>) target(%dma_start3A_281 : memref<10240x64xbf16, #tpu.memory_space<vmem_shared>>) offsets(%dma_start3A_278 : memref<128xi32, #tpu.memory_space<vmem>>) semaphore(%arg34 : memref<!tpu.dma_semaphore, #tpu.memory_space<semaphore_mem>>) {add = true}
      %dma_wait3A_282 = arith.constant 7 : i32
      %dma_wait3A_283 = arith.constant 0 : i32
      %dma_wait3A_284 = tpu.memref_slice %arg6[%dma_wait3A_282, %dma_wait3A_283] : memref<8x128xi32, #tpu.memory_space<vmem>> -> memref<1x128xi32, #tpu.memory_space<vmem>>
      %dma_wait3A_285 = tpu.memref_squeeze %dma_wait3A_284 : memref<1x128xi32, #tpu.memory_space<vmem>> -> memref<128xi32, #tpu.memory_space<vmem>>
      %dma_wait3A_286 = arith.constant 0 : i32
      %dma_wait3A_287 = arith.constant 0 : i32
      %dma_wait3A_288 = tpu.memref_slice %arg4[%arg0, %dma_wait3A_286, %dma_wait3A_287] : memref<2x10000x64xbf16, #tpu.memory_space<hbm>> -> memref<1x10000x64xbf16, #tpu.memory_space<hbm>>
      %dma_wait3A_289 = tpu.memref_squeeze %dma_wait3A_288 : memref<1x10000x64xbf16, #tpu.memory_space<hbm>> -> memref<10000x64xbf16, #tpu.memory_space<hbm>>
      %dma_wait3A_290 = arith.constant 0 : i32
      %dma_wait3A_291 = arith.constant 0 : i32
      %dma_wait3A_292 = tpu.memref_slice %dma_wait3A_289[%dma_wait3A_290, %dma_wait3A_291] : memref<10000x64xbf16, #tpu.memory_space<hbm>> -> memref<10000x64xbf16, #tpu.memory_space<hbm>>
      tpu.wait_indirect_dma semaphore(%arg27 : memref<!tpu.dma_semaphore, #tpu.memory_space<semaphore_mem>>) src(%dma_wait3A_292 : memref<10000x64xbf16, #tpu.memory_space<hbm>>) dst(%arg17 : memref<128x64xbf16, #tpu.memory_space<vmem>>)
      %dma_start3A_293 = arith.constant 7 : i32
      %dma_start3A_294 = arith.constant 0 : i32
      %dma_start3A_295 = tpu.memref_slice %arg8[%dma_start3A_293, %dma_start3A_294] : memref<8x128xi32, #tpu.memory_space<vmem>> -> memref<1x128xi32, #tpu.memory_space<vmem>>
      %dma_start3A_296 = tpu.memref_squeeze %dma_start3A_295 : memref<1x128xi32, #tpu.memory_space<vmem>> -> memref<128xi32, #tpu.memory_space<vmem>>
      %dma_start3A_297 = arith.constant 0 : i32
      %dma_start3A_298 = arith.constant 0 : i32
      %dma_start3A_299 = tpu.memref_slice %arg19[%dma_start3A_297, %dma_start3A_298] : memref<10240x64xbf16, #tpu.memory_space<vmem_shared>> -> memref<10240x64xbf16, #tpu.memory_space<vmem_shared>>
      tpu.enqueue_indirect_dma source(%arg17 : memref<128x64xbf16, #tpu.memory_space<vmem>>) target(%dma_start3A_299 : memref<10240x64xbf16, #tpu.memory_space<vmem_shared>>) offsets(%dma_start3A_296 : memref<128xi32, #tpu.memory_space<vmem>>) semaphore(%arg35 : memref<!tpu.dma_semaphore, #tpu.memory_space<semaphore_mem>>) {add = true}
      %add3A_300 = arith.constant 1 : i32
      %add3A_301 = arith.addi %add3A_155, %add3A_300 : i32
      %lt3A = arith.constant 20 : i32
      %lt3A_302 = arith.cmpi slt, %add3A_301, %lt3A : i32
      %convert_element_type3A = arith.extui %lt3A_302 : i1 to i32
      %cond3A = arith.constant 0 : i32
      %cond3A_303 = arith.cmpi ne, %convert_element_type3A, %cond3A : i32
      scf.if %cond3A_303 {
        %add3A_695 = arith.constant 1 : i32
        %add3A_696 = arith.addi %add3A_155, %add3A_695 : i32
        %mul3A_697 = arith.constant 8 : i32
        %mul3A_698 = arith.muli %add3A_696, %mul3A_697 : i32
        %add3A_699 = arith.constant 0 : i32
        %add3A_700 = arith.addi %add3A_699, %mul3A_698 : i32
        %dma_wait3A_701 = arith.constant 0 : i32
        %dma_wait3A_702 = tpu.memref_slice %arg2[%arg1, %add3A_700, %dma_wait3A_701] : memref<16x160x128xi32, #tpu.memory_space<hbm>> -> memref<1x8x128xi32, #tpu.memory_space<hbm>>
        %dma_wait3A_703 = tpu.memref_squeeze %dma_wait3A_702 : memref<1x8x128xi32, #tpu.memory_space<hbm>> -> memref<8x128xi32, #tpu.memory_space<hbm>>
        %dma_wait3A_704 = arith.constant 0 : i32
        %dma_wait3A_705 = tpu.memref_slice %arg2[%arg1, %add3A_700, %dma_wait3A_704] : memref<16x160x128xi32, #tpu.memory_space<hbm>> -> memref<1x8x128xi32, #tpu.memory_space<hbm>>
        %dma_wait3A_706 = tpu.memref_squeeze %dma_wait3A_705 : memref<1x8x128xi32, #tpu.memory_space<hbm>> -> memref<8x128xi32, #tpu.memory_space<hbm>>
        tpu.wait_dma2 semaphore(%arg37 : memref<!tpu.dma_semaphore, #tpu.memory_space<semaphore_mem>>) src(%dma_wait3A_706 : memref<8x128xi32, #tpu.memory_space<hbm>>) dst(%arg7 : memref<8x128xi32, #tpu.memory_space<vmem>>)
        %mul3A_707 = arith.constant 8 : i32
        %mul3A_708 = arith.muli %add3A_696, %mul3A_707 : i32
        %add3A_709 = arith.constant 0 : i32
        %add3A_710 = arith.addi %add3A_709, %mul3A_708 : i32
        %dma_wait3A_711 = arith.constant 0 : i32
        %dma_wait3A_712 = tpu.memref_slice %arg3[%arg1, %add3A_710, %dma_wait3A_711] : memref<16x160x128xi32, #tpu.memory_space<hbm>> -> memref<1x8x128xi32, #tpu.memory_space<hbm>>
        %dma_wait3A_713 = tpu.memref_squeeze %dma_wait3A_712 : memref<1x8x128xi32, #tpu.memory_space<hbm>> -> memref<8x128xi32, #tpu.memory_space<hbm>>
        %dma_wait3A_714 = arith.constant 0 : i32
        %dma_wait3A_715 = tpu.memref_slice %arg3[%arg1, %add3A_710, %dma_wait3A_714] : memref<16x160x128xi32, #tpu.memory_space<hbm>> -> memref<1x8x128xi32, #tpu.memory_space<hbm>>
        %dma_wait3A_716 = tpu.memref_squeeze %dma_wait3A_715 : memref<1x8x128xi32, #tpu.memory_space<hbm>> -> memref<8x128xi32, #tpu.memory_space<hbm>>
        tpu.wait_dma2 semaphore(%arg37 : memref<!tpu.dma_semaphore, #tpu.memory_space<semaphore_mem>>) src(%dma_wait3A_716 : memref<8x128xi32, #tpu.memory_space<hbm>>) dst(%arg9 : memref<8x128xi32, #tpu.memory_space<vmem>>)
      } else {
      }
      %dma_wait3A_304 = arith.constant 0 : i32
      %dma_wait3A_305 = arith.constant 0 : i32
      %dma_wait3A_306 = tpu.memref_slice %arg8[%dma_wait3A_304, %dma_wait3A_305] : memref<8x128xi32, #tpu.memory_space<vmem>> -> memref<1x128xi32, #tpu.memory_space<vmem>>
      %dma_wait3A_307 = tpu.memref_squeeze %dma_wait3A_306 : memref<1x128xi32, #tpu.memory_space<vmem>> -> memref<128xi32, #tpu.memory_space<vmem>>
      %dma_wait3A_308 = arith.constant 0 : i32
      %dma_wait3A_309 = arith.constant 0 : i32
      %dma_wait3A_310 = tpu.memref_slice %arg19[%dma_wait3A_308, %dma_wait3A_309] : memref<10240x64xbf16, #tpu.memory_space<vmem_shared>> -> memref<10240x64xbf16, #tpu.memory_space<vmem_shared>>
      tpu.wait_indirect_dma semaphore(%arg28 : memref<!tpu.dma_semaphore, #tpu.memory_space<semaphore_mem>>) src(%arg10 : memref<128x64xbf16, #tpu.memory_space<vmem>>) dst(%dma_wait3A_310 : memref<10240x64xbf16, #tpu.memory_space<vmem_shared>>)
      %add3A_311 = arith.constant 1 : i32
      %add3A_312 = arith.addi %add3A_155, %add3A_311 : i32
      %lt3A_313 = arith.constant 20 : i32
      %lt3A_314 = arith.cmpi slt, %add3A_312, %lt3A_313 : i32
      %convert_element_type3A_315 = arith.extui %lt3A_314 : i1 to i32
      %cond3A_316 = arith.constant 0 : i32
      %cond3A_317 = arith.cmpi ne, %convert_element_type3A_315, %cond3A_316 : i32
      scf.if %cond3A_317 {
        %dma_start3A_695 = arith.constant 0 : i32
        %dma_start3A_696 = arith.constant 0 : i32
        %dma_start3A_697 = tpu.memref_slice %arg7[%dma_start3A_695, %dma_start3A_696] : memref<8x128xi32, #tpu.memory_space<vmem>> -> memref<1x128xi32, #tpu.memory_space<vmem>>
        %dma_start3A_698 = tpu.memref_squeeze %dma_start3A_697 : memref<1x128xi32, #tpu.memory_space<vmem>> -> memref<128xi32, #tpu.memory_space<vmem>>
        %dma_start3A_699 = arith.constant 0 : i32
        %dma_start3A_700 = arith.constant 0 : i32
        %dma_start3A_701 = tpu.memref_slice %arg4[%arg0, %dma_start3A_699, %dma_start3A_700] : memref<2x10000x64xbf16, #tpu.memory_space<hbm>> -> memref<1x10000x64xbf16, #tpu.memory_space<hbm>>
        %dma_start3A_702 = tpu.memref_squeeze %dma_start3A_701 : memref<1x10000x64xbf16, #tpu.memory_space<hbm>> -> memref<10000x64xbf16, #tpu.memory_space<hbm>>
        %dma_start3A_703 = arith.constant 0 : i32
        %dma_start3A_704 = arith.constant 0 : i32
        %dma_start3A_705 = tpu.memref_slice %dma_start3A_702[%dma_start3A_703, %dma_start3A_704] : memref<10000x64xbf16, #tpu.memory_space<hbm>> -> memref<10000x64xbf16, #tpu.memory_space<hbm>>
        tpu.enqueue_indirect_dma source(%dma_start3A_705 : memref<10000x64xbf16, #tpu.memory_space<hbm>>) target(%arg10 : memref<128x64xbf16, #tpu.memory_space<vmem>>) offsets(%dma_start3A_698 : memref<128xi32, #tpu.memory_space<vmem>>) semaphore(%arg20 : memref<!tpu.dma_semaphore, #tpu.memory_space<semaphore_mem>>)
      } else {
      }
      %dma_wait3A_318 = arith.constant 1 : i32
      %dma_wait3A_319 = arith.constant 0 : i32
      %dma_wait3A_320 = tpu.memref_slice %arg8[%dma_wait3A_318, %dma_wait3A_319] : memref<8x128xi32, #tpu.memory_space<vmem>> -> memref<1x128xi32, #tpu.memory_space<vmem>>
      %dma_wait3A_321 = tpu.memref_squeeze %dma_wait3A_320 : memref<1x128xi32, #tpu.memory_space<vmem>> -> memref<128xi32, #tpu.memory_space<vmem>>
      %dma_wait3A_322 = arith.constant 0 : i32
      %dma_wait3A_323 = arith.constant 0 : i32
      %dma_wait3A_324 = tpu.memref_slice %arg19[%dma_wait3A_322, %dma_wait3A_323] : memref<10240x64xbf16, #tpu.memory_space<vmem_shared>> -> memref<10240x64xbf16, #tpu.memory_space<vmem_shared>>
      tpu.wait_indirect_dma semaphore(%arg29 : memref<!tpu.dma_semaphore, #tpu.memory_space<semaphore_mem>>) src(%arg11 : memref<128x64xbf16, #tpu.memory_space<vmem>>) dst(%dma_wait3A_324 : memref<10240x64xbf16, #tpu.memory_space<vmem_shared>>)
      %add3A_325 = arith.constant 1 : i32
      %add3A_326 = arith.addi %add3A_155, %add3A_325 : i32
      %lt3A_327 = arith.constant 20 : i32
      %lt3A_328 = arith.cmpi slt, %add3A_326, %lt3A_327 : i32
      %convert_element_type3A_329 = arith.extui %lt3A_328 : i1 to i32
      %cond3A_330 = arith.constant 0 : i32
      %cond3A_331 = arith.cmpi ne, %convert_element_type3A_329, %cond3A_330 : i32
      scf.if %cond3A_331 {
        %dma_start3A_695 = arith.constant 1 : i32
        %dma_start3A_696 = arith.constant 0 : i32
        %dma_start3A_697 = tpu.memref_slice %arg7[%dma_start3A_695, %dma_start3A_696] : memref<8x128xi32, #tpu.memory_space<vmem>> -> memref<1x128xi32, #tpu.memory_space<vmem>>
        %dma_start3A_698 = tpu.memref_squeeze %dma_start3A_697 : memref<1x128xi32, #tpu.memory_space<vmem>> -> memref<128xi32, #tpu.memory_space<vmem>>
        %dma_start3A_699 = arith.constant 0 : i32
        %dma_start3A_700 = arith.constant 0 : i32
        %dma_start3A_701 = tpu.memref_slice %arg4[%arg0, %dma_start3A_699, %dma_start3A_700] : memref<2x10000x64xbf16, #tpu.memory_space<hbm>> -> memref<1x10000x64xbf16, #tpu.memory_space<hbm>>
        %dma_start3A_702 = tpu.memref_squeeze %dma_start3A_701 : memref<1x10000x64xbf16, #tpu.memory_space<hbm>> -> memref<10000x64xbf16, #tpu.memory_space<hbm>>
        %dma_start3A_703 = arith.constant 0 : i32
        %dma_start3A_704 = arith.constant 0 : i32
        %dma_start3A_705 = tpu.memref_slice %dma_start3A_702[%dma_start3A_703, %dma_start3A_704] : memref<10000x64xbf16, #tpu.memory_space<hbm>> -> memref<10000x64xbf16, #tpu.memory_space<hbm>>
        tpu.enqueue_indirect_dma source(%dma_start3A_705 : memref<10000x64xbf16, #tpu.memory_space<hbm>>) target(%arg11 : memref<128x64xbf16, #tpu.memory_space<vmem>>) offsets(%dma_start3A_698 : memref<128xi32, #tpu.memory_space<vmem>>) semaphore(%arg21 : memref<!tpu.dma_semaphore, #tpu.memory_space<semaphore_mem>>)
      } else {
      }
      %dma_wait3A_332 = arith.constant 2 : i32
      %dma_wait3A_333 = arith.constant 0 : i32
      %dma_wait3A_334 = tpu.memref_slice %arg8[%dma_wait3A_332, %dma_wait3A_333] : memref<8x128xi32, #tpu.memory_space<vmem>> -> memref<1x128xi32, #tpu.memory_space<vmem>>
      %dma_wait3A_335 = tpu.memref_squeeze %dma_wait3A_334 : memref<1x128xi32, #tpu.memory_space<vmem>> -> memref<128xi32, #tpu.memory_space<vmem>>
      %dma_wait3A_336 = arith.constant 0 : i32
      %dma_wait3A_337 = arith.constant 0 : i32
      %dma_wait3A_338 = tpu.memref_slice %arg19[%dma_wait3A_336, %dma_wait3A_337] : memref<10240x64xbf16, #tpu.memory_space<vmem_shared>> -> memref<10240x64xbf16, #tpu.memory_space<vmem_shared>>
      tpu.wait_indirect_dma semaphore(%arg30 : memref<!tpu.dma_semaphore, #tpu.memory_space<semaphore_mem>>) src(%arg12 : memref<128x64xbf16, #tpu.memory_space<vmem>>) dst(%dma_wait3A_338 : memref<10240x64xbf16, #tpu.memory_space<vmem_shared>>)
      %add3A_339 = arith.constant 1 : i32
      %add3A_340 = arith.addi %add3A_155, %add3A_339 : i32
      %lt3A_341 = arith.constant 20 : i32
      %lt3A_342 = arith.cmpi slt, %add3A_340, %lt3A_341 : i32
      %convert_element_type3A_343 = arith.extui %lt3A_342 : i1 to i32
      %cond3A_344 = arith.constant 0 : i32
      %cond3A_345 = arith.cmpi ne, %convert_element_type3A_343, %cond3A_344 : i32
      scf.if %cond3A_345 {
        %dma_start3A_695 = arith.constant 2 : i32
        %dma_start3A_696 = arith.constant 0 : i32
        %dma_start3A_697 = tpu.memref_slice %arg7[%dma_start3A_695, %dma_start3A_696] : memref<8x128xi32, #tpu.memory_space<vmem>> -> memref<1x128xi32, #tpu.memory_space<vmem>>
        %dma_start3A_698 = tpu.memref_squeeze %dma_start3A_697 : memref<1x128xi32, #tpu.memory_space<vmem>> -> memref<128xi32, #tpu.memory_space<vmem>>
        %dma_start3A_699 = arith.constant 0 : i32
        %dma_start3A_700 = arith.constant 0 : i32
        %dma_start3A_701 = tpu.memref_slice %arg4[%arg0, %dma_start3A_699, %dma_start3A_700] : memref<2x10000x64xbf16, #tpu.memory_space<hbm>> -> memref<1x10000x64xbf16, #tpu.memory_space<hbm>>
        %dma_start3A_702 = tpu.memref_squeeze %dma_start3A_701 : memref<1x10000x64xbf16, #tpu.memory_space<hbm>> -> memref<10000x64xbf16, #tpu.memory_space<hbm>>
        %dma_start3A_703 = arith.constant 0 : i32
        %dma_start3A_704 = arith.constant 0 : i32
        %dma_start3A_705 = tpu.memref_slice %dma_start3A_702[%dma_start3A_703, %dma_start3A_704] : memref<10000x64xbf16, #tpu.memory_space<hbm>> -> memref<10000x64xbf16, #tpu.memory_space<hbm>>
        tpu.enqueue_indirect_dma source(%dma_start3A_705 : memref<10000x64xbf16, #tpu.memory_space<hbm>>) target(%arg12 : memref<128x64xbf16, #tpu.memory_space<vmem>>) offsets(%dma_start3A_698 : memref<128xi32, #tpu.memory_space<vmem>>) semaphore(%arg22 : memref<!tpu.dma_semaphore, #tpu.memory_space<semaphore_mem>>)
      } else {
      }
      %dma_wait3A_346 = arith.constant 3 : i32
      %dma_wait3A_347 = arith.constant 0 : i32
      %dma_wait3A_348 = tpu.memref_slice %arg8[%dma_wait3A_346, %dma_wait3A_347] : memref<8x128xi32, #tpu.memory_space<vmem>> -> memref<1x128xi32, #tpu.memory_space<vmem>>
      %dma_wait3A_349 = tpu.memref_squeeze %dma_wait3A_348 : memref<1x128xi32, #tpu.memory_space<vmem>> -> memref<128xi32, #tpu.memory_space<vmem>>
      %dma_wait3A_350 = arith.constant 0 : i32
      %dma_wait3A_351 = arith.constant 0 : i32
      %dma_wait3A_352 = tpu.memref_slice %arg19[%dma_wait3A_350, %dma_wait3A_351] : memref<10240x64xbf16, #tpu.memory_space<vmem_shared>> -> memref<10240x64xbf16, #tpu.memory_space<vmem_shared>>
      tpu.wait_indirect_dma semaphore(%arg31 : memref<!tpu.dma_semaphore, #tpu.memory_space<semaphore_mem>>) src(%arg13 : memref<128x64xbf16, #tpu.memory_space<vmem>>) dst(%dma_wait3A_352 : memref<10240x64xbf16, #tpu.memory_space<vmem_shared>>)
      %add3A_353 = arith.constant 1 : i32
      %add3A_354 = arith.addi %add3A_155, %add3A_353 : i32
      %lt3A_355 = arith.constant 20 : i32
      %lt3A_356 = arith.cmpi slt, %add3A_354, %lt3A_355 : i32
      %convert_element_type3A_357 = arith.extui %lt3A_356 : i1 to i32
      %cond3A_358 = arith.constant 0 : i32
      %cond3A_359 = arith.cmpi ne, %convert_element_type3A_357, %cond3A_358 : i32
      scf.if %cond3A_359 {
        %dma_start3A_695 = arith.constant 3 : i32
        %dma_start3A_696 = arith.constant 0 : i32
        %dma_start3A_697 = tpu.memref_slice %arg7[%dma_start3A_695, %dma_start3A_696] : memref<8x128xi32, #tpu.memory_space<vmem>> -> memref<1x128xi32, #tpu.memory_space<vmem>>
        %dma_start3A_698 = tpu.memref_squeeze %dma_start3A_697 : memref<1x128xi32, #tpu.memory_space<vmem>> -> memref<128xi32, #tpu.memory_space<vmem>>
        %dma_start3A_699 = arith.constant 0 : i32
        %dma_start3A_700 = arith.constant 0 : i32
        %dma_start3A_701 = tpu.memref_slice %arg4[%arg0, %dma_start3A_699, %dma_start3A_700] : memref<2x10000x64xbf16, #tpu.memory_space<hbm>> -> memref<1x10000x64xbf16, #tpu.memory_space<hbm>>
        %dma_start3A_702 = tpu.memref_squeeze %dma_start3A_701 : memref<1x10000x64xbf16, #tpu.memory_space<hbm>> -> memref<10000x64xbf16, #tpu.memory_space<hbm>>
        %dma_start3A_703 = arith.constant 0 : i32
        %dma_start3A_704 = arith.constant 0 : i32
        %dma_start3A_705 = tpu.memref_slice %dma_start3A_702[%dma_start3A_703, %dma_start3A_704] : memref<10000x64xbf16, #tpu.memory_space<hbm>> -> memref<10000x64xbf16, #tpu.memory_space<hbm>>
        tpu.enqueue_indirect_dma source(%dma_start3A_705 : memref<10000x64xbf16, #tpu.memory_space<hbm>>) target(%arg13 : memref<128x64xbf16, #tpu.memory_space<vmem>>) offsets(%dma_start3A_698 : memref<128xi32, #tpu.memory_space<vmem>>) semaphore(%arg23 : memref<!tpu.dma_semaphore, #tpu.memory_space<semaphore_mem>>)
      } else {
      }
      %dma_wait3A_360 = arith.constant 4 : i32
      %dma_wait3A_361 = arith.constant 0 : i32
      %dma_wait3A_362 = tpu.memref_slice %arg8[%dma_wait3A_360, %dma_wait3A_361] : memref<8x128xi32, #tpu.memory_space<vmem>> -> memref<1x128xi32, #tpu.memory_space<vmem>>
      %dma_wait3A_363 = tpu.memref_squeeze %dma_wait3A_362 : memref<1x128xi32, #tpu.memory_space<vmem>> -> memref<128xi32, #tpu.memory_space<vmem>>
      %dma_wait3A_364 = arith.constant 0 : i32
      %dma_wait3A_365 = arith.constant 0 : i32
      %dma_wait3A_366 = tpu.memref_slice %arg19[%dma_wait3A_364, %dma_wait3A_365] : memref<10240x64xbf16, #tpu.memory_space<vmem_shared>> -> memref<10240x64xbf16, #tpu.memory_space<vmem_shared>>
      tpu.wait_indirect_dma semaphore(%arg32 : memref<!tpu.dma_semaphore, #tpu.memory_space<semaphore_mem>>) src(%arg14 : memref<128x64xbf16, #tpu.memory_space<vmem>>) dst(%dma_wait3A_366 : memref<10240x64xbf16, #tpu.memory_space<vmem_shared>>)
      %add3A_367 = arith.constant 1 : i32
      %add3A_368 = arith.addi %add3A_155, %add3A_367 : i32
      %lt3A_369 = arith.constant 20 : i32
      %lt3A_370 = arith.cmpi slt, %add3A_368, %lt3A_369 : i32
      %convert_element_type3A_371 = arith.extui %lt3A_370 : i1 to i32
      %cond3A_372 = arith.constant 0 : i32
      %cond3A_373 = arith.cmpi ne, %convert_element_type3A_371, %cond3A_372 : i32
      scf.if %cond3A_373 {
        %dma_start3A_695 = arith.constant 4 : i32
        %dma_start3A_696 = arith.constant 0 : i32
        %dma_start3A_697 = tpu.memref_slice %arg7[%dma_start3A_695, %dma_start3A_696] : memref<8x128xi32, #tpu.memory_space<vmem>> -> memref<1x128xi32, #tpu.memory_space<vmem>>
        %dma_start3A_698 = tpu.memref_squeeze %dma_start3A_697 : memref<1x128xi32, #tpu.memory_space<vmem>> -> memref<128xi32, #tpu.memory_space<vmem>>
        %dma_start3A_699 = arith.constant 0 : i32
        %dma_start3A_700 = arith.constant 0 : i32
        %dma_start3A_701 = tpu.memref_slice %arg4[%arg0, %dma_start3A_699, %dma_start3A_700] : memref<2x10000x64xbf16, #tpu.memory_space<hbm>> -> memref<1x10000x64xbf16, #tpu.memory_space<hbm>>
        %dma_start3A_702 = tpu.memref_squeeze %dma_start3A_701 : memref<1x10000x64xbf16, #tpu.memory_space<hbm>> -> memref<10000x64xbf16, #tpu.memory_space<hbm>>
        %dma_start3A_703 = arith.constant 0 : i32
        %dma_start3A_704 = arith.constant 0 : i32
        %dma_start3A_705 = tpu.memref_slice %dma_start3A_702[%dma_start3A_703, %dma_start3A_704] : memref<10000x64xbf16, #tpu.memory_space<hbm>> -> memref<10000x64xbf16, #tpu.memory_space<hbm>>
        tpu.enqueue_indirect_dma source(%dma_start3A_705 : memref<10000x64xbf16, #tpu.memory_space<hbm>>) target(%arg14 : memref<128x64xbf16, #tpu.memory_space<vmem>>) offsets(%dma_start3A_698 : memref<128xi32, #tpu.memory_space<vmem>>) semaphore(%arg24 : memref<!tpu.dma_semaphore, #tpu.memory_space<semaphore_mem>>)
      } else {
      }
      %dma_wait3A_374 = arith.constant 5 : i32
      %dma_wait3A_375 = arith.constant 0 : i32
      %dma_wait3A_376 = tpu.memref_slice %arg8[%dma_wait3A_374, %dma_wait3A_375] : memref<8x128xi32, #tpu.memory_space<vmem>> -> memref<1x128xi32, #tpu.memory_space<vmem>>
      %dma_wait3A_377 = tpu.memref_squeeze %dma_wait3A_376 : memref<1x128xi32, #tpu.memory_space<vmem>> -> memref<128xi32, #tpu.memory_space<vmem>>
      %dma_wait3A_378 = arith.constant 0 : i32
      %dma_wait3A_379 = arith.constant 0 : i32
      %dma_wait3A_380 = tpu.memref_slice %arg19[%dma_wait3A_378, %dma_wait3A_379] : memref<10240x64xbf16, #tpu.memory_space<vmem_shared>> -> memref<10240x64xbf16, #tpu.memory_space<vmem_shared>>
      tpu.wait_indirect_dma semaphore(%arg33 : memref<!tpu.dma_semaphore, #tpu.memory_space<semaphore_mem>>) src(%arg15 : memref<128x64xbf16, #tpu.memory_space<vmem>>) dst(%dma_wait3A_380 : memref<10240x64xbf16, #tpu.memory_space<vmem_shared>>)
      %add3A_381 = arith.constant 1 : i32
      %add3A_382 = arith.addi %add3A_155, %add3A_381 : i32
      %lt3A_383 = arith.constant 20 : i32
      %lt3A_384 = arith.cmpi slt, %add3A_382, %lt3A_383 : i32
      %convert_element_type3A_385 = arith.extui %lt3A_384 : i1 to i32
      %cond3A_386 = arith.constant 0 : i32
      %cond3A_387 = arith.cmpi ne, %convert_element_type3A_385, %cond3A_386 : i32
      scf.if %cond3A_387 {
        %dma_start3A_695 = arith.constant 5 : i32
        %dma_start3A_696 = arith.constant 0 : i32
        %dma_start3A_697 = tpu.memref_slice %arg7[%dma_start3A_695, %dma_start3A_696] : memref<8x128xi32, #tpu.memory_space<vmem>> -> memref<1x128xi32, #tpu.memory_space<vmem>>
        %dma_start3A_698 = tpu.memref_squeeze %dma_start3A_697 : memref<1x128xi32, #tpu.memory_space<vmem>> -> memref<128xi32, #tpu.memory_space<vmem>>
        %dma_start3A_699 = arith.constant 0 : i32
        %dma_start3A_700 = arith.constant 0 : i32
        %dma_start3A_701 = tpu.memref_slice %arg4[%arg0, %dma_start3A_699, %dma_start3A_700] : memref<2x10000x64xbf16, #tpu.memory_space<hbm>> -> memref<1x10000x64xbf16, #tpu.memory_space<hbm>>
        %dma_start3A_702 = tpu.memref_squeeze %dma_start3A_701 : memref<1x10000x64xbf16, #tpu.memory_space<hbm>> -> memref<10000x64xbf16, #tpu.memory_space<hbm>>
        %dma_start3A_703 = arith.constant 0 : i32
        %dma_start3A_704 = arith.constant 0 : i32
        %dma_start3A_705 = tpu.memref_slice %dma_start3A_702[%dma_start3A_703, %dma_start3A_704] : memref<10000x64xbf16, #tpu.memory_space<hbm>> -> memref<10000x64xbf16, #tpu.memory_space<hbm>>
        tpu.enqueue_indirect_dma source(%dma_start3A_705 : memref<10000x64xbf16, #tpu.memory_space<hbm>>) target(%arg15 : memref<128x64xbf16, #tpu.memory_space<vmem>>) offsets(%dma_start3A_698 : memref<128xi32, #tpu.memory_space<vmem>>) semaphore(%arg25 : memref<!tpu.dma_semaphore, #tpu.memory_space<semaphore_mem>>)
      } else {
      }
      %dma_wait3A_388 = arith.constant 6 : i32
      %dma_wait3A_389 = arith.constant 0 : i32
      %dma_wait3A_390 = tpu.memref_slice %arg8[%dma_wait3A_388, %dma_wait3A_389] : memref<8x128xi32, #tpu.memory_space<vmem>> -> memref<1x128xi32, #tpu.memory_space<vmem>>
      %dma_wait3A_391 = tpu.memref_squeeze %dma_wait3A_390 : memref<1x128xi32, #tpu.memory_space<vmem>> -> memref<128xi32, #tpu.memory_space<vmem>>
      %dma_wait3A_392 = arith.constant 0 : i32
      %dma_wait3A_393 = arith.constant 0 : i32
      %dma_wait3A_394 = tpu.memref_slice %arg19[%dma_wait3A_392, %dma_wait3A_393] : memref<10240x64xbf16, #tpu.memory_space<vmem_shared>> -> memref<10240x64xbf16, #tpu.memory_space<vmem_shared>>
      tpu.wait_indirect_dma semaphore(%arg34 : memref<!tpu.dma_semaphore, #tpu.memory_space<semaphore_mem>>) src(%arg16 : memref<128x64xbf16, #tpu.memory_space<vmem>>) dst(%dma_wait3A_394 : memref<10240x64xbf16, #tpu.memory_space<vmem_shared>>)
      %add3A_395 = arith.constant 1 : i32
      %add3A_396 = arith.addi %add3A_155, %add3A_395 : i32
      %lt3A_397 = arith.constant 20 : i32
      %lt3A_398 = arith.cmpi slt, %add3A_396, %lt3A_397 : i32
      %convert_element_type3A_399 = arith.extui %lt3A_398 : i1 to i32
      %cond3A_400 = arith.constant 0 : i32
      %cond3A_401 = arith.cmpi ne, %convert_element_type3A_399, %cond3A_400 : i32
      scf.if %cond3A_401 {
        %dma_start3A_695 = arith.constant 6 : i32
        %dma_start3A_696 = arith.constant 0 : i32
        %dma_start3A_697 = tpu.memref_slice %arg7[%dma_start3A_695, %dma_start3A_696] : memref<8x128xi32, #tpu.memory_space<vmem>> -> memref<1x128xi32, #tpu.memory_space<vmem>>
        %dma_start3A_698 = tpu.memref_squeeze %dma_start3A_697 : memref<1x128xi32, #tpu.memory_space<vmem>> -> memref<128xi32, #tpu.memory_space<vmem>>
        %dma_start3A_699 = arith.constant 0 : i32
        %dma_start3A_700 = arith.constant 0 : i32
        %dma_start3A_701 = tpu.memref_slice %arg4[%arg0, %dma_start3A_699, %dma_start3A_700] : memref<2x10000x64xbf16, #tpu.memory_space<hbm>> -> memref<1x10000x64xbf16, #tpu.memory_space<hbm>>
        %dma_start3A_702 = tpu.memref_squeeze %dma_start3A_701 : memref<1x10000x64xbf16, #tpu.memory_space<hbm>> -> memref<10000x64xbf16, #tpu.memory_space<hbm>>
        %dma_start3A_703 = arith.constant 0 : i32
        %dma_start3A_704 = arith.constant 0 : i32
        %dma_start3A_705 = tpu.memref_slice %dma_start3A_702[%dma_start3A_703, %dma_start3A_704] : memref<10000x64xbf16, #tpu.memory_space<hbm>> -> memref<10000x64xbf16, #tpu.memory_space<hbm>>
        tpu.enqueue_indirect_dma source(%dma_start3A_705 : memref<10000x64xbf16, #tpu.memory_space<hbm>>) target(%arg16 : memref<128x64xbf16, #tpu.memory_space<vmem>>) offsets(%dma_start3A_698 : memref<128xi32, #tpu.memory_space<vmem>>) semaphore(%arg26 : memref<!tpu.dma_semaphore, #tpu.memory_space<semaphore_mem>>)
      } else {
      }
      %dma_wait3A_402 = arith.constant 7 : i32
      %dma_wait3A_403 = arith.constant 0 : i32
      %dma_wait3A_404 = tpu.memref_slice %arg8[%dma_wait3A_402, %dma_wait3A_403] : memref<8x128xi32, #tpu.memory_space<vmem>> -> memref<1x128xi32, #tpu.memory_space<vmem>>
      %dma_wait3A_405 = tpu.memref_squeeze %dma_wait3A_404 : memref<1x128xi32, #tpu.memory_space<vmem>> -> memref<128xi32, #tpu.memory_space<vmem>>
      %dma_wait3A_406 = arith.constant 0 : i32
      %dma_wait3A_407 = arith.constant 0 : i32
      %dma_wait3A_408 = tpu.memref_slice %arg19[%dma_wait3A_406, %dma_wait3A_407] : memref<10240x64xbf16, #tpu.memory_space<vmem_shared>> -> memref<10240x64xbf16, #tpu.memory_space<vmem_shared>>
      tpu.wait_indirect_dma semaphore(%arg35 : memref<!tpu.dma_semaphore, #tpu.memory_space<semaphore_mem>>) src(%arg17 : memref<128x64xbf16, #tpu.memory_space<vmem>>) dst(%dma_wait3A_408 : memref<10240x64xbf16, #tpu.memory_space<vmem_shared>>)
      %add3A_409 = arith.constant 1 : i32
      %add3A_410 = arith.addi %add3A_155, %add3A_409 : i32
      %lt3A_411 = arith.constant 20 : i32
      %lt3A_412 = arith.cmpi slt, %add3A_410, %lt3A_411 : i32
      %convert_element_type3A_413 = arith.extui %lt3A_412 : i1 to i32
      %cond3A_414 = arith.constant 0 : i32
      %cond3A_415 = arith.cmpi ne, %convert_element_type3A_413, %cond3A_414 : i32
      scf.if %cond3A_415 {
        %dma_start3A_695 = arith.constant 7 : i32
        %dma_start3A_696 = arith.constant 0 : i32
        %dma_start3A_697 = tpu.memref_slice %arg7[%dma_start3A_695, %dma_start3A_696] : memref<8x128xi32, #tpu.memory_space<vmem>> -> memref<1x128xi32, #tpu.memory_space<vmem>>
        %dma_start3A_698 = tpu.memref_squeeze %dma_start3A_697 : memref<1x128xi32, #tpu.memory_space<vmem>> -> memref<128xi32, #tpu.memory_space<vmem>>
        %dma_start3A_699 = arith.constant 0 : i32
        %dma_start3A_700 = arith.constant 0 : i32
        %dma_start3A_701 = tpu.memref_slice %arg4[%arg0, %dma_start3A_699, %dma_start3A_700] : memref<2x10000x64xbf16, #tpu.memory_space<hbm>> -> memref<1x10000x64xbf16, #tpu.memory_space<hbm>>
        %dma_start3A_702 = tpu.memref_squeeze %dma_start3A_701 : memref<1x10000x64xbf16, #tpu.memory_space<hbm>> -> memref<10000x64xbf16, #tpu.memory_space<hbm>>
        %dma_start3A_703 = arith.constant 0 : i32
        %dma_start3A_704 = arith.constant 0 : i32
        %dma_start3A_705 = tpu.memref_slice %dma_start3A_702[%dma_start3A_703, %dma_start3A_704] : memref<10000x64xbf16, #tpu.memory_space<hbm>> -> memref<10000x64xbf16, #tpu.memory_space<hbm>>
        tpu.enqueue_indirect_dma source(%dma_start3A_705 : memref<10000x64xbf16, #tpu.memory_space<hbm>>) target(%arg17 : memref<128x64xbf16, #tpu.memory_space<vmem>>) offsets(%dma_start3A_698 : memref<128xi32, #tpu.memory_space<vmem>>) semaphore(%arg27 : memref<!tpu.dma_semaphore, #tpu.memory_space<semaphore_mem>>)
      } else {
      }
      %add3A_416 = arith.constant 2 : i32
      %add3A_417 = arith.addi %add3A_155, %add3A_416 : i32
      %lt3A_418 = arith.constant 20 : i32
      %lt3A_419 = arith.cmpi slt, %add3A_417, %lt3A_418 : i32
      %convert_element_type3A_420 = arith.extui %lt3A_419 : i1 to i32
      %cond3A_421 = arith.constant 0 : i32
      %cond3A_422 = arith.cmpi ne, %convert_element_type3A_420, %cond3A_421 : i32
      scf.if %cond3A_422 {
        %add3A_695 = arith.constant 2 : i32
        %add3A_696 = arith.addi %add3A_155, %add3A_695 : i32
        %mul3A_697 = arith.constant 8 : i32
        %mul3A_698 = arith.muli %add3A_696, %mul3A_697 : i32
        %add3A_699 = arith.constant 0 : i32
        %add3A_700 = arith.addi %add3A_699, %mul3A_698 : i32
        %dma_start3A_701 = arith.constant 0 : i32
        %dma_start3A_702 = tpu.memref_slice %arg2[%arg1, %add3A_700, %dma_start3A_701] : memref<16x160x128xi32, #tpu.memory_space<hbm>> -> memref<1x8x128xi32, #tpu.memory_space<hbm>>
        %dma_start3A_703 = tpu.memref_squeeze %dma_start3A_702 : memref<1x8x128xi32, #tpu.memory_space<hbm>> -> memref<8x128xi32, #tpu.memory_space<hbm>>
        %dma_start3A_704 = arith.constant 0 : i32
        %dma_start3A_705 = tpu.memref_slice %arg2[%arg1, %add3A_700, %dma_start3A_704] : memref<16x160x128xi32, #tpu.memory_space<hbm>> -> memref<1x8x128xi32, #tpu.memory_space<hbm>>
        %dma_start3A_706 = tpu.memref_squeeze %dma_start3A_705 : memref<1x8x128xi32, #tpu.memory_space<hbm>> -> memref<8x128xi32, #tpu.memory_space<hbm>>
        tpu.enqueue_dma source(%dma_start3A_706 : memref<8x128xi32, #tpu.memory_space<hbm>>) target(%arg6 : memref<8x128xi32, #tpu.memory_space<vmem>>) target_semaphore(%arg36 : memref<!tpu.dma_semaphore, #tpu.memory_space<semaphore_mem>>)
        %mul3A_707 = arith.constant 8 : i32
        %mul3A_708 = arith.muli %add3A_696, %mul3A_707 : i32
        %add3A_709 = arith.constant 0 : i32
        %add3A_710 = arith.addi %add3A_709, %mul3A_708 : i32
        %dma_start3A_711 = arith.constant 0 : i32
        %dma_start3A_712 = tpu.memref_slice %arg3[%arg1, %add3A_710, %dma_start3A_711] : memref<16x160x128xi32, #tpu.memory_space<hbm>> -> memref<1x8x128xi32, #tpu.memory_space<hbm>>
        %dma_start3A_713 = tpu.memref_squeeze %dma_start3A_712 : memref<1x8x128xi32, #tpu.memory_space<hbm>> -> memref<8x128xi32, #tpu.memory_space<hbm>>
        %dma_start3A_714 = arith.constant 0 : i32
        %dma_start3A_715 = tpu.memref_slice %arg3[%arg1, %add3A_710, %dma_start3A_714] : memref<16x160x128xi32, #tpu.memory_space<hbm>> -> memref<1x8x128xi32, #tpu.memory_space<hbm>>
        %dma_start3A_716 = tpu.memref_squeeze %dma_start3A_715 : memref<1x8x128xi32, #tpu.memory_space<hbm>> -> memref<8x128xi32, #tpu.memory_space<hbm>>
        tpu.enqueue_dma source(%dma_start3A_716 : memref<8x128xi32, #tpu.memory_space<hbm>>) target(%arg8 : memref<8x128xi32, #tpu.memory_space<vmem>>) target_semaphore(%arg36 : memref<!tpu.dma_semaphore, #tpu.memory_space<semaphore_mem>>)
      } else {
      }
      %add3A_423 = arith.constant 1 : i32
      %add3A_424 = arith.addi %add3A_155, %add3A_423 : i32
      %dma_wait3A_425 = arith.constant 0 : i32
      %dma_wait3A_426 = arith.constant 0 : i32
      %dma_wait3A_427 = tpu.memref_slice %arg7[%dma_wait3A_425, %dma_wait3A_426] : memref<8x128xi32, #tpu.memory_space<vmem>> -> memref<1x128xi32, #tpu.memory_space<vmem>>
      %dma_wait3A_428 = tpu.memref_squeeze %dma_wait3A_427 : memref<1x128xi32, #tpu.memory_space<vmem>> -> memref<128xi32, #tpu.memory_space<vmem>>
      %dma_wait3A_429 = arith.constant 0 : i32
      %dma_wait3A_430 = arith.constant 0 : i32
      %dma_wait3A_431 = tpu.memref_slice %arg4[%arg0, %dma_wait3A_429, %dma_wait3A_430] : memref<2x10000x64xbf16, #tpu.memory_space<hbm>> -> memref<1x10000x64xbf16, #tpu.memory_space<hbm>>
      %dma_wait3A_432 = tpu.memref_squeeze %dma_wait3A_431 : memref<1x10000x64xbf16, #tpu.memory_space<hbm>> -> memref<10000x64xbf16, #tpu.memory_space<hbm>>
      %dma_wait3A_433 = arith.constant 0 : i32
      %dma_wait3A_434 = arith.constant 0 : i32
      %dma_wait3A_435 = tpu.memref_slice %dma_wait3A_432[%dma_wait3A_433, %dma_wait3A_434] : memref<10000x64xbf16, #tpu.memory_space<hbm>> -> memref<10000x64xbf16, #tpu.memory_space<hbm>>
      tpu.wait_indirect_dma semaphore(%arg20 : memref<!tpu.dma_semaphore, #tpu.memory_space<semaphore_mem>>) src(%dma_wait3A_435 : memref<10000x64xbf16, #tpu.memory_space<hbm>>) dst(%arg10 : memref<128x64xbf16, #tpu.memory_space<vmem>>)
      %dma_start3A_436 = arith.constant 0 : i32
      %dma_start3A_437 = arith.constant 0 : i32
      %dma_start3A_438 = tpu.memref_slice %arg9[%dma_start3A_436, %dma_start3A_437] : memref<8x128xi32, #tpu.memory_space<vmem>> -> memref<1x128xi32, #tpu.memory_space<vmem>>
      %dma_start3A_439 = tpu.memref_squeeze %dma_start3A_438 : memref<1x128xi32, #tpu.memory_space<vmem>> -> memref<128xi32, #tpu.memory_space<vmem>>
      %dma_start3A_440 = arith.constant 0 : i32
      %dma_start3A_441 = arith.constant 0 : i32
      %dma_start3A_442 = tpu.memref_slice %arg19[%dma_start3A_440, %dma_start3A_441] : memref<10240x64xbf16, #tpu.memory_space<vmem_shared>> -> memref<10240x64xbf16, #tpu.memory_space<vmem_shared>>
      tpu.enqueue_indirect_dma source(%arg10 : memref<128x64xbf16, #tpu.memory_space<vmem>>) target(%dma_start3A_442 : memref<10240x64xbf16, #tpu.memory_space<vmem_shared>>) offsets(%dma_start3A_439 : memref<128xi32, #tpu.memory_space<vmem>>) semaphore(%arg28 : memref<!tpu.dma_semaphore, #tpu.memory_space<semaphore_mem>>) {add = true}
      %dma_wait3A_443 = arith.constant 1 : i32
      %dma_wait3A_444 = arith.constant 0 : i32
      %dma_wait3A_445 = tpu.memref_slice %arg7[%dma_wait3A_443, %dma_wait3A_444] : memref<8x128xi32, #tpu.memory_space<vmem>> -> memref<1x128xi32, #tpu.memory_space<vmem>>
      %dma_wait3A_446 = tpu.memref_squeeze %dma_wait3A_445 : memref<1x128xi32, #tpu.memory_space<vmem>> -> memref<128xi32, #tpu.memory_space<vmem>>
      %dma_wait3A_447 = arith.constant 0 : i32
      %dma_wait3A_448 = arith.constant 0 : i32
      %dma_wait3A_449 = tpu.memref_slice %arg4[%arg0, %dma_wait3A_447, %dma_wait3A_448] : memref<2x10000x64xbf16, #tpu.memory_space<hbm>> -> memref<1x10000x64xbf16, #tpu.memory_space<hbm>>
      %dma_wait3A_450 = tpu.memref_squeeze %dma_wait3A_449 : memref<1x10000x64xbf16, #tpu.memory_space<hbm>> -> memref<10000x64xbf16, #tpu.memory_space<hbm>>
      %dma_wait3A_451 = arith.constant 0 : i32
      %dma_wait3A_452 = arith.constant 0 : i32
      %dma_wait3A_453 = tpu.memref_slice %dma_wait3A_450[%dma_wait3A_451, %dma_wait3A_452] : memref<10000x64xbf16, #tpu.memory_space<hbm>> -> memref<10000x64xbf16, #tpu.memory_space<hbm>>
      tpu.wait_indirect_dma semaphore(%arg21 : memref<!tpu.dma_semaphore, #tpu.memory_space<semaphore_mem>>) src(%dma_wait3A_453 : memref<10000x64xbf16, #tpu.memory_space<hbm>>) dst(%arg11 : memref<128x64xbf16, #tpu.memory_space<vmem>>)
      %dma_start3A_454 = arith.constant 1 : i32
      %dma_start3A_455 = arith.constant 0 : i32
      %dma_start3A_456 = tpu.memref_slice %arg9[%dma_start3A_454, %dma_start3A_455] : memref<8x128xi32, #tpu.memory_space<vmem>> -> memref<1x128xi32, #tpu.memory_space<vmem>>
      %dma_start3A_457 = tpu.memref_squeeze %dma_start3A_456 : memref<1x128xi32, #tpu.memory_space<vmem>> -> memref<128xi32, #tpu.memory_space<vmem>>
      %dma_start3A_458 = arith.constant 0 : i32
      %dma_start3A_459 = arith.constant 0 : i32
      %dma_start3A_460 = tpu.memref_slice %arg19[%dma_start3A_458, %dma_start3A_459] : memref<10240x64xbf16, #tpu.memory_space<vmem_shared>> -> memref<10240x64xbf16, #tpu.memory_space<vmem_shared>>
      tpu.enqueue_indirect_dma source(%arg11 : memref<128x64xbf16, #tpu.memory_space<vmem>>) target(%dma_start3A_460 : memref<10240x64xbf16, #tpu.memory_space<vmem_shared>>) offsets(%dma_start3A_457 : memref<128xi32, #tpu.memory_space<vmem>>) semaphore(%arg29 : memref<!tpu.dma_semaphore, #tpu.memory_space<semaphore_mem>>) {add = true}
      %dma_wait3A_461 = arith.constant 2 : i32
      %dma_wait3A_462 = arith.constant 0 : i32
      %dma_wait3A_463 = tpu.memref_slice %arg7[%dma_wait3A_461, %dma_wait3A_462] : memref<8x128xi32, #tpu.memory_space<vmem>> -> memref<1x128xi32, #tpu.memory_space<vmem>>
      %dma_wait3A_464 = tpu.memref_squeeze %dma_wait3A_463 : memref<1x128xi32, #tpu.memory_space<vmem>> -> memref<128xi32, #tpu.memory_space<vmem>>
      %dma_wait3A_465 = arith.constant 0 : i32
      %dma_wait3A_466 = arith.constant 0 : i32
      %dma_wait3A_467 = tpu.memref_slice %arg4[%arg0, %dma_wait3A_465, %dma_wait3A_466] : memref<2x10000x64xbf16, #tpu.memory_space<hbm>> -> memref<1x10000x64xbf16, #tpu.memory_space<hbm>>
      %dma_wait3A_468 = tpu.memref_squeeze %dma_wait3A_467 : memref<1x10000x64xbf16, #tpu.memory_space<hbm>> -> memref<10000x64xbf16, #tpu.memory_space<hbm>>
      %dma_wait3A_469 = arith.constant 0 : i32
      %dma_wait3A_470 = arith.constant 0 : i32
      %dma_wait3A_471 = tpu.memref_slice %dma_wait3A_468[%dma_wait3A_469, %dma_wait3A_470] : memref<10000x64xbf16, #tpu.memory_space<hbm>> -> memref<10000x64xbf16, #tpu.memory_space<hbm>>
      tpu.wait_indirect_dma semaphore(%arg22 : memref<!tpu.dma_semaphore, #tpu.memory_space<semaphore_mem>>) src(%dma_wait3A_471 : memref<10000x64xbf16, #tpu.memory_space<hbm>>) dst(%arg12 : memref<128x64xbf16, #tpu.memory_space<vmem>>)
      %dma_start3A_472 = arith.constant 2 : i32
      %dma_start3A_473 = arith.constant 0 : i32
      %dma_start3A_474 = tpu.memref_slice %arg9[%dma_start3A_472, %dma_start3A_473] : memref<8x128xi32, #tpu.memory_space<vmem>> -> memref<1x128xi32, #tpu.memory_space<vmem>>
      %dma_start3A_475 = tpu.memref_squeeze %dma_start3A_474 : memref<1x128xi32, #tpu.memory_space<vmem>> -> memref<128xi32, #tpu.memory_space<vmem>>
      %dma_start3A_476 = arith.constant 0 : i32
      %dma_start3A_477 = arith.constant 0 : i32
      %dma_start3A_478 = tpu.memref_slice %arg19[%dma_start3A_476, %dma_start3A_477] : memref<10240x64xbf16, #tpu.memory_space<vmem_shared>> -> memref<10240x64xbf16, #tpu.memory_space<vmem_shared>>
      tpu.enqueue_indirect_dma source(%arg12 : memref<128x64xbf16, #tpu.memory_space<vmem>>) target(%dma_start3A_478 : memref<10240x64xbf16, #tpu.memory_space<vmem_shared>>) offsets(%dma_start3A_475 : memref<128xi32, #tpu.memory_space<vmem>>) semaphore(%arg30 : memref<!tpu.dma_semaphore, #tpu.memory_space<semaphore_mem>>) {add = true}
      %dma_wait3A_479 = arith.constant 3 : i32
      %dma_wait3A_480 = arith.constant 0 : i32
      %dma_wait3A_481 = tpu.memref_slice %arg7[%dma_wait3A_479, %dma_wait3A_480] : memref<8x128xi32, #tpu.memory_space<vmem>> -> memref<1x128xi32, #tpu.memory_space<vmem>>
      %dma_wait3A_482 = tpu.memref_squeeze %dma_wait3A_481 : memref<1x128xi32, #tpu.memory_space<vmem>> -> memref<128xi32, #tpu.memory_space<vmem>>
      %dma_wait3A_483 = arith.constant 0 : i32
      %dma_wait3A_484 = arith.constant 0 : i32
      %dma_wait3A_485 = tpu.memref_slice %arg4[%arg0, %dma_wait3A_483, %dma_wait3A_484] : memref<2x10000x64xbf16, #tpu.memory_space<hbm>> -> memref<1x10000x64xbf16, #tpu.memory_space<hbm>>
      %dma_wait3A_486 = tpu.memref_squeeze %dma_wait3A_485 : memref<1x10000x64xbf16, #tpu.memory_space<hbm>> -> memref<10000x64xbf16, #tpu.memory_space<hbm>>
      %dma_wait3A_487 = arith.constant 0 : i32
      %dma_wait3A_488 = arith.constant 0 : i32
      %dma_wait3A_489 = tpu.memref_slice %dma_wait3A_486[%dma_wait3A_487, %dma_wait3A_488] : memref<10000x64xbf16, #tpu.memory_space<hbm>> -> memref<10000x64xbf16, #tpu.memory_space<hbm>>
      tpu.wait_indirect_dma semaphore(%arg23 : memref<!tpu.dma_semaphore, #tpu.memory_space<semaphore_mem>>) src(%dma_wait3A_489 : memref<10000x64xbf16, #tpu.memory_space<hbm>>) dst(%arg13 : memref<128x64xbf16, #tpu.memory_space<vmem>>)
      %dma_start3A_490 = arith.constant 3 : i32
      %dma_start3A_491 = arith.constant 0 : i32
      %dma_start3A_492 = tpu.memref_slice %arg9[%dma_start3A_490, %dma_start3A_491] : memref<8x128xi32, #tpu.memory_space<vmem>> -> memref<1x128xi32, #tpu.memory_space<vmem>>
      %dma_start3A_493 = tpu.memref_squeeze %dma_start3A_492 : memref<1x128xi32, #tpu.memory_space<vmem>> -> memref<128xi32, #tpu.memory_space<vmem>>
      %dma_start3A_494 = arith.constant 0 : i32
      %dma_start3A_495 = arith.constant 0 : i32
      %dma_start3A_496 = tpu.memref_slice %arg19[%dma_start3A_494, %dma_start3A_495] : memref<10240x64xbf16, #tpu.memory_space<vmem_shared>> -> memref<10240x64xbf16, #tpu.memory_space<vmem_shared>>
      tpu.enqueue_indirect_dma source(%arg13 : memref<128x64xbf16, #tpu.memory_space<vmem>>) target(%dma_start3A_496 : memref<10240x64xbf16, #tpu.memory_space<vmem_shared>>) offsets(%dma_start3A_493 : memref<128xi32, #tpu.memory_space<vmem>>) semaphore(%arg31 : memref<!tpu.dma_semaphore, #tpu.memory_space<semaphore_mem>>) {add = true}
      %dma_wait3A_497 = arith.constant 4 : i32
      %dma_wait3A_498 = arith.constant 0 : i32
      %dma_wait3A_499 = tpu.memref_slice %arg7[%dma_wait3A_497, %dma_wait3A_498] : memref<8x128xi32, #tpu.memory_space<vmem>> -> memref<1x128xi32, #tpu.memory_space<vmem>>
      %dma_wait3A_500 = tpu.memref_squeeze %dma_wait3A_499 : memref<1x128xi32, #tpu.memory_space<vmem>> -> memref<128xi32, #tpu.memory_space<vmem>>
      %dma_wait3A_501 = arith.constant 0 : i32
      %dma_wait3A_502 = arith.constant 0 : i32
      %dma_wait3A_503 = tpu.memref_slice %arg4[%arg0, %dma_wait3A_501, %dma_wait3A_502] : memref<2x10000x64xbf16, #tpu.memory_space<hbm>> -> memref<1x10000x64xbf16, #tpu.memory_space<hbm>>
      %dma_wait3A_504 = tpu.memref_squeeze %dma_wait3A_503 : memref<1x10000x64xbf16, #tpu.memory_space<hbm>> -> memref<10000x64xbf16, #tpu.memory_space<hbm>>
      %dma_wait3A_505 = arith.constant 0 : i32
      %dma_wait3A_506 = arith.constant 0 : i32
      %dma_wait3A_507 = tpu.memref_slice %dma_wait3A_504[%dma_wait3A_505, %dma_wait3A_506] : memref<10000x64xbf16, #tpu.memory_space<hbm>> -> memref<10000x64xbf16, #tpu.memory_space<hbm>>
      tpu.wait_indirect_dma semaphore(%arg24 : memref<!tpu.dma_semaphore, #tpu.memory_space<semaphore_mem>>) src(%dma_wait3A_507 : memref<10000x64xbf16, #tpu.memory_space<hbm>>) dst(%arg14 : memref<128x64xbf16, #tpu.memory_space<vmem>>)
      %dma_start3A_508 = arith.constant 4 : i32
      %dma_start3A_509 = arith.constant 0 : i32
      %dma_start3A_510 = tpu.memref_slice %arg9[%dma_start3A_508, %dma_start3A_509] : memref<8x128xi32, #tpu.memory_space<vmem>> -> memref<1x128xi32, #tpu.memory_space<vmem>>
      %dma_start3A_511 = tpu.memref_squeeze %dma_start3A_510 : memref<1x128xi32, #tpu.memory_space<vmem>> -> memref<128xi32, #tpu.memory_space<vmem>>
      %dma_start3A_512 = arith.constant 0 : i32
      %dma_start3A_513 = arith.constant 0 : i32
      %dma_start3A_514 = tpu.memref_slice %arg19[%dma_start3A_512, %dma_start3A_513] : memref<10240x64xbf16, #tpu.memory_space<vmem_shared>> -> memref<10240x64xbf16, #tpu.memory_space<vmem_shared>>
      tpu.enqueue_indirect_dma source(%arg14 : memref<128x64xbf16, #tpu.memory_space<vmem>>) target(%dma_start3A_514 : memref<10240x64xbf16, #tpu.memory_space<vmem_shared>>) offsets(%dma_start3A_511 : memref<128xi32, #tpu.memory_space<vmem>>) semaphore(%arg32 : memref<!tpu.dma_semaphore, #tpu.memory_space<semaphore_mem>>) {add = true}
      %dma_wait3A_515 = arith.constant 5 : i32
      %dma_wait3A_516 = arith.constant 0 : i32
      %dma_wait3A_517 = tpu.memref_slice %arg7[%dma_wait3A_515, %dma_wait3A_516] : memref<8x128xi32, #tpu.memory_space<vmem>> -> memref<1x128xi32, #tpu.memory_space<vmem>>
      %dma_wait3A_518 = tpu.memref_squeeze %dma_wait3A_517 : memref<1x128xi32, #tpu.memory_space<vmem>> -> memref<128xi32, #tpu.memory_space<vmem>>
      %dma_wait3A_519 = arith.constant 0 : i32
      %dma_wait3A_520 = arith.constant 0 : i32
      %dma_wait3A_521 = tpu.memref_slice %arg4[%arg0, %dma_wait3A_519, %dma_wait3A_520] : memref<2x10000x64xbf16, #tpu.memory_space<hbm>> -> memref<1x10000x64xbf16, #tpu.memory_space<hbm>>
      %dma_wait3A_522 = tpu.memref_squeeze %dma_wait3A_521 : memref<1x10000x64xbf16, #tpu.memory_space<hbm>> -> memref<10000x64xbf16, #tpu.memory_space<hbm>>
      %dma_wait3A_523 = arith.constant 0 : i32
      %dma_wait3A_524 = arith.constant 0 : i32
      %dma_wait3A_525 = tpu.memref_slice %dma_wait3A_522[%dma_wait3A_523, %dma_wait3A_524] : memref<10000x64xbf16, #tpu.memory_space<hbm>> -> memref<10000x64xbf16, #tpu.memory_space<hbm>>
      tpu.wait_indirect_dma semaphore(%arg25 : memref<!tpu.dma_semaphore, #tpu.memory_space<semaphore_mem>>) src(%dma_wait3A_525 : memref<10000x64xbf16, #tpu.memory_space<hbm>>) dst(%arg15 : memref<128x64xbf16, #tpu.memory_space<vmem>>)
      %dma_start3A_526 = arith.constant 5 : i32
      %dma_start3A_527 = arith.constant 0 : i32
      %dma_start3A_528 = tpu.memref_slice %arg9[%dma_start3A_526, %dma_start3A_527] : memref<8x128xi32, #tpu.memory_space<vmem>> -> memref<1x128xi32, #tpu.memory_space<vmem>>
      %dma_start3A_529 = tpu.memref_squeeze %dma_start3A_528 : memref<1x128xi32, #tpu.memory_space<vmem>> -> memref<128xi32, #tpu.memory_space<vmem>>
      %dma_start3A_530 = arith.constant 0 : i32
      %dma_start3A_531 = arith.constant 0 : i32
      %dma_start3A_532 = tpu.memref_slice %arg19[%dma_start3A_530, %dma_start3A_531] : memref<10240x64xbf16, #tpu.memory_space<vmem_shared>> -> memref<10240x64xbf16, #tpu.memory_space<vmem_shared>>
      tpu.enqueue_indirect_dma source(%arg15 : memref<128x64xbf16, #tpu.memory_space<vmem>>) target(%dma_start3A_532 : memref<10240x64xbf16, #tpu.memory_space<vmem_shared>>) offsets(%dma_start3A_529 : memref<128xi32, #tpu.memory_space<vmem>>) semaphore(%arg33 : memref<!tpu.dma_semaphore, #tpu.memory_space<semaphore_mem>>) {add = true}
      %dma_wait3A_533 = arith.constant 6 : i32
      %dma_wait3A_534 = arith.constant 0 : i32
      %dma_wait3A_535 = tpu.memref_slice %arg7[%dma_wait3A_533, %dma_wait3A_534] : memref<8x128xi32, #tpu.memory_space<vmem>> -> memref<1x128xi32, #tpu.memory_space<vmem>>
      %dma_wait3A_536 = tpu.memref_squeeze %dma_wait3A_535 : memref<1x128xi32, #tpu.memory_space<vmem>> -> memref<128xi32, #tpu.memory_space<vmem>>
      %dma_wait3A_537 = arith.constant 0 : i32
      %dma_wait3A_538 = arith.constant 0 : i32
      %dma_wait3A_539 = tpu.memref_slice %arg4[%arg0, %dma_wait3A_537, %dma_wait3A_538] : memref<2x10000x64xbf16, #tpu.memory_space<hbm>> -> memref<1x10000x64xbf16, #tpu.memory_space<hbm>>
      %dma_wait3A_540 = tpu.memref_squeeze %dma_wait3A_539 : memref<1x10000x64xbf16, #tpu.memory_space<hbm>> -> memref<10000x64xbf16, #tpu.memory_space<hbm>>
      %dma_wait3A_541 = arith.constant 0 : i32
      %dma_wait3A_542 = arith.constant 0 : i32
      %dma_wait3A_543 = tpu.memref_slice %dma_wait3A_540[%dma_wait3A_541, %dma_wait3A_542] : memref<10000x64xbf16, #tpu.memory_space<hbm>> -> memref<10000x64xbf16, #tpu.memory_space<hbm>>
      tpu.wait_indirect_dma semaphore(%arg26 : memref<!tpu.dma_semaphore, #tpu.memory_space<semaphore_mem>>) src(%dma_wait3A_543 : memref<10000x64xbf16, #tpu.memory_space<hbm>>) dst(%arg16 : memref<128x64xbf16, #tpu.memory_space<vmem>>)
      %dma_start3A_544 = arith.constant 6 : i32
      %dma_start3A_545 = arith.constant 0 : i32
      %dma_start3A_546 = tpu.memref_slice %arg9[%dma_start3A_544, %dma_start3A_545] : memref<8x128xi32, #tpu.memory_space<vmem>> -> memref<1x128xi32, #tpu.memory_space<vmem>>
      %dma_start3A_547 = tpu.memref_squeeze %dma_start3A_546 : memref<1x128xi32, #tpu.memory_space<vmem>> -> memref<128xi32, #tpu.memory_space<vmem>>
      %dma_start3A_548 = arith.constant 0 : i32
      %dma_start3A_549 = arith.constant 0 : i32
      %dma_start3A_550 = tpu.memref_slice %arg19[%dma_start3A_548, %dma_start3A_549] : memref<10240x64xbf16, #tpu.memory_space<vmem_shared>> -> memref<10240x64xbf16, #tpu.memory_space<vmem_shared>>
      tpu.enqueue_indirect_dma source(%arg16 : memref<128x64xbf16, #tpu.memory_space<vmem>>) target(%dma_start3A_550 : memref<10240x64xbf16, #tpu.memory_space<vmem_shared>>) offsets(%dma_start3A_547 : memref<128xi32, #tpu.memory_space<vmem>>) semaphore(%arg34 : memref<!tpu.dma_semaphore, #tpu.memory_space<semaphore_mem>>) {add = true}
      %dma_wait3A_551 = arith.constant 7 : i32
      %dma_wait3A_552 = arith.constant 0 : i32
      %dma_wait3A_553 = tpu.memref_slice %arg7[%dma_wait3A_551, %dma_wait3A_552] : memref<8x128xi32, #tpu.memory_space<vmem>> -> memref<1x128xi32, #tpu.memory_space<vmem>>
      %dma_wait3A_554 = tpu.memref_squeeze %dma_wait3A_553 : memref<1x128xi32, #tpu.memory_space<vmem>> -> memref<128xi32, #tpu.memory_space<vmem>>
      %dma_wait3A_555 = arith.constant 0 : i32
      %dma_wait3A_556 = arith.constant 0 : i32
      %dma_wait3A_557 = tpu.memref_slice %arg4[%arg0, %dma_wait3A_555, %dma_wait3A_556] : memref<2x10000x64xbf16, #tpu.memory_space<hbm>> -> memref<1x10000x64xbf16, #tpu.memory_space<hbm>>
      %dma_wait3A_558 = tpu.memref_squeeze %dma_wait3A_557 : memref<1x10000x64xbf16, #tpu.memory_space<hbm>> -> memref<10000x64xbf16, #tpu.memory_space<hbm>>
      %dma_wait3A_559 = arith.constant 0 : i32
      %dma_wait3A_560 = arith.constant 0 : i32
      %dma_wait3A_561 = tpu.memref_slice %dma_wait3A_558[%dma_wait3A_559, %dma_wait3A_560] : memref<10000x64xbf16, #tpu.memory_space<hbm>> -> memref<10000x64xbf16, #tpu.memory_space<hbm>>
      tpu.wait_indirect_dma semaphore(%arg27 : memref<!tpu.dma_semaphore, #tpu.memory_space<semaphore_mem>>) src(%dma_wait3A_561 : memref<10000x64xbf16, #tpu.memory_space<hbm>>) dst(%arg17 : memref<128x64xbf16, #tpu.memory_space<vmem>>)
      %dma_start3A_562 = arith.constant 7 : i32
      %dma_start3A_563 = arith.constant 0 : i32
      %dma_start3A_564 = tpu.memref_slice %arg9[%dma_start3A_562, %dma_start3A_563] : memref<8x128xi32, #tpu.memory_space<vmem>> -> memref<1x128xi32, #tpu.memory_space<vmem>>
      %dma_start3A_565 = tpu.memref_squeeze %dma_start3A_564 : memref<1x128xi32, #tpu.memory_space<vmem>> -> memref<128xi32, #tpu.memory_space<vmem>>
      %dma_start3A_566 = arith.constant 0 : i32
      %dma_start3A_567 = arith.constant 0 : i32
      %dma_start3A_568 = tpu.memref_slice %arg19[%dma_start3A_566, %dma_start3A_567] : memref<10240x64xbf16, #tpu.memory_space<vmem_shared>> -> memref<10240x64xbf16, #tpu.memory_space<vmem_shared>>
      tpu.enqueue_indirect_dma source(%arg17 : memref<128x64xbf16, #tpu.memory_space<vmem>>) target(%dma_start3A_568 : memref<10240x64xbf16, #tpu.memory_space<vmem_shared>>) offsets(%dma_start3A_565 : memref<128xi32, #tpu.memory_space<vmem>>) semaphore(%arg35 : memref<!tpu.dma_semaphore, #tpu.memory_space<semaphore_mem>>) {add = true}
      %add3A_569 = arith.constant 1 : i32
      %add3A_570 = arith.addi %add3A_424, %add3A_569 : i32
      %lt3A_571 = arith.constant 20 : i32
      %lt3A_572 = arith.cmpi slt, %add3A_570, %lt3A_571 : i32
      %convert_element_type3A_573 = arith.extui %lt3A_572 : i1 to i32
      %cond3A_574 = arith.constant 0 : i32
      %cond3A_575 = arith.cmpi ne, %convert_element_type3A_573, %cond3A_574 : i32
      scf.if %cond3A_575 {
        %add3A_695 = arith.constant 1 : i32
        %add3A_696 = arith.addi %add3A_424, %add3A_695 : i32
        %mul3A_697 = arith.constant 8 : i32
        %mul3A_698 = arith.muli %add3A_696, %mul3A_697 : i32
        %add3A_699 = arith.constant 0 : i32
        %add3A_700 = arith.addi %add3A_699, %mul3A_698 : i32
        %dma_wait3A_701 = arith.constant 0 : i32
        %dma_wait3A_702 = tpu.memref_slice %arg2[%arg1, %add3A_700, %dma_wait3A_701] : memref<16x160x128xi32, #tpu.memory_space<hbm>> -> memref<1x8x128xi32, #tpu.memory_space<hbm>>
        %dma_wait3A_703 = tpu.memref_squeeze %dma_wait3A_702 : memref<1x8x128xi32, #tpu.memory_space<hbm>> -> memref<8x128xi32, #tpu.memory_space<hbm>>
        %dma_wait3A_704 = arith.constant 0 : i32
        %dma_wait3A_705 = tpu.memref_slice %arg2[%arg1, %add3A_700, %dma_wait3A_704] : memref<16x160x128xi32, #tpu.memory_space<hbm>> -> memref<1x8x128xi32, #tpu.memory_space<hbm>>
        %dma_wait3A_706 = tpu.memref_squeeze %dma_wait3A_705 : memref<1x8x128xi32, #tpu.memory_space<hbm>> -> memref<8x128xi32, #tpu.memory_space<hbm>>
        tpu.wait_dma2 semaphore(%arg36 : memref<!tpu.dma_semaphore, #tpu.memory_space<semaphore_mem>>) src(%dma_wait3A_706 : memref<8x128xi32, #tpu.memory_space<hbm>>) dst(%arg6 : memref<8x128xi32, #tpu.memory_space<vmem>>)
        %mul3A_707 = arith.constant 8 : i32
        %mul3A_708 = arith.muli %add3A_696, %mul3A_707 : i32
        %add3A_709 = arith.constant 0 : i32
        %add3A_710 = arith.addi %add3A_709, %mul3A_708 : i32
        %dma_wait3A_711 = arith.constant 0 : i32
        %dma_wait3A_712 = tpu.memref_slice %arg3[%arg1, %add3A_710, %dma_wait3A_711] : memref<16x160x128xi32, #tpu.memory_space<hbm>> -> memref<1x8x128xi32, #tpu.memory_space<hbm>>
        %dma_wait3A_713 = tpu.memref_squeeze %dma_wait3A_712 : memref<1x8x128xi32, #tpu.memory_space<hbm>> -> memref<8x128xi32, #tpu.memory_space<hbm>>
        %dma_wait3A_714 = arith.constant 0 : i32
        %dma_wait3A_715 = tpu.memref_slice %arg3[%arg1, %add3A_710, %dma_wait3A_714] : memref<16x160x128xi32, #tpu.memory_space<hbm>> -> memref<1x8x128xi32, #tpu.memory_space<hbm>>
        %dma_wait3A_716 = tpu.memref_squeeze %dma_wait3A_715 : memref<1x8x128xi32, #tpu.memory_space<hbm>> -> memref<8x128xi32, #tpu.memory_space<hbm>>
        tpu.wait_dma2 semaphore(%arg36 : memref<!tpu.dma_semaphore, #tpu.memory_space<semaphore_mem>>) src(%dma_wait3A_716 : memref<8x128xi32, #tpu.memory_space<hbm>>) dst(%arg8 : memref<8x128xi32, #tpu.memory_space<vmem>>)
      } else {
      }
      %dma_wait3A_576 = arith.constant 0 : i32
      %dma_wait3A_577 = arith.constant 0 : i32
      %dma_wait3A_578 = tpu.memref_slice %arg9[%dma_wait3A_576, %dma_wait3A_577] : memref<8x128xi32, #tpu.memory_space<vmem>> -> memref<1x128xi32, #tpu.memory_space<vmem>>
      %dma_wait3A_579 = tpu.memref_squeeze %dma_wait3A_578 : memref<1x128xi32, #tpu.memory_space<vmem>> -> memref<128xi32, #tpu.memory_space<vmem>>
      %dma_wait3A_580 = arith.constant 0 : i32
      %dma_wait3A_581 = arith.constant 0 : i32
      %dma_wait3A_582 = tpu.memref_slice %arg19[%dma_wait3A_580, %dma_wait3A_581] : memref<10240x64xbf16, #tpu.memory_space<vmem_shared>> -> memref<10240x64xbf16, #tpu.memory_space<vmem_shared>>
      tpu.wait_indirect_dma semaphore(%arg28 : memref<!tpu.dma_semaphore, #tpu.memory_space<semaphore_mem>>) src(%arg10 : memref<128x64xbf16, #tpu.memory_space<vmem>>) dst(%dma_wait3A_582 : memref<10240x64xbf16, #tpu.memory_space<vmem_shared>>)
      %add3A_583 = arith.constant 1 : i32
      %add3A_584 = arith.addi %add3A_424, %add3A_583 : i32
      %lt3A_585 = arith.constant 20 : i32
      %lt3A_586 = arith.cmpi slt, %add3A_584, %lt3A_585 : i32
      %convert_element_type3A_587 = arith.extui %lt3A_586 : i1 to i32
      %cond3A_588 = arith.constant 0 : i32
      %cond3A_589 = arith.cmpi ne, %convert_element_type3A_587, %cond3A_588 : i32
      scf.if %cond3A_589 {
        %dma_start3A_695 = arith.constant 0 : i32
        %dma_start3A_696 = arith.constant 0 : i32
        %dma_start3A_697 = tpu.memref_slice %arg6[%dma_start3A_695, %dma_start3A_696] : memref<8x128xi32, #tpu.memory_space<vmem>> -> memref<1x128xi32, #tpu.memory_space<vmem>>
        %dma_start3A_698 = tpu.memref_squeeze %dma_start3A_697 : memref<1x128xi32, #tpu.memory_space<vmem>> -> memref<128xi32, #tpu.memory_space<vmem>>
        %dma_start3A_699 = arith.constant 0 : i32
        %dma_start3A_700 = arith.constant 0 : i32
        %dma_start3A_701 = tpu.memref_slice %arg4[%arg0, %dma_start3A_699, %dma_start3A_700] : memref<2x10000x64xbf16, #tpu.memory_space<hbm>> -> memref<1x10000x64xbf16, #tpu.memory_space<hbm>>
        %dma_start3A_702 = tpu.memref_squeeze %dma_start3A_701 : memref<1x10000x64xbf16, #tpu.memory_space<hbm>> -> memref<10000x64xbf16, #tpu.memory_space<hbm>>
        %dma_start3A_703 = arith.constant 0 : i32
        %dma_start3A_704 = arith.constant 0 : i32
        %dma_start3A_705 = tpu.memref_slice %dma_start3A_702[%dma_start3A_703, %dma_start3A_704] : memref<10000x64xbf16, #tpu.memory_space<hbm>> -> memref<10000x64xbf16, #tpu.memory_space<hbm>>
        tpu.enqueue_indirect_dma source(%dma_start3A_705 : memref<10000x64xbf16, #tpu.memory_space<hbm>>) target(%arg10 : memref<128x64xbf16, #tpu.memory_space<vmem>>) offsets(%dma_start3A_698 : memref<128xi32, #tpu.memory_space<vmem>>) semaphore(%arg20 : memref<!tpu.dma_semaphore, #tpu.memory_space<semaphore_mem>>)
      } else {
      }
      %dma_wait3A_590 = arith.constant 1 : i32
      %dma_wait3A_591 = arith.constant 0 : i32
      %dma_wait3A_592 = tpu.memref_slice %arg9[%dma_wait3A_590, %dma_wait3A_591] : memref<8x128xi32, #tpu.memory_space<vmem>> -> memref<1x128xi32, #tpu.memory_space<vmem>>
      %dma_wait3A_593 = tpu.memref_squeeze %dma_wait3A_592 : memref<1x128xi32, #tpu.memory_space<vmem>> -> memref<128xi32, #tpu.memory_space<vmem>>
      %dma_wait3A_594 = arith.constant 0 : i32
      %dma_wait3A_595 = arith.constant 0 : i32
      %dma_wait3A_596 = tpu.memref_slice %arg19[%dma_wait3A_594, %dma_wait3A_595] : memref<10240x64xbf16, #tpu.memory_space<vmem_shared>> -> memref<10240x64xbf16, #tpu.memory_space<vmem_shared>>
      tpu.wait_indirect_dma semaphore(%arg29 : memref<!tpu.dma_semaphore, #tpu.memory_space<semaphore_mem>>) src(%arg11 : memref<128x64xbf16, #tpu.memory_space<vmem>>) dst(%dma_wait3A_596 : memref<10240x64xbf16, #tpu.memory_space<vmem_shared>>)
      %add3A_597 = arith.constant 1 : i32
      %add3A_598 = arith.addi %add3A_424, %add3A_597 : i32
      %lt3A_599 = arith.constant 20 : i32
      %lt3A_600 = arith.cmpi slt, %add3A_598, %lt3A_599 : i32
      %convert_element_type3A_601 = arith.extui %lt3A_600 : i1 to i32
      %cond3A_602 = arith.constant 0 : i32
      %cond3A_603 = arith.cmpi ne, %convert_element_type3A_601, %cond3A_602 : i32
      scf.if %cond3A_603 {
        %dma_start3A_695 = arith.constant 1 : i32
        %dma_start3A_696 = arith.constant 0 : i32
        %dma_start3A_697 = tpu.memref_slice %arg6[%dma_start3A_695, %dma_start3A_696] : memref<8x128xi32, #tpu.memory_space<vmem>> -> memref<1x128xi32, #tpu.memory_space<vmem>>
        %dma_start3A_698 = tpu.memref_squeeze %dma_start3A_697 : memref<1x128xi32, #tpu.memory_space<vmem>> -> memref<128xi32, #tpu.memory_space<vmem>>
        %dma_start3A_699 = arith.constant 0 : i32
        %dma_start3A_700 = arith.constant 0 : i32
        %dma_start3A_701 = tpu.memref_slice %arg4[%arg0, %dma_start3A_699, %dma_start3A_700] : memref<2x10000x64xbf16, #tpu.memory_space<hbm>> -> memref<1x10000x64xbf16, #tpu.memory_space<hbm>>
        %dma_start3A_702 = tpu.memref_squeeze %dma_start3A_701 : memref<1x10000x64xbf16, #tpu.memory_space<hbm>> -> memref<10000x64xbf16, #tpu.memory_space<hbm>>
        %dma_start3A_703 = arith.constant 0 : i32
        %dma_start3A_704 = arith.constant 0 : i32
        %dma_start3A_705 = tpu.memref_slice %dma_start3A_702[%dma_start3A_703, %dma_start3A_704] : memref<10000x64xbf16, #tpu.memory_space<hbm>> -> memref<10000x64xbf16, #tpu.memory_space<hbm>>
        tpu.enqueue_indirect_dma source(%dma_start3A_705 : memref<10000x64xbf16, #tpu.memory_space<hbm>>) target(%arg11 : memref<128x64xbf16, #tpu.memory_space<vmem>>) offsets(%dma_start3A_698 : memref<128xi32, #tpu.memory_space<vmem>>) semaphore(%arg21 : memref<!tpu.dma_semaphore, #tpu.memory_space<semaphore_mem>>)
      } else {
      }
      %dma_wait3A_604 = arith.constant 2 : i32
      %dma_wait3A_605 = arith.constant 0 : i32
      %dma_wait3A_606 = tpu.memref_slice %arg9[%dma_wait3A_604, %dma_wait3A_605] : memref<8x128xi32, #tpu.memory_space<vmem>> -> memref<1x128xi32, #tpu.memory_space<vmem>>
      %dma_wait3A_607 = tpu.memref_squeeze %dma_wait3A_606 : memref<1x128xi32, #tpu.memory_space<vmem>> -> memref<128xi32, #tpu.memory_space<vmem>>
      %dma_wait3A_608 = arith.constant 0 : i32
      %dma_wait3A_609 = arith.constant 0 : i32
      %dma_wait3A_610 = tpu.memref_slice %arg19[%dma_wait3A_608, %dma_wait3A_609] : memref<10240x64xbf16, #tpu.memory_space<vmem_shared>> -> memref<10240x64xbf16, #tpu.memory_space<vmem_shared>>
      tpu.wait_indirect_dma semaphore(%arg30 : memref<!tpu.dma_semaphore, #tpu.memory_space<semaphore_mem>>) src(%arg12 : memref<128x64xbf16, #tpu.memory_space<vmem>>) dst(%dma_wait3A_610 : memref<10240x64xbf16, #tpu.memory_space<vmem_shared>>)
      %add3A_611 = arith.constant 1 : i32
      %add3A_612 = arith.addi %add3A_424, %add3A_611 : i32
      %lt3A_613 = arith.constant 20 : i32
      %lt3A_614 = arith.cmpi slt, %add3A_612, %lt3A_613 : i32
      %convert_element_type3A_615 = arith.extui %lt3A_614 : i1 to i32
      %cond3A_616 = arith.constant 0 : i32
      %cond3A_617 = arith.cmpi ne, %convert_element_type3A_615, %cond3A_616 : i32
      scf.if %cond3A_617 {
        %dma_start3A_695 = arith.constant 2 : i32
        %dma_start3A_696 = arith.constant 0 : i32
        %dma_start3A_697 = tpu.memref_slice %arg6[%dma_start3A_695, %dma_start3A_696] : memref<8x128xi32, #tpu.memory_space<vmem>> -> memref<1x128xi32, #tpu.memory_space<vmem>>
        %dma_start3A_698 = tpu.memref_squeeze %dma_start3A_697 : memref<1x128xi32, #tpu.memory_space<vmem>> -> memref<128xi32, #tpu.memory_space<vmem>>
        %dma_start3A_699 = arith.constant 0 : i32
        %dma_start3A_700 = arith.constant 0 : i32
        %dma_start3A_701 = tpu.memref_slice %arg4[%arg0, %dma_start3A_699, %dma_start3A_700] : memref<2x10000x64xbf16, #tpu.memory_space<hbm>> -> memref<1x10000x64xbf16, #tpu.memory_space<hbm>>
        %dma_start3A_702 = tpu.memref_squeeze %dma_start3A_701 : memref<1x10000x64xbf16, #tpu.memory_space<hbm>> -> memref<10000x64xbf16, #tpu.memory_space<hbm>>
        %dma_start3A_703 = arith.constant 0 : i32
        %dma_start3A_704 = arith.constant 0 : i32
        %dma_start3A_705 = tpu.memref_slice %dma_start3A_702[%dma_start3A_703, %dma_start3A_704] : memref<10000x64xbf16, #tpu.memory_space<hbm>> -> memref<10000x64xbf16, #tpu.memory_space<hbm>>
        tpu.enqueue_indirect_dma source(%dma_start3A_705 : memref<10000x64xbf16, #tpu.memory_space<hbm>>) target(%arg12 : memref<128x64xbf16, #tpu.memory_space<vmem>>) offsets(%dma_start3A_698 : memref<128xi32, #tpu.memory_space<vmem>>) semaphore(%arg22 : memref<!tpu.dma_semaphore, #tpu.memory_space<semaphore_mem>>)
      } else {
      }
      %dma_wait3A_618 = arith.constant 3 : i32
      %dma_wait3A_619 = arith.constant 0 : i32
      %dma_wait3A_620 = tpu.memref_slice %arg9[%dma_wait3A_618, %dma_wait3A_619] : memref<8x128xi32, #tpu.memory_space<vmem>> -> memref<1x128xi32, #tpu.memory_space<vmem>>
      %dma_wait3A_621 = tpu.memref_squeeze %dma_wait3A_620 : memref<1x128xi32, #tpu.memory_space<vmem>> -> memref<128xi32, #tpu.memory_space<vmem>>
      %dma_wait3A_622 = arith.constant 0 : i32
      %dma_wait3A_623 = arith.constant 0 : i32
      %dma_wait3A_624 = tpu.memref_slice %arg19[%dma_wait3A_622, %dma_wait3A_623] : memref<10240x64xbf16, #tpu.memory_space<vmem_shared>> -> memref<10240x64xbf16, #tpu.memory_space<vmem_shared>>
      tpu.wait_indirect_dma semaphore(%arg31 : memref<!tpu.dma_semaphore, #tpu.memory_space<semaphore_mem>>) src(%arg13 : memref<128x64xbf16, #tpu.memory_space<vmem>>) dst(%dma_wait3A_624 : memref<10240x64xbf16, #tpu.memory_space<vmem_shared>>)
      %add3A_625 = arith.constant 1 : i32
      %add3A_626 = arith.addi %add3A_424, %add3A_625 : i32
      %lt3A_627 = arith.constant 20 : i32
      %lt3A_628 = arith.cmpi slt, %add3A_626, %lt3A_627 : i32
      %convert_element_type3A_629 = arith.extui %lt3A_628 : i1 to i32
      %cond3A_630 = arith.constant 0 : i32
      %cond3A_631 = arith.cmpi ne, %convert_element_type3A_629, %cond3A_630 : i32
      scf.if %cond3A_631 {
        %dma_start3A_695 = arith.constant 3 : i32
        %dma_start3A_696 = arith.constant 0 : i32
        %dma_start3A_697 = tpu.memref_slice %arg6[%dma_start3A_695, %dma_start3A_696] : memref<8x128xi32, #tpu.memory_space<vmem>> -> memref<1x128xi32, #tpu.memory_space<vmem>>
        %dma_start3A_698 = tpu.memref_squeeze %dma_start3A_697 : memref<1x128xi32, #tpu.memory_space<vmem>> -> memref<128xi32, #tpu.memory_space<vmem>>
        %dma_start3A_699 = arith.constant 0 : i32
        %dma_start3A_700 = arith.constant 0 : i32
        %dma_start3A_701 = tpu.memref_slice %arg4[%arg0, %dma_start3A_699, %dma_start3A_700] : memref<2x10000x64xbf16, #tpu.memory_space<hbm>> -> memref<1x10000x64xbf16, #tpu.memory_space<hbm>>
        %dma_start3A_702 = tpu.memref_squeeze %dma_start3A_701 : memref<1x10000x64xbf16, #tpu.memory_space<hbm>> -> memref<10000x64xbf16, #tpu.memory_space<hbm>>
        %dma_start3A_703 = arith.constant 0 : i32
        %dma_start3A_704 = arith.constant 0 : i32
        %dma_start3A_705 = tpu.memref_slice %dma_start3A_702[%dma_start3A_703, %dma_start3A_704] : memref<10000x64xbf16, #tpu.memory_space<hbm>> -> memref<10000x64xbf16, #tpu.memory_space<hbm>>
        tpu.enqueue_indirect_dma source(%dma_start3A_705 : memref<10000x64xbf16, #tpu.memory_space<hbm>>) target(%arg13 : memref<128x64xbf16, #tpu.memory_space<vmem>>) offsets(%dma_start3A_698 : memref<128xi32, #tpu.memory_space<vmem>>) semaphore(%arg23 : memref<!tpu.dma_semaphore, #tpu.memory_space<semaphore_mem>>)
      } else {
      }
      %dma_wait3A_632 = arith.constant 4 : i32
      %dma_wait3A_633 = arith.constant 0 : i32
      %dma_wait3A_634 = tpu.memref_slice %arg9[%dma_wait3A_632, %dma_wait3A_633] : memref<8x128xi32, #tpu.memory_space<vmem>> -> memref<1x128xi32, #tpu.memory_space<vmem>>
      %dma_wait3A_635 = tpu.memref_squeeze %dma_wait3A_634 : memref<1x128xi32, #tpu.memory_space<vmem>> -> memref<128xi32, #tpu.memory_space<vmem>>
      %dma_wait3A_636 = arith.constant 0 : i32
      %dma_wait3A_637 = arith.constant 0 : i32
      %dma_wait3A_638 = tpu.memref_slice %arg19[%dma_wait3A_636, %dma_wait3A_637] : memref<10240x64xbf16, #tpu.memory_space<vmem_shared>> -> memref<10240x64xbf16, #tpu.memory_space<vmem_shared>>
      tpu.wait_indirect_dma semaphore(%arg32 : memref<!tpu.dma_semaphore, #tpu.memory_space<semaphore_mem>>) src(%arg14 : memref<128x64xbf16, #tpu.memory_space<vmem>>) dst(%dma_wait3A_638 : memref<10240x64xbf16, #tpu.memory_space<vmem_shared>>)
      %add3A_639 = arith.constant 1 : i32
      %add3A_640 = arith.addi %add3A_424, %add3A_639 : i32
      %lt3A_641 = arith.constant 20 : i32
      %lt3A_642 = arith.cmpi slt, %add3A_640, %lt3A_641 : i32
      %convert_element_type3A_643 = arith.extui %lt3A_642 : i1 to i32
      %cond3A_644 = arith.constant 0 : i32
      %cond3A_645 = arith.cmpi ne, %convert_element_type3A_643, %cond3A_644 : i32
      scf.if %cond3A_645 {
        %dma_start3A_695 = arith.constant 4 : i32
        %dma_start3A_696 = arith.constant 0 : i32
        %dma_start3A_697 = tpu.memref_slice %arg6[%dma_start3A_695, %dma_start3A_696] : memref<8x128xi32, #tpu.memory_space<vmem>> -> memref<1x128xi32, #tpu.memory_space<vmem>>
        %dma_start3A_698 = tpu.memref_squeeze %dma_start3A_697 : memref<1x128xi32, #tpu.memory_space<vmem>> -> memref<128xi32, #tpu.memory_space<vmem>>
        %dma_start3A_699 = arith.constant 0 : i32
        %dma_start3A_700 = arith.constant 0 : i32
        %dma_start3A_701 = tpu.memref_slice %arg4[%arg0, %dma_start3A_699, %dma_start3A_700] : memref<2x10000x64xbf16, #tpu.memory_space<hbm>> -> memref<1x10000x64xbf16, #tpu.memory_space<hbm>>
        %dma_start3A_702 = tpu.memref_squeeze %dma_start3A_701 : memref<1x10000x64xbf16, #tpu.memory_space<hbm>> -> memref<10000x64xbf16, #tpu.memory_space<hbm>>
        %dma_start3A_703 = arith.constant 0 : i32
        %dma_start3A_704 = arith.constant 0 : i32
        %dma_start3A_705 = tpu.memref_slice %dma_start3A_702[%dma_start3A_703, %dma_start3A_704] : memref<10000x64xbf16, #tpu.memory_space<hbm>> -> memref<10000x64xbf16, #tpu.memory_space<hbm>>
        tpu.enqueue_indirect_dma source(%dma_start3A_705 : memref<10000x64xbf16, #tpu.memory_space<hbm>>) target(%arg14 : memref<128x64xbf16, #tpu.memory_space<vmem>>) offsets(%dma_start3A_698 : memref<128xi32, #tpu.memory_space<vmem>>) semaphore(%arg24 : memref<!tpu.dma_semaphore, #tpu.memory_space<semaphore_mem>>)
      } else {
      }
      %dma_wait3A_646 = arith.constant 5 : i32
      %dma_wait3A_647 = arith.constant 0 : i32
      %dma_wait3A_648 = tpu.memref_slice %arg9[%dma_wait3A_646, %dma_wait3A_647] : memref<8x128xi32, #tpu.memory_space<vmem>> -> memref<1x128xi32, #tpu.memory_space<vmem>>
      %dma_wait3A_649 = tpu.memref_squeeze %dma_wait3A_648 : memref<1x128xi32, #tpu.memory_space<vmem>> -> memref<128xi32, #tpu.memory_space<vmem>>
      %dma_wait3A_650 = arith.constant 0 : i32
      %dma_wait3A_651 = arith.constant 0 : i32
      %dma_wait3A_652 = tpu.memref_slice %arg19[%dma_wait3A_650, %dma_wait3A_651] : memref<10240x64xbf16, #tpu.memory_space<vmem_shared>> -> memref<10240x64xbf16, #tpu.memory_space<vmem_shared>>
      tpu.wait_indirect_dma semaphore(%arg33 : memref<!tpu.dma_semaphore, #tpu.memory_space<semaphore_mem>>) src(%arg15 : memref<128x64xbf16, #tpu.memory_space<vmem>>) dst(%dma_wait3A_652 : memref<10240x64xbf16, #tpu.memory_space<vmem_shared>>)
      %add3A_653 = arith.constant 1 : i32
      %add3A_654 = arith.addi %add3A_424, %add3A_653 : i32
      %lt3A_655 = arith.constant 20 : i32
      %lt3A_656 = arith.cmpi slt, %add3A_654, %lt3A_655 : i32
      %convert_element_type3A_657 = arith.extui %lt3A_656 : i1 to i32
      %cond3A_658 = arith.constant 0 : i32
      %cond3A_659 = arith.cmpi ne, %convert_element_type3A_657, %cond3A_658 : i32
      scf.if %cond3A_659 {
        %dma_start3A_695 = arith.constant 5 : i32
        %dma_start3A_696 = arith.constant 0 : i32
        %dma_start3A_697 = tpu.memref_slice %arg6[%dma_start3A_695, %dma_start3A_696] : memref<8x128xi32, #tpu.memory_space<vmem>> -> memref<1x128xi32, #tpu.memory_space<vmem>>
        %dma_start3A_698 = tpu.memref_squeeze %dma_start3A_697 : memref<1x128xi32, #tpu.memory_space<vmem>> -> memref<128xi32, #tpu.memory_space<vmem>>
        %dma_start3A_699 = arith.constant 0 : i32
        %dma_start3A_700 = arith.constant 0 : i32
        %dma_start3A_701 = tpu.memref_slice %arg4[%arg0, %dma_start3A_699, %dma_start3A_700] : memref<2x10000x64xbf16, #tpu.memory_space<hbm>> -> memref<1x10000x64xbf16, #tpu.memory_space<hbm>>
        %dma_start3A_702 = tpu.memref_squeeze %dma_start3A_701 : memref<1x10000x64xbf16, #tpu.memory_space<hbm>> -> memref<10000x64xbf16, #tpu.memory_space<hbm>>
        %dma_start3A_703 = arith.constant 0 : i32
        %dma_start3A_704 = arith.constant 0 : i32
        %dma_start3A_705 = tpu.memref_slice %dma_start3A_702[%dma_start3A_703, %dma_start3A_704] : memref<10000x64xbf16, #tpu.memory_space<hbm>> -> memref<10000x64xbf16, #tpu.memory_space<hbm>>
        tpu.enqueue_indirect_dma source(%dma_start3A_705 : memref<10000x64xbf16, #tpu.memory_space<hbm>>) target(%arg15 : memref<128x64xbf16, #tpu.memory_space<vmem>>) offsets(%dma_start3A_698 : memref<128xi32, #tpu.memory_space<vmem>>) semaphore(%arg25 : memref<!tpu.dma_semaphore, #tpu.memory_space<semaphore_mem>>)
      } else {
      }
      %dma_wait3A_660 = arith.constant 6 : i32
      %dma_wait3A_661 = arith.constant 0 : i32
      %dma_wait3A_662 = tpu.memref_slice %arg9[%dma_wait3A_660, %dma_wait3A_661] : memref<8x128xi32, #tpu.memory_space<vmem>> -> memref<1x128xi32, #tpu.memory_space<vmem>>
      %dma_wait3A_663 = tpu.memref_squeeze %dma_wait3A_662 : memref<1x128xi32, #tpu.memory_space<vmem>> -> memref<128xi32, #tpu.memory_space<vmem>>
      %dma_wait3A_664 = arith.constant 0 : i32
      %dma_wait3A_665 = arith.constant 0 : i32
      %dma_wait3A_666 = tpu.memref_slice %arg19[%dma_wait3A_664, %dma_wait3A_665] : memref<10240x64xbf16, #tpu.memory_space<vmem_shared>> -> memref<10240x64xbf16, #tpu.memory_space<vmem_shared>>
      tpu.wait_indirect_dma semaphore(%arg34 : memref<!tpu.dma_semaphore, #tpu.memory_space<semaphore_mem>>) src(%arg16 : memref<128x64xbf16, #tpu.memory_space<vmem>>) dst(%dma_wait3A_666 : memref<10240x64xbf16, #tpu.memory_space<vmem_shared>>)
      %add3A_667 = arith.constant 1 : i32
      %add3A_668 = arith.addi %add3A_424, %add3A_667 : i32
      %lt3A_669 = arith.constant 20 : i32
      %lt3A_670 = arith.cmpi slt, %add3A_668, %lt3A_669 : i32
      %convert_element_type3A_671 = arith.extui %lt3A_670 : i1 to i32
      %cond3A_672 = arith.constant 0 : i32
      %cond3A_673 = arith.cmpi ne, %convert_element_type3A_671, %cond3A_672 : i32
      scf.if %cond3A_673 {
        %dma_start3A_695 = arith.constant 6 : i32
        %dma_start3A_696 = arith.constant 0 : i32
        %dma_start3A_697 = tpu.memref_slice %arg6[%dma_start3A_695, %dma_start3A_696] : memref<8x128xi32, #tpu.memory_space<vmem>> -> memref<1x128xi32, #tpu.memory_space<vmem>>
        %dma_start3A_698 = tpu.memref_squeeze %dma_start3A_697 : memref<1x128xi32, #tpu.memory_space<vmem>> -> memref<128xi32, #tpu.memory_space<vmem>>
        %dma_start3A_699 = arith.constant 0 : i32
        %dma_start3A_700 = arith.constant 0 : i32
        %dma_start3A_701 = tpu.memref_slice %arg4[%arg0, %dma_start3A_699, %dma_start3A_700] : memref<2x10000x64xbf16, #tpu.memory_space<hbm>> -> memref<1x10000x64xbf16, #tpu.memory_space<hbm>>
        %dma_start3A_702 = tpu.memref_squeeze %dma_start3A_701 : memref<1x10000x64xbf16, #tpu.memory_space<hbm>> -> memref<10000x64xbf16, #tpu.memory_space<hbm>>
        %dma_start3A_703 = arith.constant 0 : i32
        %dma_start3A_704 = arith.constant 0 : i32
        %dma_start3A_705 = tpu.memref_slice %dma_start3A_702[%dma_start3A_703, %dma_start3A_704] : memref<10000x64xbf16, #tpu.memory_space<hbm>> -> memref<10000x64xbf16, #tpu.memory_space<hbm>>
        tpu.enqueue_indirect_dma source(%dma_start3A_705 : memref<10000x64xbf16, #tpu.memory_space<hbm>>) target(%arg16 : memref<128x64xbf16, #tpu.memory_space<vmem>>) offsets(%dma_start3A_698 : memref<128xi32, #tpu.memory_space<vmem>>) semaphore(%arg26 : memref<!tpu.dma_semaphore, #tpu.memory_space<semaphore_mem>>)
      } else {
      }
      %dma_wait3A_674 = arith.constant 7 : i32
      %dma_wait3A_675 = arith.constant 0 : i32
      %dma_wait3A_676 = tpu.memref_slice %arg9[%dma_wait3A_674, %dma_wait3A_675] : memref<8x128xi32, #tpu.memory_space<vmem>> -> memref<1x128xi32, #tpu.memory_space<vmem>>
      %dma_wait3A_677 = tpu.memref_squeeze %dma_wait3A_676 : memref<1x128xi32, #tpu.memory_space<vmem>> -> memref<128xi32, #tpu.memory_space<vmem>>
      %dma_wait3A_678 = arith.constant 0 : i32
      %dma_wait3A_679 = arith.constant 0 : i32
      %dma_wait3A_680 = tpu.memref_slice %arg19[%dma_wait3A_678, %dma_wait3A_679] : memref<10240x64xbf16, #tpu.memory_space<vmem_shared>> -> memref<10240x64xbf16, #tpu.memory_space<vmem_shared>>
      tpu.wait_indirect_dma semaphore(%arg35 : memref<!tpu.dma_semaphore, #tpu.memory_space<semaphore_mem>>) src(%arg17 : memref<128x64xbf16, #tpu.memory_space<vmem>>) dst(%dma_wait3A_680 : memref<10240x64xbf16, #tpu.memory_space<vmem_shared>>)
      %add3A_681 = arith.constant 1 : i32
      %add3A_682 = arith.addi %add3A_424, %add3A_681 : i32
      %lt3A_683 = arith.constant 20 : i32
      %lt3A_684 = arith.cmpi slt, %add3A_682, %lt3A_683 : i32
      %convert_element_type3A_685 = arith.extui %lt3A_684 : i1 to i32
      %cond3A_686 = arith.constant 0 : i32
      %cond3A_687 = arith.cmpi ne, %convert_element_type3A_685, %cond3A_686 : i32
      scf.if %cond3A_687 {
        %dma_start3A_695 = arith.constant 7 : i32
        %dma_start3A_696 = arith.constant 0 : i32
        %dma_start3A_697 = tpu.memref_slice %arg6[%dma_start3A_695, %dma_start3A_696] : memref<8x128xi32, #tpu.memory_space<vmem>> -> memref<1x128xi32, #tpu.memory_space<vmem>>
        %dma_start3A_698 = tpu.memref_squeeze %dma_start3A_697 : memref<1x128xi32, #tpu.memory_space<vmem>> -> memref<128xi32, #tpu.memory_space<vmem>>
        %dma_start3A_699 = arith.constant 0 : i32
        %dma_start3A_700 = arith.constant 0 : i32
        %dma_start3A_701 = tpu.memref_slice %arg4[%arg0, %dma_start3A_699, %dma_start3A_700] : memref<2x10000x64xbf16, #tpu.memory_space<hbm>> -> memref<1x10000x64xbf16, #tpu.memory_space<hbm>>
        %dma_start3A_702 = tpu.memref_squeeze %dma_start3A_701 : memref<1x10000x64xbf16, #tpu.memory_space<hbm>> -> memref<10000x64xbf16, #tpu.memory_space<hbm>>
        %dma_start3A_703 = arith.constant 0 : i32
        %dma_start3A_704 = arith.constant 0 : i32
        %dma_start3A_705 = tpu.memref_slice %dma_start3A_702[%dma_start3A_703, %dma_start3A_704] : memref<10000x64xbf16, #tpu.memory_space<hbm>> -> memref<10000x64xbf16, #tpu.memory_space<hbm>>
        tpu.enqueue_indirect_dma source(%dma_start3A_705 : memref<10000x64xbf16, #tpu.memory_space<hbm>>) target(%arg17 : memref<128x64xbf16, #tpu.memory_space<vmem>>) offsets(%dma_start3A_698 : memref<128xi32, #tpu.memory_space<vmem>>) semaphore(%arg27 : memref<!tpu.dma_semaphore, #tpu.memory_space<semaphore_mem>>)
      } else {
      }
      %add3A_688 = arith.constant 2 : i32
      %add3A_689 = arith.addi %add3A_424, %add3A_688 : i32
      %lt3A_690 = arith.constant 20 : i32
      %lt3A_691 = arith.cmpi slt, %add3A_689, %lt3A_690 : i32
      %convert_element_type3A_692 = arith.extui %lt3A_691 : i1 to i32
      %cond3A_693 = arith.constant 0 : i32
      %cond3A_694 = arith.cmpi ne, %convert_element_type3A_692, %cond3A_693 : i32
      scf.if %cond3A_694 {
        %add3A_695 = arith.constant 2 : i32
        %add3A_696 = arith.addi %add3A_424, %add3A_695 : i32
        %mul3A_697 = arith.constant 8 : i32
        %mul3A_698 = arith.muli %add3A_696, %mul3A_697 : i32
        %add3A_699 = arith.constant 0 : i32
        %add3A_700 = arith.addi %add3A_699, %mul3A_698 : i32
        %dma_start3A_701 = arith.constant 0 : i32
        %dma_start3A_702 = tpu.memref_slice %arg2[%arg1, %add3A_700, %dma_start3A_701] : memref<16x160x128xi32, #tpu.memory_space<hbm>> -> memref<1x8x128xi32, #tpu.memory_space<hbm>>
        %dma_start3A_703 = tpu.memref_squeeze %dma_start3A_702 : memref<1x8x128xi32, #tpu.memory_space<hbm>> -> memref<8x128xi32, #tpu.memory_space<hbm>>
        %dma_start3A_704 = arith.constant 0 : i32
        %dma_start3A_705 = tpu.memref_slice %arg2[%arg1, %add3A_700, %dma_start3A_704] : memref<16x160x128xi32, #tpu.memory_space<hbm>> -> memref<1x8x128xi32, #tpu.memory_space<hbm>>
        %dma_start3A_706 = tpu.memref_squeeze %dma_start3A_705 : memref<1x8x128xi32, #tpu.memory_space<hbm>> -> memref<8x128xi32, #tpu.memory_space<hbm>>
        tpu.enqueue_dma source(%dma_start3A_706 : memref<8x128xi32, #tpu.memory_space<hbm>>) target(%arg7 : memref<8x128xi32, #tpu.memory_space<vmem>>) target_semaphore(%arg37 : memref<!tpu.dma_semaphore, #tpu.memory_space<semaphore_mem>>)
        %mul3A_707 = arith.constant 8 : i32
        %mul3A_708 = arith.muli %add3A_696, %mul3A_707 : i32
        %add3A_709 = arith.constant 0 : i32
        %add3A_710 = arith.addi %add3A_709, %mul3A_708 : i32
        %dma_start3A_711 = arith.constant 0 : i32
        %dma_start3A_712 = tpu.memref_slice %arg3[%arg1, %add3A_710, %dma_start3A_711] : memref<16x160x128xi32, #tpu.memory_space<hbm>> -> memref<1x8x128xi32, #tpu.memory_space<hbm>>
        %dma_start3A_713 = tpu.memref_squeeze %dma_start3A_712 : memref<1x8x128xi32, #tpu.memory_space<hbm>> -> memref<8x128xi32, #tpu.memory_space<hbm>>
        %dma_start3A_714 = arith.constant 0 : i32
        %dma_start3A_715 = tpu.memref_slice %arg3[%arg1, %add3A_710, %dma_start3A_714] : memref<16x160x128xi32, #tpu.memory_space<hbm>> -> memref<1x8x128xi32, #tpu.memory_space<hbm>>
        %dma_start3A_716 = tpu.memref_squeeze %dma_start3A_715 : memref<1x8x128xi32, #tpu.memory_space<hbm>> -> memref<8x128xi32, #tpu.memory_space<hbm>>
        tpu.enqueue_dma source(%dma_start3A_716 : memref<8x128xi32, #tpu.memory_space<hbm>>) target(%arg9 : memref<8x128xi32, #tpu.memory_space<vmem>>) target_semaphore(%arg37 : memref<!tpu.dma_semaphore, #tpu.memory_space<semaphore_mem>>)
      } else {
      }
    }
    %scan3A_147 = arith.constant 10 : i32
    %barrier3A_148 = arith.constant 0 : index
    tpu.barrier barrier_id(%barrier3A_148)
    %mul3A = arith.constant 640 : i32
    %mul3A_149 = arith.muli %arg1, %mul3A : i32
    %mul3A_150 = arith.constant 640 : i32
    %mul3A_151 = arith.muli %arg1, %mul3A_150 : i32
    "tpu.region"() ({
      %run_scoped3A = tpu.sem_alloc : memref<!tpu.dma_semaphore, #tpu.memory_space<semaphore_mem>>
      %dma_start3A_152 = arith.constant 0 : i32
      %dma_start3A_153 = tpu.memref_slice %arg5[%arg0, %mul3A_151, %dma_start3A_152] : memref<2x10240x64xbf16, #tpu.memory_space<hbm>> -> memref<1x640x64xbf16, #tpu.memory_space<hbm>>
      %dma_start3A_154 = tpu.memref_squeeze %dma_start3A_153 : memref<1x640x64xbf16, #tpu.memory_space<hbm>> -> memref<640x64xbf16, #tpu.memory_space<hbm>>
      %dma_start3A_155 = arith.constant 0 : i32
      %dma_start3A_156 = tpu.memref_slice %arg19[%mul3A_149, %dma_start3A_155] : memref<10240x64xbf16, #tpu.memory_space<vmem_shared>> -> memref<640x64xbf16, #tpu.memory_space<vmem_shared>>
      tpu.enqueue_dma source(%dma_start3A_156 : memref<640x64xbf16, #tpu.memory_space<vmem_shared>>) target(%dma_start3A_154 : memref<640x64xbf16, #tpu.memory_space<hbm>>) target_semaphore(%run_scoped3A : memref<!tpu.dma_semaphore, #tpu.memory_space<semaphore_mem>>)
      %dma_wait3A_157 = arith.constant 0 : i32
      %dma_wait3A_158 = tpu.memref_slice %arg5[%arg0, %mul3A_151, %dma_wait3A_157] : memref<2x10240x64xbf16, #tpu.memory_space<hbm>> -> memref<1x640x64xbf16, #tpu.memory_space<hbm>>
      %dma_wait3A_159 = tpu.memref_squeeze %dma_wait3A_158 : memref<1x640x64xbf16, #tpu.memory_space<hbm>> -> memref<640x64xbf16, #tpu.memory_space<hbm>>
      %dma_wait3A_160 = arith.constant 0 : i32
      %dma_wait3A_161 = tpu.memref_slice %arg19[%mul3A_149, %dma_wait3A_160] : memref<10240x64xbf16, #tpu.memory_space<vmem_shared>> -> memref<640x64xbf16, #tpu.memory_space<vmem_shared>>
      tpu.wait_dma2 semaphore(%run_scoped3A : memref<!tpu.dma_semaphore, #tpu.memory_space<semaphore_mem>>) src(%dma_wait3A_161 : memref<640x64xbf16, #tpu.memory_space<vmem_shared>>) dst(%dma_wait3A_159 : memref<640x64xbf16, #tpu.memory_space<hbm>>)
      tpu.yield
    }) : () -> ()
    return
  }
}

module attributes {stable_mosaic.version = 14 : i64} {
  func.func @body(%arg0: i32, %arg1: memref<2000x128xf32, #tpu.memory_space<vmem>>, %arg2: memref<128x128xf32, #tpu.memory_space<vmem>>, %arg3: memref<2000x128xf32, #tpu.memory_space<vmem>>) attributes {dimension_semantics = [#tpu.dimension_semantics<arbitrary>], iteration_bounds = array<i64: 5>, scalar_prefetch = 0 : i64, scratch_operands = 0 : i64, tpu.core_type = #tpu.core_type<tc>, window_params = [{transform_indices = @transform_0, window_bounds = array<i64: 2000, 128>}, {pipeline_mode = #tpu.pipeline_mode<synchronous>, transform_indices = @transform_1, window_bounds = array<i64: 128, 128>}, {transform_indices = @transform_2, window_bounds = array<i64: 2000, 128>}]} {
    %get3A = arith.constant 0 : index
    %get3A_0 = arith.constant 0 : index
    %get3A_1 = vector.load %arg1[%get3A, %get3A_0] : memref<2000x128xf32, #tpu.memory_space<vmem>>, vector<2000x128xf32>
    %get3A_2 = arith.constant 0 : index
    %get3A_3 = arith.constant 0 : index
    %get3A_4 = vector.load %arg2[%get3A_2, %get3A_3] : memref<128x128xf32, #tpu.memory_space<vmem>>, vector<128x128xf32>
    %dot_general3A = arith.constant dense<0.000000e+00> : vector<2000x128xf32>
    %dot_general3A_5 = tpu.matmul %get3A_1, %get3A_4, %dot_general3A {dimension_numbers = #tpu.dot_dimension_numbers<[1], [0], [0], [1], [0, 0, 1, 1], [], []>, transpose_lhs_hint = false} : vector<2000x128xf32>, vector<128x128xf32>, vector<2000x128xf32> -> vector<2000x128xf32>
    %swap3A = arith.constant 0 : index
    %swap3A_6 = arith.constant 0 : index
    %swap3A_7 = vector.load %arg3[%swap3A, %swap3A_6] : memref<2000x128xf32, #tpu.memory_space<vmem>>, vector<2000x128xf32>
    tpu.vector_store %arg3[%swap3A, %swap3A_6], %dot_general3A_5 {strides = array<i32>} : memref<2000x128xf32, #tpu.memory_space<vmem>>, vector<2000x128xf32>,
    return
  }
  func.func @transform_0(%arg0: i32) -> (i32, i32) {
    %c0_i32 = arith.constant 0 : i32
    %c0_i32_0 = arith.constant 0 : i32
    return %arg0, %c0_i32 : i32, i32
  }
  func.func @transform_1(%arg0: i32) -> (i32, i32) {
    %c0_i32 = arith.constant 0 : i32
    %c0_i32_0 = arith.constant 0 : i32
    %c0_i32_1 = arith.constant 0 : i32
    return %c0_i32, %c0_i32_0 : i32, i32
  }
  func.func @transform_2(%arg0: i32) -> (i32, i32) {
    %c0_i32 = arith.constant 0 : i32
    %c0_i32_0 = arith.constant 0 : i32
    return %arg0, %c0_i32 : i32, i32
  }
}

module attributes {stable_mosaic.version = 14 : i64} {
  func.func @body(%arg0: i32, %arg1: memref<2x2000x16xf32, #tpu.memory_space<vmem>>, %arg2: memref<2000x128xf32, #tpu.memory_space<vmem>>, %arg3: memref<2000x128xf32, #tpu.memory_space<vmem>>, %arg4: memref<2x2000x64xbf16, #tpu.memory_space<vmem>>) attributes {dimension_semantics = [#tpu.dimension_semantics<arbitrary>], iteration_bounds = array<i64: 5>, scalar_prefetch = 0 : i64, scratch_operands = 0 : i64, tpu.core_type = #tpu.core_type<tc>, window_params = [{transform_indices = @transform_0, window_bounds = array<i64: 2, 2000, 16>}, {transform_indices = @transform_1, window_bounds = array<i64: 2000, 128>}, {transform_indices = @transform_2, window_bounds = array<i64: 2000, 128>}, {transform_indices = @transform_3, window_bounds = array<i64: 2, 2000, 64>}]} {
    %get3A = arith.constant 0 : index
    %get3A_0 = arith.constant 0 : index
    %get3A_1 = arith.constant 0 : index
    %get3A_2 = vector.load %arg1[%get3A, %get3A_0, %get3A_1] : memref<2x2000x16xf32, #tpu.memory_space<vmem>>, vector<1x2000x1xf32>
    %get3A_3 = vector.shape_cast %get3A_2 : vector<1x2000x1xf32> to vector<2000x1xf32>
    %add3A = arith.constant 1.000000e+00 : f32
    %add3A_4 = vector.broadcast %add3A : f32 to vector<2000x1xf32>
    %add3A_5 = arith.addf %add3A_4, %get3A_3 : vector<2000x1xf32>
    %get3A_6 = arith.constant 1 : index
    %get3A_7 = arith.constant 0 : index
    %get3A_8 = arith.constant 0 : index
    %get3A_9 = vector.load %arg1[%get3A_6, %get3A_7, %get3A_8] : memref<2x2000x16xf32, #tpu.memory_space<vmem>>, vector<1x2000x1xf32>
    %get3A_10 = vector.shape_cast %get3A_9 : vector<1x2000x1xf32> to vector<2000x1xf32>
    %add3A_11 = arith.addf %add3A_5, %get3A_10 : vector<2000x1xf32>
    %rsqrt3A = math.rsqrt %add3A_11 : vector<2000x1xf32>
    %get3A_12 = arith.constant 0 : index
    %get3A_13 = arith.constant 0 : index
    %get3A_14 = vector.load %arg2[%get3A_12, %get3A_13] : memref<2000x128xf32, #tpu.memory_space<vmem>>, vector<2000x128xf32>
    %mul3A = vector.broadcast %rsqrt3A : vector<2000x1xf32> to vector<2000x128xf32>
    %mul3A_15 = arith.mulf %get3A_14, %mul3A : vector<2000x128xf32>
    %swap3A = arith.constant 0 : index
    %swap3A_16 = arith.constant 0 : index
    %swap3A_17 = vector.load %arg3[%swap3A, %swap3A_16] : memref<2000x128xf32, #tpu.memory_space<vmem>>, vector<2000x128xf32>
    tpu.vector_store %arg3[%swap3A, %swap3A_16], %mul3A_15 {strides = array<i32>} : memref<2000x128xf32, #tpu.memory_space<vmem>>, vector<2000x128xf32>,
    %slice3A = vector.extract_strided_slice %mul3A_15 {offsets = [0, 0], sizes = [2000, 64], strides = [1, 1]} : vector<2000x128xf32> to vector<2000x64xf32>
    %convert_element_type3A = arith.truncf %slice3A : vector<2000x64xf32> to vector<2000x64xbf16>
    %swap3A_18 = arith.constant 0 : index
    %swap3A_19 = arith.constant 0 : index
    %swap3A_20 = arith.constant 0 : index
    %swap3A_21 = vector.load %arg4[%swap3A_18, %swap3A_19, %swap3A_20] : memref<2x2000x64xbf16, #tpu.memory_space<vmem>>, vector<1x2000x64xbf16>
    %swap3A_22 = vector.shape_cast %swap3A_21 : vector<1x2000x64xbf16> to vector<2000x64xbf16>
    %swap3A_23 = vector.shape_cast %convert_element_type3A : vector<2000x64xbf16> to vector<1x2000x64xbf16>
    tpu.vector_store %arg4[%swap3A_18, %swap3A_19, %swap3A_20], %swap3A_23 {strides = array<i32>} : memref<2x2000x64xbf16, #tpu.memory_space<vmem>>, vector<1x2000x64xbf16>,
    %slice3A_24 = vector.extract_strided_slice %mul3A_15 {offsets = [0, 64], sizes = [2000, 64], strides = [1, 1]} : vector<2000x128xf32> to vector<2000x64xf32>
    %convert_element_type3A_25 = arith.truncf %slice3A_24 : vector<2000x64xf32> to vector<2000x64xbf16>
    %swap3A_26 = arith.constant 1 : index
    %swap3A_27 = arith.constant 0 : index
    %swap3A_28 = arith.constant 0 : index
    %swap3A_29 = vector.load %arg4[%swap3A_26, %swap3A_27, %swap3A_28] : memref<2x2000x64xbf16, #tpu.memory_space<vmem>>, vector<1x2000x64xbf16>
    %swap3A_30 = vector.shape_cast %swap3A_29 : vector<1x2000x64xbf16> to vector<2000x64xbf16>
    %swap3A_31 = vector.shape_cast %convert_element_type3A_25 : vector<2000x64xbf16> to vector<1x2000x64xbf16>
    tpu.vector_store %arg4[%swap3A_26, %swap3A_27, %swap3A_28], %swap3A_31 {strides = array<i32>} : memref<2x2000x64xbf16, #tpu.memory_space<vmem>>, vector<1x2000x64xbf16>,
    return
  }
  func.func @transform_0(%arg0: i32) -> (i32, i32, i32) {
    %c0_i32 = arith.constant 0 : i32
    %c0_i32_0 = arith.constant 0 : i32
    %c0_i32_1 = arith.constant 0 : i32
    return %c0_i32, %arg0, %c0_i32_0 : i32, i32, i32
  }
  func.func @transform_1(%arg0: i32) -> (i32, i32) {
    %c0_i32 = arith.constant 0 : i32
    %c0_i32_0 = arith.constant 0 : i32
    return %arg0, %c0_i32 : i32, i32
  }
  func.func @transform_2(%arg0: i32) -> (i32, i32) {
    %c0_i32 = arith.constant 0 : i32
    %c0_i32_0 = arith.constant 0 : i32
    return %arg0, %c0_i32 : i32, i32
  }
  func.func @transform_3(%arg0: i32) -> (i32, i32, i32) {
    %c0_i32 = arith.constant 0 : i32
    %c0_i32_0 = arith.constant 0 : i32
    %c0_i32_1 = arith.constant 0 : i32
    return %c0_i32, %arg0, %c0_i32_0 : i32, i32, i32
  }
}

module attributes {stable_mosaic.version = 14 : i64} {
  func.func @body(%arg0: i32, %arg1: memref<2x2000x16xf32, #tpu.memory_space<vmem>>, %arg2: memref<2x2000x64xbf16, #tpu.memory_space<vmem>>, %arg3: memref<2000x128xf32, #tpu.memory_space<vmem>>, %arg4: memref<128xf32, #tpu.memory_space<vmem>>, %arg5: memref<128x128xf32, #tpu.memory_space<vmem>>, %arg6: memref<2000x128xf32, #tpu.memory_space<vmem>>, %arg7: memref<2x2000x64xbf16, #tpu.memory_space<vmem>>) attributes {dimension_semantics = [#tpu.dimension_semantics<arbitrary>], iteration_bounds = array<i64: 5>, scalar_prefetch = 0 : i64, scratch_operands = 0 : i64, tpu.core_type = #tpu.core_type<tc>, window_params = [{transform_indices = @transform_0, window_bounds = array<i64: 2, 2000, 16>}, {transform_indices = @transform_1, window_bounds = array<i64: 2, 2000, 64>}, {transform_indices = @transform_2, window_bounds = array<i64: 2000, 128>}, {pipeline_mode = #tpu.pipeline_mode<synchronous>, transform_indices = @transform_3, window_bounds = array<i64: 128>}, {pipeline_mode = #tpu.pipeline_mode<synchronous>, transform_indices = @transform_4, window_bounds = array<i64: 128, 128>}, {transform_indices = @transform_5, window_bounds = array<i64: 2000, 128>}, {transform_indices = @transform_6, window_bounds = array<i64: 2, 2000, 64>}]} {
    %get3A = arith.constant 0 : index
    %get3A_0 = arith.constant 0 : index
    %get3A_1 = arith.constant 0 : index
    %get3A_2 = vector.load %arg1[%get3A, %get3A_0, %get3A_1] : memref<2x2000x16xf32, #tpu.memory_space<vmem>>, vector<1x2000x1xf32>
    %get3A_3 = vector.shape_cast %get3A_2 : vector<1x2000x1xf32> to vector<2000x1xf32>
    %add3A = arith.constant 1.000000e+00 : f32
    %add3A_4 = vector.broadcast %add3A : f32 to vector<2000x1xf32>
    %add3A_5 = arith.addf %add3A_4, %get3A_3 : vector<2000x1xf32>
    %get3A_6 = arith.constant 1 : index
    %get3A_7 = arith.constant 0 : index
    %get3A_8 = arith.constant 0 : index
    %get3A_9 = vector.load %arg1[%get3A_6, %get3A_7, %get3A_8] : memref<2x2000x16xf32, #tpu.memory_space<vmem>>, vector<1x2000x1xf32>
    %get3A_10 = vector.shape_cast %get3A_9 : vector<1x2000x1xf32> to vector<2000x1xf32>
    %add3A_11 = arith.addf %add3A_5, %get3A_10 : vector<2000x1xf32>
    %rsqrt3A = math.rsqrt %add3A_11 : vector<2000x1xf32>
    %get3A_12 = arith.constant 0 : index
    %get3A_13 = arith.constant 0 : index
    %get3A_14 = arith.constant 0 : index
    %get3A_15 = vector.load %arg2[%get3A_12, %get3A_13, %get3A_14] : memref<2x2000x64xbf16, #tpu.memory_space<vmem>>, vector<1x2000x64xbf16>
    %get3A_16 = vector.shape_cast %get3A_15 : vector<1x2000x64xbf16> to vector<2000x64xbf16>
    %get3A_17 = arith.constant 1 : index
    %get3A_18 = arith.constant 0 : index
    %get3A_19 = arith.constant 0 : index
    %get3A_20 = vector.load %arg2[%get3A_17, %get3A_18, %get3A_19] : memref<2x2000x64xbf16, #tpu.memory_space<vmem>>, vector<1x2000x64xbf16>
    %get3A_21 = vector.shape_cast %get3A_20 : vector<1x2000x64xbf16> to vector<2000x64xbf16>
    %concatenate3A = tpu.concatenate %get3A_16, %get3A_21 in 1 : vector<2000x64xbf16>, vector<2000x64xbf16> -> vector<2000x128xbf16>
    %convert_element_type3A = arith.extf %concatenate3A : vector<2000x128xbf16> to vector<2000x128xf32>
    %get3A_22 = arith.constant 0 : index
    %get3A_23 = arith.constant 0 : index
    %get3A_24 = vector.load %arg3[%get3A_22, %get3A_23] : memref<2000x128xf32, #tpu.memory_space<vmem>>, vector<2000x128xf32>
    %add3A_25 = arith.addf %convert_element_type3A, %get3A_24 : vector<2000x128xf32>
    %mul3A = vector.broadcast %rsqrt3A : vector<2000x1xf32> to vector<2000x128xf32>
    %mul3A_26 = arith.mulf %add3A_25, %mul3A : vector<2000x128xf32>
    %get3A_27 = arith.constant 0 : index
    %get3A_28 = vector.load %arg4[%get3A_27] : memref<128xf32, #tpu.memory_space<vmem>>, vector<128xf32>
    %reshape3A = vector.shape_cast %get3A_28 : vector<128xf32> to vector<1x128xf32>
    %add3A_29 = vector.broadcast %reshape3A : vector<1x128xf32> to vector<2000x128xf32>
    %add3A_30 = arith.addf %mul3A_26, %add3A_29 : vector<2000x128xf32>
    %max3A = arith.constant 0.000000e+00 : f32
    %max3A_31 = vector.broadcast %max3A : f32 to vector<2000x128xf32>
    %max3A_32 = arith.maximumf %add3A_30, %max3A_31 : vector<2000x128xf32>
    %get3A_33 = arith.constant 0 : index
    %get3A_34 = arith.constant 0 : index
    %get3A_35 = vector.load %arg5[%get3A_33, %get3A_34] : memref<128x128xf32, #tpu.memory_space<vmem>>, vector<128x128xf32>
    %dot_general3A = arith.constant dense<0.000000e+00> : vector<2000x128xf32>
    %dot_general3A_36 = tpu.matmul %max3A_32, %get3A_35, %dot_general3A {dimension_numbers = #tpu.dot_dimension_numbers<[1], [0], [0], [1], [0, 0, 1, 1], [], []>, transpose_lhs_hint = false} : vector<2000x128xf32>, vector<128x128xf32>, vector<2000x128xf32> -> vector<2000x128xf32>
    %mul3A_37 = vector.broadcast %rsqrt3A : vector<2000x1xf32> to vector<2000x128xf32>
    %mul3A_38 = arith.mulf %dot_general3A_36, %mul3A_37 : vector<2000x128xf32>
    %swap3A = arith.constant 0 : index
    %swap3A_39 = arith.constant 0 : index
    %swap3A_40 = vector.load %arg6[%swap3A, %swap3A_39] : memref<2000x128xf32, #tpu.memory_space<vmem>>, vector<2000x128xf32>
    tpu.vector_store %arg6[%swap3A, %swap3A_39], %mul3A_38 {strides = array<i32>} : memref<2000x128xf32, #tpu.memory_space<vmem>>, vector<2000x128xf32>,
    %slice3A = vector.extract_strided_slice %mul3A_38 {offsets = [0, 0], sizes = [2000, 64], strides = [1, 1]} : vector<2000x128xf32> to vector<2000x64xf32>
    %convert_element_type3A_41 = arith.truncf %slice3A : vector<2000x64xf32> to vector<2000x64xbf16>
    %swap3A_42 = arith.constant 0 : index
    %swap3A_43 = arith.constant 0 : index
    %swap3A_44 = arith.constant 0 : index
    %swap3A_45 = vector.load %arg7[%swap3A_42, %swap3A_43, %swap3A_44] : memref<2x2000x64xbf16, #tpu.memory_space<vmem>>, vector<1x2000x64xbf16>
    %swap3A_46 = vector.shape_cast %swap3A_45 : vector<1x2000x64xbf16> to vector<2000x64xbf16>
    %swap3A_47 = vector.shape_cast %convert_element_type3A_41 : vector<2000x64xbf16> to vector<1x2000x64xbf16>
    tpu.vector_store %arg7[%swap3A_42, %swap3A_43, %swap3A_44], %swap3A_47 {strides = array<i32>} : memref<2x2000x64xbf16, #tpu.memory_space<vmem>>, vector<1x2000x64xbf16>,
    %slice3A_48 = vector.extract_strided_slice %mul3A_38 {offsets = [0, 64], sizes = [2000, 64], strides = [1, 1]} : vector<2000x128xf32> to vector<2000x64xf32>
    %convert_element_type3A_49 = arith.truncf %slice3A_48 : vector<2000x64xf32> to vector<2000x64xbf16>
    %swap3A_50 = arith.constant 1 : index
    %swap3A_51 = arith.constant 0 : index
    %swap3A_52 = arith.constant 0 : index
    %swap3A_53 = vector.load %arg7[%swap3A_50, %swap3A_51, %swap3A_52] : memref<2x2000x64xbf16, #tpu.memory_space<vmem>>, vector<1x2000x64xbf16>
    %swap3A_54 = vector.shape_cast %swap3A_53 : vector<1x2000x64xbf16> to vector<2000x64xbf16>
    %swap3A_55 = vector.shape_cast %convert_element_type3A_49 : vector<2000x64xbf16> to vector<1x2000x64xbf16>
    tpu.vector_store %arg7[%swap3A_50, %swap3A_51, %swap3A_52], %swap3A_55 {strides = array<i32>} : memref<2x2000x64xbf16, #tpu.memory_space<vmem>>, vector<1x2000x64xbf16>,
    return
  }
  func.func @transform_0(%arg0: i32) -> (i32, i32, i32) {
    %c0_i32 = arith.constant 0 : i32
    %c0_i32_0 = arith.constant 0 : i32
    %c0_i32_1 = arith.constant 0 : i32
    return %c0_i32, %arg0, %c0_i32_0 : i32, i32, i32
  }
  func.func @transform_1(%arg0: i32) -> (i32, i32, i32) {
    %c0_i32 = arith.constant 0 : i32
    %c0_i32_0 = arith.constant 0 : i32
    %c0_i32_1 = arith.constant 0 : i32
    return %c0_i32, %arg0, %c0_i32_0 : i32, i32, i32
  }
  func.func @transform_2(%arg0: i32) -> (i32, i32) {
    %c0_i32 = arith.constant 0 : i32
    %c0_i32_0 = arith.constant 0 : i32
    return %arg0, %c0_i32 : i32, i32
  }
  func.func @transform_3(%arg0: i32) -> i32 {
    %c0_i32 = arith.constant 0 : i32
    %c0_i32_0 = arith.constant 0 : i32
    return %c0_i32 : i32
  }
  func.func @transform_4(%arg0: i32) -> (i32, i32) {
    %c0_i32 = arith.constant 0 : i32
    %c0_i32_0 = arith.constant 0 : i32
    %c0_i32_1 = arith.constant 0 : i32
    return %c0_i32, %c0_i32_0 : i32, i32
  }
  func.func @transform_5(%arg0: i32) -> (i32, i32) {
    %c0_i32 = arith.constant 0 : i32
    %c0_i32_0 = arith.constant 0 : i32
    return %arg0, %c0_i32 : i32, i32
  }
  func.func @transform_6(%arg0: i32) -> (i32, i32, i32) {
    %c0_i32 = arith.constant 0 : i32
    %c0_i32_0 = arith.constant 0 : i32
    %c0_i32_1 = arith.constant 0 : i32
    return %c0_i32, %arg0, %c0_i32_0 : i32, i32, i32
  }
}

module attributes {stable_mosaic.version = 14 : i64} {
  func.func @body(%arg0: i32, %arg1: memref<2x2000x16xf32, #tpu.memory_space<vmem>>, %arg2: memref<2x2000x64xbf16, #tpu.memory_space<vmem>>, %arg3: memref<2000x128xf32, #tpu.memory_space<vmem>>, %arg4: memref<128xf32, #tpu.memory_space<vmem>>, %arg5: memref<128x64xf32, #tpu.memory_space<vmem>>, %arg6: memref<2000x64xf32, #tpu.memory_space<vmem>>, %arg7: memref<2000x64xbf16, #tpu.memory_space<vmem>>) attributes {dimension_semantics = [#tpu.dimension_semantics<arbitrary>], iteration_bounds = array<i64: 5>, scalar_prefetch = 0 : i64, scratch_operands = 0 : i64, tpu.core_type = #tpu.core_type<tc>, window_params = [{transform_indices = @transform_0, window_bounds = array<i64: 2, 2000, 16>}, {transform_indices = @transform_1, window_bounds = array<i64: 2, 2000, 64>}, {transform_indices = @transform_2, window_bounds = array<i64: 2000, 128>}, {pipeline_mode = #tpu.pipeline_mode<synchronous>, transform_indices = @transform_3, window_bounds = array<i64: 128>}, {pipeline_mode = #tpu.pipeline_mode<synchronous>, transform_indices = @transform_4, window_bounds = array<i64: 128, 64>}, {transform_indices = @transform_5, window_bounds = array<i64: 2000, 64>}, {transform_indices = @transform_6, window_bounds = array<i64: 2000, 64>}]} {
    %get3A = arith.constant 0 : index
    %get3A_0 = arith.constant 0 : index
    %get3A_1 = arith.constant 0 : index
    %get3A_2 = vector.load %arg1[%get3A, %get3A_0, %get3A_1] : memref<2x2000x16xf32, #tpu.memory_space<vmem>>, vector<1x2000x1xf32>
    %get3A_3 = vector.shape_cast %get3A_2 : vector<1x2000x1xf32> to vector<2000x1xf32>
    %add3A = arith.constant 1.000000e+00 : f32
    %add3A_4 = vector.broadcast %add3A : f32 to vector<2000x1xf32>
    %add3A_5 = arith.addf %add3A_4, %get3A_3 : vector<2000x1xf32>
    %get3A_6 = arith.constant 1 : index
    %get3A_7 = arith.constant 0 : index
    %get3A_8 = arith.constant 0 : index
    %get3A_9 = vector.load %arg1[%get3A_6, %get3A_7, %get3A_8] : memref<2x2000x16xf32, #tpu.memory_space<vmem>>, vector<1x2000x1xf32>
    %get3A_10 = vector.shape_cast %get3A_9 : vector<1x2000x1xf32> to vector<2000x1xf32>
    %add3A_11 = arith.addf %add3A_5, %get3A_10 : vector<2000x1xf32>
    %rsqrt3A = math.rsqrt %add3A_11 : vector<2000x1xf32>
    %get3A_12 = arith.constant 0 : index
    %get3A_13 = arith.constant 0 : index
    %get3A_14 = arith.constant 0 : index
    %get3A_15 = vector.load %arg2[%get3A_12, %get3A_13, %get3A_14] : memref<2x2000x64xbf16, #tpu.memory_space<vmem>>, vector<1x2000x64xbf16>
    %get3A_16 = vector.shape_cast %get3A_15 : vector<1x2000x64xbf16> to vector<2000x64xbf16>
    %get3A_17 = arith.constant 1 : index
    %get3A_18 = arith.constant 0 : index
    %get3A_19 = arith.constant 0 : index
    %get3A_20 = vector.load %arg2[%get3A_17, %get3A_18, %get3A_19] : memref<2x2000x64xbf16, #tpu.memory_space<vmem>>, vector<1x2000x64xbf16>
    %get3A_21 = vector.shape_cast %get3A_20 : vector<1x2000x64xbf16> to vector<2000x64xbf16>
    %concatenate3A = tpu.concatenate %get3A_16, %get3A_21 in 1 : vector<2000x64xbf16>, vector<2000x64xbf16> -> vector<2000x128xbf16>
    %convert_element_type3A = arith.extf %concatenate3A : vector<2000x128xbf16> to vector<2000x128xf32>
    %get3A_22 = arith.constant 0 : index
    %get3A_23 = arith.constant 0 : index
    %get3A_24 = vector.load %arg3[%get3A_22, %get3A_23] : memref<2000x128xf32, #tpu.memory_space<vmem>>, vector<2000x128xf32>
    %add3A_25 = arith.addf %convert_element_type3A, %get3A_24 : vector<2000x128xf32>
    %mul3A = vector.broadcast %rsqrt3A : vector<2000x1xf32> to vector<2000x128xf32>
    %mul3A_26 = arith.mulf %add3A_25, %mul3A : vector<2000x128xf32>
    %get3A_27 = arith.constant 0 : index
    %get3A_28 = vector.load %arg4[%get3A_27] : memref<128xf32, #tpu.memory_space<vmem>>, vector<128xf32>
    %reshape3A = vector.shape_cast %get3A_28 : vector<128xf32> to vector<1x128xf32>
    %add3A_29 = vector.broadcast %reshape3A : vector<1x128xf32> to vector<2000x128xf32>
    %add3A_30 = arith.addf %mul3A_26, %add3A_29 : vector<2000x128xf32>
    %max3A = arith.constant 0.000000e+00 : f32
    %max3A_31 = vector.broadcast %max3A : f32 to vector<2000x128xf32>
    %max3A_32 = arith.maximumf %add3A_30, %max3A_31 : vector<2000x128xf32>
    %get3A_33 = arith.constant 0 : index
    %get3A_34 = arith.constant 0 : index
    %get3A_35 = vector.load %arg5[%get3A_33, %get3A_34] : memref<128x64xf32, #tpu.memory_space<vmem>>, vector<128x64xf32>
    %dot_general3A = arith.constant dense<0.000000e+00> : vector<2000x64xf32>
    %dot_general3A_36 = tpu.matmul %max3A_32, %get3A_35, %dot_general3A {dimension_numbers = #tpu.dot_dimension_numbers<[1], [0], [0], [1], [0, 0, 1, 1], [], []>, transpose_lhs_hint = false} : vector<2000x128xf32>, vector<128x64xf32>, vector<2000x64xf32> -> vector<2000x64xf32>
    %mul3A_37 = vector.broadcast %rsqrt3A : vector<2000x1xf32> to vector<2000x64xf32>
    %mul3A_38 = arith.mulf %dot_general3A_36, %mul3A_37 : vector<2000x64xf32>
    %swap3A = arith.constant 0 : index
    %swap3A_39 = arith.constant 0 : index
    %swap3A_40 = vector.load %arg6[%swap3A, %swap3A_39] : memref<2000x64xf32, #tpu.memory_space<vmem>>, vector<2000x64xf32>
    tpu.vector_store %arg6[%swap3A, %swap3A_39], %mul3A_38 {strides = array<i32>} : memref<2000x64xf32, #tpu.memory_space<vmem>>, vector<2000x64xf32>,
    %convert_element_type3A_41 = arith.truncf %mul3A_38 : vector<2000x64xf32> to vector<2000x64xbf16>
    %swap3A_42 = arith.constant 0 : index
    %swap3A_43 = arith.constant 0 : index
    %swap3A_44 = vector.load %arg7[%swap3A_42, %swap3A_43] : memref<2000x64xbf16, #tpu.memory_space<vmem>>, vector<2000x64xbf16>
    tpu.vector_store %arg7[%swap3A_42, %swap3A_43], %convert_element_type3A_41 {strides = array<i32>} : memref<2000x64xbf16, #tpu.memory_space<vmem>>, vector<2000x64xbf16>,
    return
  }
  func.func @transform_0(%arg0: i32) -> (i32, i32, i32) {
    %c0_i32 = arith.constant 0 : i32
    %c0_i32_0 = arith.constant 0 : i32
    %c0_i32_1 = arith.constant 0 : i32
    return %c0_i32, %arg0, %c0_i32_0 : i32, i32, i32
  }
  func.func @transform_1(%arg0: i32) -> (i32, i32, i32) {
    %c0_i32 = arith.constant 0 : i32
    %c0_i32_0 = arith.constant 0 : i32
    %c0_i32_1 = arith.constant 0 : i32
    return %c0_i32, %arg0, %c0_i32_0 : i32, i32, i32
  }
  func.func @transform_2(%arg0: i32) -> (i32, i32) {
    %c0_i32 = arith.constant 0 : i32
    %c0_i32_0 = arith.constant 0 : i32
    return %arg0, %c0_i32 : i32, i32
  }
  func.func @transform_3(%arg0: i32) -> i32 {
    %c0_i32 = arith.constant 0 : i32
    %c0_i32_0 = arith.constant 0 : i32
    return %c0_i32 : i32
  }
  func.func @transform_4(%arg0: i32) -> (i32, i32) {
    %c0_i32 = arith.constant 0 : i32
    %c0_i32_0 = arith.constant 0 : i32
    %c0_i32_1 = arith.constant 0 : i32
    return %c0_i32, %c0_i32_0 : i32, i32
  }
  func.func @transform_5(%arg0: i32) -> (i32, i32) {
    %c0_i32 = arith.constant 0 : i32
    %c0_i32_0 = arith.constant 0 : i32
    return %arg0, %c0_i32 : i32, i32
  }
  func.func @transform_6(%arg0: i32) -> (i32, i32) {
    %c0_i32 = arith.constant 0 : i32
    %c0_i32_0 = arith.constant 0 : i32
    return %arg0, %c0_i32 : i32, i32
  }
}

module attributes {stable_mosaic.version = 14 : i64} {
  func.func @body(%arg0: i32, %arg1: memref<2x2000x16xf32, #tpu.memory_space<vmem>>, %arg2: memref<2x2000x64xbf16, #tpu.memory_space<vmem>>, %arg3: memref<2000x64xf32, #tpu.memory_space<vmem>>, %arg4: memref<64xf32, #tpu.memory_space<vmem>>, %arg5: memref<2000x64xf32, #tpu.memory_space<vmem>>) attributes {dimension_semantics = [#tpu.dimension_semantics<arbitrary>], iteration_bounds = array<i64: 5>, scalar_prefetch = 0 : i64, scratch_operands = 0 : i64, tpu.core_type = #tpu.core_type<tc>, window_params = [{transform_indices = @transform_0, window_bounds = array<i64: 2, 2000, 16>}, {transform_indices = @transform_1, window_bounds = array<i64: 2, 2000, 64>}, {transform_indices = @transform_2, window_bounds = array<i64: 2000, 64>}, {pipeline_mode = #tpu.pipeline_mode<synchronous>, transform_indices = @transform_3, window_bounds = array<i64: 64>}, {transform_indices = @transform_4, window_bounds = array<i64: 2000, 64>}]} {
    %get3A = arith.constant 0 : index
    %get3A_0 = arith.constant 0 : index
    %get3A_1 = arith.constant 0 : index
    %get3A_2 = vector.load %arg1[%get3A, %get3A_0, %get3A_1] : memref<2x2000x16xf32, #tpu.memory_space<vmem>>, vector<1x2000x1xf32>
    %get3A_3 = vector.shape_cast %get3A_2 : vector<1x2000x1xf32> to vector<2000x1xf32>
    %add3A = arith.constant 1.000000e+00 : f32
    %add3A_4 = vector.broadcast %add3A : f32 to vector<2000x1xf32>
    %add3A_5 = arith.addf %add3A_4, %get3A_3 : vector<2000x1xf32>
    %get3A_6 = arith.constant 1 : index
    %get3A_7 = arith.constant 0 : index
    %get3A_8 = arith.constant 0 : index
    %get3A_9 = vector.load %arg1[%get3A_6, %get3A_7, %get3A_8] : memref<2x2000x16xf32, #tpu.memory_space<vmem>>, vector<1x2000x1xf32>
    %get3A_10 = vector.shape_cast %get3A_9 : vector<1x2000x1xf32> to vector<2000x1xf32>
    %add3A_11 = arith.addf %add3A_5, %get3A_10 : vector<2000x1xf32>
    %rsqrt3A = math.rsqrt %add3A_11 : vector<2000x1xf32>
    %get3A_12 = arith.constant 0 : index
    %get3A_13 = arith.constant 0 : index
    %get3A_14 = arith.constant 0 : index
    %get3A_15 = vector.load %arg2[%get3A_12, %get3A_13, %get3A_14] : memref<2x2000x64xbf16, #tpu.memory_space<vmem>>, vector<1x2000x64xbf16>
    %get3A_16 = vector.shape_cast %get3A_15 : vector<1x2000x64xbf16> to vector<2000x64xbf16>
    %convert_element_type3A = arith.extf %get3A_16 : vector<2000x64xbf16> to vector<2000x64xf32>
    %get3A_17 = arith.constant 1 : index
    %get3A_18 = arith.constant 0 : index
    %get3A_19 = arith.constant 0 : index
    %get3A_20 = vector.load %arg2[%get3A_17, %get3A_18, %get3A_19] : memref<2x2000x64xbf16, #tpu.memory_space<vmem>>, vector<1x2000x64xbf16>
    %get3A_21 = vector.shape_cast %get3A_20 : vector<1x2000x64xbf16> to vector<2000x64xbf16>
    %convert_element_type3A_22 = arith.extf %get3A_21 : vector<2000x64xbf16> to vector<2000x64xf32>
    %add3A_23 = arith.addf %convert_element_type3A, %convert_element_type3A_22 : vector<2000x64xf32>
    %get3A_24 = arith.constant 0 : index
    %get3A_25 = arith.constant 0 : index
    %get3A_26 = vector.load %arg3[%get3A_24, %get3A_25] : memref<2000x64xf32, #tpu.memory_space<vmem>>, vector<2000x64xf32>
    %add3A_27 = arith.addf %add3A_23, %get3A_26 : vector<2000x64xf32>
    %mul3A = vector.broadcast %rsqrt3A : vector<2000x1xf32> to vector<2000x64xf32>
    %mul3A_28 = arith.mulf %add3A_27, %mul3A : vector<2000x64xf32>
    %get3A_29 = arith.constant 0 : index
    %get3A_30 = vector.load %arg4[%get3A_29] : memref<64xf32, #tpu.memory_space<vmem>>, vector<64xf32>
    %reshape3A = vector.shape_cast %get3A_30 : vector<64xf32> to vector<1x64xf32>
    %add3A_31 = vector.broadcast %reshape3A : vector<1x64xf32> to vector<2000x64xf32>
    %add3A_32 = arith.addf %mul3A_28, %add3A_31 : vector<2000x64xf32>
    %swap3A = arith.constant 0 : index
    %swap3A_33 = arith.constant 0 : index
    %swap3A_34 = vector.load %arg5[%swap3A, %swap3A_33] : memref<2000x64xf32, #tpu.memory_space<vmem>>, vector<2000x64xf32>
    tpu.vector_store %arg5[%swap3A, %swap3A_33], %add3A_32 {strides = array<i32>} : memref<2000x64xf32, #tpu.memory_space<vmem>>, vector<2000x64xf32>,
    return
  }
  func.func @transform_0(%arg0: i32) -> (i32, i32, i32) {
    %c0_i32 = arith.constant 0 : i32
    %c0_i32_0 = arith.constant 0 : i32
    %c0_i32_1 = arith.constant 0 : i32
    return %c0_i32, %arg0, %c0_i32_0 : i32, i32, i32
  }
  func.func @transform_1(%arg0: i32) -> (i32, i32, i32) {
    %c0_i32 = arith.constant 0 : i32
    %c0_i32_0 = arith.constant 0 : i32
    %c0_i32_1 = arith.constant 0 : i32
    return %c0_i32, %arg0, %c0_i32_0 : i32, i32, i32
  }
  func.func @transform_2(%arg0: i32) -> (i32, i32) {
    %c0_i32 = arith.constant 0 : i32
    %c0_i32_0 = arith.constant 0 : i32
    return %arg0, %c0_i32 : i32, i32
  }
  func.func @transform_3(%arg0: i32) -> i32 {
    %c0_i32 = arith.constant 0 : i32
    %c0_i32_0 = arith.constant 0 : i32
    return %c0_i32 : i32
  }
  func.func @transform_4(%arg0: i32) -> (i32, i32) {
    %c0_i32 = arith.constant 0 : i32
    %c0_i32_0 = arith.constant 0 : i32
    return %arg0, %c0_i32 : i32, i32
  }
}

</mosaic_0001>

<sc_bundles>
// kernel: kernel.11.cloned.1.call-start
scs
__scs_entry_jumppad:
0x0: {  	(pc) =	sbr.rel $0x88, $3  }
0x1: {  	(tag) =	ssettag $0x0;
	lr =	simm.s32 $0x1  }
0x2: {  	[smem:$0x3F99] =	sst lr;
	_ =	strace $0xD0000000  }
0x3: {  	_ = 	snop  }
0x4: {  	_ = 	snop  }
0x5: {  	_ = 	snop  }
0x6: {  	_ = 	snop  }
0x7: {  	_ = 	snop  }
__scs_overlays_trampoline_lowered:
0x8: {  	[smem:$0x3FA8] =	sst s0  }
0x9: {  	[smem:$0x3FA9] =	sst s1  }
0xa: {  	[smem:$0x3FAA] =	sst s2  }
0xb: {  	[smem:$0x3FAB] =	sst s3  }
0xc: {  	[smem:$0x3FAC] =	sst s4  }
0xd: {  	[smem:$0x3FAD] =	sst s5  }
0xe: {  	[smem:$0x3FAE] =	sst s6  }
0xf: {  	[smem:$0x3FAF] =	sst s7  }
0x10: {  	[smem:$0x3FB0] =	sst s8  }
0x11: {  	[smem:$0x3FB1] =	sst s9;
	s0 =	simm.s32 @!p0 $0x0  }
0x12: {  	s1 =	sld [smem:$0x3F97];
	s0 =	simm.s32 @p0 $0x1  }
0x13: {  	[smem:$0x3FB2] =	sst s0;
	s0 =	simm.s32 @!p1 $0x0  }
0x14: {  	s2 =	sld [smem:$0x3F96];
	s0 =	simm.s32 @p1 $0x1  }
0x15: {  	[smem:$0x3FB3] =	sst s0;
	s0 =	simm.s32 @!p2 $0x0  }
0x16: {  	s3 =	sld [smem:$0x3FDB];
	s0 =	simm.s32 @p2 $0x1  }
0x17: {  	s4 =	simm.s32 $0x1BF5;
	[smem:$0x3FB5] =	sst s0  }
0x18: {  	s0 =	sld [smem:$0x3F98];
	_ =	swait.ge [sflag:s4], $0x0  }
0x19: {  	s7 =	sld [smem:$0x3F99]  }
0x1a: {  	s8 =	sadd.s32 $0xFFFFE003, lr  }
0x1b: {  	s9 =	sadd.s32 $0xFFFFFEF7, lr;
	s5 =	simm.s32 $0xFFFFFFFF;
	p2 =	slt.u32 s8, $0xFFFFF086  }
0x1c: {  	p1 =	slt.u32 s9, $0xF7A;
	s5 =	simm.s32 @!p2 $0x0  }
0x1d: {  	s5 =	simm.s32 @p1 $0x1;
	p0 =	seq.s32 s7, s2  }
0x1e: {  	s7 =	smul.u32 @!p0 $0xF7A, s2;
	p2 =	seq.s32 @!p0 s5, $0x0  }
0x1f: {  	s9 =	smul.u32 $0xF7A, s1;
	s8 =	simm.s32 @!p0 $0x1BF5;
	p2 =	por !p2, p0  }
0x20: {  	[sflag:s8] =	ssyncset.s32 @!p0 $0xFFFFF086;
	s6 =	sadd.s32 @!p0 s3, s7;
	s7 =	simm.s32 @!p0 $0x108  }
0x21: {  	s3 =	sadd.s32 s3, s9;
	s6 =	sadd.s32 @!p0 $0x88, s6;
	s7 =	simm.s32 @p2 $0x1082  }
0x22: {  	[simem:s7], [sflag:s8] =	dma.local @!p0 [hbm:s6], $0xF7A  }
0x23: {  	s9 =	sor.u32 $0xD0000000, s2;
	s6 =	simm.s32 $0x108;
	_ =	swait.ge @!p0 [sflag:s8], $0x0  }
0x24: {  	s3 =	sadd.s32 $0x88, s3;
	s6 =	simm.s32 @!p1 $0x1082;
	[sflag:s4] =	ssyncset.s32 $0xFFFFF086  }
0x25: {  	[simem:s6], [sflag:s4] =	dma.local [hbm:s3], $0xF7A  }
0x26: {  	[smem:$0x3F99] =	sst s1;
	(tag) =	ssettag s2;
	_ =	strace s9  }
0x27: {  	s1 =	sld [smem:$0x3FA9]  }
0x28: {  	s2 =	sld [smem:$0x3FAA]  }
0x29: {  	s4 =	sld [smem:$0x3FAC]  }
0x2a: {  	p0 =	seq.s32 s5, $0x0;
	s5 =	sld [smem:$0x3FAD]  }
0x2b: {  	s6 =	sld [smem:$0x3FAE]  }
0x2c: {  	s7 =	sld [smem:$0x3FAF]  }
0x2d: {  	s3 =	simm.s32 $0x108;
	s8 =	sld [smem:$0x3FB0]  }
0x2e: {  	s3 =	simm.s32 @!p0 $0x1082;
	s9 =	sld [smem:$0x3FB1]  }
0x2f: {  	lr =	sadd.s32 s0, s3;
	s0 =	sld [smem:$0x3FA8]  }
0x30: {  	s3 =	sld [smem:$0x3FAB]  }
0x31: {  	[smem:$0x3FB4] =	sst s10  }
0x32: {  	s10 =	sld [smem:$0x3FB2];
	_ =	sdelay $0x3  }
0x33: {  	p0 =	seq.s32 s10, $0x1;
	s10 =	sld [smem:$0x3FB4];
	_ =	sdelay $0x3  }
0x34: {  	[smem:$0x3FB4] =	sst s10  }
0x35: {  	s10 =	sld [smem:$0x3FB3];
	_ =	sdelay $0x3  }
0x36: {  	p1 =	seq.s32 s10, $0x1;
	s10 =	sld [smem:$0x3FB4];
	_ =	sdelay $0x3  }
0x37: {  	[smem:$0x3FB4] =	sst s10  }
0x38: {  	s10 =	sld [smem:$0x3FB5]  }
0x39: {  	_ = 	snop;
	(pc) =	sbr.ind lr, $3  }
0x3a: {  	_ = 	snop  }
0x3b: {  	_ = 	snop  }
0x3c: {  	p2 =	seq.s32 s10, $0x1;
	s10 =	sld [smem:$0x3FB4]  }
0x3d: {  	_ =	shalt  }
0x3e: {  	_ =	shalt  }
0x3f: {  	_ =	shalt  }
0x40: {  	_ =	shalt  }
0x41: {  	_ =	shalt  }
0x42: {  	_ =	shalt  }
0x43: {  	_ =	shalt  }
0x44: {  	_ =	shalt  }
0x45: {  	_ =	shalt  }
0x46: {  	_ =	shalt  }
0x47: {  	_ =	shalt  }
0x48: {  	_ =	shalt  }
0x49: {  	_ =	shalt  }
0x4a: {  	_ =	shalt  }
0x4b: {  	_ =	shalt  }
0x4c: {  	_ =	shalt  }
0x4d: {  	_ =	shalt  }
0x4e: {  	_ =	shalt  }
0x4f: {  	_ =	shalt  }
0x50: {  	_ =	shalt  }
0x51: {  	_ =	shalt  }
0x52: {  	_ =	shalt  }
0x53: {  	_ =	shalt  }
0x54: {  	_ =	shalt  }
0x55: {  	_ =	shalt  }
0x56: {  	_ =	shalt  }
0x57: {  	_ =	shalt  }
0x58: {  	_ =	shalt  }
0x59: {  	_ =	shalt  }
0x5a: {  	_ =	shalt  }
0x5b: {  	_ =	shalt  }
0x5c: {  	_ =	shalt  }
0x5d: {  	_ =	shalt  }
0x5e: {  	_ =	shalt  }
0x5f: {  	_ =	shalt  }
0x60: {  	_ =	shalt  }
0x61: {  	_ =	shalt  }
0x62: {  	_ =	shalt  }
0x63: {  	_ =	shalt  }
0x64: {  	_ =	shalt  }
0x65: {  	_ =	shalt  }
0x66: {  	_ =	shalt  }
0x67: {  	_ =	shalt  }
0x68: {  	_ =	shalt  }
0x69: {  	_ =	shalt  }
0x6a: {  	_ =	shalt  }
0x6b: {  	_ =	shalt  }
0x6c: {  	_ =	shalt  }
0x6d: {  	_ =	shalt  }
0x6e: {  	_ =	shalt  }
0x6f: {  	_ =	shalt  }
0x70: {  	_ =	shalt  }
0x71: {  	_ =	shalt  }
0x72: {  	_ =	shalt  }
0x73: {  	_ =	shalt  }
0x74: {  	_ =	shalt  }
0x75: {  	_ =	shalt  }
0x76: {  	_ =	shalt  }
0x77: {  	_ =	shalt  }
0x78: {  	_ =	shalt  }
0x79: {  	_ =	shalt  }
0x7a: {  	_ =	shalt  }
0x7b: {  	_ =	shalt  }
0x7c: {  	_ =	shalt  }
0x7d: {  	_ =	shalt  }
0x7e: {  	_ =	shalt  }
0x7f: {  	_ =	shalt  }
0x80: {  	_ =	shalt  }
0x81: {  	_ =	shalt  }
0x82: {  	_ =	shalt  }
0x83: {  	_ =	shalt  }
0x84: {  	_ =	shalt  }
0x85: {  	_ =	shalt  }
0x86: {  	_ =	shalt  }
0x87: {  	_ =	shalt  }
.Lfunc_end0:
.L_simem_size_0:
called_computation_lowered:
.L_overlay_start_0:
0x88: {  	s2 =	sld [smem:$0x3FD9]  }
0x89: {  	s3 =	sld [smem:$0x3FFE];
	_ =	sdelay $0x1  }
0x8a: {  	s1 =	srdreg.scid  }
0x8b: {  	s0 =	sand.u32 $0x1, s1  }
0x8c: {  	s17 =	sshll.u32 s0, $0xA;
	s2 =	sadd.s32 s3, s2  }
0x8d: {  	s2 =	sadd.s32 s2, s17  }
0x8e: {  	[smem:$0x3FC0] =	sst s2  }
0x8f: {  	_ = 	snop  }
0x90: {  	s2 =	sld [smem:$0x3FD0];
	(tm) =	ssettm $0x1  }
0x91: {  	s18 =	sld [smem:$0x3FFB];
	_ =	sdelay $0x3  }
0x92: {  	_ =	strace s18  }
0x93: {  	s3 =	sld [smem:$0x3FFC];
	_ =	sdelay $0x3  }
0x94: {  	_ =	strace s3  }
0x95: {  	s3 =	sld [smem:$0x3FFD];
	_ =	sdelay $0x3  }
0x96: {  	_ =	strace s3  }
0x97: {  	_ =	strace $0x8FFFFFFF  }
0x98: {  	s19 =	sld [smem:$0x3FDB];
	_ =	sdelay $0x1  }
0x99: {  	s4 =	simm.s32 $_scs_section_size  }
0x9a: {  	s5 =	simm.s32 $_size__tile_overlayer_lowered;
	s6 =	simm.s32 $_tile_overlayer_lowered  }
0x9b: {  	s22 =	simm.s32 $0x1BFF;
	s21 =	sshll.u32 s6, $0x1;
	s3 =	sadd.s32 s4, s19  }
0x9c: {  	s7 =	simm.s32 $0x0;
	s20 =	sshll.u32 s5, $0x1;
	s5 =	sadd.s32 s21, s3  }
0x9d: {  	[timem:s7], [sflag:s22] =	dma.local [hbm:s5], s20  }
0x9e: {  	_ =	swait.ge [sflag:s22], s20  }
0x9f: {  	s4 =	ssub.s32 $0x0, s20;
	[sflag:s22] =	ssyncset.done $0x0  }
0xa0: {  	[sflag:s22] =	ssyncadd.s32 s4;
	_ =	sdelay $0x1  }
0xa1: {  	s23 =	simm.s32 $0x1B8B  }
0xa2: {  	_ =	swait.ge [sflag:s23], $0x1  }
0xa3: {  	[sflag:s23] =	ssyncset.done $0x0  }
0xa4: {  	s25 =	simm.s32 $0x1B8E;
	s24 =	sld [smem:$0x3FFE];
	[sflag:s23] =	ssyncadd.s32 $0xFFFFFFFF  }
0xa5: {  	s26 =	simm.s32 $execute0_lowered;
	[smem:$0x3FD2] =	sst s25  }
0xa6: {  	s5 =	sshll.u32 s26, $0x1;
	_ =	strace $0x80000046;
	[dreg:$0x1] =	wrdreg $0xFFFFFFFF  }
0xa7: {  	s28 =	simm.s32 $_size_execute0_lowered;
	s3 =	sadd.s32 s3, s5;
	[dreg:$0x0] =	wrdreg $0x0  }
0xa8: {  	s5 =	sshll.u32 s28, $0x1;
	[dreg:$0x2] =	wrdreg s3  }
0xa9: {  	[dreg:$0x3] =	wrdreg s5  }
0xaa: {  	[dreg:$0x4] =	wrdreg $0xC0  }
0xab: {  	_ =	task [dreg:s7], $0x5FFFF  }
0xac: {  	[dreg:$0x1] =	wrdreg $0xFFFFFFFF  }
0xad: {  	[dreg:$0x0] =	wrdreg $0x60  }
0xae: {  	[dreg:$0x2] =	wrdreg s24  }
0xaf: {  	[dreg:$0x3] =	wrdreg s2  }
0xb0: {  	[dreg:$0x4] =	wrdreg $0x34000  }
0xb1: {  	[dreg:$0x5] =	wrdreg $0x9  }
0xb2: {  	_ =	task.clear_ibuf [dreg:s7], $0x6FFFF;
	_ =	strace $0x90000046  }
0xb3: {  	s29 =	simm.s32 $0x9;
	_ =	strace $0x80000048  }
0xb4: {  	_ =	swait.ge [sflag:s29], $0x1  }
0xb5: {  	[sflag:s29] =	ssyncadd.s32 $0xFFFFFFFF  }
0xb6: {  	_ =	strace $0x90000048  }
0xb7: {  	_ =	sfence  }
0xb8: {  	s30 =	sld [smem:$0x0];
	_ =	sdelay $0x2  }
0xb9: {  	s31 =	sshll.u32 s1, $0xD;
	s1 =	sshrl.u32 s1, $0x2  }
0xba: {  	s3 =	sand.u32 $0x4000, s31;
	s1 =	sadd.s32 s1, s30  }
0xbb: {  	s0 =	sor.u32 s3, s0;
	s1 =	sshll.u32 s1, $0x11  }
0xbc: {  	s0 =	sor.u32 s1, s0  }
0xbd: {  	s0 =	sadd.s32 $0x8F2B, s0  }
0xbe: {  	[sflag:s0] =	ssyncadd.remote.s32 $0x1  }
0xbf: {  	_ =	sfence.sel $0xFFFF  }
0xc0: {  	[dreg:$0x0] =	wrdreg $0xFFFFFFFF;
	(pc) =	sbr.abs _section_cstart, $3  }
0xc1: {  	[dreg:$0x1] =	wrdreg $0xFFFFFFFF  }
0xc2: {  	_ =	task.clear_ibuf [dreg:s7], $0x2FFFF;
	_ =	strace $0x9FFFFFFF  }
0xc3: {  	(tm) =	ssettm $0x7FFFFFFF  }
tec
execute0_lowered:
.L_overlay_start_1:
0x0: {  	(tag) =	ssettag $0x1  }
0x1: {  	s4 =	rddreg [dreg:$0x0]  }
0x2: {  	s1 =	srdreg.scid;
	s6 =	rddreg [dreg:$0x1]  }
0x3: {  	s0 =	stileid.u32;
	s2 =	rddreg [dreg:$0x2]  }
0x4: {  	s3 =	simm.s32 $0x0;
	s17 =	simm.s32 $0x1;
	s7 =	smul.u32 $0x5000, s0  }
0x5: {  	s18 =	simm.s32 $0x3000;
	s19 =	simm.s32 $0x80;
	s9 =	smul.u32 $0xA000, s0  }
0x6: {  	s20 =	simm.s32 $0x2800;
	s5 =	sand.u32 $0x1, s1;
	s10 =	smul.u32 $0x2800, s0  }
0x7: {  	s22 =	simm.s32 $0x0;
	s1 =	rddreg [dreg:$0x3];
	s8 =	smul.u32 $0x2800, s5  }
0x8: {  	[smem:$0x7FF] =	sst s3;
	s29 =	smul.u32 $0x28000, s5;
	s5 =	ssub.s32 $0x2, s5  }
0x9: {  	_ =	strace $0x80000047;
	s30 =	sshrl.u32 s5, $0x1;
	s31 =	sshrl.u32 s9, $0x2  }
0xa: {  	s21 =	sadd.s32 s10, s2;
	s7 =	sadd.s32 s8, s7;
	s8 =	sadd.s32 s10, s29  }
0xb: {  	s21 =	sshrl.u32 s21, $0x3;
	s7 =	sshrl.u32 s7, $0x3;
	s8 =	sshrl.u32 s8, $0x3  }
0xc: {  	s4 =	sadd.s32 s7, s4;
	s7 =	ssub.s32 s5, s30;
	s5 =	sadd.s32 s31, s2  }
0xd: {  	s6 =	sadd.s32 s6, s8;
	s4 =	sadd.s32 $0x2200, s4;
	s7 =	smax.u32 s7, $0x1  }
0xe: {  	s8 =	sadd.s32 $0x400, s5;
	s9 =	sadd.s32 $0x800, s5;
	s10 =	sadd.s32 $0xC00, s5  }
0xf: {  	s11 =	sadd.s32 $0x1000, s5;
	s12 =	sadd.s32 $0x1400, s5;
	s13 =	sadd.s32 $0x1800, s5  }
0x10: {  	v0 =	vimm.f32 $1.000000000e+00;
	v1 =	vimm.f32 $0.0e+00;
	s14 =	sadd.s32 $0x1C00, s5;
	s15 =	sadd.s32 $0x2000, s5;
	s16 =	sadd.s32 $0x2400, s5  }
.LBB2_1:
0x11: {  	[tilespmem:s3], [sflag:$0x1] =	stream.linear.gather [hbm4b:s4+s3], $0x2800, $0x38;
	[tilespmem:$0x5C00] =	vst v63  }
0x12: {  	_ =	swait.ge [sflag:s17], $0x2800  }
0x13: {  	[sflag:s17] =	ssyncset.done $0x0  }
0x14: {  	s23 =	simm.s32 $0x0;
	[sflag:s17] =	ssyncadd.s32 $0xFFFFD800  }
.LBB2_2:
0x15: {  	p0 =	sne.s32 s23, $0x1FC0  }
.Ltmp0:
0x16: {  	_ = 	snop;
	(pc) =	sbr.rel @p0 .LBB2_2-.Ltmp0, $3  }
0x17: {  	_ =	sdelay $0x1  }
0x18: {  	s24 =	sshra.s32 s23, $0x2  }
0x19: {  	s23 =	sadd.s32 $0x40, s23;
	[tilespmem:s24+$0x2800] =	vst v0  }
0x1a: {  	s23 =	simm.s32 $0x40;
	s24 =	simm.s32 $0x0  }
.LBB2_4:
0x1b: {  	p0 =	sne.s32 s23, $0xFC0;
	[tilespmem:s24+$0x3000] =	vst v1;
	s24 =	smov.u32 s23;
	s23 =	sadd.s32 $0x40, s23  }
.Ltmp1:
0x1c: {  	(pc) =	sbr.rel @p0 .LBB2_4-.Ltmp1, $2  }
0x1d: {  	_ =	sdelay $0x2  }
0x1e: {  	s24 =	sshra.s32 s24, $0x2  }
0x1f: {  	[tilespmem:s24+$0x3000] =	vst v1  }
0x20: {  	[spmem:s5] =	stream.linear.scatter [tilespmem:s18], [sflag:$0x1], $0x400, $0x38;
	[tilespmem:$0x5C00] =	vst v63  }
0x21: {  	_ =	swait.ge [sflag:s17], $0x400  }
0x22: {  	[sflag:s17] =	ssyncset.done $0x0  }
0x23: {  	[sflag:s17] =	ssyncadd.s32 $0xFFFFFC00  }
0x24: {  	[spmem:s8] =	stream.linear.scatter [tilespmem:s18], [sflag:$0x1], $0x400, $0x38;
	[tilespmem:$0x5C00] =	vst v63  }
0x25: {  	_ =	swait.ge [sflag:s17], $0x400  }
0x26: {  	[sflag:s17] =	ssyncset.done $0x0  }
0x27: {  	[sflag:s17] =	ssyncadd.s32 $0xFFFFFC00  }
0x28: {  	[spmem:s9] =	stream.linear.scatter [tilespmem:s18], [sflag:$0x1], $0x400, $0x38;
	[tilespmem:$0x5C00] =	vst v63  }
0x29: {  	_ =	swait.ge [sflag:s17], $0x400  }
0x2a: {  	[sflag:s17] =	ssyncset.done $0x0  }
0x2b: {  	[sflag:s17] =	ssyncadd.s32 $0xFFFFFC00  }
0x2c: {  	[spmem:s10] =	stream.linear.scatter [tilespmem:s18], [sflag:$0x1], $0x400, $0x38;
	[tilespmem:$0x5C00] =	vst v63  }
0x2d: {  	_ =	swait.ge [sflag:s17], $0x400  }
0x2e: {  	[sflag:s17] =	ssyncset.done $0x0  }
0x2f: {  	[sflag:s17] =	ssyncadd.s32 $0xFFFFFC00  }
0x30: {  	[spmem:s11] =	stream.linear.scatter [tilespmem:s18], [sflag:$0x1], $0x400, $0x38;
	[tilespmem:$0x5C00] =	vst v63  }
0x31: {  	_ =	swait.ge [sflag:s17], $0x400  }
0x32: {  	[sflag:s17] =	ssyncset.done $0x0  }
0x33: {  	[sflag:s17] =	ssyncadd.s32 $0xFFFFFC00  }
0x34: {  	[spmem:s12] =	stream.linear.scatter [tilespmem:s18], [sflag:$0x1], $0x400, $0x38;
	[tilespmem:$0x5C00] =	vst v63  }
0x35: {  	_ =	swait.ge [sflag:s17], $0x400  }
0x36: {  	[sflag:s17] =	ssyncset.done $0x0  }
0x37: {  	[sflag:s17] =	ssyncadd.s32 $0xFFFFFC00  }
0x38: {  	[spmem:s13] =	stream.linear.scatter [tilespmem:s18], [sflag:$0x1], $0x400, $0x38;
	[tilespmem:$0x5C00] =	vst v63  }
0x39: {  	_ =	swait.ge [sflag:s17], $0x400  }
0x3a: {  	[sflag:s17] =	ssyncset.done $0x0  }
0x3b: {  	[sflag:s17] =	ssyncadd.s32 $0xFFFFFC00  }
0x3c: {  	[spmem:s14] =	stream.linear.scatter [tilespmem:s18], [sflag:$0x1], $0x400, $0x38;
	[tilespmem:$0x5C00] =	vst v63  }
0x3d: {  	_ =	swait.ge [sflag:s17], $0x400  }
0x3e: {  	[sflag:s17] =	ssyncset.done $0x0  }
0x3f: {  	[sflag:s17] =	ssyncadd.s32 $0xFFFFFC00  }
0x40: {  	[spmem:s15] =	stream.linear.scatter [tilespmem:s18], [sflag:$0x1], $0x400, $0x38;
	[tilespmem:$0x5C00] =	vst v63  }
0x41: {  	_ =	swait.ge [sflag:s17], $0x400  }
0x42: {  	[sflag:s17] =	ssyncset.done $0x0  }
0x43: {  	[sflag:s17] =	ssyncadd.s32 $0xFFFFFC00  }
0x44: {  	[spmem:s16] =	stream.linear.scatter [tilespmem:s18], [sflag:$0x1], $0x400, $0x38;
	[tilespmem:$0x5C00] =	vst v63  }
0x45: {  	_ =	swait.ge [sflag:s17], $0x400  }
0x46: {  	[sflag:s17] =	ssyncset.done $0x0  }
0x47: {  	[sflag:s17] =	ssyncadd.s32 $0xFFFFFC00  }
0x48: {  	s23 =	simm.s32 $0x0;
	[bflag:$0x0] =	sbarrier.arrive $0xFFFF  }
0x49: {  	[spmem:s2] =	stream.indirect.scatter.add.f32 [tilespmem:s20], [sflag:$0x1], $0x10, s23, s19, $0xb8;
	[tilespmem:$0x5C00] =	vst v63  }
0x4a: {  	_ =	swait.ge [sflag:s17], $0x800  }
0x4b: {  	s23 =	simm.s32 $0x200;
	[sflag:s17] =	ssyncset.done $0x0  }
.LBB2_6:
0x4c: {  	s24 =	sshra.s32 s23, $0x2;
	[sflag:s17] =	ssyncadd.s32 $0xFFFFF800;
	p0 =	sne.s32 s23, $0x9E00  }
0x4d: {  	[spmem:s2] =	stream.indirect.scatter.add.f32 [tilespmem:s20], [sflag:$0x1], $0x10, s24, s19, $0xb8;
	[tilespmem:$0x5C00] =	vst v63  }
.Ltmp2:
0x4e: {  	_ = 	snop;
	(pc) =	sbr.rel @p0 .LBB2_6-.Ltmp2, $4  }
0x4f: {  	_ = 	snop  }
0x50: {  	s23 =	sadd.s32 $0x200, s23  }
0x51: {  	_ =	swait.ge [sflag:s17], $0x800  }
0x52: {  	[sflag:s17] =	ssyncset.done $0x0  }
0x53: {  	s22 =	sadd.s32 $0x1, s22  }
0x54: {  	[sflag:s17] =	ssyncadd.s32 $0xFFFFF800;
	s23 =	sshll.u32 s0, $0x6;
	p0 =	sne.s32 s22, s7  }
.Ltmp3:
0x55: {  	[bflag:$0x0] =	sbarrier.arrive $0xFFFF;
	s23 =	sor.u32 $0x1C01, s23;
	(pc) =	sbr.rel @p0 .LBB2_1-.Ltmp3, $4  }
0x56: {  	[hbm:s6], [sflag:s23] =	dma.local [spmem:s21], $0x500  }
0x57: {  	_ =	swait.ge [sflag:s17], $0x500  }
0x58: {  	[sflag:s17] =	ssyncset.done $0x0  }
0x59: {  	[sflag:s17] =	ssyncadd.s32 $0xFFFFFB00  }
0x5a: {  	_ =	sfence.sel $0x180000  }
0x5b: {  	[bflag:$0x0] =	sbarrier.arrive $0xFFFF  }
0x5c: {  	p0 =	sne.s32 s0, $0x0;
	_ =	strace $0x90000047  }
0x5d: {  	s0 =	sadd.s32 @!p0 $0x100000, s1;
	[bflag:$0x2] =	sbarrier.arrive $0xFFFF  }
0x5e: {  	[sflag:s0] =	ssyncadd.tile.s32 @!p0 $0x1;
	_ =	shalt  }
.Lfunc_end2:
_tile_overlayer_lowered:
.L_overlay_start_2:
0x5f: {  	(tag) =	ssettag $0x2  }
0x60: {  	s0 =	rddreg [dreg:$0x0];
	s2 =	stileid.u32  }
0x61: {  	s1 =	rddreg [dreg:$0x1];
	p0 =	sne.s32 s2, $0x0  }
0x62: {  	s3 =	rddreg [dreg:$0x2];
	[bflag:$0x3] =	sbarrier.arrive $0xFFFF;
	s2 =	simm.s32 @!p0 $0x1C01  }
0x63: {  	[timem:s3], [sflag:s2] =	dma.local @!p0 [hbm:s0], s1  }
0x64: {  	s0 =	simm.s32 @!p0 $0x1  }
0x65: {  	_ =	swait.ge @!p0 [sflag:s0], s1  }
0x66: {  	s1 =	ssub.s32 @!p0 $0x0, s1;
	[sflag:s0] =	ssyncset.done @!p0 $0x0  }
0x67: {  	[sflag:s0] =	ssyncadd.s32 @!p0 s1  }
0x68: {  	[bflag:$0x3] =	sbarrier.arrive $0xFFFF  }
0x69: {  	_ =	shalt  }

// kernel: kernel.14.cloned.1.call-start
scs
__scs_entry_jumppad:
0x0: {  	(pc) =	sbr.rel $0x88, $3  }
0x1: {  	(tag) =	ssettag $0x0;
	lr =	simm.s32 $0x1  }
0x2: {  	[smem:$0x3F99] =	sst lr;
	_ =	strace $0xD0000000  }
0x3: {  	_ = 	snop  }
0x4: {  	_ = 	snop  }
0x5: {  	_ = 	snop  }
0x6: {  	_ = 	snop  }
0x7: {  	_ = 	snop  }
__scs_overlays_trampoline_lowered:
0x8: {  	[smem:$0x3FA8] =	sst s0  }
0x9: {  	[smem:$0x3FA9] =	sst s1  }
0xa: {  	[smem:$0x3FAA] =	sst s2  }
0xb: {  	[smem:$0x3FAB] =	sst s3  }
0xc: {  	[smem:$0x3FAC] =	sst s4  }
0xd: {  	[smem:$0x3FAD] =	sst s5  }
0xe: {  	[smem:$0x3FAE] =	sst s6  }
0xf: {  	[smem:$0x3FAF] =	sst s7  }
0x10: {  	[smem:$0x3FB0] =	sst s8  }
0x11: {  	[smem:$0x3FB1] =	sst s9;
	s0 =	simm.s32 @!p0 $0x0  }
0x12: {  	s1 =	sld [smem:$0x3F97];
	s0 =	simm.s32 @p0 $0x1  }
0x13: {  	[smem:$0x3FB2] =	sst s0;
	s0 =	simm.s32 @!p1 $0x0  }
0x14: {  	s2 =	sld [smem:$0x3F96];
	s0 =	simm.s32 @p1 $0x1  }
0x15: {  	[smem:$0x3FB3] =	sst s0;
	s0 =	simm.s32 @!p2 $0x0  }
0x16: {  	s3 =	sld [smem:$0x3FDB];
	s0 =	simm.s32 @p2 $0x1  }
0x17: {  	s4 =	simm.s32 $0x1BF5;
	[smem:$0x3FB5] =	sst s0  }
0x18: {  	s0 =	sld [smem:$0x3F98];
	_ =	swait.ge [sflag:s4], $0x0  }
0x19: {  	s7 =	sld [smem:$0x3F99]  }
0x1a: {  	s8 =	sadd.s32 $0xFFFFE003, lr  }
0x1b: {  	s9 =	sadd.s32 $0xFFFFFEF7, lr;
	s5 =	simm.s32 $0xFFFFFFFF;
	p2 =	slt.u32 s8, $0xFFFFF086  }
0x1c: {  	p1 =	slt.u32 s9, $0xF7A;
	s5 =	simm.s32 @!p2 $0x0  }
0x1d: {  	s5 =	simm.s32 @p1 $0x1;
	p0 =	seq.s32 s7, s2  }
0x1e: {  	s7 =	smul.u32 @!p0 $0xF7A, s2;
	p2 =	seq.s32 @!p0 s5, $0x0  }
0x1f: {  	s9 =	smul.u32 $0xF7A, s1;
	s8 =	simm.s32 @!p0 $0x1BF5;
	p2 =	por !p2, p0  }
0x20: {  	[sflag:s8] =	ssyncset.s32 @!p0 $0xFFFFF086;
	s6 =	sadd.s32 @!p0 s3, s7;
	s7 =	simm.s32 @!p0 $0x108  }
0x21: {  	s3 =	sadd.s32 s3, s9;
	s6 =	sadd.s32 @!p0 $0x88, s6;
	s7 =	simm.s32 @p2 $0x1082  }
0x22: {  	[simem:s7], [sflag:s8] =	dma.local @!p0 [hbm:s6], $0xF7A  }
0x23: {  	s9 =	sor.u32 $0xD0000000, s2;
	s6 =	simm.s32 $0x108;
	_ =	swait.ge @!p0 [sflag:s8], $0x0  }
0x24: {  	s3 =	sadd.s32 $0x88, s3;
	s6 =	simm.s32 @!p1 $0x1082;
	[sflag:s4] =	ssyncset.s32 $0xFFFFF086  }
0x25: {  	[simem:s6], [sflag:s4] =	dma.local [hbm:s3], $0xF7A  }
0x26: {  	[smem:$0x3F99] =	sst s1;
	(tag) =	ssettag s2;
	_ =	strace s9  }
0x27: {  	s1 =	sld [smem:$0x3FA9]  }
0x28: {  	s2 =	sld [smem:$0x3FAA]  }
0x29: {  	s4 =	sld [smem:$0x3FAC]  }
0x2a: {  	p0 =	seq.s32 s5, $0x0;
	s5 =	sld [smem:$0x3FAD]  }
0x2b: {  	s6 =	sld [smem:$0x3FAE]  }
0x2c: {  	s7 =	sld [smem:$0x3FAF]  }
0x2d: {  	s3 =	simm.s32 $0x108;
	s8 =	sld [smem:$0x3FB0]  }
0x2e: {  	s3 =	simm.s32 @!p0 $0x1082;
	s9 =	sld [smem:$0x3FB1]  }
0x2f: {  	lr =	sadd.s32 s0, s3;
	s0 =	sld [smem:$0x3FA8]  }
0x30: {  	s3 =	sld [smem:$0x3FAB]  }
0x31: {  	[smem:$0x3FB4] =	sst s10  }
0x32: {  	s10 =	sld [smem:$0x3FB2];
	_ =	sdelay $0x3  }
0x33: {  	p0 =	seq.s32 s10, $0x1;
	s10 =	sld [smem:$0x3FB4];
	_ =	sdelay $0x3  }
0x34: {  	[smem:$0x3FB4] =	sst s10  }
0x35: {  	s10 =	sld [smem:$0x3FB3];
	_ =	sdelay $0x3  }
0x36: {  	p1 =	seq.s32 s10, $0x1;
	s10 =	sld [smem:$0x3FB4];
	_ =	sdelay $0x3  }
0x37: {  	[smem:$0x3FB4] =	sst s10  }
0x38: {  	s10 =	sld [smem:$0x3FB5]  }
0x39: {  	_ = 	snop;
	(pc) =	sbr.ind lr, $3  }
0x3a: {  	_ = 	snop  }
0x3b: {  	_ = 	snop  }
0x3c: {  	p2 =	seq.s32 s10, $0x1;
	s10 =	sld [smem:$0x3FB4]  }
0x3d: {  	_ =	shalt  }
0x3e: {  	_ =	shalt  }
0x3f: {  	_ =	shalt  }
0x40: {  	_ =	shalt  }
0x41: {  	_ =	shalt  }
0x42: {  	_ =	shalt  }
0x43: {  	_ =	shalt  }
0x44: {  	_ =	shalt  }
0x45: {  	_ =	shalt  }
0x46: {  	_ =	shalt  }
0x47: {  	_ =	shalt  }
0x48: {  	_ =	shalt  }
0x49: {  	_ =	shalt  }
0x4a: {  	_ =	shalt  }
0x4b: {  	_ =	shalt  }
0x4c: {  	_ =	shalt  }
0x4d: {  	_ =	shalt  }
0x4e: {  	_ =	shalt  }
0x4f: {  	_ =	shalt  }
0x50: {  	_ =	shalt  }
0x51: {  	_ =	shalt  }
0x52: {  	_ =	shalt  }
0x53: {  	_ =	shalt  }
0x54: {  	_ =	shalt  }
0x55: {  	_ =	shalt  }
0x56: {  	_ =	shalt  }
0x57: {  	_ =	shalt  }
0x58: {  	_ =	shalt  }
0x59: {  	_ =	shalt  }
0x5a: {  	_ =	shalt  }
0x5b: {  	_ =	shalt  }
0x5c: {  	_ =	shalt  }
0x5d: {  	_ =	shalt  }
0x5e: {  	_ =	shalt  }
0x5f: {  	_ =	shalt  }
0x60: {  	_ =	shalt  }
0x61: {  	_ =	shalt  }
0x62: {  	_ =	shalt  }
0x63: {  	_ =	shalt  }
0x64: {  	_ =	shalt  }
0x65: {  	_ =	shalt  }
0x66: {  	_ =	shalt  }
0x67: {  	_ =	shalt  }
0x68: {  	_ =	shalt  }
0x69: {  	_ =	shalt  }
0x6a: {  	_ =	shalt  }
0x6b: {  	_ =	shalt  }
0x6c: {  	_ =	shalt  }
0x6d: {  	_ =	shalt  }
0x6e: {  	_ =	shalt  }
0x6f: {  	_ =	shalt  }
0x70: {  	_ =	shalt  }
0x71: {  	_ =	shalt  }
0x72: {  	_ =	shalt  }
0x73: {  	_ =	shalt  }
0x74: {  	_ =	shalt  }
0x75: {  	_ =	shalt  }
0x76: {  	_ =	shalt  }
0x77: {  	_ =	shalt  }
0x78: {  	_ =	shalt  }
0x79: {  	_ =	shalt  }
0x7a: {  	_ =	shalt  }
0x7b: {  	_ =	shalt  }
0x7c: {  	_ =	shalt  }
0x7d: {  	_ =	shalt  }
0x7e: {  	_ =	shalt  }
0x7f: {  	_ =	shalt  }
0x80: {  	_ =	shalt  }
0x81: {  	_ =	shalt  }
0x82: {  	_ =	shalt  }
0x83: {  	_ =	shalt  }
0x84: {  	_ =	shalt  }
0x85: {  	_ =	shalt  }
0x86: {  	_ =	shalt  }
0x87: {  	_ =	shalt  }
.Lfunc_end0:
.L_simem_size_0:
called_computation.1_lowered:
.L_overlay_start_0:
0x88: {  	s2 =	sld [smem:$0x3FD9]  }
0x89: {  	s3 =	sld [smem:$0x3FFE];
	_ =	sdelay $0x1  }
0x8a: {  	s1 =	srdreg.scid  }
0x8b: {  	s0 =	sand.u32 $0x1, s1  }
0x8c: {  	s17 =	sshll.u32 s0, $0xA;
	s2 =	sadd.s32 s3, s2  }
0x8d: {  	s2 =	sadd.s32 s2, s17  }
0x8e: {  	[smem:$0x3FC0] =	sst s2  }
0x8f: {  	_ = 	snop  }
0x90: {  	s2 =	sld [smem:$0x3FD0];
	(tm) =	ssettm $0x1  }
0x91: {  	s18 =	sld [smem:$0x3FFB];
	_ =	sdelay $0x3  }
0x92: {  	_ =	strace s18  }
0x93: {  	s3 =	sld [smem:$0x3FFC];
	_ =	sdelay $0x3  }
0x94: {  	_ =	strace s3  }
0x95: {  	s3 =	sld [smem:$0x3FFD];
	_ =	sdelay $0x3  }
0x96: {  	_ =	strace s3  }
0x97: {  	_ =	strace $0x8FFFFFFF  }
0x98: {  	s19 =	sld [smem:$0x3FDB];
	_ =	sdelay $0x1  }
0x99: {  	s4 =	simm.s32 $_scs_section_size  }
0x9a: {  	s5 =	simm.s32 $_size__tile_overlayer_lowered;
	s6 =	simm.s32 $_tile_overlayer_lowered  }
0x9b: {  	s22 =	simm.s32 $0x1BFF;
	s21 =	sshll.u32 s6, $0x1;
	s3 =	sadd.s32 s4, s19  }
0x9c: {  	s7 =	simm.s32 $0x0;
	s20 =	sshll.u32 s5, $0x1;
	s5 =	sadd.s32 s21, s3  }
0x9d: {  	[timem:s7], [sflag:s22] =	dma.local [hbm:s5], s20  }
0x9e: {  	_ =	swait.ge [sflag:s22], s20  }
0x9f: {  	s4 =	ssub.s32 $0x0, s20;
	[sflag:s22] =	ssyncset.done $0x0  }
0xa0: {  	[sflag:s22] =	ssyncadd.s32 s4;
	_ =	sdelay $0x1  }
0xa1: {  	s23 =	simm.s32 $0x1B8B  }
0xa2: {  	_ =	swait.ge [sflag:s23], $0x1  }
0xa3: {  	[sflag:s23] =	ssyncset.done $0x0  }
0xa4: {  	s25 =	simm.s32 $0x1B8E;
	s24 =	sld [smem:$0x3FFE];
	[sflag:s23] =	ssyncadd.s32 $0xFFFFFFFF  }
0xa5: {  	s26 =	simm.s32 $execute0_lowered;
	[smem:$0x3FD2] =	sst s25  }
0xa6: {  	s5 =	sshll.u32 s26, $0x1;
	_ =	strace $0x80000049;
	[dreg:$0x1] =	wrdreg $0xFFFFFFFF  }
0xa7: {  	s28 =	simm.s32 $_size_execute0_lowered;
	s3 =	sadd.s32 s3, s5;
	[dreg:$0x0] =	wrdreg $0x0  }
0xa8: {  	s5 =	sshll.u32 s28, $0x1;
	[dreg:$0x2] =	wrdreg s3  }
0xa9: {  	[dreg:$0x3] =	wrdreg s5  }
0xaa: {  	[dreg:$0x4] =	wrdreg $0xC0  }
0xab: {  	_ =	task [dreg:s7], $0x5FFFF  }
0xac: {  	[dreg:$0x1] =	wrdreg $0xFFFFFFFF  }
0xad: {  	[dreg:$0x0] =	wrdreg $0x60  }
0xae: {  	[dreg:$0x2] =	wrdreg s24  }
0xaf: {  	[dreg:$0x3] =	wrdreg s2  }
0xb0: {  	[dreg:$0x4] =	wrdreg $0x98000  }
0xb1: {  	[dreg:$0x5] =	wrdreg $0x9  }
0xb2: {  	_ =	task.clear_ibuf [dreg:s7], $0x6FFFF;
	_ =	strace $0x90000049  }
0xb3: {  	s29 =	simm.s32 $0x9;
	_ =	strace $0x8000004B  }
0xb4: {  	_ =	swait.ge [sflag:s29], $0x1  }
0xb5: {  	[sflag:s29] =	ssyncadd.s32 $0xFFFFFFFF  }
0xb6: {  	_ =	strace $0x9000004B  }
0xb7: {  	_ =	sfence  }
0xb8: {  	s30 =	sld [smem:$0x0];
	_ =	sdelay $0x2  }
0xb9: {  	s31 =	sshll.u32 s1, $0xD;
	s1 =	sshrl.u32 s1, $0x2  }
0xba: {  	s3 =	sand.u32 $0x4000, s31;
	s1 =	sadd.s32 s1, s30  }
0xbb: {  	s0 =	sor.u32 s3, s0;
	s1 =	sshll.u32 s1, $0x11  }
0xbc: {  	s0 =	sor.u32 s1, s0  }
0xbd: {  	s0 =	sadd.s32 $0x8F2B, s0  }
0xbe: {  	[sflag:s0] =	ssyncadd.remote.s32 $0x1  }
0xbf: {  	_ =	sfence.sel $0xFFFF  }
0xc0: {  	[dreg:$0x0] =	wrdreg $0xFFFFFFFF;
	(pc) =	sbr.abs _section_cstart, $3  }
0xc1: {  	[dreg:$0x1] =	wrdreg $0xFFFFFFFF  }
0xc2: {  	_ =	task.clear_ibuf [dreg:s7], $0x2FFFF;
	_ =	strace $0x9FFFFFFF  }
0xc3: {  	(tm) =	ssettm $0x7FFFFFFF  }
tec
execute0_lowered:
.L_overlay_start_1:
0x0: {  	(tag) =	ssettag $0x1  }
0x1: {  	s0 =	rddreg [dreg:$0x0]  }
0x2: {  	s1 =	rddreg [dreg:$0x1];
	s3 =	srdreg.scid  }
0x3: {  	s2 =	rddreg [dreg:$0x2];
	s11 =	stileid.u32;
	s6 =	simm.s32 $0x0  }
0x4: {  	s31 =	simm.s32 $0x80;
	s30 =	simm.s32 $0x4000;
	s5 =	smul.u32 $0xA000, s11  }
0x5: {  	s28 =	simm.s32 $0x8000;
	s29 =	simm.s32 $0x8;
	s7 =	smul.u32 $0x5000, s11  }
0x6: {  	s3 =	sand.u32 $0x1, s3;
	[smem:$0x7FF] =	sst s6;
	s10 =	smul.u32 $0x14000, s11  }
0x7: {  	s6 =	sadd.s32 $0xC200, s0;
	s8 =	sadd.s32 $0x2200, s0;
	s22 =	smul.u32 $0xA00, s11  }
0x8: {  	s11 =	simm.s32 $0x13;
	s4 =	smul.u32 $0xA0000, s3;
	s7 =	sshrl.u32 s7, $0x3  }
0x9: {  	_ =	strace $0x8000004A;
	s23 =	ssub.s32 $0x2, s3;
	s24 =	sadd.s32 s6, s7  }
0xa: {  	s26 =	sshrl.u32 s10, $0x2;
	s25 =	sadd.s32 s8, s7;
	[dreg:$0x4] =	wrdreg s24  }
0xb: {  	s3 =	smul.u32 $0x9C40, s3;
	s13 =	sadd.s32 s26, s2;
	[dreg:$0x5] =	wrdreg s25  }
0xc: {  	s7 =	sor.u32 $0x80, s7;
	s26 =	sadd.s32 s22, s8;
	[dreg:$0x8] =	wrdreg s13  }
0xd: {  	s9 =	sshrl.u32 s23, $0x1;
	s12 =	sadd.s32 s6, s7;
	[dreg:$0x14] =	wrdreg s26  }
0xe: {  	s14 =	sshrl.u32 s5, $0x1;
	s7 =	sadd.s32 s8, s7;
	[dreg:$0x6] =	wrdreg s12  }
0xf: {  	s10 =	simm.s32 $0x1;
	s16 =	sadd.s32 $0x800, s13;
	[dreg:$0x7] =	wrdreg s7  }
0x10: {  	s4 =	sadd.s32 s5, s4;
	s17 =	sadd.s32 $0x1000, s13;
	[dreg:$0xb] =	wrdreg s16  }
0x11: {  	s4 =	sshrl.u32 s4, $0x4;
	s18 =	sadd.s32 $0x1800, s13;
	[dreg:$0xc] =	wrdreg s17  }
0x12: {  	s19 =	sadd.s32 $0x2000, s13;
	s20 =	sadd.s32 $0x2800, s13;
	[dreg:$0xd] =	wrdreg s18  }
0x13: {  	s21 =	sadd.s32 $0x3000, s13;
	s24 =	sadd.s32 $0x4000, s13;
	[dreg:$0xe] =	wrdreg s19  }
0x14: {  	s25 =	sadd.s32 $0x4800, s13;
	s26 =	simm.s32 $0xB;
	[dreg:$0xf] =	wrdreg s20  }
0x15: {  	s8 =	simm.s32 $0x4;
	s0 =	sadd.s32 s4, s0;
	[dreg:$0x10] =	wrdreg s21  }
0x16: {  	s4 =	ssub.s32 s23, s9;
	s9 =	sadd.s32 s1, s3;
	[dreg:$0x12] =	wrdreg s24  }
0x17: {  	s23 =	sadd.s32 $0x3800, s13;
	[dreg:$0x13] =	wrdreg s25;
	s1 =	sadd.s32 s22, s6  }
0x18: {  	s7 =	simm.s32 $0x400;
	s22 =	simm.s32 $0xC00;
	s13 =	simm.s32 $0x1000  }
0x19: {  	s17 =	simm.s32 $0x3000;
	s18 =	simm.s32 $0x5000;
	s19 =	simm.s32 $0x6000  }
0x1a: {  	s25 =	simm.s32 $0x7000;
	s20 =	simm.s32 $0x9;
	s24 =	simm.s32 $0xA  }
0x1b: {  	s3 =	simm.s32 $0xC;
	s12 =	simm.s32 $0x2;
	s16 =	simm.s32 $0x3  }
.Ltmp0:
0x1c: {  	s6 =	simm.s32 $0x6;
	[dreg:$0x11] =	wrdreg s23;
	(pc) =	sbr.rel .LBB2_1-.Ltmp0, $4  }
0x1d: {  	s0 =	sadd.s32 $0x66200, s0;
	s15 =	smax.u32 s4, $0x1;
	[dreg:$0x15] =	wrdreg s1  }
0x1e: {  	s1 =	simm.s32 $0x0;
	[dreg:$0x9] =	wrdreg s0;
	s0 =	sadd.s32 s14, s2  }
0x1f: {  	s4 =	simm.s32 $0x5;
	[dreg:$0xa] =	wrdreg s15;
	s0 =	sshrl.u32 s0, $0x3  }
0x20: {  	v0 =	vimm.bf16 $0.0e+00;
	s15 =	simm.s32 $0x2000;
	s14 =	simm.s32 $0x7;
	[dreg:$0x16] =	wrdreg s0  }
.LBB2_6:
0x21: {  	_ =	swait.ge [sflag:s20], $0x1000  }
0x22: {  	[sflag:s20] =	ssyncset.done $0x0  }
0x23: {  	[sflag:s20] =	ssyncadd.s32 $0xFFFFF000  }
0x24: {  	_ =	swait.ge [sflag:s24], $0x1000  }
0x25: {  	[sflag:s24] =	ssyncset.done $0x0  }
0x26: {  	[sflag:s24] =	ssyncadd.s32 $0xFFFFF000  }
0x27: {  	_ =	swait.ge [sflag:s26], $0x1000  }
0x28: {  	[sflag:s26] =	ssyncset.done $0x0  }
0x29: {  	[sflag:s26] =	ssyncadd.s32 $0xFFFFF000  }
0x2a: {  	_ =	swait.ge [sflag:s3], $0x1000  }
0x2b: {  	[sflag:s3] =	ssyncset.done $0x0  }
0x2c: {  	[sflag:s3] =	ssyncadd.s32 $0xFFFFF000  }
0x2d: {  	_ =	swait.ge [sflag:s5], $0x1000  }
0x2e: {  	[sflag:s5] =	ssyncset.done $0x0  }
0x2f: {  	s0 =	simm.s32 $0xE;
	[sflag:s5] =	ssyncadd.s32 $0xFFFFF000  }
0x30: {  	_ =	swait.ge [sflag:s0], $0x1000  }
0x31: {  	[sflag:s0] =	ssyncset.done $0x0  }
0x32: {  	s1 =	simm.s32 $0xF;
	[sflag:s0] =	ssyncadd.s32 $0xFFFFF000  }
0x33: {  	_ =	swait.ge [sflag:s1], $0x1000  }
0x34: {  	[sflag:s1] =	ssyncset.done $0x0  }
0x35: {  	s5 =	simm.s32 $0x10;
	[sflag:s1] =	ssyncadd.s32 $0xFFFFF000  }
0x36: {  	_ =	swait.ge [sflag:s5], $0x1000  }
0x37: {  	[sflag:s5] =	ssyncset.done $0x0  }
0x38: {  	[sflag:s5] =	ssyncadd.s32 $0xFFFFF000  }
0x39: {  	s7 =	stileid.u32;
	[bflag:$0x0] =	sbarrier.arrive $0xFFFF  }
0x3a: {  	s0 =	sshll.u32 s7, $0x6;
	s1 =	rddreg [dreg:$0x9]  }
0x3b: {  	s0 =	sor.u32 $0x1C13, s0;
	s11 =	rddreg [dreg:$0x16]  }
0x3c: {  	[hbm:s1], [sflag:s0] =	dma.local [spmem:s11], $0xA00  }
0x3d: {  	s11 =	simm.s32 $0x13  }
0x3e: {  	_ =	swait.ge [sflag:s11], $0xA00  }
0x3f: {  	s21 =	rddreg [dreg:$0x17]  }
0x40: {  	s23 =	rddreg [dreg:$0xa];
	s1 =	sadd.s32 $0x1, s21  }
0x41: {  	p0 =	sne.s32 s1, s23  }
.Ltmp1:
0x42: {  	_ = 	snop;
	(pc) =	sbr.rel @!p0 .LBB2_7-.Ltmp1, $3  }
0x43: {  	_ =	sdelay $0x1  }
0x44: {  	[sflag:s11] =	ssyncset.done $0x0  }
0x45: {  	s7 =	simm.s32 $0x400;
	[sflag:s11] =	ssyncadd.s32 $0xFFFFF600  }
.LBB2_1:
0x46: {  	[dreg:$0x17] =	wrdreg s1  }
0x47: {  	s0 =	simm.s32 $0x0;
	s5 =	rddreg [dreg:$0x4]  }
0x48: {  	[tilespmem:s0], [sflag:$0x11] =	stream.linear.gather [hbm4b:s5+s0], $0x400, $0x38;
	[tilespmem:$0xE800] =	vst v63  }
0x49: {  	s21 =	rddreg [dreg:$0x5];
	s5 =	simm.s32 $0x800  }
0x4a: {  	[tilespmem:s5], [sflag:$0x11] =	stream.linear.gather [hbm4b:s21+s0], $0x400, $0x38;
	[tilespmem:$0xE800] =	vst v63  }
0x4b: {  	s23 =	rddreg [dreg:$0x6]  }
0x4c: {  	[tilespmem:s7], [sflag:$0x12] =	stream.linear.gather [hbm4b:s23+s0], $0x400, $0x38;
	[tilespmem:$0xE800] =	vst v63  }
0x4d: {  	s21 =	rddreg [dreg:$0x7]  }
0x4e: {  	[tilespmem:s22], [sflag:$0x12] =	stream.linear.gather [hbm4b:s21+s0], $0x400, $0x38;
	[tilespmem:$0xE800] =	vst v63  }
0x4f: {  	s1 =	simm.s32 $0x0;
	s21 =	simm.s32 $0x80;
	s22 =	simm.s32 $0x0  }
.LBB2_2:
0x50: {  	p0 =	sne.s32 s21, $0x1F80;
	[tilespmem:s22+$0x9000] =	vst v0;
	s0 =	smov.u32 s21;
	s21 =	sadd.s32 $0x80, s21  }
.Ltmp2:
0x51: {  	[tilespmem:s22+$0x9010] =	vst v0;
	(pc) =	sbr.rel @p0 .LBB2_2-.Ltmp2, $2  }
0x52: {  	_ =	sdelay $0x2  }
0x53: {  	s22 =	sshra.s32 s0, $0x2  }
0x54: {  	[tilespmem:s22+$0x9000] =	vst v0  }
0x55: {  	[tilespmem:s22+$0x9010] =	vst v0;
	s0 =	rddreg [dreg:$0x8];
	s5 =	simm.s32 $0x9000  }
0x56: {  	[spmem:s0] =	stream.linear.scatter [tilespmem:s5], [sflag:$0x13], $0x800, $0x38;
	[tilespmem:$0xE800] =	vst v63  }
0x57: {  	_ =	swait.ge [sflag:s11], $0x800  }
0x58: {  	[sflag:s11] =	ssyncset.done $0x0  }
0x59: {  	s7 =	rddreg [dreg:$0xb];
	[sflag:s11] =	ssyncadd.s32 $0xFFFFF800  }
0x5a: {  	[spmem:s7] =	stream.linear.scatter [tilespmem:s5], [sflag:$0x13], $0x800, $0x38;
	[tilespmem:$0xE800] =	vst v63  }
0x5b: {  	_ =	swait.ge [sflag:s11], $0x800  }
0x5c: {  	[sflag:s11] =	ssyncset.done $0x0  }
0x5d: {  	s21 =	rddreg [dreg:$0xc];
	[sflag:s11] =	ssyncadd.s32 $0xFFFFF800  }
0x5e: {  	[spmem:s21] =	stream.linear.scatter [tilespmem:s5], [sflag:$0x13], $0x800, $0x38;
	[tilespmem:$0xE800] =	vst v63  }
0x5f: {  	_ =	swait.ge [sflag:s11], $0x800  }
0x60: {  	[sflag:s11] =	ssyncset.done $0x0  }
0x61: {  	s22 =	rddreg [dreg:$0xd];
	[sflag:s11] =	ssyncadd.s32 $0xFFFFF800  }
0x62: {  	[spmem:s22] =	stream.linear.scatter [tilespmem:s5], [sflag:$0x13], $0x800, $0x38;
	[tilespmem:$0xE800] =	vst v63  }
0x63: {  	_ =	swait.ge [sflag:s11], $0x800  }
0x64: {  	[sflag:s11] =	ssyncset.done $0x0  }
0x65: {  	s23 =	rddreg [dreg:$0xe];
	[sflag:s11] =	ssyncadd.s32 $0xFFFFF800  }
0x66: {  	[spmem:s23] =	stream.linear.scatter [tilespmem:s5], [sflag:$0x13], $0x800, $0x38;
	[tilespmem:$0xE800] =	vst v63  }
0x67: {  	_ =	swait.ge [sflag:s11], $0x800  }
0x68: {  	[sflag:s11] =	ssyncset.done $0x0  }
0x69: {  	s7 =	rddreg [dreg:$0xf];
	[sflag:s11] =	ssyncadd.s32 $0xFFFFF800  }
0x6a: {  	[spmem:s7] =	stream.linear.scatter [tilespmem:s5], [sflag:$0x13], $0x800, $0x38;
	[tilespmem:$0xE800] =	vst v63  }
0x6b: {  	_ =	swait.ge [sflag:s11], $0x800  }
0x6c: {  	[sflag:s11] =	ssyncset.done $0x0  }
0x6d: {  	s21 =	rddreg [dreg:$0x10];
	[sflag:s11] =	ssyncadd.s32 $0xFFFFF800  }
0x6e: {  	[spmem:s21] =	stream.linear.scatter [tilespmem:s5], [sflag:$0x13], $0x800, $0x38;
	[tilespmem:$0xE800] =	vst v63  }
0x6f: {  	_ =	swait.ge [sflag:s11], $0x800  }
0x70: {  	[sflag:s11] =	ssyncset.done $0x0  }
0x71: {  	s22 =	rddreg [dreg:$0x11];
	[sflag:s11] =	ssyncadd.s32 $0xFFFFF800  }
0x72: {  	[spmem:s22] =	stream.linear.scatter [tilespmem:s5], [sflag:$0x13], $0x800, $0x38;
	[tilespmem:$0xE800] =	vst v63  }
0x73: {  	_ =	swait.ge [sflag:s11], $0x800  }
0x74: {  	[sflag:s11] =	ssyncset.done $0x0  }
0x75: {  	s23 =	rddreg [dreg:$0x12];
	[sflag:s11] =	ssyncadd.s32 $0xFFFFF800  }
0x76: {  	[spmem:s23] =	stream.linear.scatter [tilespmem:s5], [sflag:$0x13], $0x800, $0x38;
	[tilespmem:$0xE800] =	vst v63  }
0x77: {  	_ =	swait.ge [sflag:s11], $0x800  }
0x78: {  	[sflag:s11] =	ssyncset.done $0x0  }
0x79: {  	s7 =	rddreg [dreg:$0x13];
	[sflag:s11] =	ssyncadd.s32 $0xFFFFF800  }
0x7a: {  	[spmem:s7] =	stream.linear.scatter [tilespmem:s5], [sflag:$0x13], $0x800, $0x38;
	[tilespmem:$0xE800] =	vst v63  }
0x7b: {  	_ =	swait.ge [sflag:s11], $0x800  }
0x7c: {  	[sflag:s11] =	ssyncset.done $0x0  }
0x7d: {  	[sflag:s11] =	ssyncadd.s32 $0xFFFFF800  }
0x7e: {  	s11 =	simm.s32 $0x11;
	[bflag:$0x0] =	sbarrier.arrive $0xFFFF  }
0x7f: {  	_ =	swait.ge [sflag:s11], $0x400  }
0x80: {  	[sflag:s11] =	ssyncset.done $0x0  }
0x81: {  	[sflag:s11] =	ssyncadd.s32 $0xFFFFFC00  }
0x82: {  	_ =	swait.ge [sflag:s11], $0x400  }
0x83: {  	[sflag:s11] =	ssyncset.done $0x0  }
0x84: {  	[sflag:s11] =	ssyncadd.s32 $0xFFFFFC00  }
0x85: {  	[tilespmem:s13], [sflag:$0x1] =	stream.indirect.gather [hbm4b:s9+s31], $0x20, s1, s31, $0xb8;
	[tilespmem:$0xE800] =	vst v63  }
0x86: {  	_ = 	snop  }
0x87: {  	[tilespmem:s15], [sflag:$0x2] =	stream.indirect.gather [hbm4b:s9+s31], $0x20, s31, s31, $0xb8;
	[tilespmem:$0xE800] =	vst v63  }
0x88: {  	s15 =	simm.s32 $0x100  }
0x89: {  	[tilespmem:s17], [sflag:$0x3] =	stream.indirect.gather [hbm4b:s9+s31], $0x20, s15, s31, $0xb8;
	[tilespmem:$0xE800] =	vst v63  }
0x8a: {  	s21 =	simm.s32 $0x200;
	s22 =	simm.s32 $0x280;
	s17 =	simm.s32 $0x180  }
0x8b: {  	[tilespmem:s30], [sflag:$0x4] =	stream.indirect.gather [hbm4b:s9+s31], $0x20, s17, s31, $0xb8;
	[tilespmem:$0xE800] =	vst v63  }
0x8c: {  	s23 =	simm.s32 $0x300;
	s5 =	simm.s32 $0xD;
	s7 =	rddreg [dreg:$0x15]  }
0x8d: {  	[tilespmem:s18], [sflag:$0x5] =	stream.indirect.gather [hbm4b:s9+s31], $0x20, s21, s31, $0xb8;
	[tilespmem:$0xE800] =	vst v63  }
0x8e: {  	s1 =	simm.s32 $0x400;
	s13 =	simm.s32 $0xC00;
	s15 =	simm.s32 $0x1000  }
0x8f: {  	[tilespmem:s19], [sflag:$0x6] =	stream.indirect.gather [hbm4b:s9+s31], $0x20, s22, s31, $0xb8;
	[tilespmem:$0xE800] =	vst v63  }
0x90: {  	s30 =	simm.s32 $0x3000;
	s17 =	simm.s32 $0x2000;
	s21 =	simm.s32 $0xFFFFF700  }
0x91: {  	[tilespmem:s25], [sflag:$0x7] =	stream.indirect.gather [hbm4b:s9+s31], $0x20, s23, s31, $0xb8;
	[tilespmem:$0xE800] =	vst v63  }
0x92: {  	s18 =	simm.s32 $0x4000;
	s19 =	simm.s32 $0x5000;
	s25 =	simm.s32 $0x380  }
0x93: {  	[tilespmem:s28], [sflag:$0x8] =	stream.indirect.gather [hbm4b:s9+s31], $0x20, s25, s31, $0xb8;
	[tilespmem:$0xE800] =	vst v63  }
0x94: {  	s23 =	simm.s32 $0x8000;
	s28 =	simm.s32 $0x7000;
	s25 =	simm.s32 $0x6000  }
.LBB2_4:
0x95: {  	_ =	swait.ge [sflag:s10], $0x1000  }
0x96: {  	[sflag:s10] =	ssyncset.done $0x0  }
0x97: {  	s0 =	simm.s32 $0x800;
	[sflag:s10] =	ssyncadd.s32 $0xFFFFF000  }
0x98: {  	[spmem:s2] =	stream.indirect.scatter.add.bf16 [tilespmem:s15], [sflag:$0x9], $0x20, s0, s31, $0xb8;
	[tilespmem:$0xE800] =	vst v63  }
0x99: {  	_ =	swait.ge [sflag:s12], $0x1000  }
0x9a: {  	[sflag:s12] =	ssyncset.done $0x0  }
0x9b: {  	s11 =	simm.s32 $0x880;
	[sflag:s12] =	ssyncadd.s32 $0xFFFFF000  }
0x9c: {  	[spmem:s2] =	stream.indirect.scatter.add.bf16 [tilespmem:s17], [sflag:$0xA], $0x20, s11, s31, $0xb8;
	[tilespmem:$0xE800] =	vst v63  }
0x9d: {  	_ =	swait.ge [sflag:s16], $0x1000  }
0x9e: {  	[sflag:s16] =	ssyncset.done $0x0  }
0x9f: {  	s22 =	simm.s32 $0x900;
	[sflag:s16] =	ssyncadd.s32 $0xFFFFF000  }
0xa0: {  	[spmem:s2] =	stream.indirect.scatter.add.bf16 [tilespmem:s30], [sflag:$0xB], $0x20, s22, s31, $0xb8;
	[tilespmem:$0xE800] =	vst v63  }
0xa1: {  	_ =	swait.ge [sflag:s8], $0x1000  }
0xa2: {  	[sflag:s8] =	ssyncset.done $0x0  }
0xa3: {  	s11 =	simm.s32 $0x980;
	[sflag:s8] =	ssyncadd.s32 $0xFFFFF000  }
0xa4: {  	[spmem:s2] =	stream.indirect.scatter.add.bf16 [tilespmem:s18], [sflag:$0xC], $0x20, s11, s31, $0xb8;
	[tilespmem:$0xE800] =	vst v63  }
0xa5: {  	_ =	swait.ge [sflag:s4], $0x1000  }
0xa6: {  	[sflag:s4] =	ssyncset.done $0x0  }
0xa7: {  	s22 =	simm.s32 $0xA00;
	[sflag:s4] =	ssyncadd.s32 $0xFFFFF000  }
0xa8: {  	[spmem:s2] =	stream.indirect.scatter.add.bf16 [tilespmem:s19], [sflag:$0xD], $0x20, s22, s31, $0xb8;
	[tilespmem:$0xE800] =	vst v63  }
0xa9: {  	_ =	swait.ge [sflag:s6], $0x1000  }
0xaa: {  	[sflag:s6] =	ssyncset.done $0x0  }
0xab: {  	s11 =	simm.s32 $0xA80;
	[sflag:s6] =	ssyncadd.s32 $0xFFFFF000  }
0xac: {  	[spmem:s2] =	stream.indirect.scatter.add.bf16 [tilespmem:s25], [sflag:$0xE], $0x20, s11, s31, $0xb8;
	[tilespmem:$0xE800] =	vst v63  }
0xad: {  	_ =	swait.ge [sflag:s14], $0x1000  }
0xae: {  	[sflag:s14] =	ssyncset.done $0x0  }
0xaf: {  	s22 =	simm.s32 $0xB00;
	[sflag:s14] =	ssyncadd.s32 $0xFFFFF000  }
0xb0: {  	[spmem:s2] =	stream.indirect.scatter.add.bf16 [tilespmem:s28], [sflag:$0xF], $0x20, s22, s31, $0xb8;
	[tilespmem:$0xE800] =	vst v63  }
0xb1: {  	_ =	swait.ge [sflag:s29], $0x1000  }
0xb2: {  	[sflag:s29] =	ssyncset.done $0x0  }
0xb3: {  	s11 =	simm.s32 $0xB80;
	s22 =	simm.s32 $0x12;
	[sflag:s29] =	ssyncadd.s32 $0xFFFFF000  }
0xb4: {  	[spmem:s2] =	stream.indirect.scatter.add.bf16 [tilespmem:s23], [sflag:$0x10], $0x20, s11, s31, $0xb8;
	[tilespmem:$0xE800] =	vst v63  }
0xb5: {  	_ =	swait.ge [sflag:s22], $0x400  }
0xb6: {  	[sflag:s22] =	ssyncset.done $0x0  }
0xb7: {  	[sflag:s22] =	ssyncadd.s32 $0xFFFFFC00  }
0xb8: {  	_ =	swait.ge [sflag:s22], $0x400  }
0xb9: {  	[sflag:s22] =	ssyncset.done $0x0  }
0xba: {  	[sflag:s22] =	ssyncadd.s32 $0xFFFFFC00  }
0xbb: {  	_ =	swait.ge [sflag:s20], $0x1000  }
0xbc: {  	[sflag:s20] =	ssyncset.done $0x0  }
0xbd: {  	[sflag:s20] =	ssyncadd.s32 $0xFFFFF000  }
0xbe: {  	[tilespmem:s15], [sflag:$0x1] =	stream.indirect.gather [hbm4b:s9+s31], $0x20, s1, s31, $0xb8;
	[tilespmem:$0xE800] =	vst v63  }
0xbf: {  	_ =	swait.ge [sflag:s24], $0x1000  }
0xc0: {  	[sflag:s24] =	ssyncset.done $0x0  }
0xc1: {  	s11 =	simm.s32 $0x480;
	[sflag:s24] =	ssyncadd.s32 $0xFFFFF000  }
0xc2: {  	[tilespmem:s17], [sflag:$0x2] =	stream.indirect.gather [hbm4b:s9+s31], $0x20, s11, s31, $0xb8;
	[tilespmem:$0xE800] =	vst v63  }
0xc3: {  	_ =	swait.ge [sflag:s26], $0x1000  }
0xc4: {  	[sflag:s26] =	ssyncset.done $0x0  }
0xc5: {  	s22 =	simm.s32 $0x500;
	[sflag:s26] =	ssyncadd.s32 $0xFFFFF000  }
0xc6: {  	[tilespmem:s30], [sflag:$0x3] =	stream.indirect.gather [hbm4b:s9+s31], $0x20, s22, s31, $0xb8;
	[tilespmem:$0xE800] =	vst v63  }
0xc7: {  	_ =	swait.ge [sflag:s3], $0x1000  }
0xc8: {  	[sflag:s3] =	ssyncset.done $0x0  }
0xc9: {  	s1 =	simm.s32 $0x580;
	[sflag:s3] =	ssyncadd.s32 $0xFFFFF000  }
0xca: {  	[tilespmem:s18], [sflag:$0x4] =	stream.indirect.gather [hbm4b:s9+s31], $0x20, s1, s31, $0xb8;
	[tilespmem:$0xE800] =	vst v63  }
0xcb: {  	_ =	swait.ge [sflag:s5], $0x1000  }
0xcc: {  	[sflag:s5] =	ssyncset.done $0x0  }
0xcd: {  	s11 =	simm.s32 $0x600;
	s22 =	simm.s32 $0xE;
	[sflag:s5] =	ssyncadd.s32 $0xFFFFF000  }
0xce: {  	[tilespmem:s19], [sflag:$0x5] =	stream.indirect.gather [hbm4b:s9+s31], $0x20, s11, s31, $0xb8;
	[tilespmem:$0xE800] =	vst v63  }
0xcf: {  	_ =	swait.ge [sflag:s22], $0x1000  }
0xd0: {  	[sflag:s22] =	ssyncset.done $0x0  }
0xd1: {  	s1 =	simm.s32 $0x680;
	s11 =	simm.s32 $0xF;
	[sflag:s22] =	ssyncadd.s32 $0xFFFFF000  }
0xd2: {  	[tilespmem:s25], [sflag:$0x6] =	stream.indirect.gather [hbm4b:s9+s31], $0x20, s1, s31, $0xb8;
	[tilespmem:$0xE800] =	vst v63  }
0xd3: {  	_ =	swait.ge [sflag:s11], $0x1000  }
0xd4: {  	[sflag:s11] =	ssyncset.done $0x0  }
0xd5: {  	s22 =	simm.s32 $0x700;
	s1 =	simm.s32 $0x10;
	[sflag:s11] =	ssyncadd.s32 $0xFFFFF000  }
0xd6: {  	[tilespmem:s28], [sflag:$0x7] =	stream.indirect.gather [hbm4b:s9+s31], $0x20, s22, s31, $0xb8;
	[tilespmem:$0xE800] =	vst v63  }
0xd7: {  	_ =	swait.ge [sflag:s1], $0x1000  }
0xd8: {  	p0 =	seq.s32 s21, $0x0;
	[sflag:s1] =	ssyncset.done $0x0  }
0xd9: {  	s0 =	sadd.s32 @!p0 s21, s7;
	s11 =	simm.s32 $0x780;
	[sflag:s1] =	ssyncadd.s32 $0xFFFFF000  }
0xda: {  	[tilespmem:s23], [sflag:$0x8] =	stream.indirect.gather [hbm4b:s9+s31], $0x20, s11, s31, $0xb8;
	[tilespmem:$0xE800] =	vst v63  }
0xdb: {  	s0 =	sadd.s32 @!p0 $0xA00, s0;
	s22 =	simm.s32 @!p0 $0x0  }
0xdc: {  	[tilespmem:s22], [sflag:$0x11] =	stream.linear.gather @!p0 [hbm4b:s0+s22], $0x400, $0x38;
	[tilespmem:$0xE800] =	vst v63  }
0xdd: {  	s0 =	rddreg [dreg:$0x14]  }
0xde: {  	s0 =	sadd.s32 @!p0 s21, s0  }
0xdf: {  	s1 =	simm.s32 @!p0 $0x800;
	s0 =	sadd.s32 @!p0 $0xA00, s0  }
0xe0: {  	[tilespmem:s1], [sflag:$0x11] =	stream.linear.gather @!p0 [hbm4b:s0+s22], $0x400, $0x38;
	[tilespmem:$0xE800] =	vst v63  }
0xe1: {  	_ =	swait.ge [sflag:s10], $0x1000  }
0xe2: {  	[sflag:s10] =	ssyncset.done $0x0  }
0xe3: {  	[sflag:s10] =	ssyncadd.s32 $0xFFFFF000  }
0xe4: {  	[spmem:s2] =	stream.indirect.scatter.add.bf16 [tilespmem:s15], [sflag:$0x9], $0x20, s13, s31, $0xb8;
	[tilespmem:$0xE800] =	vst v63  }
0xe5: {  	_ =	swait.ge [sflag:s12], $0x1000  }
0xe6: {  	[sflag:s12] =	ssyncset.done $0x0  }
0xe7: {  	s13 =	simm.s32 $0xC80;
	[sflag:s12] =	ssyncadd.s32 $0xFFFFF000  }
0xe8: {  	[spmem:s2] =	stream.indirect.scatter.add.bf16 [tilespmem:s17], [sflag:$0xA], $0x20, s13, s31, $0xb8;
	[tilespmem:$0xE800] =	vst v63  }
0xe9: {  	_ =	swait.ge [sflag:s16], $0x1000  }
0xea: {  	[sflag:s16] =	ssyncset.done $0x0  }
0xeb: {  	s15 =	simm.s32 $0xD00;
	[sflag:s16] =	ssyncadd.s32 $0xFFFFF000  }
0xec: {  	[spmem:s2] =	stream.indirect.scatter.add.bf16 [tilespmem:s30], [sflag:$0xB], $0x20, s15, s31, $0xb8;
	[tilespmem:$0xE800] =	vst v63  }
0xed: {  	_ =	swait.ge [sflag:s8], $0x1000  }
0xee: {  	[sflag:s8] =	ssyncset.done $0x0  }
0xef: {  	s17 =	simm.s32 $0xD80;
	[sflag:s8] =	ssyncadd.s32 $0xFFFFF000  }
0xf0: {  	[spmem:s2] =	stream.indirect.scatter.add.bf16 [tilespmem:s18], [sflag:$0xC], $0x20, s17, s31, $0xb8;
	[tilespmem:$0xE800] =	vst v63  }
0xf1: {  	_ =	swait.ge [sflag:s4], $0x1000  }
0xf2: {  	[sflag:s4] =	ssyncset.done $0x0  }
0xf3: {  	s18 =	simm.s32 $0xE00;
	[sflag:s4] =	ssyncadd.s32 $0xFFFFF000  }
0xf4: {  	[spmem:s2] =	stream.indirect.scatter.add.bf16 [tilespmem:s19], [sflag:$0xD], $0x20, s18, s31, $0xb8;
	[tilespmem:$0xE800] =	vst v63  }
0xf5: {  	_ =	swait.ge [sflag:s6], $0x1000  }
0xf6: {  	[sflag:s6] =	ssyncset.done $0x0  }
0xf7: {  	s19 =	simm.s32 $0xE80;
	[sflag:s6] =	ssyncadd.s32 $0xFFFFF000  }
0xf8: {  	[spmem:s2] =	stream.indirect.scatter.add.bf16 [tilespmem:s25], [sflag:$0xE], $0x20, s19, s31, $0xb8;
	[tilespmem:$0xE800] =	vst v63  }
0xf9: {  	_ =	swait.ge [sflag:s14], $0x1000  }
0xfa: {  	s11 =	simm.s32 $0x400;
	s22 =	simm.s32 $0xF00;
	[sflag:s14] =	ssyncset.done $0x0  }
0xfb: {  	s13 =	simm.s32 $0x1000;
	s15 =	simm.s32 $0x2000;
	[sflag:s14] =	ssyncadd.s32 $0xFFFFF000  }
0xfc: {  	[spmem:s2] =	stream.indirect.scatter.add.bf16 [tilespmem:s28], [sflag:$0xF], $0x20, s22, s31, $0xb8;
	[tilespmem:$0xE800] =	vst v63  }
.Ltmp3:
0xfd: {  	s30 =	simm.s32 $0x4000;
	_ =	swait.ge [sflag:s29], $0x1000;
	(pc) =	sbr.rel @p0 .LBB2_6-.Ltmp3, $4  }
0xfe: {  	s17 =	simm.s32 $0x3000;
	s18 =	simm.s32 $0x5000;
	[sflag:s29] =	ssyncset.done $0x0  }
0xff: {  	s25 =	simm.s32 $0xF80;
	s19 =	simm.s32 $0x6000;
	[sflag:s29] =	ssyncadd.s32 $0xFFFFF000  }
0x100: {  	[spmem:s2] =	stream.indirect.scatter.add.bf16 [tilespmem:s23], [sflag:$0x10], $0x20, s25, s31, $0xb8;
	[tilespmem:$0xE800] =	vst v63  }
0x101: {  	s22 =	simm.s32 $0xC00;
	s28 =	simm.s32 $0x8000;
	s25 =	simm.s32 $0x7000  }
0x102: {  	s0 =	simm.s32 $0x11  }
0x103: {  	_ =	swait.ge [sflag:s0], $0x400  }
0x104: {  	[sflag:s0] =	ssyncset.done $0x0  }
0x105: {  	[sflag:s0] =	ssyncadd.s32 $0xFFFFFC00  }
0x106: {  	_ =	swait.ge [sflag:s0], $0x400  }
0x107: {  	[sflag:s0] =	ssyncset.done $0x0  }
0x108: {  	[sflag:s0] =	ssyncadd.s32 $0xFFFFFC00  }
0x109: {  	_ =	swait.ge [sflag:s20], $0x1000  }
0x10a: {  	[sflag:s20] =	ssyncset.done $0x0  }
0x10b: {  	s1 =	simm.s32 $0x0;
	[sflag:s20] =	ssyncadd.s32 $0xFFFFF000  }
0x10c: {  	[tilespmem:s13], [sflag:$0x1] =	stream.indirect.gather [hbm4b:s9+s31], $0x20, s1, s31, $0xb8;
	[tilespmem:$0xE800] =	vst v63  }
0x10d: {  	_ =	swait.ge [sflag:s24], $0x1000  }
0x10e: {  	[sflag:s24] =	ssyncset.done $0x0  }
0x10f: {  	[sflag:s24] =	ssyncadd.s32 $0xFFFFF000  }
0x110: {  	[tilespmem:s15], [sflag:$0x2] =	stream.indirect.gather [hbm4b:s9+s31], $0x20, s31, s31, $0xb8;
	[tilespmem:$0xE800] =	vst v63  }
0x111: {  	_ =	swait.ge [sflag:s26], $0x1000  }
0x112: {  	[sflag:s26] =	ssyncset.done $0x0  }
0x113: {  	s13 =	simm.s32 $0x100;
	[sflag:s26] =	ssyncadd.s32 $0xFFFFF000  }
0x114: {  	[tilespmem:s17], [sflag:$0x3] =	stream.indirect.gather [hbm4b:s9+s31], $0x20, s13, s31, $0xb8;
	[tilespmem:$0xE800] =	vst v63  }
0x115: {  	_ =	swait.ge [sflag:s3], $0x1000  }
0x116: {  	[sflag:s3] =	ssyncset.done $0x0  }
0x117: {  	s15 =	simm.s32 $0x180;
	[sflag:s3] =	ssyncadd.s32 $0xFFFFF000  }
0x118: {  	[tilespmem:s30], [sflag:$0x4] =	stream.indirect.gather [hbm4b:s9+s31], $0x20, s15, s31, $0xb8;
	[tilespmem:$0xE800] =	vst v63  }
0x119: {  	_ =	swait.ge [sflag:s5], $0x1000  }
0x11a: {  	[sflag:s5] =	ssyncset.done $0x0  }
0x11b: {  	s23 =	simm.s32 $0xE;
	s17 =	simm.s32 $0x200;
	[sflag:s5] =	ssyncadd.s32 $0xFFFFF000  }
0x11c: {  	[tilespmem:s18], [sflag:$0x5] =	stream.indirect.gather [hbm4b:s9+s31], $0x20, s17, s31, $0xb8;
	[tilespmem:$0xE800] =	vst v63  }
0x11d: {  	_ =	swait.ge [sflag:s23], $0x1000  }
0x11e: {  	[sflag:s23] =	ssyncset.done $0x0  }
0x11f: {  	s13 =	simm.s32 $0x280;
	s15 =	simm.s32 $0xF;
	[sflag:s23] =	ssyncadd.s32 $0xFFFFF000  }
0x120: {  	[tilespmem:s19], [sflag:$0x6] =	stream.indirect.gather [hbm4b:s9+s31], $0x20, s13, s31, $0xb8;
	[tilespmem:$0xE800] =	vst v63  }
0x121: {  	_ =	swait.ge [sflag:s15], $0x1000  }
0x122: {  	[sflag:s15] =	ssyncset.done $0x0  }
0x123: {  	s17 =	simm.s32 $0x300;
	s18 =	simm.s32 $0x10;
	[sflag:s15] =	ssyncadd.s32 $0xFFFFF000  }
0x124: {  	[tilespmem:s25], [sflag:$0x7] =	stream.indirect.gather [hbm4b:s9+s31], $0x20, s17, s31, $0xb8;
	[tilespmem:$0xE800] =	vst v63  }
0x125: {  	_ =	swait.ge [sflag:s18], $0x1000  }
0x126: {  	s30 =	simm.s32 $0x3000;
	[sflag:s18] =	ssyncset.done $0x0  }
0x127: {  	s23 =	sadd.s32 s21, s7;
	s19 =	simm.s32 $0x380;
	[sflag:s18] =	ssyncadd.s32 $0xFFFFF000  }
0x128: {  	[tilespmem:s28], [sflag:$0x8] =	stream.indirect.gather [hbm4b:s9+s31], $0x20, s19, s31, $0xb8;
	[tilespmem:$0xE800] =	vst v63  }
0x129: {  	s0 =	sadd.s32 $0xA80, s23;
	s23 =	simm.s32 $0x8000;
	s13 =	simm.s32 $0xC00  }
0x12a: {  	[tilespmem:s11], [sflag:$0x12] =	stream.linear.gather [hbm4b:s0+s1], $0x400, $0x38;
	[tilespmem:$0xE800] =	vst v63  }
.Ltmp4:
0x12b: {  	s15 =	simm.s32 $0x1000;
	s25 =	rddreg [dreg:$0x14];
	(pc) =	sbr.rel .LBB2_4-.Ltmp4, $4  }
0x12c: {  	s17 =	simm.s32 $0x2000;
	s18 =	simm.s32 $0x4000;
	s0 =	sadd.s32 s21, s25  }
0x12d: {  	s28 =	simm.s32 $0x7000;
	s19 =	simm.s32 $0x5000;
	s0 =	sadd.s32 $0xA80, s0  }
0x12e: {  	[tilespmem:s22], [sflag:$0x12] =	stream.linear.gather [hbm4b:s0+s1], $0x400, $0x38;
	[tilespmem:$0xE800] =	vst v63  }
0x12f: {  	s21 =	sadd.s32 $0x100, s21;
	s25 =	simm.s32 $0x6000;
	s1 =	simm.s32 $0x400  }
.LBB2_7:
0x130: {  	_ =	sfence.sel $0x180000  }
0x131: {  	[bflag:$0x0] =	sbarrier.arrive $0xFFFF  }
0x132: {  	_ =	strace $0x9000004A  }
0x133: {  	s0 =	stileid.u32;
	[bflag:$0x2] =	sbarrier.arrive $0xFFFF  }
0x134: {  	p0 =	sne.s32 s0, $0x0;
	s0 =	rddreg [dreg:$0x3]  }
0x135: {  	s0 =	sadd.s32 @!p0 $0x100000, s0  }
0x136: {  	[sflag:s0] =	ssyncadd.tile.s32 @!p0 $0x1;
	_ =	shalt  }
.Lfunc_end2:
_tile_overlayer_lowered:
.L_overlay_start_2:
0x137: {  	(tag) =	ssettag $0x2  }
0x138: {  	s0 =	rddreg [dreg:$0x0];
	s2 =	stileid.u32  }
0x139: {  	s1 =	rddreg [dreg:$0x1];
	p0 =	sne.s32 s2, $0x0  }
0x13a: {  	s3 =	rddreg [dreg:$0x2];
	[bflag:$0x3] =	sbarrier.arrive $0xFFFF;
	s2 =	simm.s32 @!p0 $0x1C13  }
0x13b: {  	[timem:s3], [sflag:s2] =	dma.local @!p0 [hbm:s0], s1  }
0x13c: {  	s0 =	simm.s32 @!p0 $0x13  }
0x13d: {  	_ =	swait.ge @!p0 [sflag:s0], s1  }
0x13e: {  	s1 =	ssub.s32 @!p0 $0x0, s1;
	[sflag:s0] =	ssyncset.done @!p0 $0x0  }
0x13f: {  	[sflag:s0] =	ssyncadd.s32 @!p0 s1  }
0x140: {  	[bflag:$0x3] =	sbarrier.arrive $0xFFFF  }
0x141: {  	_ =	shalt  }

// kernel: kernel.17.cloned.1.call-start
scs
__scs_entry_jumppad:
0x0: {  	(pc) =	sbr.rel $0x88, $3  }
0x1: {  	(tag) =	ssettag $0x0;
	lr =	simm.s32 $0x1  }
0x2: {  	[smem:$0x3F99] =	sst lr;
	_ =	strace $0xD0000000  }
0x3: {  	_ = 	snop  }
0x4: {  	_ = 	snop  }
0x5: {  	_ = 	snop  }
0x6: {  	_ = 	snop  }
0x7: {  	_ = 	snop  }
__scs_overlays_trampoline_lowered:
0x8: {  	[smem:$0x3FA8] =	sst s0  }
0x9: {  	[smem:$0x3FA9] =	sst s1  }
0xa: {  	[smem:$0x3FAA] =	sst s2  }
0xb: {  	[smem:$0x3FAB] =	sst s3  }
0xc: {  	[smem:$0x3FAC] =	sst s4  }
0xd: {  	[smem:$0x3FAD] =	sst s5  }
0xe: {  	[smem:$0x3FAE] =	sst s6  }
0xf: {  	[smem:$0x3FAF] =	sst s7  }
0x10: {  	[smem:$0x3FB0] =	sst s8  }
0x11: {  	[smem:$0x3FB1] =	sst s9;
	s0 =	simm.s32 @!p0 $0x0  }
0x12: {  	s1 =	sld [smem:$0x3F97];
	s0 =	simm.s32 @p0 $0x1  }
0x13: {  	[smem:$0x3FB2] =	sst s0;
	s0 =	simm.s32 @!p1 $0x0  }
0x14: {  	s2 =	sld [smem:$0x3F96];
	s0 =	simm.s32 @p1 $0x1  }
0x15: {  	[smem:$0x3FB3] =	sst s0;
	s0 =	simm.s32 @!p2 $0x0  }
0x16: {  	s3 =	sld [smem:$0x3FDB];
	s0 =	simm.s32 @p2 $0x1  }
0x17: {  	s4 =	simm.s32 $0x1BF5;
	[smem:$0x3FB5] =	sst s0  }
0x18: {  	s0 =	sld [smem:$0x3F98];
	_ =	swait.ge [sflag:s4], $0x0  }
0x19: {  	s7 =	sld [smem:$0x3F99]  }
0x1a: {  	s8 =	sadd.s32 $0xFFFFE003, lr  }
0x1b: {  	s9 =	sadd.s32 $0xFFFFFEF7, lr;
	s5 =	simm.s32 $0xFFFFFFFF;
	p2 =	slt.u32 s8, $0xFFFFF086  }
0x1c: {  	p1 =	slt.u32 s9, $0xF7A;
	s5 =	simm.s32 @!p2 $0x0  }
0x1d: {  	s5 =	simm.s32 @p1 $0x1;
	p0 =	seq.s32 s7, s2  }
0x1e: {  	s7 =	smul.u32 @!p0 $0xF7A, s2;
	p2 =	seq.s32 @!p0 s5, $0x0  }
0x1f: {  	s9 =	smul.u32 $0xF7A, s1;
	s8 =	simm.s32 @!p0 $0x1BF5;
	p2 =	por !p2, p0  }
0x20: {  	[sflag:s8] =	ssyncset.s32 @!p0 $0xFFFFF086;
	s6 =	sadd.s32 @!p0 s3, s7;
	s7 =	simm.s32 @!p0 $0x108  }
0x21: {  	s3 =	sadd.s32 s3, s9;
	s6 =	sadd.s32 @!p0 $0x88, s6;
	s7 =	simm.s32 @p2 $0x1082  }
0x22: {  	[simem:s7], [sflag:s8] =	dma.local @!p0 [hbm:s6], $0xF7A  }
0x23: {  	s9 =	sor.u32 $0xD0000000, s2;
	s6 =	simm.s32 $0x108;
	_ =	swait.ge @!p0 [sflag:s8], $0x0  }
0x24: {  	s3 =	sadd.s32 $0x88, s3;
	s6 =	simm.s32 @!p1 $0x1082;
	[sflag:s4] =	ssyncset.s32 $0xFFFFF086  }
0x25: {  	[simem:s6], [sflag:s4] =	dma.local [hbm:s3], $0xF7A  }
0x26: {  	[smem:$0x3F99] =	sst s1;
	(tag) =	ssettag s2;
	_ =	strace s9  }
0x27: {  	s1 =	sld [smem:$0x3FA9]  }
0x28: {  	s2 =	sld [smem:$0x3FAA]  }
0x29: {  	s4 =	sld [smem:$0x3FAC]  }
0x2a: {  	p0 =	seq.s32 s5, $0x0;
	s5 =	sld [smem:$0x3FAD]  }
0x2b: {  	s6 =	sld [smem:$0x3FAE]  }
0x2c: {  	s7 =	sld [smem:$0x3FAF]  }
0x2d: {  	s3 =	simm.s32 $0x108;
	s8 =	sld [smem:$0x3FB0]  }
0x2e: {  	s3 =	simm.s32 @!p0 $0x1082;
	s9 =	sld [smem:$0x3FB1]  }
0x2f: {  	lr =	sadd.s32 s0, s3;
	s0 =	sld [smem:$0x3FA8]  }
0x30: {  	s3 =	sld [smem:$0x3FAB]  }
0x31: {  	[smem:$0x3FB4] =	sst s10  }
0x32: {  	s10 =	sld [smem:$0x3FB2];
	_ =	sdelay $0x3  }
0x33: {  	p0 =	seq.s32 s10, $0x1;
	s10 =	sld [smem:$0x3FB4];
	_ =	sdelay $0x3  }
0x34: {  	[smem:$0x3FB4] =	sst s10  }
0x35: {  	s10 =	sld [smem:$0x3FB3];
	_ =	sdelay $0x3  }
0x36: {  	p1 =	seq.s32 s10, $0x1;
	s10 =	sld [smem:$0x3FB4];
	_ =	sdelay $0x3  }
0x37: {  	[smem:$0x3FB4] =	sst s10  }
0x38: {  	s10 =	sld [smem:$0x3FB5]  }
0x39: {  	_ = 	snop;
	(pc) =	sbr.ind lr, $3  }
0x3a: {  	_ = 	snop  }
0x3b: {  	_ = 	snop  }
0x3c: {  	p2 =	seq.s32 s10, $0x1;
	s10 =	sld [smem:$0x3FB4]  }
0x3d: {  	_ =	shalt  }
0x3e: {  	_ =	shalt  }
0x3f: {  	_ =	shalt  }
0x40: {  	_ =	shalt  }
0x41: {  	_ =	shalt  }
0x42: {  	_ =	shalt  }
0x43: {  	_ =	shalt  }
0x44: {  	_ =	shalt  }
0x45: {  	_ =	shalt  }
0x46: {  	_ =	shalt  }
0x47: {  	_ =	shalt  }
0x48: {  	_ =	shalt  }
0x49: {  	_ =	shalt  }
0x4a: {  	_ =	shalt  }
0x4b: {  	_ =	shalt  }
0x4c: {  	_ =	shalt  }
0x4d: {  	_ =	shalt  }
0x4e: {  	_ =	shalt  }
0x4f: {  	_ =	shalt  }
0x50: {  	_ =	shalt  }
0x51: {  	_ =	shalt  }
0x52: {  	_ =	shalt  }
0x53: {  	_ =	shalt  }
0x54: {  	_ =	shalt  }
0x55: {  	_ =	shalt  }
0x56: {  	_ =	shalt  }
0x57: {  	_ =	shalt  }
0x58: {  	_ =	shalt  }
0x59: {  	_ =	shalt  }
0x5a: {  	_ =	shalt  }
0x5b: {  	_ =	shalt  }
0x5c: {  	_ =	shalt  }
0x5d: {  	_ =	shalt  }
0x5e: {  	_ =	shalt  }
0x5f: {  	_ =	shalt  }
0x60: {  	_ =	shalt  }
0x61: {  	_ =	shalt  }
0x62: {  	_ =	shalt  }
0x63: {  	_ =	shalt  }
0x64: {  	_ =	shalt  }
0x65: {  	_ =	shalt  }
0x66: {  	_ =	shalt  }
0x67: {  	_ =	shalt  }
0x68: {  	_ =	shalt  }
0x69: {  	_ =	shalt  }
0x6a: {  	_ =	shalt  }
0x6b: {  	_ =	shalt  }
0x6c: {  	_ =	shalt  }
0x6d: {  	_ =	shalt  }
0x6e: {  	_ =	shalt  }
0x6f: {  	_ =	shalt  }
0x70: {  	_ =	shalt  }
0x71: {  	_ =	shalt  }
0x72: {  	_ =	shalt  }
0x73: {  	_ =	shalt  }
0x74: {  	_ =	shalt  }
0x75: {  	_ =	shalt  }
0x76: {  	_ =	shalt  }
0x77: {  	_ =	shalt  }
0x78: {  	_ =	shalt  }
0x79: {  	_ =	shalt  }
0x7a: {  	_ =	shalt  }
0x7b: {  	_ =	shalt  }
0x7c: {  	_ =	shalt  }
0x7d: {  	_ =	shalt  }
0x7e: {  	_ =	shalt  }
0x7f: {  	_ =	shalt  }
0x80: {  	_ =	shalt  }
0x81: {  	_ =	shalt  }
0x82: {  	_ =	shalt  }
0x83: {  	_ =	shalt  }
0x84: {  	_ =	shalt  }
0x85: {  	_ =	shalt  }
0x86: {  	_ =	shalt  }
0x87: {  	_ =	shalt  }
.Lfunc_end0:
.L_simem_size_0:
called_computation.2_lowered:
.L_overlay_start_0:
0x88: {  	s2 =	sld [smem:$0x3FD9]  }
0x89: {  	s3 =	sld [smem:$0x3FFE];
	_ =	sdelay $0x1  }
0x8a: {  	s1 =	srdreg.scid  }
0x8b: {  	s0 =	sand.u32 $0x1, s1  }
0x8c: {  	s17 =	sshll.u32 s0, $0xA;
	s2 =	sadd.s32 s3, s2  }
0x8d: {  	s2 =	sadd.s32 s2, s17  }
0x8e: {  	[smem:$0x3FC0] =	sst s2  }
0x8f: {  	_ = 	snop  }
0x90: {  	s2 =	sld [smem:$0x3FD0];
	(tm) =	ssettm $0x1  }
0x91: {  	s18 =	sld [smem:$0x3FFB];
	_ =	sdelay $0x3  }
0x92: {  	_ =	strace s18  }
0x93: {  	s3 =	sld [smem:$0x3FFC];
	_ =	sdelay $0x3  }
0x94: {  	_ =	strace s3  }
0x95: {  	s3 =	sld [smem:$0x3FFD];
	_ =	sdelay $0x3  }
0x96: {  	_ =	strace s3  }
0x97: {  	_ =	strace $0x8FFFFFFF  }
0x98: {  	s19 =	sld [smem:$0x3FDB];
	_ =	sdelay $0x1  }
0x99: {  	s4 =	simm.s32 $_scs_section_size  }
0x9a: {  	s5 =	simm.s32 $_size__tile_overlayer_lowered;
	s6 =	simm.s32 $_tile_overlayer_lowered  }
0x9b: {  	s22 =	simm.s32 $0x1BFF;
	s21 =	sshll.u32 s6, $0x1;
	s3 =	sadd.s32 s4, s19  }
0x9c: {  	s7 =	simm.s32 $0x0;
	s20 =	sshll.u32 s5, $0x1;
	s5 =	sadd.s32 s21, s3  }
0x9d: {  	[timem:s7], [sflag:s22] =	dma.local [hbm:s5], s20  }
0x9e: {  	_ =	swait.ge [sflag:s22], s20  }
0x9f: {  	s4 =	ssub.s32 $0x0, s20;
	[sflag:s22] =	ssyncset.done $0x0  }
0xa0: {  	[sflag:s22] =	ssyncadd.s32 s4;
	_ =	sdelay $0x1  }
0xa1: {  	s23 =	simm.s32 $0x1B8B  }
0xa2: {  	_ =	swait.ge [sflag:s23], $0x1  }
0xa3: {  	[sflag:s23] =	ssyncset.done $0x0  }
0xa4: {  	s25 =	simm.s32 $0x1B8E;
	s24 =	sld [smem:$0x3FFE];
	[sflag:s23] =	ssyncadd.s32 $0xFFFFFFFF  }
0xa5: {  	s26 =	simm.s32 $execute0_lowered;
	[smem:$0x3FD2] =	sst s25  }
0xa6: {  	s5 =	sshll.u32 s26, $0x1;
	_ =	strace $0x8000004C;
	[dreg:$0x1] =	wrdreg $0xFFFFFFFF  }
0xa7: {  	s28 =	simm.s32 $_size_execute0_lowered;
	s3 =	sadd.s32 s3, s5;
	[dreg:$0x0] =	wrdreg $0x0  }
0xa8: {  	s5 =	sshll.u32 s28, $0x1;
	[dreg:$0x2] =	wrdreg s3  }
0xa9: {  	[dreg:$0x3] =	wrdreg s5  }
0xaa: {  	[dreg:$0x4] =	wrdreg $0xC0  }
0xab: {  	_ =	task [dreg:s7], $0x5FFFF  }
0xac: {  	[dreg:$0x1] =	wrdreg $0xFFFFFFFF  }
0xad: {  	[dreg:$0x0] =	wrdreg $0x60  }
0xae: {  	[dreg:$0x2] =	wrdreg s24  }
0xaf: {  	[dreg:$0x3] =	wrdreg s2  }
0xb0: {  	[dreg:$0x4] =	wrdreg $0x98000  }
0xb1: {  	[dreg:$0x5] =	wrdreg $0x9  }
0xb2: {  	_ =	task.clear_ibuf [dreg:s7], $0x6FFFF;
	_ =	strace $0x9000004C  }
0xb3: {  	s29 =	simm.s32 $0x9;
	_ =	strace $0x8000004E  }
0xb4: {  	_ =	swait.ge [sflag:s29], $0x1  }
0xb5: {  	[sflag:s29] =	ssyncadd.s32 $0xFFFFFFFF  }
0xb6: {  	_ =	strace $0x9000004E  }
0xb7: {  	_ =	sfence  }
0xb8: {  	s30 =	sld [smem:$0x0];
	_ =	sdelay $0x2  }
0xb9: {  	s31 =	sshll.u32 s1, $0xD;
	s1 =	sshrl.u32 s1, $0x2  }
0xba: {  	s3 =	sand.u32 $0x4000, s31;
	s1 =	sadd.s32 s1, s30  }
0xbb: {  	s0 =	sor.u32 s3, s0;
	s1 =	sshll.u32 s1, $0x11  }
0xbc: {  	s0 =	sor.u32 s1, s0  }
0xbd: {  	s0 =	sadd.s32 $0x8F2B, s0  }
0xbe: {  	[sflag:s0] =	ssyncadd.remote.s32 $0x1  }
0xbf: {  	_ =	sfence.sel $0xFFFF  }
0xc0: {  	[dreg:$0x0] =	wrdreg $0xFFFFFFFF;
	(pc) =	sbr.abs _section_cstart, $3  }
0xc1: {  	[dreg:$0x1] =	wrdreg $0xFFFFFFFF  }
0xc2: {  	_ =	task.clear_ibuf [dreg:s7], $0x2FFFF;
	_ =	strace $0x9FFFFFFF  }
0xc3: {  	(tm) =	ssettm $0x7FFFFFFF  }
tec
execute0_lowered:
.L_overlay_start_1:
0x0: {  	(tag) =	ssettag $0x1  }
0x1: {  	s0 =	rddreg [dreg:$0x0]  }
0x2: {  	s1 =	rddreg [dreg:$0x1];
	s3 =	srdreg.scid  }
0x3: {  	s2 =	rddreg [dreg:$0x2];
	s11 =	stileid.u32;
	s6 =	simm.s32 $0x0  }
0x4: {  	s31 =	simm.s32 $0x80;
	s30 =	simm.s32 $0x4000;
	s5 =	smul.u32 $0xA000, s11  }
0x5: {  	s28 =	simm.s32 $0x8000;
	s29 =	simm.s32 $0x8;
	s7 =	smul.u32 $0x5000, s11  }
0x6: {  	s3 =	sand.u32 $0x1, s3;
	[smem:$0x7FF] =	sst s6;
	s10 =	smul.u32 $0x14000, s11  }
0x7: {  	s6 =	sadd.s32 $0xC200, s0;
	s8 =	sadd.s32 $0x2200, s0;
	s22 =	smul.u32 $0xA00, s11  }
0x8: {  	s11 =	simm.s32 $0x13;
	s4 =	smul.u32 $0xA0000, s3;
	s7 =	sshrl.u32 s7, $0x3  }
0x9: {  	_ =	strace $0x8000004D;
	s23 =	ssub.s32 $0x2, s3;
	s24 =	sadd.s32 s6, s7  }
0xa: {  	s26 =	sshrl.u32 s10, $0x2;
	s25 =	sadd.s32 s8, s7;
	[dreg:$0x4] =	wrdreg s24  }
0xb: {  	s3 =	smul.u32 $0x9C40, s3;
	s13 =	sadd.s32 s26, s2;
	[dreg:$0x5] =	wrdreg s25  }
0xc: {  	s7 =	sor.u32 $0x80, s7;
	s26 =	sadd.s32 s22, s8;
	[dreg:$0x8] =	wrdreg s13  }
0xd: {  	s9 =	sshrl.u32 s23, $0x1;
	s12 =	sadd.s32 s6, s7;
	[dreg:$0x14] =	wrdreg s26  }
0xe: {  	s14 =	sshrl.u32 s5, $0x1;
	s7 =	sadd.s32 s8, s7;
	[dreg:$0x6] =	wrdreg s12  }
0xf: {  	s10 =	simm.s32 $0x1;
	s16 =	sadd.s32 $0x800, s13;
	[dreg:$0x7] =	wrdreg s7  }
0x10: {  	s4 =	sadd.s32 s5, s4;
	s17 =	sadd.s32 $0x1000, s13;
	[dreg:$0xb] =	wrdreg s16  }
0x11: {  	s4 =	sshrl.u32 s4, $0x4;
	s18 =	sadd.s32 $0x1800, s13;
	[dreg:$0xc] =	wrdreg s17  }
0x12: {  	s19 =	sadd.s32 $0x2000, s13;
	s20 =	sadd.s32 $0x2800, s13;
	[dreg:$0xd] =	wrdreg s18  }
0x13: {  	s21 =	sadd.s32 $0x3000, s13;
	s24 =	sadd.s32 $0x4000, s13;
	[dreg:$0xe] =	wrdreg s19  }
0x14: {  	s25 =	sadd.s32 $0x4800, s13;
	s26 =	simm.s32 $0xB;
	[dreg:$0xf] =	wrdreg s20  }
0x15: {  	s8 =	simm.s32 $0x4;
	s0 =	sadd.s32 s4, s0;
	[dreg:$0x10] =	wrdreg s21  }
0x16: {  	s4 =	ssub.s32 s23, s9;
	s9 =	sadd.s32 s1, s3;
	[dreg:$0x12] =	wrdreg s24  }
0x17: {  	s23 =	sadd.s32 $0x3800, s13;
	[dreg:$0x13] =	wrdreg s25;
	s1 =	sadd.s32 s22, s6  }
0x18: {  	s7 =	simm.s32 $0x400;
	s22 =	simm.s32 $0xC00;
	s13 =	simm.s32 $0x1000  }
0x19: {  	s17 =	simm.s32 $0x3000;
	s18 =	simm.s32 $0x5000;
	s19 =	simm.s32 $0x6000  }
0x1a: {  	s25 =	simm.s32 $0x7000;
	s20 =	simm.s32 $0x9;
	s24 =	simm.s32 $0xA  }
0x1b: {  	s3 =	simm.s32 $0xC;
	s12 =	simm.s32 $0x2;
	s16 =	simm.s32 $0x3  }
.Ltmp0:
0x1c: {  	s6 =	simm.s32 $0x6;
	[dreg:$0x11] =	wrdreg s23;
	(pc) =	sbr.rel .LBB2_1-.Ltmp0, $4  }
0x1d: {  	s0 =	sadd.s32 $0x66200, s0;
	s15 =	smax.u32 s4, $0x1;
	[dreg:$0x15] =	wrdreg s1  }
0x1e: {  	s1 =	simm.s32 $0x0;
	[dreg:$0x9] =	wrdreg s0;
	s0 =	sadd.s32 s14, s2  }
0x1f: {  	s4 =	simm.s32 $0x5;
	[dreg:$0xa] =	wrdreg s15;
	s0 =	sshrl.u32 s0, $0x3  }
0x20: {  	v0 =	vimm.bf16 $0.0e+00;
	s15 =	simm.s32 $0x2000;
	s14 =	simm.s32 $0x7;
	[dreg:$0x16] =	wrdreg s0  }
.LBB2_6:
0x21: {  	_ =	swait.ge [sflag:s20], $0x1000  }
0x22: {  	[sflag:s20] =	ssyncset.done $0x0  }
0x23: {  	[sflag:s20] =	ssyncadd.s32 $0xFFFFF000  }
0x24: {  	_ =	swait.ge [sflag:s24], $0x1000  }
0x25: {  	[sflag:s24] =	ssyncset.done $0x0  }
0x26: {  	[sflag:s24] =	ssyncadd.s32 $0xFFFFF000  }
0x27: {  	_ =	swait.ge [sflag:s26], $0x1000  }
0x28: {  	[sflag:s26] =	ssyncset.done $0x0  }
0x29: {  	[sflag:s26] =	ssyncadd.s32 $0xFFFFF000  }
0x2a: {  	_ =	swait.ge [sflag:s3], $0x1000  }
0x2b: {  	[sflag:s3] =	ssyncset.done $0x0  }
0x2c: {  	[sflag:s3] =	ssyncadd.s32 $0xFFFFF000  }
0x2d: {  	_ =	swait.ge [sflag:s5], $0x1000  }
0x2e: {  	[sflag:s5] =	ssyncset.done $0x0  }
0x2f: {  	s0 =	simm.s32 $0xE;
	[sflag:s5] =	ssyncadd.s32 $0xFFFFF000  }
0x30: {  	_ =	swait.ge [sflag:s0], $0x1000  }
0x31: {  	[sflag:s0] =	ssyncset.done $0x0  }
0x32: {  	s1 =	simm.s32 $0xF;
	[sflag:s0] =	ssyncadd.s32 $0xFFFFF000  }
0x33: {  	_ =	swait.ge [sflag:s1], $0x1000  }
0x34: {  	[sflag:s1] =	ssyncset.done $0x0  }
0x35: {  	s5 =	simm.s32 $0x10;
	[sflag:s1] =	ssyncadd.s32 $0xFFFFF000  }
0x36: {  	_ =	swait.ge [sflag:s5], $0x1000  }
0x37: {  	[sflag:s5] =	ssyncset.done $0x0  }
0x38: {  	[sflag:s5] =	ssyncadd.s32 $0xFFFFF000  }
0x39: {  	s7 =	stileid.u32;
	[bflag:$0x0] =	sbarrier.arrive $0xFFFF  }
0x3a: {  	s0 =	sshll.u32 s7, $0x6;
	s1 =	rddreg [dreg:$0x9]  }
0x3b: {  	s0 =	sor.u32 $0x1C13, s0;
	s11 =	rddreg [dreg:$0x16]  }
0x3c: {  	[hbm:s1], [sflag:s0] =	dma.local [spmem:s11], $0xA00  }
0x3d: {  	s11 =	simm.s32 $0x13  }
0x3e: {  	_ =	swait.ge [sflag:s11], $0xA00  }
0x3f: {  	s21 =	rddreg [dreg:$0x17]  }
0x40: {  	s23 =	rddreg [dreg:$0xa];
	s1 =	sadd.s32 $0x1, s21  }
0x41: {  	p0 =	sne.s32 s1, s23  }
.Ltmp1:
0x42: {  	_ = 	snop;
	(pc) =	sbr.rel @!p0 .LBB2_7-.Ltmp1, $3  }
0x43: {  	_ =	sdelay $0x1  }
0x44: {  	[sflag:s11] =	ssyncset.done $0x0  }
0x45: {  	s7 =	simm.s32 $0x400;
	[sflag:s11] =	ssyncadd.s32 $0xFFFFF600  }
.LBB2_1:
0x46: {  	[dreg:$0x17] =	wrdreg s1  }
0x47: {  	s0 =	simm.s32 $0x0;
	s5 =	rddreg [dreg:$0x4]  }
0x48: {  	[tilespmem:s0], [sflag:$0x11] =	stream.linear.gather [hbm4b:s5+s0], $0x400, $0x38;
	[tilespmem:$0xE800] =	vst v63  }
0x49: {  	s21 =	rddreg [dreg:$0x5];
	s5 =	simm.s32 $0x800  }
0x4a: {  	[tilespmem:s5], [sflag:$0x11] =	stream.linear.gather [hbm4b:s21+s0], $0x400, $0x38;
	[tilespmem:$0xE800] =	vst v63  }
0x4b: {  	s23 =	rddreg [dreg:$0x6]  }
0x4c: {  	[tilespmem:s7], [sflag:$0x12] =	stream.linear.gather [hbm4b:s23+s0], $0x400, $0x38;
	[tilespmem:$0xE800] =	vst v63  }
0x4d: {  	s21 =	rddreg [dreg:$0x7]  }
0x4e: {  	[tilespmem:s22], [sflag:$0x12] =	stream.linear.gather [hbm4b:s21+s0], $0x400, $0x38;
	[tilespmem:$0xE800] =	vst v63  }
0x4f: {  	s1 =	simm.s32 $0x0;
	s21 =	simm.s32 $0x80;
	s22 =	simm.s32 $0x0  }
.LBB2_2:
0x50: {  	p0 =	sne.s32 s21, $0x1F80;
	[tilespmem:s22+$0x9000] =	vst v0;
	s0 =	smov.u32 s21;
	s21 =	sadd.s32 $0x80, s21  }
.Ltmp2:
0x51: {  	[tilespmem:s22+$0x9010] =	vst v0;
	(pc) =	sbr.rel @p0 .LBB2_2-.Ltmp2, $2  }
0x52: {  	_ =	sdelay $0x2  }
0x53: {  	s22 =	sshra.s32 s0, $0x2  }
0x54: {  	[tilespmem:s22+$0x9000] =	vst v0  }
0x55: {  	[tilespmem:s22+$0x9010] =	vst v0;
	s0 =	rddreg [dreg:$0x8];
	s5 =	simm.s32 $0x9000  }
0x56: {  	[spmem:s0] =	stream.linear.scatter [tilespmem:s5], [sflag:$0x13], $0x800, $0x38;
	[tilespmem:$0xE800] =	vst v63  }
0x57: {  	_ =	swait.ge [sflag:s11], $0x800  }
0x58: {  	[sflag:s11] =	ssyncset.done $0x0  }
0x59: {  	s7 =	rddreg [dreg:$0xb];
	[sflag:s11] =	ssyncadd.s32 $0xFFFFF800  }
0x5a: {  	[spmem:s7] =	stream.linear.scatter [tilespmem:s5], [sflag:$0x13], $0x800, $0x38;
	[tilespmem:$0xE800] =	vst v63  }
0x5b: {  	_ =	swait.ge [sflag:s11], $0x800  }
0x5c: {  	[sflag:s11] =	ssyncset.done $0x0  }
0x5d: {  	s21 =	rddreg [dreg:$0xc];
	[sflag:s11] =	ssyncadd.s32 $0xFFFFF800  }
0x5e: {  	[spmem:s21] =	stream.linear.scatter [tilespmem:s5], [sflag:$0x13], $0x800, $0x38;
	[tilespmem:$0xE800] =	vst v63  }
0x5f: {  	_ =	swait.ge [sflag:s11], $0x800  }
0x60: {  	[sflag:s11] =	ssyncset.done $0x0  }
0x61: {  	s22 =	rddreg [dreg:$0xd];
	[sflag:s11] =	ssyncadd.s32 $0xFFFFF800  }
0x62: {  	[spmem:s22] =	stream.linear.scatter [tilespmem:s5], [sflag:$0x13], $0x800, $0x38;
	[tilespmem:$0xE800] =	vst v63  }
0x63: {  	_ =	swait.ge [sflag:s11], $0x800  }
0x64: {  	[sflag:s11] =	ssyncset.done $0x0  }
0x65: {  	s23 =	rddreg [dreg:$0xe];
	[sflag:s11] =	ssyncadd.s32 $0xFFFFF800  }
0x66: {  	[spmem:s23] =	stream.linear.scatter [tilespmem:s5], [sflag:$0x13], $0x800, $0x38;
	[tilespmem:$0xE800] =	vst v63  }
0x67: {  	_ =	swait.ge [sflag:s11], $0x800  }
0x68: {  	[sflag:s11] =	ssyncset.done $0x0  }
0x69: {  	s7 =	rddreg [dreg:$0xf];
	[sflag:s11] =	ssyncadd.s32 $0xFFFFF800  }
0x6a: {  	[spmem:s7] =	stream.linear.scatter [tilespmem:s5], [sflag:$0x13], $0x800, $0x38;
	[tilespmem:$0xE800] =	vst v63  }
0x6b: {  	_ =	swait.ge [sflag:s11], $0x800  }
0x6c: {  	[sflag:s11] =	ssyncset.done $0x0  }
0x6d: {  	s21 =	rddreg [dreg:$0x10];
	[sflag:s11] =	ssyncadd.s32 $0xFFFFF800  }
0x6e: {  	[spmem:s21] =	stream.linear.scatter [tilespmem:s5], [sflag:$0x13], $0x800, $0x38;
	[tilespmem:$0xE800] =	vst v63  }
0x6f: {  	_ =	swait.ge [sflag:s11], $0x800  }
0x70: {  	[sflag:s11] =	ssyncset.done $0x0  }
0x71: {  	s22 =	rddreg [dreg:$0x11];
	[sflag:s11] =	ssyncadd.s32 $0xFFFFF800  }
0x72: {  	[spmem:s22] =	stream.linear.scatter [tilespmem:s5], [sflag:$0x13], $0x800, $0x38;
	[tilespmem:$0xE800] =	vst v63  }
0x73: {  	_ =	swait.ge [sflag:s11], $0x800  }
0x74: {  	[sflag:s11] =	ssyncset.done $0x0  }
0x75: {  	s23 =	rddreg [dreg:$0x12];
	[sflag:s11] =	ssyncadd.s32 $0xFFFFF800  }
0x76: {  	[spmem:s23] =	stream.linear.scatter [tilespmem:s5], [sflag:$0x13], $0x800, $0x38;
	[tilespmem:$0xE800] =	vst v63  }
0x77: {  	_ =	swait.ge [sflag:s11], $0x800  }
0x78: {  	[sflag:s11] =	ssyncset.done $0x0  }
0x79: {  	s7 =	rddreg [dreg:$0x13];
	[sflag:s11] =	ssyncadd.s32 $0xFFFFF800  }
0x7a: {  	[spmem:s7] =	stream.linear.scatter [tilespmem:s5], [sflag:$0x13], $0x800, $0x38;
	[tilespmem:$0xE800] =	vst v63  }
0x7b: {  	_ =	swait.ge [sflag:s11], $0x800  }
0x7c: {  	[sflag:s11] =	ssyncset.done $0x0  }
0x7d: {  	[sflag:s11] =	ssyncadd.s32 $0xFFFFF800  }
0x7e: {  	s11 =	simm.s32 $0x11;
	[bflag:$0x0] =	sbarrier.arrive $0xFFFF  }
0x7f: {  	_ =	swait.ge [sflag:s11], $0x400  }
0x80: {  	[sflag:s11] =	ssyncset.done $0x0  }
0x81: {  	[sflag:s11] =	ssyncadd.s32 $0xFFFFFC00  }
0x82: {  	_ =	swait.ge [sflag:s11], $0x400  }
0x83: {  	[sflag:s11] =	ssyncset.done $0x0  }
0x84: {  	[sflag:s11] =	ssyncadd.s32 $0xFFFFFC00  }
0x85: {  	[tilespmem:s13], [sflag:$0x1] =	stream.indirect.gather [hbm4b:s9+s31], $0x20, s1, s31, $0xb8;
	[tilespmem:$0xE800] =	vst v63  }
0x86: {  	_ = 	snop  }
0x87: {  	[tilespmem:s15], [sflag:$0x2] =	stream.indirect.gather [hbm4b:s9+s31], $0x20, s31, s31, $0xb8;
	[tilespmem:$0xE800] =	vst v63  }
0x88: {  	s15 =	simm.s32 $0x100  }
0x89: {  	[tilespmem:s17], [sflag:$0x3] =	stream.indirect.gather [hbm4b:s9+s31], $0x20, s15, s31, $0xb8;
	[tilespmem:$0xE800] =	vst v63  }
0x8a: {  	s21 =	simm.s32 $0x200;
	s22 =	simm.s32 $0x280;
	s17 =	simm.s32 $0x180  }
0x8b: {  	[tilespmem:s30], [sflag:$0x4] =	stream.indirect.gather [hbm4b:s9+s31], $0x20, s17, s31, $0xb8;
	[tilespmem:$0xE800] =	vst v63  }
0x8c: {  	s23 =	simm.s32 $0x300;
	s5 =	simm.s32 $0xD;
	s7 =	rddreg [dreg:$0x15]  }
0x8d: {  	[tilespmem:s18], [sflag:$0x5] =	stream.indirect.gather [hbm4b:s9+s31], $0x20, s21, s31, $0xb8;
	[tilespmem:$0xE800] =	vst v63  }
0x8e: {  	s1 =	simm.s32 $0x400;
	s13 =	simm.s32 $0xC00;
	s15 =	simm.s32 $0x1000  }
0x8f: {  	[tilespmem:s19], [sflag:$0x6] =	stream.indirect.gather [hbm4b:s9+s31], $0x20, s22, s31, $0xb8;
	[tilespmem:$0xE800] =	vst v63  }
0x90: {  	s30 =	simm.s32 $0x3000;
	s17 =	simm.s32 $0x2000;
	s21 =	simm.s32 $0xFFFFF700  }
0x91: {  	[tilespmem:s25], [sflag:$0x7] =	stream.indirect.gather [hbm4b:s9+s31], $0x20, s23, s31, $0xb8;
	[tilespmem:$0xE800] =	vst v63  }
0x92: {  	s18 =	simm.s32 $0x4000;
	s19 =	simm.s32 $0x5000;
	s25 =	simm.s32 $0x380  }
0x93: {  	[tilespmem:s28], [sflag:$0x8] =	stream.indirect.gather [hbm4b:s9+s31], $0x20, s25, s31, $0xb8;
	[tilespmem:$0xE800] =	vst v63  }
0x94: {  	s23 =	simm.s32 $0x8000;
	s28 =	simm.s32 $0x7000;
	s25 =	simm.s32 $0x6000  }
.LBB2_4:
0x95: {  	_ =	swait.ge [sflag:s10], $0x1000  }
0x96: {  	[sflag:s10] =	ssyncset.done $0x0  }
0x97: {  	s0 =	simm.s32 $0x800;
	[sflag:s10] =	ssyncadd.s32 $0xFFFFF000  }
0x98: {  	[spmem:s2] =	stream.indirect.scatter.add.bf16 [tilespmem:s15], [sflag:$0x9], $0x20, s0, s31, $0xb8;
	[tilespmem:$0xE800] =	vst v63  }
0x99: {  	_ =	swait.ge [sflag:s12], $0x1000  }
0x9a: {  	[sflag:s12] =	ssyncset.done $0x0  }
0x9b: {  	s11 =	simm.s32 $0x880;
	[sflag:s12] =	ssyncadd.s32 $0xFFFFF000  }
0x9c: {  	[spmem:s2] =	stream.indirect.scatter.add.bf16 [tilespmem:s17], [sflag:$0xA], $0x20, s11, s31, $0xb8;
	[tilespmem:$0xE800] =	vst v63  }
0x9d: {  	_ =	swait.ge [sflag:s16], $0x1000  }
0x9e: {  	[sflag:s16] =	ssyncset.done $0x0  }
0x9f: {  	s22 =	simm.s32 $0x900;
	[sflag:s16] =	ssyncadd.s32 $0xFFFFF000  }
0xa0: {  	[spmem:s2] =	stream.indirect.scatter.add.bf16 [tilespmem:s30], [sflag:$0xB], $0x20, s22, s31, $0xb8;
	[tilespmem:$0xE800] =	vst v63  }
0xa1: {  	_ =	swait.ge [sflag:s8], $0x1000  }
0xa2: {  	[sflag:s8] =	ssyncset.done $0x0  }
0xa3: {  	s11 =	simm.s32 $0x980;
	[sflag:s8] =	ssyncadd.s32 $0xFFFFF000  }
0xa4: {  	[spmem:s2] =	stream.indirect.scatter.add.bf16 [tilespmem:s18], [sflag:$0xC], $0x20, s11, s31, $0xb8;
	[tilespmem:$0xE800] =	vst v63  }
0xa5: {  	_ =	swait.ge [sflag:s4], $0x1000  }
0xa6: {  	[sflag:s4] =	ssyncset.done $0x0  }
0xa7: {  	s22 =	simm.s32 $0xA00;
	[sflag:s4] =	ssyncadd.s32 $0xFFFFF000  }
0xa8: {  	[spmem:s2] =	stream.indirect.scatter.add.bf16 [tilespmem:s19], [sflag:$0xD], $0x20, s22, s31, $0xb8;
	[tilespmem:$0xE800] =	vst v63  }
0xa9: {  	_ =	swait.ge [sflag:s6], $0x1000  }
0xaa: {  	[sflag:s6] =	ssyncset.done $0x0  }
0xab: {  	s11 =	simm.s32 $0xA80;
	[sflag:s6] =	ssyncadd.s32 $0xFFFFF000  }
0xac: {  	[spmem:s2] =	stream.indirect.scatter.add.bf16 [tilespmem:s25], [sflag:$0xE], $0x20, s11, s31, $0xb8;
	[tilespmem:$0xE800] =	vst v63  }
0xad: {  	_ =	swait.ge [sflag:s14], $0x1000  }
0xae: {  	[sflag:s14] =	ssyncset.done $0x0  }
0xaf: {  	s22 =	simm.s32 $0xB00;
	[sflag:s14] =	ssyncadd.s32 $0xFFFFF000  }
0xb0: {  	[spmem:s2] =	stream.indirect.scatter.add.bf16 [tilespmem:s28], [sflag:$0xF], $0x20, s22, s31, $0xb8;
	[tilespmem:$0xE800] =	vst v63  }
0xb1: {  	_ =	swait.ge [sflag:s29], $0x1000  }
0xb2: {  	[sflag:s29] =	ssyncset.done $0x0  }
0xb3: {  	s11 =	simm.s32 $0xB80;
	s22 =	simm.s32 $0x12;
	[sflag:s29] =	ssyncadd.s32 $0xFFFFF000  }
0xb4: {  	[spmem:s2] =	stream.indirect.scatter.add.bf16 [tilespmem:s23], [sflag:$0x10], $0x20, s11, s31, $0xb8;
	[tilespmem:$0xE800] =	vst v63  }
0xb5: {  	_ =	swait.ge [sflag:s22], $0x400  }
0xb6: {  	[sflag:s22] =	ssyncset.done $0x0  }
0xb7: {  	[sflag:s22] =	ssyncadd.s32 $0xFFFFFC00  }
0xb8: {  	_ =	swait.ge [sflag:s22], $0x400  }
0xb9: {  	[sflag:s22] =	ssyncset.done $0x0  }
0xba: {  	[sflag:s22] =	ssyncadd.s32 $0xFFFFFC00  }
0xbb: {  	_ =	swait.ge [sflag:s20], $0x1000  }
0xbc: {  	[sflag:s20] =	ssyncset.done $0x0  }
0xbd: {  	[sflag:s20] =	ssyncadd.s32 $0xFFFFF000  }
0xbe: {  	[tilespmem:s15], [sflag:$0x1] =	stream.indirect.gather [hbm4b:s9+s31], $0x20, s1, s31, $0xb8;
	[tilespmem:$0xE800] =	vst v63  }
0xbf: {  	_ =	swait.ge [sflag:s24], $0x1000  }
0xc0: {  	[sflag:s24] =	ssyncset.done $0x0  }
0xc1: {  	s11 =	simm.s32 $0x480;
	[sflag:s24] =	ssyncadd.s32 $0xFFFFF000  }
0xc2: {  	[tilespmem:s17], [sflag:$0x2] =	stream.indirect.gather [hbm4b:s9+s31], $0x20, s11, s31, $0xb8;
	[tilespmem:$0xE800] =	vst v63  }
0xc3: {  	_ =	swait.ge [sflag:s26], $0x1000  }
0xc4: {  	[sflag:s26] =	ssyncset.done $0x0  }
0xc5: {  	s22 =	simm.s32 $0x500;
	[sflag:s26] =	ssyncadd.s32 $0xFFFFF000  }
0xc6: {  	[tilespmem:s30], [sflag:$0x3] =	stream.indirect.gather [hbm4b:s9+s31], $0x20, s22, s31, $0xb8;
	[tilespmem:$0xE800] =	vst v63  }
0xc7: {  	_ =	swait.ge [sflag:s3], $0x1000  }
0xc8: {  	[sflag:s3] =	ssyncset.done $0x0  }
0xc9: {  	s1 =	simm.s32 $0x580;
	[sflag:s3] =	ssyncadd.s32 $0xFFFFF000  }
0xca: {  	[tilespmem:s18], [sflag:$0x4] =	stream.indirect.gather [hbm4b:s9+s31], $0x20, s1, s31, $0xb8;
	[tilespmem:$0xE800] =	vst v63  }
0xcb: {  	_ =	swait.ge [sflag:s5], $0x1000  }
0xcc: {  	[sflag:s5] =	ssyncset.done $0x0  }
0xcd: {  	s11 =	simm.s32 $0x600;
	s22 =	simm.s32 $0xE;
	[sflag:s5] =	ssyncadd.s32 $0xFFFFF000  }
0xce: {  	[tilespmem:s19], [sflag:$0x5] =	stream.indirect.gather [hbm4b:s9+s31], $0x20, s11, s31, $0xb8;
	[tilespmem:$0xE800] =	vst v63  }
0xcf: {  	_ =	swait.ge [sflag:s22], $0x1000  }
0xd0: {  	[sflag:s22] =	ssyncset.done $0x0  }
0xd1: {  	s1 =	simm.s32 $0x680;
	s11 =	simm.s32 $0xF;
	[sflag:s22] =	ssyncadd.s32 $0xFFFFF000  }
0xd2: {  	[tilespmem:s25], [sflag:$0x6] =	stream.indirect.gather [hbm4b:s9+s31], $0x20, s1, s31, $0xb8;
	[tilespmem:$0xE800] =	vst v63  }
0xd3: {  	_ =	swait.ge [sflag:s11], $0x1000  }
0xd4: {  	[sflag:s11] =	ssyncset.done $0x0  }
0xd5: {  	s22 =	simm.s32 $0x700;
	s1 =	simm.s32 $0x10;
	[sflag:s11] =	ssyncadd.s32 $0xFFFFF000  }
0xd6: {  	[tilespmem:s28], [sflag:$0x7] =	stream.indirect.gather [hbm4b:s9+s31], $0x20, s22, s31, $0xb8;
	[tilespmem:$0xE800] =	vst v63  }
0xd7: {  	_ =	swait.ge [sflag:s1], $0x1000  }
0xd8: {  	p0 =	seq.s32 s21, $0x0;
	[sflag:s1] =	ssyncset.done $0x0  }
0xd9: {  	s0 =	sadd.s32 @!p0 s21, s7;
	s11 =	simm.s32 $0x780;
	[sflag:s1] =	ssyncadd.s32 $0xFFFFF000  }
0xda: {  	[tilespmem:s23], [sflag:$0x8] =	stream.indirect.gather [hbm4b:s9+s31], $0x20, s11, s31, $0xb8;
	[tilespmem:$0xE800] =	vst v63  }
0xdb: {  	s0 =	sadd.s32 @!p0 $0xA00, s0;
	s22 =	simm.s32 @!p0 $0x0  }
0xdc: {  	[tilespmem:s22], [sflag:$0x11] =	stream.linear.gather @!p0 [hbm4b:s0+s22], $0x400, $0x38;
	[tilespmem:$0xE800] =	vst v63  }
0xdd: {  	s0 =	rddreg [dreg:$0x14]  }
0xde: {  	s0 =	sadd.s32 @!p0 s21, s0  }
0xdf: {  	s1 =	simm.s32 @!p0 $0x800;
	s0 =	sadd.s32 @!p0 $0xA00, s0  }
0xe0: {  	[tilespmem:s1], [sflag:$0x11] =	stream.linear.gather @!p0 [hbm4b:s0+s22], $0x400, $0x38;
	[tilespmem:$0xE800] =	vst v63  }
0xe1: {  	_ =	swait.ge [sflag:s10], $0x1000  }
0xe2: {  	[sflag:s10] =	ssyncset.done $0x0  }
0xe3: {  	[sflag:s10] =	ssyncadd.s32 $0xFFFFF000  }
0xe4: {  	[spmem:s2] =	stream.indirect.scatter.add.bf16 [tilespmem:s15], [sflag:$0x9], $0x20, s13, s31, $0xb8;
	[tilespmem:$0xE800] =	vst v63  }
0xe5: {  	_ =	swait.ge [sflag:s12], $0x1000  }
0xe6: {  	[sflag:s12] =	ssyncset.done $0x0  }
0xe7: {  	s13 =	simm.s32 $0xC80;
	[sflag:s12] =	ssyncadd.s32 $0xFFFFF000  }
0xe8: {  	[spmem:s2] =	stream.indirect.scatter.add.bf16 [tilespmem:s17], [sflag:$0xA], $0x20, s13, s31, $0xb8;
	[tilespmem:$0xE800] =	vst v63  }
0xe9: {  	_ =	swait.ge [sflag:s16], $0x1000  }
0xea: {  	[sflag:s16] =	ssyncset.done $0x0  }
0xeb: {  	s15 =	simm.s32 $0xD00;
	[sflag:s16] =	ssyncadd.s32 $0xFFFFF000  }
0xec: {  	[spmem:s2] =	stream.indirect.scatter.add.bf16 [tilespmem:s30], [sflag:$0xB], $0x20, s15, s31, $0xb8;
	[tilespmem:$0xE800] =	vst v63  }
0xed: {  	_ =	swait.ge [sflag:s8], $0x1000  }
0xee: {  	[sflag:s8] =	ssyncset.done $0x0  }
0xef: {  	s17 =	simm.s32 $0xD80;
	[sflag:s8] =	ssyncadd.s32 $0xFFFFF000  }
0xf0: {  	[spmem:s2] =	stream.indirect.scatter.add.bf16 [tilespmem:s18], [sflag:$0xC], $0x20, s17, s31, $0xb8;
	[tilespmem:$0xE800] =	vst v63  }
0xf1: {  	_ =	swait.ge [sflag:s4], $0x1000  }
0xf2: {  	[sflag:s4] =	ssyncset.done $0x0  }
0xf3: {  	s18 =	simm.s32 $0xE00;
	[sflag:s4] =	ssyncadd.s32 $0xFFFFF000  }
0xf4: {  	[spmem:s2] =	stream.indirect.scatter.add.bf16 [tilespmem:s19], [sflag:$0xD], $0x20, s18, s31, $0xb8;
	[tilespmem:$0xE800] =	vst v63  }
0xf5: {  	_ =	swait.ge [sflag:s6], $0x1000  }
0xf6: {  	[sflag:s6] =	ssyncset.done $0x0  }
0xf7: {  	s19 =	simm.s32 $0xE80;
	[sflag:s6] =	ssyncadd.s32 $0xFFFFF000  }
0xf8: {  	[spmem:s2] =	stream.indirect.scatter.add.bf16 [tilespmem:s25], [sflag:$0xE], $0x20, s19, s31, $0xb8;
	[tilespmem:$0xE800] =	vst v63  }
0xf9: {  	_ =	swait.ge [sflag:s14], $0x1000  }
0xfa: {  	s11 =	simm.s32 $0x400;
	s22 =	simm.s32 $0xF00;
	[sflag:s14] =	ssyncset.done $0x0  }
0xfb: {  	s13 =	simm.s32 $0x1000;
	s15 =	simm.s32 $0x2000;
	[sflag:s14] =	ssyncadd.s32 $0xFFFFF000  }
0xfc: {  	[spmem:s2] =	stream.indirect.scatter.add.bf16 [tilespmem:s28], [sflag:$0xF], $0x20, s22, s31, $0xb8;
	[tilespmem:$0xE800] =	vst v63  }
.Ltmp3:
0xfd: {  	s30 =	simm.s32 $0x4000;
	_ =	swait.ge [sflag:s29], $0x1000;
	(pc) =	sbr.rel @p0 .LBB2_6-.Ltmp3, $4  }
0xfe: {  	s17 =	simm.s32 $0x3000;
	s18 =	simm.s32 $0x5000;
	[sflag:s29] =	ssyncset.done $0x0  }
0xff: {  	s25 =	simm.s32 $0xF80;
	s19 =	simm.s32 $0x6000;
	[sflag:s29] =	ssyncadd.s32 $0xFFFFF000  }
0x100: {  	[spmem:s2] =	stream.indirect.scatter.add.bf16 [tilespmem:s23], [sflag:$0x10], $0x20, s25, s31, $0xb8;
	[tilespmem:$0xE800] =	vst v63  }
0x101: {  	s22 =	simm.s32 $0xC00;
	s28 =	simm.s32 $0x8000;
	s25 =	simm.s32 $0x7000  }
0x102: {  	s0 =	simm.s32 $0x11  }
0x103: {  	_ =	swait.ge [sflag:s0], $0x400  }
0x104: {  	[sflag:s0] =	ssyncset.done $0x0  }
0x105: {  	[sflag:s0] =	ssyncadd.s32 $0xFFFFFC00  }
0x106: {  	_ =	swait.ge [sflag:s0], $0x400  }
0x107: {  	[sflag:s0] =	ssyncset.done $0x0  }
0x108: {  	[sflag:s0] =	ssyncadd.s32 $0xFFFFFC00  }
0x109: {  	_ =	swait.ge [sflag:s20], $0x1000  }
0x10a: {  	[sflag:s20] =	ssyncset.done $0x0  }
0x10b: {  	s1 =	simm.s32 $0x0;
	[sflag:s20] =	ssyncadd.s32 $0xFFFFF000  }
0x10c: {  	[tilespmem:s13], [sflag:$0x1] =	stream.indirect.gather [hbm4b:s9+s31], $0x20, s1, s31, $0xb8;
	[tilespmem:$0xE800] =	vst v63  }
0x10d: {  	_ =	swait.ge [sflag:s24], $0x1000  }
0x10e: {  	[sflag:s24] =	ssyncset.done $0x0  }
0x10f: {  	[sflag:s24] =	ssyncadd.s32 $0xFFFFF000  }
0x110: {  	[tilespmem:s15], [sflag:$0x2] =	stream.indirect.gather [hbm4b:s9+s31], $0x20, s31, s31, $0xb8;
	[tilespmem:$0xE800] =	vst v63  }
0x111: {  	_ =	swait.ge [sflag:s26], $0x1000  }
0x112: {  	[sflag:s26] =	ssyncset.done $0x0  }
0x113: {  	s13 =	simm.s32 $0x100;
	[sflag:s26] =	ssyncadd.s32 $0xFFFFF000  }
0x114: {  	[tilespmem:s17], [sflag:$0x3] =	stream.indirect.gather [hbm4b:s9+s31], $0x20, s13, s31, $0xb8;
	[tilespmem:$0xE800] =	vst v63  }
0x115: {  	_ =	swait.ge [sflag:s3], $0x1000  }
0x116: {  	[sflag:s3] =	ssyncset.done $0x0  }
0x117: {  	s15 =	simm.s32 $0x180;
	[sflag:s3] =	ssyncadd.s32 $0xFFFFF000  }
0x118: {  	[tilespmem:s30], [sflag:$0x4] =	stream.indirect.gather [hbm4b:s9+s31], $0x20, s15, s31, $0xb8;
	[tilespmem:$0xE800] =	vst v63  }
0x119: {  	_ =	swait.ge [sflag:s5], $0x1000  }
0x11a: {  	[sflag:s5] =	ssyncset.done $0x0  }
0x11b: {  	s23 =	simm.s32 $0xE;
	s17 =	simm.s32 $0x200;
	[sflag:s5] =	ssyncadd.s32 $0xFFFFF000  }
0x11c: {  	[tilespmem:s18], [sflag:$0x5] =	stream.indirect.gather [hbm4b:s9+s31], $0x20, s17, s31, $0xb8;
	[tilespmem:$0xE800] =	vst v63  }
0x11d: {  	_ =	swait.ge [sflag:s23], $0x1000  }
0x11e: {  	[sflag:s23] =	ssyncset.done $0x0  }
0x11f: {  	s13 =	simm.s32 $0x280;
	s15 =	simm.s32 $0xF;
	[sflag:s23] =	ssyncadd.s32 $0xFFFFF000  }
0x120: {  	[tilespmem:s19], [sflag:$0x6] =	stream.indirect.gather [hbm4b:s9+s31], $0x20, s13, s31, $0xb8;
	[tilespmem:$0xE800] =	vst v63  }
0x121: {  	_ =	swait.ge [sflag:s15], $0x1000  }
0x122: {  	[sflag:s15] =	ssyncset.done $0x0  }
0x123: {  	s17 =	simm.s32 $0x300;
	s18 =	simm.s32 $0x10;
	[sflag:s15] =	ssyncadd.s32 $0xFFFFF000  }
0x124: {  	[tilespmem:s25], [sflag:$0x7] =	stream.indirect.gather [hbm4b:s9+s31], $0x20, s17, s31, $0xb8;
	[tilespmem:$0xE800] =	vst v63  }
0x125: {  	_ =	swait.ge [sflag:s18], $0x1000  }
0x126: {  	s30 =	simm.s32 $0x3000;
	[sflag:s18] =	ssyncset.done $0x0  }
0x127: {  	s23 =	sadd.s32 s21, s7;
	s19 =	simm.s32 $0x380;
	[sflag:s18] =	ssyncadd.s32 $0xFFFFF000  }
0x128: {  	[tilespmem:s28], [sflag:$0x8] =	stream.indirect.gather [hbm4b:s9+s31], $0x20, s19, s31, $0xb8;
	[tilespmem:$0xE800] =	vst v63  }
0x129: {  	s0 =	sadd.s32 $0xA80, s23;
	s23 =	simm.s32 $0x8000;
	s13 =	simm.s32 $0xC00  }
0x12a: {  	[tilespmem:s11], [sflag:$0x12] =	stream.linear.gather [hbm4b:s0+s1], $0x400, $0x38;
	[tilespmem:$0xE800] =	vst v63  }
.Ltmp4:
0x12b: {  	s15 =	simm.s32 $0x1000;
	s25 =	rddreg [dreg:$0x14];
	(pc) =	sbr.rel .LBB2_4-.Ltmp4, $4  }
0x12c: {  	s17 =	simm.s32 $0x2000;
	s18 =	simm.s32 $0x4000;
	s0 =	sadd.s32 s21, s25  }
0x12d: {  	s28 =	simm.s32 $0x7000;
	s19 =	simm.s32 $0x5000;
	s0 =	sadd.s32 $0xA80, s0  }
0x12e: {  	[tilespmem:s22], [sflag:$0x12] =	stream.linear.gather [hbm4b:s0+s1], $0x400, $0x38;
	[tilespmem:$0xE800] =	vst v63  }
0x12f: {  	s21 =	sadd.s32 $0x100, s21;
	s25 =	simm.s32 $0x6000;
	s1 =	simm.s32 $0x400  }
.LBB2_7:
0x130: {  	_ =	sfence.sel $0x180000  }
0x131: {  	[bflag:$0x0] =	sbarrier.arrive $0xFFFF  }
0x132: {  	_ =	strace $0x9000004D  }
0x133: {  	s0 =	stileid.u32;
	[bflag:$0x2] =	sbarrier.arrive $0xFFFF  }
0x134: {  	p0 =	sne.s32 s0, $0x0;
	s0 =	rddreg [dreg:$0x3]  }
0x135: {  	s0 =	sadd.s32 @!p0 $0x100000, s0  }
0x136: {  	[sflag:s0] =	ssyncadd.tile.s32 @!p0 $0x1;
	_ =	shalt  }
.Lfunc_end2:
_tile_overlayer_lowered:
.L_overlay_start_2:
0x137: {  	(tag) =	ssettag $0x2  }
0x138: {  	s0 =	rddreg [dreg:$0x0];
	s2 =	stileid.u32  }
0x139: {  	s1 =	rddreg [dreg:$0x1];
	p0 =	sne.s32 s2, $0x0  }
0x13a: {  	s3 =	rddreg [dreg:$0x2];
	[bflag:$0x3] =	sbarrier.arrive $0xFFFF;
	s2 =	simm.s32 @!p0 $0x1C13  }
0x13b: {  	[timem:s3], [sflag:s2] =	dma.local @!p0 [hbm:s0], s1  }
0x13c: {  	s0 =	simm.s32 @!p0 $0x13  }
0x13d: {  	_ =	swait.ge @!p0 [sflag:s0], s1  }
0x13e: {  	s1 =	ssub.s32 @!p0 $0x0, s1;
	[sflag:s0] =	ssyncset.done @!p0 $0x0  }
0x13f: {  	[sflag:s0] =	ssyncadd.s32 @!p0 s1  }
0x140: {  	[bflag:$0x3] =	sbarrier.arrive $0xFFFF  }
0x141: {  	_ =	shalt  }

// kernel: kernel.20.cloned.1.call-start
scs
__scs_entry_jumppad:
0x0: {  	(pc) =	sbr.rel $0x88, $3  }
0x1: {  	(tag) =	ssettag $0x0;
	lr =	simm.s32 $0x1  }
0x2: {  	[smem:$0x3F99] =	sst lr;
	_ =	strace $0xD0000000  }
0x3: {  	_ = 	snop  }
0x4: {  	_ = 	snop  }
0x5: {  	_ = 	snop  }
0x6: {  	_ = 	snop  }
0x7: {  	_ = 	snop  }
__scs_overlays_trampoline_lowered:
0x8: {  	[smem:$0x3FA8] =	sst s0  }
0x9: {  	[smem:$0x3FA9] =	sst s1  }
0xa: {  	[smem:$0x3FAA] =	sst s2  }
0xb: {  	[smem:$0x3FAB] =	sst s3  }
0xc: {  	[smem:$0x3FAC] =	sst s4  }
0xd: {  	[smem:$0x3FAD] =	sst s5  }
0xe: {  	[smem:$0x3FAE] =	sst s6  }
0xf: {  	[smem:$0x3FAF] =	sst s7  }
0x10: {  	[smem:$0x3FB0] =	sst s8  }
0x11: {  	[smem:$0x3FB1] =	sst s9;
	s0 =	simm.s32 @!p0 $0x0  }
0x12: {  	s1 =	sld [smem:$0x3F97];
	s0 =	simm.s32 @p0 $0x1  }
0x13: {  	[smem:$0x3FB2] =	sst s0;
	s0 =	simm.s32 @!p1 $0x0  }
0x14: {  	s2 =	sld [smem:$0x3F96];
	s0 =	simm.s32 @p1 $0x1  }
0x15: {  	[smem:$0x3FB3] =	sst s0;
	s0 =	simm.s32 @!p2 $0x0  }
0x16: {  	s3 =	sld [smem:$0x3FDB];
	s0 =	simm.s32 @p2 $0x1  }
0x17: {  	s4 =	simm.s32 $0x1BF5;
	[smem:$0x3FB5] =	sst s0  }
0x18: {  	s0 =	sld [smem:$0x3F98];
	_ =	swait.ge [sflag:s4], $0x0  }
0x19: {  	s7 =	sld [smem:$0x3F99]  }
0x1a: {  	s8 =	sadd.s32 $0xFFFFE003, lr  }
0x1b: {  	s9 =	sadd.s32 $0xFFFFFEF7, lr;
	s5 =	simm.s32 $0xFFFFFFFF;
	p2 =	slt.u32 s8, $0xFFFFF086  }
0x1c: {  	p1 =	slt.u32 s9, $0xF7A;
	s5 =	simm.s32 @!p2 $0x0  }
0x1d: {  	s5 =	simm.s32 @p1 $0x1;
	p0 =	seq.s32 s7, s2  }
0x1e: {  	s7 =	smul.u32 @!p0 $0xF7A, s2;
	p2 =	seq.s32 @!p0 s5, $0x0  }
0x1f: {  	s9 =	smul.u32 $0xF7A, s1;
	s8 =	simm.s32 @!p0 $0x1BF5;
	p2 =	por !p2, p0  }
0x20: {  	[sflag:s8] =	ssyncset.s32 @!p0 $0xFFFFF086;
	s6 =	sadd.s32 @!p0 s3, s7;
	s7 =	simm.s32 @!p0 $0x108  }
0x21: {  	s3 =	sadd.s32 s3, s9;
	s6 =	sadd.s32 @!p0 $0x88, s6;
	s7 =	simm.s32 @p2 $0x1082  }
0x22: {  	[simem:s7], [sflag:s8] =	dma.local @!p0 [hbm:s6], $0xF7A  }
0x23: {  	s9 =	sor.u32 $0xD0000000, s2;
	s6 =	simm.s32 $0x108;
	_ =	swait.ge @!p0 [sflag:s8], $0x0  }
0x24: {  	s3 =	sadd.s32 $0x88, s3;
	s6 =	simm.s32 @!p1 $0x1082;
	[sflag:s4] =	ssyncset.s32 $0xFFFFF086  }
0x25: {  	[simem:s6], [sflag:s4] =	dma.local [hbm:s3], $0xF7A  }
0x26: {  	[smem:$0x3F99] =	sst s1;
	(tag) =	ssettag s2;
	_ =	strace s9  }
0x27: {  	s1 =	sld [smem:$0x3FA9]  }
0x28: {  	s2 =	sld [smem:$0x3FAA]  }
0x29: {  	s4 =	sld [smem:$0x3FAC]  }
0x2a: {  	p0 =	seq.s32 s5, $0x0;
	s5 =	sld [smem:$0x3FAD]  }
0x2b: {  	s6 =	sld [smem:$0x3FAE]  }
0x2c: {  	s7 =	sld [smem:$0x3FAF]  }
0x2d: {  	s3 =	simm.s32 $0x108;
	s8 =	sld [smem:$0x3FB0]  }
0x2e: {  	s3 =	simm.s32 @!p0 $0x1082;
	s9 =	sld [smem:$0x3FB1]  }
0x2f: {  	lr =	sadd.s32 s0, s3;
	s0 =	sld [smem:$0x3FA8]  }
0x30: {  	s3 =	sld [smem:$0x3FAB]  }
0x31: {  	[smem:$0x3FB4] =	sst s10  }
0x32: {  	s10 =	sld [smem:$0x3FB2];
	_ =	sdelay $0x3  }
0x33: {  	p0 =	seq.s32 s10, $0x1;
	s10 =	sld [smem:$0x3FB4];
	_ =	sdelay $0x3  }
0x34: {  	[smem:$0x3FB4] =	sst s10  }
0x35: {  	s10 =	sld [smem:$0x3FB3];
	_ =	sdelay $0x3  }
0x36: {  	p1 =	seq.s32 s10, $0x1;
	s10 =	sld [smem:$0x3FB4];
	_ =	sdelay $0x3  }
0x37: {  	[smem:$0x3FB4] =	sst s10  }
0x38: {  	s10 =	sld [smem:$0x3FB5]  }
0x39: {  	_ = 	snop;
	(pc) =	sbr.ind lr, $3  }
0x3a: {  	_ = 	snop  }
0x3b: {  	_ = 	snop  }
0x3c: {  	p2 =	seq.s32 s10, $0x1;
	s10 =	sld [smem:$0x3FB4]  }
0x3d: {  	_ =	shalt  }
0x3e: {  	_ =	shalt  }
0x3f: {  	_ =	shalt  }
0x40: {  	_ =	shalt  }
0x41: {  	_ =	shalt  }
0x42: {  	_ =	shalt  }
0x43: {  	_ =	shalt  }
0x44: {  	_ =	shalt  }
0x45: {  	_ =	shalt  }
0x46: {  	_ =	shalt  }
0x47: {  	_ =	shalt  }
0x48: {  	_ =	shalt  }
0x49: {  	_ =	shalt  }
0x4a: {  	_ =	shalt  }
0x4b: {  	_ =	shalt  }
0x4c: {  	_ =	shalt  }
0x4d: {  	_ =	shalt  }
0x4e: {  	_ =	shalt  }
0x4f: {  	_ =	shalt  }
0x50: {  	_ =	shalt  }
0x51: {  	_ =	shalt  }
0x52: {  	_ =	shalt  }
0x53: {  	_ =	shalt  }
0x54: {  	_ =	shalt  }
0x55: {  	_ =	shalt  }
0x56: {  	_ =	shalt  }
0x57: {  	_ =	shalt  }
0x58: {  	_ =	shalt  }
0x59: {  	_ =	shalt  }
0x5a: {  	_ =	shalt  }
0x5b: {  	_ =	shalt  }
0x5c: {  	_ =	shalt  }
0x5d: {  	_ =	shalt  }
0x5e: {  	_ =	shalt  }
0x5f: {  	_ =	shalt  }
0x60: {  	_ =	shalt  }
0x61: {  	_ =	shalt  }
0x62: {  	_ =	shalt  }
0x63: {  	_ =	shalt  }
0x64: {  	_ =	shalt  }
0x65: {  	_ =	shalt  }
0x66: {  	_ =	shalt  }
0x67: {  	_ =	shalt  }
0x68: {  	_ =	shalt  }
0x69: {  	_ =	shalt  }
0x6a: {  	_ =	shalt  }
0x6b: {  	_ =	shalt  }
0x6c: {  	_ =	shalt  }
0x6d: {  	_ =	shalt  }
0x6e: {  	_ =	shalt  }
0x6f: {  	_ =	shalt  }
0x70: {  	_ =	shalt  }
0x71: {  	_ =	shalt  }
0x72: {  	_ =	shalt  }
0x73: {  	_ =	shalt  }
0x74: {  	_ =	shalt  }
0x75: {  	_ =	shalt  }
0x76: {  	_ =	shalt  }
0x77: {  	_ =	shalt  }
0x78: {  	_ =	shalt  }
0x79: {  	_ =	shalt  }
0x7a: {  	_ =	shalt  }
0x7b: {  	_ =	shalt  }
0x7c: {  	_ =	shalt  }
0x7d: {  	_ =	shalt  }
0x7e: {  	_ =	shalt  }
0x7f: {  	_ =	shalt  }
0x80: {  	_ =	shalt  }
0x81: {  	_ =	shalt  }
0x82: {  	_ =	shalt  }
0x83: {  	_ =	shalt  }
0x84: {  	_ =	shalt  }
0x85: {  	_ =	shalt  }
0x86: {  	_ =	shalt  }
0x87: {  	_ =	shalt  }
.Lfunc_end0:
.L_simem_size_0:
called_computation.3_lowered:
.L_overlay_start_0:
0x88: {  	s2 =	sld [smem:$0x3FD9]  }
0x89: {  	s3 =	sld [smem:$0x3FFE];
	_ =	sdelay $0x1  }
0x8a: {  	s1 =	srdreg.scid  }
0x8b: {  	s0 =	sand.u32 $0x1, s1  }
0x8c: {  	s17 =	sshll.u32 s0, $0xA;
	s2 =	sadd.s32 s3, s2  }
0x8d: {  	s2 =	sadd.s32 s2, s17  }
0x8e: {  	[smem:$0x3FC0] =	sst s2  }
0x8f: {  	_ = 	snop  }
0x90: {  	s2 =	sld [smem:$0x3FD0];
	(tm) =	ssettm $0x1  }
0x91: {  	s18 =	sld [smem:$0x3FFB];
	_ =	sdelay $0x3  }
0x92: {  	_ =	strace s18  }
0x93: {  	s3 =	sld [smem:$0x3FFC];
	_ =	sdelay $0x3  }
0x94: {  	_ =	strace s3  }
0x95: {  	s3 =	sld [smem:$0x3FFD];
	_ =	sdelay $0x3  }
0x96: {  	_ =	strace s3  }
0x97: {  	_ =	strace $0x8FFFFFFF  }
0x98: {  	s19 =	sld [smem:$0x3FDB];
	_ =	sdelay $0x1  }
0x99: {  	s4 =	simm.s32 $_scs_section_size  }
0x9a: {  	s5 =	simm.s32 $_size__tile_overlayer_lowered;
	s6 =	simm.s32 $_tile_overlayer_lowered  }
0x9b: {  	s22 =	simm.s32 $0x1BFF;
	s21 =	sshll.u32 s6, $0x1;
	s3 =	sadd.s32 s4, s19  }
0x9c: {  	s7 =	simm.s32 $0x0;
	s20 =	sshll.u32 s5, $0x1;
	s5 =	sadd.s32 s21, s3  }
0x9d: {  	[timem:s7], [sflag:s22] =	dma.local [hbm:s5], s20  }
0x9e: {  	_ =	swait.ge [sflag:s22], s20  }
0x9f: {  	s4 =	ssub.s32 $0x0, s20;
	[sflag:s22] =	ssyncset.done $0x0  }
0xa0: {  	[sflag:s22] =	ssyncadd.s32 s4;
	_ =	sdelay $0x1  }
0xa1: {  	s23 =	simm.s32 $0x1B8B  }
0xa2: {  	_ =	swait.ge [sflag:s23], $0x1  }
0xa3: {  	[sflag:s23] =	ssyncset.done $0x0  }
0xa4: {  	s25 =	simm.s32 $0x1B8E;
	s24 =	sld [smem:$0x3FFE];
	[sflag:s23] =	ssyncadd.s32 $0xFFFFFFFF  }
0xa5: {  	s26 =	simm.s32 $execute0_lowered;
	[smem:$0x3FD2] =	sst s25  }
0xa6: {  	s5 =	sshll.u32 s26, $0x1;
	_ =	strace $0x8000004F;
	[dreg:$0x1] =	wrdreg $0xFFFFFFFF  }
0xa7: {  	s28 =	simm.s32 $_size_execute0_lowered;
	s3 =	sadd.s32 s3, s5;
	[dreg:$0x0] =	wrdreg $0x0  }
0xa8: {  	s5 =	sshll.u32 s28, $0x1;
	[dreg:$0x2] =	wrdreg s3  }
0xa9: {  	[dreg:$0x3] =	wrdreg s5  }
0xaa: {  	[dreg:$0x4] =	wrdreg $0xC0  }
0xab: {  	_ =	task [dreg:s7], $0x5FFFF  }
0xac: {  	[dreg:$0x1] =	wrdreg $0xFFFFFFFF  }
0xad: {  	[dreg:$0x0] =	wrdreg $0x60  }
0xae: {  	[dreg:$0x2] =	wrdreg s24  }
0xaf: {  	[dreg:$0x3] =	wrdreg s2  }
0xb0: {  	[dreg:$0x4] =	wrdreg $0x98000  }
0xb1: {  	[dreg:$0x5] =	wrdreg $0x9  }
0xb2: {  	_ =	task.clear_ibuf [dreg:s7], $0x6FFFF;
	_ =	strace $0x9000004F  }
0xb3: {  	s29 =	simm.s32 $0x9;
	_ =	strace $0x80000051  }
0xb4: {  	_ =	swait.ge [sflag:s29], $0x1  }
0xb5: {  	[sflag:s29] =	ssyncadd.s32 $0xFFFFFFFF  }
0xb6: {  	_ =	strace $0x90000051  }
0xb7: {  	_ =	sfence  }
0xb8: {  	s30 =	sld [smem:$0x0];
	_ =	sdelay $0x2  }
0xb9: {  	s31 =	sshll.u32 s1, $0xD;
	s1 =	sshrl.u32 s1, $0x2  }
0xba: {  	s3 =	sand.u32 $0x4000, s31;
	s1 =	sadd.s32 s1, s30  }
0xbb: {  	s0 =	sor.u32 s3, s0;
	s1 =	sshll.u32 s1, $0x11  }
0xbc: {  	s0 =	sor.u32 s1, s0  }
0xbd: {  	s0 =	sadd.s32 $0x8F2B, s0  }
0xbe: {  	[sflag:s0] =	ssyncadd.remote.s32 $0x1  }
0xbf: {  	_ =	sfence.sel $0xFFFF  }
0xc0: {  	[dreg:$0x0] =	wrdreg $0xFFFFFFFF;
	(pc) =	sbr.abs _section_cstart, $3  }
0xc1: {  	[dreg:$0x1] =	wrdreg $0xFFFFFFFF  }
0xc2: {  	_ =	task.clear_ibuf [dreg:s7], $0x2FFFF;
	_ =	strace $0x9FFFFFFF  }
0xc3: {  	(tm) =	ssettm $0x7FFFFFFF  }
tec
execute0_lowered:
.L_overlay_start_1:
0x0: {  	(tag) =	ssettag $0x1  }
0x1: {  	s0 =	rddreg [dreg:$0x0]  }
0x2: {  	s2 =	rddreg [dreg:$0x1]  }
0x3: {  	s1 =	srdreg.scid;
	s8 =	stileid.u32  }
0x4: {  	s3 =	rddreg [dreg:$0x2];
	s5 =	smul.u32 $0xA000, s8  }
0x5: {  	s6 =	simm.s32 $0x0;
	s1 =	sand.u32 $0x1, s1;
	s30 =	smul.u32 $0x5000, s8  }
0x6: {  	[smem:$0x7FF] =	sst s6;
	s9 =	sadd.s32 $0xC200, s0;
	s8 =	smul.u32 $0x14000, s8  }
0x7: {  	s10 =	sadd.s32 $0x2200, s0;
	s4 =	smul.u32 $0xA0000, s1;
	_ =	strace $0x80000050  }
0x8: {  	s7 =	smul.u32 $0x2800, s1;
	s1 =	ssub.s32 $0x2, s1;
	[dreg:$0x5] =	wrdreg s10  }
0x9: {  	s29 =	simm.s32 $0xD;
	[dreg:$0x4] =	wrdreg s9;
	s11 =	sshrl.u32 s1, $0x1  }
0xa: {  	s15 =	sshrl.u32 s8, $0x2;
	s4 =	sadd.s32 s5, s4;
	s31 =	sadd.s32 s7, s30  }
0xb: {  	s1 =	ssub.s32 s1, s11;
	s16 =	sadd.s32 s15, s3;
	s5 =	sshrl.u32 s5, $0x1  }
0xc: {  	s15 =	simm.s32 $0x1;
	s1 =	smax.u32 s1, $0x1;
	[dreg:$0xa] =	wrdreg s16  }
0xd: {  	s11 =	simm.s32 $0x7;
	s18 =	sadd.s32 $0x800, s16;
	[dreg:$0xc] =	wrdreg s1  }
0xe: {  	s4 =	sshrl.u32 s4, $0x4;
	s19 =	sadd.s32 $0x1000, s16;
	[dreg:$0xd] =	wrdreg s18  }
0xf: {  	s7 =	sshrl.u32 s31, $0x3;
	s20 =	sadd.s32 $0x1800, s16;
	[dreg:$0xe] =	wrdreg s19  }
0x10: {  	s17 =	sadd.s32 s5, s3;
	s21 =	sadd.s32 $0x2000, s16;
	[dreg:$0xf] =	wrdreg s20  }
0x11: {  	s22 =	sadd.s32 $0x2800, s16;
	s23 =	sadd.s32 $0xC00, s31;
	[dreg:$0x10] =	wrdreg s21  }
0x12: {  	s24 =	sadd.s32 $0x3000, s16;
	s25 =	sadd.s32 $0x3800, s16;
	[dreg:$0x11] =	wrdreg s22  }
0x13: {  	s26 =	sadd.s32 $0x4000, s16;
	s30 =	sadd.s32 $0x800, s31;
	[dreg:$0x12] =	wrdreg s24  }
0x14: {  	s31 =	sadd.s32 $0x4800, s16;
	s16 =	simm.s32 $0x13;
	[dreg:$0x13] =	wrdreg s25  }
0x15: {  	s5 =	simm.s32 $0x9;
	s0 =	sadd.s32 s4, s0;
	[dreg:$0x14] =	wrdreg s26  }
0x16: {  	s12 =	sadd.s32 s9, s7;
	s13 =	sor.u32 $0x80, s7;
	[dreg:$0x17] =	wrdreg s30  }
0x17: {  	s7 =	sadd.s32 s10, s7;
	s1 =	sshrl.u32 s23, $0x3;
	[dreg:$0x19] =	wrdreg s31  }
0x18: {  	s22 =	simm.s32 $0xB;
	s23 =	simm.s32 $0xC;
	[dreg:$0x6] =	wrdreg s12  }
0x19: {  	s21 =	simm.s32 $0x3;
	[dreg:$0x7] =	wrdreg s7;
	s14 =	sadd.s32 s9, s13  }
0x1a: {  	s19 =	simm.s32 $0x6;
	s6 =	sadd.s32 s10, s13;
	[dreg:$0x8] =	wrdreg s14  }
0x1b: {  	s0 =	sadd.s32 $0x66200, s0;
	s28 =	sadd.s32 s1, s10;
	[dreg:$0x9] =	wrdreg s6  }
.Ltmp0:
0x1c: {  	s1 =	sadd.s32 s1, s9;
	[dreg:$0xb] =	wrdreg s0;
	(pc) =	sbr.rel .LBB2_1-.Ltmp0, $4  }
0x1d: {  	s12 =	simm.s32 $0x400;
	s7 =	simm.s32 $0x80;
	[dreg:$0x15] =	wrdreg s28  }
0x1e: {  	s10 =	simm.s32 $0x4;
	s13 =	simm.s32 $0x8;
	[dreg:$0x16] =	wrdreg s1  }
0x1f: {  	s0 =	sshrl.u32 s17, $0x3;
	s14 =	simm.s32 $0xC00;
	s6 =	simm.s32 $0xA  }
0x20: {  	v0 =	vimm.bf16 $0.0e+00;
	s17 =	simm.s32 $0x2;
	[dreg:$0x18] =	wrdreg s0;
	s0 =	simm.s32 $0x0  }
.LBB2_6:
0x21: {  	_ =	swait.ge [sflag:s5], $0x1000  }
0x22: {  	[sflag:s5] =	ssyncset.done $0x0  }
0x23: {  	[sflag:s5] =	ssyncadd.s32 $0xFFFFF000  }
0x24: {  	_ =	swait.ge [sflag:s6], $0x1000  }
0x25: {  	[sflag:s6] =	ssyncset.done $0x0  }
0x26: {  	[sflag:s6] =	ssyncadd.s32 $0xFFFFF000  }
0x27: {  	_ =	swait.ge [sflag:s22], $0x1000  }
0x28: {  	[sflag:s22] =	ssyncset.done $0x0  }
0x29: {  	[sflag:s22] =	ssyncadd.s32 $0xFFFFF000  }
0x2a: {  	_ =	swait.ge [sflag:s23], $0x1000  }
0x2b: {  	[sflag:s23] =	ssyncset.done $0x0  }
0x2c: {  	[sflag:s23] =	ssyncadd.s32 $0xFFFFF000  }
0x2d: {  	_ =	swait.ge [sflag:s29], $0x1000  }
0x2e: {  	[sflag:s29] =	ssyncset.done $0x0  }
0x2f: {  	s0 =	simm.s32 $0xE;
	[sflag:s29] =	ssyncadd.s32 $0xFFFFF000  }
0x30: {  	_ =	swait.ge [sflag:s0], $0x1000  }
0x31: {  	[sflag:s0] =	ssyncset.done $0x0  }
0x32: {  	s26 =	simm.s32 $0xF;
	[sflag:s0] =	ssyncadd.s32 $0xFFFFF000  }
0x33: {  	_ =	swait.ge [sflag:s26], $0x1000  }
0x34: {  	[sflag:s26] =	ssyncset.done $0x0  }
0x35: {  	s28 =	simm.s32 $0x10;
	[sflag:s26] =	ssyncadd.s32 $0xFFFFF000  }
0x36: {  	_ =	swait.ge [sflag:s28], $0x1000  }
0x37: {  	[sflag:s28] =	ssyncset.done $0x0  }
0x38: {  	[sflag:s28] =	ssyncadd.s32 $0xFFFFF000  }
0x39: {  	s4 =	stileid.u32;
	[bflag:$0x0] =	sbarrier.arrive $0xFFFF  }
0x3a: {  	s4 =	sshll.u32 s4, $0x6;
	s8 =	rddreg [dreg:$0xb]  }
0x3b: {  	s16 =	simm.s32 $0x13;
	s4 =	sor.u32 $0x1C13, s4;
	s9 =	rddreg [dreg:$0x18]  }
0x3c: {  	[hbm:s8], [sflag:s4] =	dma.local [spmem:s9], $0xA00  }
0x3d: {  	_ =	swait.ge [sflag:s16], $0xA00  }
0x3e: {  	s30 =	rddreg [dreg:$0x1a]  }
0x3f: {  	s31 =	rddreg [dreg:$0xc];
	s0 =	sadd.s32 $0x1, s30  }
0x40: {  	p0 =	sne.s32 s0, s31  }
.Ltmp1:
0x41: {  	_ = 	snop;
	(pc) =	sbr.rel @!p0 .LBB2_7-.Ltmp1, $3  }
0x42: {  	_ =	sdelay $0x1  }
0x43: {  	[sflag:s16] =	ssyncset.done $0x0  }
0x44: {  	s14 =	simm.s32 $0xC00;
	s12 =	simm.s32 $0x400;
	[sflag:s16] =	ssyncadd.s32 $0xFFFFF600  }
.LBB2_1:
0x45: {  	s4 =	simm.s32 $0x0;
	s8 =	rddreg [dreg:$0x6]  }
0x46: {  	[tilespmem:s4], [sflag:$0x11] =	stream.linear.gather [hbm4b:s8+s4], $0x400, $0x38;
	[tilespmem:$0xE800] =	vst v63  }
0x47: {  	s26 =	rddreg [dreg:$0x7];
	s9 =	simm.s32 $0x800  }
0x48: {  	[tilespmem:s9], [sflag:$0x11] =	stream.linear.gather [hbm4b:s26+s4], $0x400, $0x38;
	[tilespmem:$0xE800] =	vst v63  }
0x49: {  	s28 =	rddreg [dreg:$0x8]  }
0x4a: {  	[tilespmem:s12], [sflag:$0x12] =	stream.linear.gather [hbm4b:s28+s4], $0x400, $0x38;
	[tilespmem:$0xE800] =	vst v63  }
0x4b: {  	s31 =	rddreg [dreg:$0x9]  }
0x4c: {  	[tilespmem:s14], [sflag:$0x12] =	stream.linear.gather [hbm4b:s31+s4], $0x400, $0x38;
	[tilespmem:$0xE800] =	vst v63  }
0x4d: {  	[dreg:$0x1a] =	wrdreg s0;
	s30 =	simm.s32 $0x0;
	s4 =	simm.s32 $0x80  }
.LBB2_2:
0x4e: {  	p0 =	sne.s32 s4, $0x1F80;
	[tilespmem:s30+$0x9000] =	vst v0;
	s8 =	smov.u32 s4;
	s4 =	sadd.s32 $0x80, s4  }
.Ltmp2:
0x4f: {  	[tilespmem:s30+$0x9010] =	vst v0;
	(pc) =	sbr.rel @p0 .LBB2_2-.Ltmp2, $2  }
0x50: {  	_ =	sdelay $0x2  }
0x51: {  	s30 =	sshra.s32 s8, $0x2  }
0x52: {  	[tilespmem:s30+$0x9000] =	vst v0  }
0x53: {  	[tilespmem:s30+$0x9010] =	vst v0;
	s4 =	rddreg [dreg:$0xa];
	s8 =	simm.s32 $0x9000  }
0x54: {  	[spmem:s4] =	stream.linear.scatter [tilespmem:s8], [sflag:$0x13], $0x800, $0x38;
	[tilespmem:$0xE800] =	vst v63  }
0x55: {  	_ =	swait.ge [sflag:s16], $0x800  }
0x56: {  	[sflag:s16] =	ssyncset.done $0x0  }
0x57: {  	s26 =	rddreg [dreg:$0xd];
	[sflag:s16] =	ssyncadd.s32 $0xFFFFF800  }
0x58: {  	[spmem:s26] =	stream.linear.scatter [tilespmem:s8], [sflag:$0x13], $0x800, $0x38;
	[tilespmem:$0xE800] =	vst v63  }
0x59: {  	_ =	swait.ge [sflag:s16], $0x800  }
0x5a: {  	[sflag:s16] =	ssyncset.done $0x0  }
0x5b: {  	s0 =	rddreg [dreg:$0xe];
	[sflag:s16] =	ssyncadd.s32 $0xFFFFF800  }
0x5c: {  	[spmem:s0] =	stream.linear.scatter [tilespmem:s8], [sflag:$0x13], $0x800, $0x38;
	[tilespmem:$0xE800] =	vst v63  }
0x5d: {  	_ =	swait.ge [sflag:s16], $0x800  }
0x5e: {  	[sflag:s16] =	ssyncset.done $0x0  }
0x5f: {  	s1 =	rddreg [dreg:$0xf];
	[sflag:s16] =	ssyncadd.s32 $0xFFFFF800  }
0x60: {  	[spmem:s1] =	stream.linear.scatter [tilespmem:s8], [sflag:$0x13], $0x800, $0x38;
	[tilespmem:$0xE800] =	vst v63  }
0x61: {  	_ =	swait.ge [sflag:s16], $0x800  }
0x62: {  	[sflag:s16] =	ssyncset.done $0x0  }
0x63: {  	s9 =	rddreg [dreg:$0x10];
	[sflag:s16] =	ssyncadd.s32 $0xFFFFF800  }
0x64: {  	[spmem:s9] =	stream.linear.scatter [tilespmem:s8], [sflag:$0x13], $0x800, $0x38;
	[tilespmem:$0xE800] =	vst v63  }
0x65: {  	_ =	swait.ge [sflag:s16], $0x800  }
0x66: {  	[sflag:s16] =	ssyncset.done $0x0  }
0x67: {  	s14 =	rddreg [dreg:$0x11];
	[sflag:s16] =	ssyncadd.s32 $0xFFFFF800  }
0x68: {  	[spmem:s14] =	stream.linear.scatter [tilespmem:s8], [sflag:$0x13], $0x800, $0x38;
	[tilespmem:$0xE800] =	vst v63  }
0x69: {  	_ =	swait.ge [sflag:s16], $0x800  }
0x6a: {  	[sflag:s16] =	ssyncset.done $0x0  }
0x6b: {  	s18 =	rddreg [dreg:$0x12];
	[sflag:s16] =	ssyncadd.s32 $0xFFFFF800  }
0x6c: {  	[spmem:s18] =	stream.linear.scatter [tilespmem:s8], [sflag:$0x13], $0x800, $0x38;
	[tilespmem:$0xE800] =	vst v63  }
0x6d: {  	_ =	swait.ge [sflag:s16], $0x800  }
0x6e: {  	[sflag:s16] =	ssyncset.done $0x0  }
0x6f: {  	s20 =	rddreg [dreg:$0x13];
	[sflag:s16] =	ssyncadd.s32 $0xFFFFF800  }
0x70: {  	[spmem:s20] =	stream.linear.scatter [tilespmem:s8], [sflag:$0x13], $0x800, $0x38;
	[tilespmem:$0xE800] =	vst v63  }
0x71: {  	_ =	swait.ge [sflag:s16], $0x800  }
0x72: {  	[sflag:s16] =	ssyncset.done $0x0  }
0x73: {  	s24 =	rddreg [dreg:$0x14];
	[sflag:s16] =	ssyncadd.s32 $0xFFFFF800  }
0x74: {  	[spmem:s24] =	stream.linear.scatter [tilespmem:s8], [sflag:$0x13], $0x800, $0x38;
	[tilespmem:$0xE800] =	vst v63  }
0x75: {  	_ =	swait.ge [sflag:s16], $0x800  }
0x76: {  	[sflag:s16] =	ssyncset.done $0x0  }
0x77: {  	s25 =	rddreg [dreg:$0x19];
	[sflag:s16] =	ssyncadd.s32 $0xFFFFF800  }
0x78: {  	[spmem:s25] =	stream.linear.scatter [tilespmem:s8], [sflag:$0x13], $0x800, $0x38;
	[tilespmem:$0xE800] =	vst v63  }
0x79: {  	_ =	swait.ge [sflag:s16], $0x800  }
0x7a: {  	[sflag:s16] =	ssyncset.done $0x0  }
0x7b: {  	[sflag:s16] =	ssyncadd.s32 $0xFFFFF800  }
0x7c: {  	s1 =	simm.s32 $0x11;
	[bflag:$0x0] =	sbarrier.arrive $0xFFFF  }
0x7d: {  	_ =	swait.ge [sflag:s1], $0x400  }
0x7e: {  	[sflag:s1] =	ssyncset.done $0x0  }
0x7f: {  	[sflag:s1] =	ssyncadd.s32 $0xFFFFFC00  }
0x80: {  	_ =	swait.ge [sflag:s1], $0x400  }
0x81: {  	[sflag:s1] =	ssyncset.done $0x0  }
0x82: {  	s30 =	simm.s32 $0x0;
	s18 =	simm.s32 $0x1000;
	[sflag:s1] =	ssyncadd.s32 $0xFFFFFC00  }
0x83: {  	[tilespmem:s18], [sflag:$0x1] =	stream.indirect.gather [hbm4b:s2+s7], $0x20, s30, s7, $0xb8;
	[tilespmem:$0xE800] =	vst v63  }
0x84: {  	s20 =	simm.s32 $0x2000  }
0x85: {  	[tilespmem:s20], [sflag:$0x2] =	stream.indirect.gather [hbm4b:s2+s7], $0x20, s7, s7, $0xb8;
	[tilespmem:$0xE800] =	vst v63  }
0x86: {  	s26 =	simm.s32 $0x100;
	s25 =	simm.s32 $0x3000  }
0x87: {  	[tilespmem:s25], [sflag:$0x3] =	stream.indirect.gather [hbm4b:s2+s7], $0x20, s26, s7, $0xb8;
	[tilespmem:$0xE800] =	vst v63  }
0x88: {  	s0 =	simm.s32 $0x180;
	s1 =	simm.s32 $0x4000  }
0x89: {  	[tilespmem:s1], [sflag:$0x4] =	stream.indirect.gather [hbm4b:s2+s7], $0x20, s0, s7, $0xb8;
	[tilespmem:$0xE800] =	vst v63  }
0x8a: {  	s8 =	simm.s32 $0x200;
	s26 =	simm.s32 $0x5000  }
0x8b: {  	[tilespmem:s26], [sflag:$0x5] =	stream.indirect.gather [hbm4b:s2+s7], $0x20, s8, s7, $0xb8;
	[tilespmem:$0xE800] =	vst v63  }
0x8c: {  	s9 =	simm.s32 $0x280;
	s24 =	simm.s32 $0x6000  }
0x8d: {  	[tilespmem:s24], [sflag:$0x6] =	stream.indirect.gather [hbm4b:s2+s7], $0x20, s9, s7, $0xb8;
	[tilespmem:$0xE800] =	vst v63  }
0x8e: {  	s31 =	simm.s32 $0x7000;
	s14 =	simm.s32 $0x300  }
0x8f: {  	[tilespmem:s31], [sflag:$0x7] =	stream.indirect.gather [hbm4b:s2+s7], $0x20, s14, s7, $0xb8;
	[tilespmem:$0xE800] =	vst v63  }
0x90: {  	s28 =	simm.s32 $0x8000;
	s16 =	simm.s32 $0x380  }
0x91: {  	[tilespmem:s28], [sflag:$0x8] =	stream.indirect.gather [hbm4b:s2+s7], $0x20, s16, s7, $0xb8;
	[tilespmem:$0xE800] =	vst v63  }
0x92: {  	s4 =	rddreg [dreg:$0x17];
	s16 =	simm.s32 $0xC00  }
.LBB2_4:
0x93: {  	_ =	swait.ge [sflag:s15], $0x1000  }
0x94: {  	[sflag:s15] =	ssyncset.done $0x0  }
0x95: {  	s8 =	simm.s32 $0x800;
	[sflag:s15] =	ssyncadd.s32 $0xFFFFF000  }
0x96: {  	[spmem:s3] =	stream.indirect.scatter.add.bf16 [tilespmem:s18], [sflag:$0x9], $0x20, s8, s7, $0xb8;
	[tilespmem:$0xE800] =	vst v63  }
0x97: {  	_ =	swait.ge [sflag:s17], $0x1000  }
0x98: {  	[sflag:s17] =	ssyncset.done $0x0  }
0x99: {  	s14 =	simm.s32 $0x880;
	[sflag:s17] =	ssyncadd.s32 $0xFFFFF000  }
0x9a: {  	[spmem:s3] =	stream.indirect.scatter.add.bf16 [tilespmem:s20], [sflag:$0xA], $0x20, s14, s7, $0xb8;
	[tilespmem:$0xE800] =	vst v63  }
0x9b: {  	_ =	swait.ge [sflag:s21], $0x1000  }
0x9c: {  	[sflag:s21] =	ssyncset.done $0x0  }
0x9d: {  	s0 =	simm.s32 $0x900;
	[sflag:s21] =	ssyncadd.s32 $0xFFFFF000  }
0x9e: {  	[spmem:s3] =	stream.indirect.scatter.add.bf16 [tilespmem:s25], [sflag:$0xB], $0x20, s0, s7, $0xb8;
	[tilespmem:$0xE800] =	vst v63  }
0x9f: {  	_ =	swait.ge [sflag:s10], $0x1000  }
0xa0: {  	[sflag:s10] =	ssyncset.done $0x0  }
0xa1: {  	s9 =	simm.s32 $0x980;
	s0 =	simm.s32 $0x5;
	[sflag:s10] =	ssyncadd.s32 $0xFFFFF000  }
0xa2: {  	[spmem:s3] =	stream.indirect.scatter.add.bf16 [tilespmem:s1], [sflag:$0xC], $0x20, s9, s7, $0xb8;
	[tilespmem:$0xE800] =	vst v63  }
0xa3: {  	_ =	swait.ge [sflag:s0], $0x1000  }
0xa4: {  	[sflag:s0] =	ssyncset.done $0x0  }
0xa5: {  	s14 =	simm.s32 $0xA00;
	[sflag:s0] =	ssyncadd.s32 $0xFFFFF000  }
0xa6: {  	[spmem:s3] =	stream.indirect.scatter.add.bf16 [tilespmem:s26], [sflag:$0xD], $0x20, s14, s7, $0xb8;
	[tilespmem:$0xE800] =	vst v63  }
0xa7: {  	_ =	swait.ge [sflag:s19], $0x1000  }
0xa8: {  	[sflag:s19] =	ssyncset.done $0x0  }
0xa9: {  	s9 =	simm.s32 $0xA80;
	[sflag:s19] =	ssyncadd.s32 $0xFFFFF000  }
0xaa: {  	[spmem:s3] =	stream.indirect.scatter.add.bf16 [tilespmem:s24], [sflag:$0xE], $0x20, s9, s7, $0xb8;
	[tilespmem:$0xE800] =	vst v63  }
0xab: {  	_ =	swait.ge [sflag:s11], $0x1000  }
0xac: {  	[sflag:s11] =	ssyncset.done $0x0  }
0xad: {  	s14 =	simm.s32 $0xB00;
	[sflag:s11] =	ssyncadd.s32 $0xFFFFF000  }
0xae: {  	[spmem:s3] =	stream.indirect.scatter.add.bf16 [tilespmem:s31], [sflag:$0xF], $0x20, s14, s7, $0xb8;
	[tilespmem:$0xE800] =	vst v63  }
0xaf: {  	_ =	swait.ge [sflag:s13], $0x1000  }
0xb0: {  	[sflag:s13] =	ssyncset.done $0x0  }
0xb1: {  	s9 =	simm.s32 $0xB80;
	s14 =	simm.s32 $0x12;
	[sflag:s13] =	ssyncadd.s32 $0xFFFFF000  }
0xb2: {  	[spmem:s3] =	stream.indirect.scatter.add.bf16 [tilespmem:s28], [sflag:$0x10], $0x20, s9, s7, $0xb8;
	[tilespmem:$0xE800] =	vst v63  }
0xb3: {  	_ =	swait.ge [sflag:s14], $0x400  }
0xb4: {  	[sflag:s14] =	ssyncset.done $0x0  }
0xb5: {  	[sflag:s14] =	ssyncadd.s32 $0xFFFFFC00  }
0xb6: {  	_ =	swait.ge [sflag:s14], $0x400  }
0xb7: {  	[sflag:s14] =	ssyncset.done $0x0  }
0xb8: {  	[sflag:s14] =	ssyncadd.s32 $0xFFFFFC00  }
0xb9: {  	_ =	swait.ge [sflag:s5], $0x1000  }
0xba: {  	[sflag:s5] =	ssyncset.done $0x0  }
0xbb: {  	[sflag:s5] =	ssyncadd.s32 $0xFFFFF000  }
0xbc: {  	[tilespmem:s18], [sflag:$0x1] =	stream.indirect.gather [hbm4b:s2+s7], $0x20, s12, s7, $0xb8;
	[tilespmem:$0xE800] =	vst v63  }
0xbd: {  	_ =	swait.ge [sflag:s6], $0x1000  }
0xbe: {  	[sflag:s6] =	ssyncset.done $0x0  }
0xbf: {  	s9 =	simm.s32 $0x480;
	[sflag:s6] =	ssyncadd.s32 $0xFFFFF000  }
0xc0: {  	[tilespmem:s20], [sflag:$0x2] =	stream.indirect.gather [hbm4b:s2+s7], $0x20, s9, s7, $0xb8;
	[tilespmem:$0xE800] =	vst v63  }
0xc1: {  	_ =	swait.ge [sflag:s22], $0x1000  }
0xc2: {  	[sflag:s22] =	ssyncset.done $0x0  }
0xc3: {  	s12 =	simm.s32 $0x500;
	[sflag:s22] =	ssyncadd.s32 $0xFFFFF000  }
0xc4: {  	[tilespmem:s25], [sflag:$0x3] =	stream.indirect.gather [hbm4b:s2+s7], $0x20, s12, s7, $0xb8;
	[tilespmem:$0xE800] =	vst v63  }
0xc5: {  	_ =	swait.ge [sflag:s23], $0x1000  }
0xc6: {  	[sflag:s23] =	ssyncset.done $0x0  }
0xc7: {  	s14 =	simm.s32 $0x580;
	[sflag:s23] =	ssyncadd.s32 $0xFFFFF000  }
0xc8: {  	[tilespmem:s1], [sflag:$0x4] =	stream.indirect.gather [hbm4b:s2+s7], $0x20, s14, s7, $0xb8;
	[tilespmem:$0xE800] =	vst v63  }
0xc9: {  	_ =	swait.ge [sflag:s29], $0x1000  }
0xca: {  	[sflag:s29] =	ssyncset.done $0x0  }
0xcb: {  	s9 =	simm.s32 $0x600;
	s12 =	simm.s32 $0xE;
	[sflag:s29] =	ssyncadd.s32 $0xFFFFF000  }
0xcc: {  	[tilespmem:s26], [sflag:$0x5] =	stream.indirect.gather [hbm4b:s2+s7], $0x20, s9, s7, $0xb8;
	[tilespmem:$0xE800] =	vst v63  }
0xcd: {  	_ =	swait.ge [sflag:s12], $0x1000  }
0xce: {  	[sflag:s12] =	ssyncset.done $0x0  }
0xcf: {  	s14 =	simm.s32 $0x680;
	s9 =	simm.s32 $0xF;
	[sflag:s12] =	ssyncadd.s32 $0xFFFFF000  }
0xd0: {  	[tilespmem:s24], [sflag:$0x6] =	stream.indirect.gather [hbm4b:s2+s7], $0x20, s14, s7, $0xb8;
	[tilespmem:$0xE800] =	vst v63  }
0xd1: {  	_ =	swait.ge [sflag:s9], $0x1000  }
0xd2: {  	[sflag:s9] =	ssyncset.done $0x0  }
0xd3: {  	s12 =	simm.s32 $0x700;
	s14 =	simm.s32 $0x10;
	[sflag:s9] =	ssyncadd.s32 $0xFFFFF000  }
0xd4: {  	[tilespmem:s31], [sflag:$0x7] =	stream.indirect.gather [hbm4b:s2+s7], $0x20, s12, s7, $0xb8;
	[tilespmem:$0xE800] =	vst v63  }
0xd5: {  	_ =	swait.ge [sflag:s14], $0x1000  }
0xd6: {  	[sflag:s14] =	ssyncset.done $0x0  }
0xd7: {  	p0 =	seq.s32 s30, $0x400;
	s9 =	simm.s32 $0x780;
	[sflag:s14] =	ssyncadd.s32 $0xFFFFF000  }
0xd8: {  	[tilespmem:s28], [sflag:$0x8] =	stream.indirect.gather [hbm4b:s2+s7], $0x20, s9, s7, $0xb8;
	[tilespmem:$0xE800] =	vst v63  }
0xd9: {  	s8 =	sshrl.u32 @!p0 s4, $0x3;
	s9 =	rddreg [dreg:$0x4]  }
0xda: {  	s12 =	simm.s32 @!p0 $0x0;
	s9 =	sadd.s32 @!p0 s9, s8  }
0xdb: {  	[tilespmem:s12], [sflag:$0x11] =	stream.linear.gather @!p0 [hbm4b:s9+s12], $0x400, $0x38;
	[tilespmem:$0xE800] =	vst v63  }
0xdc: {  	s9 =	rddreg [dreg:$0x5]  }
0xdd: {  	s8 =	sadd.s32 @!p0 s9, s8;
	s9 =	simm.s32 @!p0 $0x800  }
0xde: {  	[tilespmem:s9], [sflag:$0x11] =	stream.linear.gather @!p0 [hbm4b:s8+s12], $0x400, $0x38;
	[tilespmem:$0xE800] =	vst v63  }
0xdf: {  	_ =	swait.ge [sflag:s15], $0x1000  }
0xe0: {  	[sflag:s15] =	ssyncset.done $0x0  }
0xe1: {  	[sflag:s15] =	ssyncadd.s32 $0xFFFFF000  }
0xe2: {  	[spmem:s3] =	stream.indirect.scatter.add.bf16 [tilespmem:s18], [sflag:$0x9], $0x20, s16, s7, $0xb8;
	[tilespmem:$0xE800] =	vst v63  }
0xe3: {  	_ =	swait.ge [sflag:s17], $0x1000  }
0xe4: {  	[sflag:s17] =	ssyncset.done $0x0  }
0xe5: {  	s12 =	simm.s32 $0xC80;
	[sflag:s17] =	ssyncadd.s32 $0xFFFFF000  }
0xe6: {  	[spmem:s3] =	stream.indirect.scatter.add.bf16 [tilespmem:s20], [sflag:$0xA], $0x20, s12, s7, $0xb8;
	[tilespmem:$0xE800] =	vst v63  }
0xe7: {  	_ =	swait.ge [sflag:s21], $0x1000  }
0xe8: {  	[sflag:s21] =	ssyncset.done $0x0  }
0xe9: {  	s16 =	simm.s32 $0xD00;
	[sflag:s21] =	ssyncadd.s32 $0xFFFFF000  }
0xea: {  	[spmem:s3] =	stream.indirect.scatter.add.bf16 [tilespmem:s25], [sflag:$0xB], $0x20, s16, s7, $0xb8;
	[tilespmem:$0xE800] =	vst v63  }
0xeb: {  	_ =	swait.ge [sflag:s10], $0x1000  }
0xec: {  	[sflag:s10] =	ssyncset.done $0x0  }
0xed: {  	s18 =	simm.s32 $0xD80;
	[sflag:s10] =	ssyncadd.s32 $0xFFFFF000  }
0xee: {  	[spmem:s3] =	stream.indirect.scatter.add.bf16 [tilespmem:s1], [sflag:$0xC], $0x20, s18, s7, $0xb8;
	[tilespmem:$0xE800] =	vst v63  }
0xef: {  	_ =	swait.ge [sflag:s0], $0x1000  }
0xf0: {  	[sflag:s0] =	ssyncset.done $0x0  }
0xf1: {  	s20 =	simm.s32 $0xE00;
	[sflag:s0] =	ssyncadd.s32 $0xFFFFF000  }
0xf2: {  	[spmem:s3] =	stream.indirect.scatter.add.bf16 [tilespmem:s26], [sflag:$0xD], $0x20, s20, s7, $0xb8;
	[tilespmem:$0xE800] =	vst v63  }
0xf3: {  	_ =	swait.ge [sflag:s19], $0x1000  }
0xf4: {  	[sflag:s19] =	ssyncset.done $0x0  }
0xf5: {  	s25 =	simm.s32 $0xE80;
	[sflag:s19] =	ssyncadd.s32 $0xFFFFF000  }
0xf6: {  	[spmem:s3] =	stream.indirect.scatter.add.bf16 [tilespmem:s24], [sflag:$0xE], $0x20, s25, s7, $0xb8;
	[tilespmem:$0xE800] =	vst v63  }
0xf7: {  	_ =	swait.ge [sflag:s11], $0x1000  }
0xf8: {  	s14 =	simm.s32 $0x400;
	s8 =	simm.s32 $0x1000;
	[sflag:s11] =	ssyncset.done $0x0  }
0xf9: {  	s12 =	simm.s32 $0xC00;
	s26 =	simm.s32 $0xF00;
	[sflag:s11] =	ssyncadd.s32 $0xFFFFF000  }
0xfa: {  	[spmem:s3] =	stream.indirect.scatter.add.bf16 [tilespmem:s31], [sflag:$0xF], $0x20, s26, s7, $0xb8;
	[tilespmem:$0xE800] =	vst v63  }
.Ltmp3:
0xfb: {  	s16 =	simm.s32 $0x2000;
	s18 =	simm.s32 $0x3000;
	(pc) =	sbr.rel @p0 .LBB2_6-.Ltmp3, $4  }
0xfc: {  	s1 =	simm.s32 $0x4000;
	s20 =	simm.s32 $0x5000;
	_ =	swait.ge [sflag:s13], $0x1000  }
0xfd: {  	s24 =	simm.s32 $0x6000;
	s25 =	simm.s32 $0x7000;
	[sflag:s13] =	ssyncset.done $0x0  }
0xfe: {  	s31 =	simm.s32 $0xF80;
	s26 =	simm.s32 $0x8000;
	[sflag:s13] =	ssyncadd.s32 $0xFFFFF000  }
0xff: {  	[spmem:s3] =	stream.indirect.scatter.add.bf16 [tilespmem:s28], [sflag:$0x10], $0x20, s31, s7, $0xb8;
	[tilespmem:$0xE800] =	vst v63  }
0x100: {  	s9 =	simm.s32 $0x11  }
0x101: {  	_ =	swait.ge [sflag:s9], $0x400  }
0x102: {  	[sflag:s9] =	ssyncset.done $0x0  }
0x103: {  	[sflag:s9] =	ssyncadd.s32 $0xFFFFFC00  }
0x104: {  	_ =	swait.ge [sflag:s9], $0x400  }
0x105: {  	[sflag:s9] =	ssyncset.done $0x0  }
0x106: {  	[sflag:s9] =	ssyncadd.s32 $0xFFFFFC00  }
0x107: {  	_ =	swait.ge [sflag:s5], $0x1000  }
0x108: {  	[sflag:s5] =	ssyncset.done $0x0  }
0x109: {  	s9 =	simm.s32 $0x0;
	[sflag:s5] =	ssyncadd.s32 $0xFFFFF000  }
0x10a: {  	[tilespmem:s8], [sflag:$0x1] =	stream.indirect.gather [hbm4b:s2+s7], $0x20, s9, s7, $0xb8;
	[tilespmem:$0xE800] =	vst v63  }
0x10b: {  	_ =	swait.ge [sflag:s6], $0x1000  }
0x10c: {  	[sflag:s6] =	ssyncset.done $0x0  }
0x10d: {  	[sflag:s6] =	ssyncadd.s32 $0xFFFFF000  }
0x10e: {  	[tilespmem:s16], [sflag:$0x2] =	stream.indirect.gather [hbm4b:s2+s7], $0x20, s7, s7, $0xb8;
	[tilespmem:$0xE800] =	vst v63  }
0x10f: {  	_ =	swait.ge [sflag:s22], $0x1000  }
0x110: {  	[sflag:s22] =	ssyncset.done $0x0  }
0x111: {  	s16 =	simm.s32 $0x100;
	[sflag:s22] =	ssyncadd.s32 $0xFFFFF000  }
0x112: {  	[tilespmem:s18], [sflag:$0x3] =	stream.indirect.gather [hbm4b:s2+s7], $0x20, s16, s7, $0xb8;
	[tilespmem:$0xE800] =	vst v63  }
0x113: {  	_ =	swait.ge [sflag:s23], $0x1000  }
0x114: {  	[sflag:s23] =	ssyncset.done $0x0  }
0x115: {  	s0 =	simm.s32 $0x180;
	[sflag:s23] =	ssyncadd.s32 $0xFFFFF000  }
0x116: {  	[tilespmem:s1], [sflag:$0x4] =	stream.indirect.gather [hbm4b:s2+s7], $0x20, s0, s7, $0xb8;
	[tilespmem:$0xE800] =	vst v63  }
0x117: {  	_ =	swait.ge [sflag:s29], $0x1000  }
0x118: {  	[sflag:s29] =	ssyncset.done $0x0  }
0x119: {  	s8 =	simm.s32 $0x200;
	s0 =	simm.s32 $0xE;
	[sflag:s29] =	ssyncadd.s32 $0xFFFFF000  }
0x11a: {  	[tilespmem:s20], [sflag:$0x5] =	stream.indirect.gather [hbm4b:s2+s7], $0x20, s8, s7, $0xb8;
	[tilespmem:$0xE800] =	vst v63  }
0x11b: {  	_ =	swait.ge [sflag:s0], $0x1000  }
0x11c: {  	[sflag:s0] =	ssyncset.done $0x0  }
0x11d: {  	s16 =	simm.s32 $0x280;
	s18 =	simm.s32 $0xF;
	[sflag:s0] =	ssyncadd.s32 $0xFFFFF000  }
0x11e: {  	[tilespmem:s24], [sflag:$0x6] =	stream.indirect.gather [hbm4b:s2+s7], $0x20, s16, s7, $0xb8;
	[tilespmem:$0xE800] =	vst v63  }
0x11f: {  	s28 =	simm.s32 $0x8000;
	_ =	swait.ge [sflag:s18], $0x1000  }
0x120: {  	s31 =	simm.s32 $0x7000;
	s4 =	sadd.s32 $0x800, s4;
	[sflag:s18] =	ssyncset.done $0x0  }
0x121: {  	s20 =	simm.s32 $0x300;
	s24 =	simm.s32 $0x10;
	[sflag:s18] =	ssyncadd.s32 $0xFFFFF000  }
0x122: {  	[tilespmem:s25], [sflag:$0x7] =	stream.indirect.gather [hbm4b:s2+s7], $0x20, s20, s7, $0xb8;
	[tilespmem:$0xE800] =	vst v63  }
0x123: {  	s1 =	simm.s32 $0x4000;
	s18 =	simm.s32 $0x1000;
	_ =	swait.ge [sflag:s24], $0x1000  }
0x124: {  	s25 =	simm.s32 $0x380;
	[sflag:s24] =	ssyncset.done $0x0;
	s0 =	rddreg [dreg:$0x16]  }
0x125: {  	s20 =	simm.s32 $0x2000;
	s16 =	rddreg [dreg:$0x15];
	[sflag:s24] =	ssyncadd.s32 $0xFFFFF000  }
0x126: {  	[tilespmem:s26], [sflag:$0x8] =	stream.indirect.gather [hbm4b:s2+s7], $0x20, s25, s7, $0xb8;
	[tilespmem:$0xE800] =	vst v63  }
.Ltmp4:
0x127: {  	s24 =	simm.s32 $0x6000;
	s8 =	sadd.s32 s30, s0;
	(pc) =	sbr.rel .LBB2_4-.Ltmp4, $4  }
0x128: {  	[tilespmem:s14], [sflag:$0x12] =	stream.linear.gather [hbm4b:s8+s9], $0x400, $0x38;
	[tilespmem:$0xE800] =	vst v63  }
0x129: {  	s26 =	simm.s32 $0x5000;
	s25 =	simm.s32 $0x3000;
	s8 =	sadd.s32 s30, s16  }
0x12a: {  	[tilespmem:s12], [sflag:$0x12] =	stream.linear.gather [hbm4b:s8+s9], $0x400, $0x38;
	[tilespmem:$0xE800] =	vst v63  }
0x12b: {  	s30 =	sadd.s32 $0x100, s30;
	s16 =	simm.s32 $0xC00;
	s12 =	simm.s32 $0x400  }
.LBB2_7:
0x12c: {  	_ =	sfence.sel $0x180000  }
0x12d: {  	[bflag:$0x0] =	sbarrier.arrive $0xFFFF  }
0x12e: {  	_ =	strace $0x90000050  }
0x12f: {  	s0 =	stileid.u32;
	[bflag:$0x2] =	sbarrier.arrive $0xFFFF  }
0x130: {  	p0 =	sne.s32 s0, $0x0;
	s0 =	rddreg [dreg:$0x3]  }
0x131: {  	s0 =	sadd.s32 @!p0 $0x100000, s0  }
0x132: {  	[sflag:s0] =	ssyncadd.tile.s32 @!p0 $0x1;
	_ =	shalt  }
.Lfunc_end2:
_tile_overlayer_lowered:
.L_overlay_start_2:
0x133: {  	(tag) =	ssettag $0x2  }
0x134: {  	s0 =	rddreg [dreg:$0x0];
	s2 =	stileid.u32  }
0x135: {  	s1 =	rddreg [dreg:$0x1];
	p0 =	sne.s32 s2, $0x0  }
0x136: {  	s3 =	rddreg [dreg:$0x2];
	[bflag:$0x3] =	sbarrier.arrive $0xFFFF;
	s2 =	simm.s32 @!p0 $0x1C13  }
0x137: {  	[timem:s3], [sflag:s2] =	dma.local @!p0 [hbm:s0], s1  }
0x138: {  	s0 =	simm.s32 @!p0 $0x13  }
0x139: {  	_ =	swait.ge @!p0 [sflag:s0], s1  }
0x13a: {  	s1 =	ssub.s32 @!p0 $0x0, s1;
	[sflag:s0] =	ssyncset.done @!p0 $0x0  }
0x13b: {  	[sflag:s0] =	ssyncadd.s32 @!p0 s1  }
0x13c: {  	[bflag:$0x3] =	sbarrier.arrive $0xFFFF  }
0x13d: {  	_ =	shalt  }

</sc_bundles>
